<compile_context>
chip_gen: v7x
topology: tpu7x:2x2x1
jax: 0.10.2.dev20260603
libtpu: 0.0.44.dev20260713+nightly
codegen_flags: <defaults>
</compile_context>

<pallas_src>
import functools
import math

import jax
import jax.numpy as jnp
from jax import lax
from jax.experimental import pallas as pl
from jax.experimental.pallas import tpu as pltpu
from jax.experimental.pallas import tpu_sc as plsc

D_MODEL = 64
SCALE = math.sqrt(D_MODEL)
NUM_WORKERS = 32
SEQ = 200
BATCH = 4096
BLK = 128
LANES = 16
VOCAB = 1000000
ROWPAD = 128
TPITCH = 137


@functools.partial(
    pl.kernel,
    mesh=plsc.VectorSubcoreMesh(core_axis_name="c", subcore_axis_name="s"),
    out_type=jax.ShapeDtypeStruct((SEQ, 8, NUM_WORKERS, 8, 128), jnp.float32),
    scratch_types=[
        pltpu.VMEM((SEQ, BLK), jnp.int32),
        pltpu.VMEM((BLK, D_MODEL), jnp.float32),
        pltpu.VMEM((BLK, D_MODEL), jnp.float32),
        pltpu.VMEM((D_MODEL, TPITCH), jnp.float32),
        pltpu.VMEM((D_MODEL, TPITCH), jnp.float32),
        pltpu.SemaphoreType.DMA,
        pltpu.SemaphoreType.DMA,
        pltpu.SemaphoreType.DMA,
        pltpu.SemaphoreType.DMA,
    ],
    compiler_params=pltpu.CompilerParams(
        use_tc_tiling_on_sc=False, needs_layout_passes=False
    ),
)
def _emb_lookup(
    xt_hbm, tab_hbm, out_hbm, idx_v, rows0, rows1, tb0, tb1, g0, g1, t0, t1
):
    w = lax.axis_index("s") * 2 + lax.axis_index("c")

    pltpu.sync_copy(xt_hbm.at[:, pl.ds(w * BLK, BLK)], idx_v)

    @plsc.parallel_loop(0, SEQ, unroll=4)
    def _(s):
        for lg in range(BLK // LANES):
            sl = pl.ds(lg * LANES, LANES)
            idx_v[s, sl] = idx_v[s, sl] * 2

    iota = lax.iota(jnp.int32, LANES)
    d_sel = [dg * LANES + iota for dg in range(D_MODEL // LANES)]

    def start_gather(s, buf, gsem):
        pltpu.make_async_copy(tab_hbm.at[idx_v.at[s]], buf, gsem).start()

    def wait_gather(buf, gsem):
        pltpu.make_async_copy(tab_hbm.at[idx_v.at[0]], buf, gsem).wait()

    def start_write(s, tbuf, tsem):
        for dt in range(8):
            pltpu.make_async_copy(
                tbuf.at[pl.ds(dt * 8, 8), pl.ds(0, 128)],
                out_hbm.at[s, dt, w],
                tsem,
            ).start()

    def wait_write(tbuf, tsem):
        for dt in range(8):
            pltpu.make_async_copy(
                tbuf.at[pl.ds(0, 8), pl.ds(0, 128)],
                out_hbm.at[0, dt, w],
                tsem,
            ).wait()

    def transpose_scale(rows, tbuf):
        @plsc.parallel_loop(0, BLK, unroll=4)
        def _(b):
            bvec = jnp.full((LANES,), b, jnp.int32)
            for dg in range(D_MODEL // LANES):
                v = rows[b, pl.ds(dg * LANES, LANES)]
                plsc.store_scatter(tbuf, [d_sel[dg], bvec], v * SCALE)

    start_gather(0, rows0, g0)
    start_gather(1, rows1, g1)

    def phase(s, rows, tbuf, gsem, tsem, first, last):
        wait_gather(rows, gsem)
        if not first:
            wait_write(tbuf, tsem)
        transpose_scale(rows, tbuf)
        if not last:
            start_gather(s + 2, rows, gsem)
        start_write(s, tbuf, tsem)

    phase(0, rows0, tb0, g0, t0, True, False)
    phase(1, rows1, tb1, g1, t1, True, False)

    def pair_body(k, _):
        s0 = 2 * k
        phase(s0, rows0, tb0, g0, t0, False, False)
        phase(s0 + 1, rows1, tb1, g1, t1, False, False)
        return 0

    lax.fori_loop(1, SEQ // 2 - 1, pair_body, 0)

    phase(SEQ - 2, rows0, tb0, g0, t0, False, True)
    phase(SEQ - 1, rows1, tb1, g1, t1, False, True)
    wait_write(tb0, t0)
    wait_write(tb1, t1)


def kernel(x, lut):
    xt = jnp.transpose(x).astype(jnp.int32)
    tab = jnp.pad(lut, ((0, 0), (0, ROWPAD - D_MODEL)))
    out_phys = _emb_lookup(xt, tab.reshape(2 * VOCAB, D_MODEL))
    return jnp.transpose(out_phys, (2, 4, 0, 1, 3)).reshape(BATCH, SEQ, D_MODEL)

# --- scband reference (transcript-rebuilt; emitter-appended) ---
"""Pipeline reference for scband-embeddings-7507602833479 (READ-ONLY COPY).

The authoritative reference and input builder live on the scoring server;
editing this copy changes nothing except your own understanding.
"""

import jax, jax.numpy as jnp
import numpy as np
import math

D_MODEL = 64
VOCAB = 1000000

def setup_inputs(seed: int = 0) -> dict:
    key = jax.random.key(seed)
    k1, k2 = jax.random.split(key)
    x = jax.random.randint(k1, (4096, 200), 0, VOCAB, dtype=jnp.int64 if jax.config.jax_enable_x64 else jnp.int32)
    # embedding table (learned parameter), default nn.Embedding init ~ N(0, 1)
    lut = jax.random.normal(k2, (VOCAB, D_MODEL), dtype=jnp.float32)
    return {"x": x, "lut": lut}

def reference(x, lut):
    # Embeddings.forward: lut(x) * sqrt(d_model)
    emb = jnp.take(lut, x, axis=0)  # [B, S, d_model]
    return emb * math.sqrt(D_MODEL)

if __name__ == "__main__":
    import jax
    _d = setup_inputs()
    print(jax.jit(kernel)(*tuple(_d.values())))

</pallas_src>

<mosaic_0001>
#map = affine_map<(d0, d1) -> (0, 0)>
#map1 = affine_map<(d0, d1) -> (0, 0, 0, 0, 0)>
module attributes {stable_mosaic.version = 14 : i64} {
  func.func @_emb_lookup(%arg0: i32, %arg1: i32, %arg2: memref<200x4096xi32, #tpu.memory_space<hbm>>, %arg3: memref<2000000x64xf32, #tpu.memory_space<hbm>>, %arg4: memref<200x8x32x8x128xf32, #tpu.memory_space<hbm>>, %arg5: memref<200x128xi32, #tpu.memory_space<vmem>>, %arg6: memref<128x64xf32, #tpu.memory_space<vmem>>, %arg7: memref<128x64xf32, #tpu.memory_space<vmem>>, %arg8: memref<64x137xf32, #tpu.memory_space<vmem>>, %arg9: memref<64x137xf32, #tpu.memory_space<vmem>>, %arg10: memref<!tpu.dma_semaphore, #tpu.memory_space<semaphore_mem>>, %arg11: memref<!tpu.dma_semaphore, #tpu.memory_space<semaphore_mem>>, %arg12: memref<!tpu.dma_semaphore, #tpu.memory_space<semaphore_mem>>, %arg13: memref<!tpu.dma_semaphore, #tpu.memory_space<semaphore_mem>>) attributes {dimension_semantics = [#tpu.dimension_semantics<core_parallel>, #tpu.dimension_semantics<subcore_parallel>], iteration_bounds = array<i64: 2, 16>, scalar_prefetch = 0 : i64, scratch_operands = 9 : i64, tpu.core_type = #tpu.core_type<sc_vector_subcore>, window_params = [{transform_indices = #map}, {transform_indices = #map}, {transform_indices = #map1}]} {
    %mul3A = arith.constant 2 : i32
    %mul3A_0 = arith.muli %arg1, %mul3A : i32
    %add3A = arith.addi %mul3A_0, %arg0 : i32
    %mul3A_1 = arith.constant 128 : i32
    %mul3A_2 = arith.muli %add3A, %mul3A_1 : i32
    "tpu.region"() ({
      %run_scoped3A = tpu.sem_alloc : memref<!tpu.dma_semaphore, #tpu.memory_space<semaphore_mem>>
      %dma_start3A_1113 = arith.constant 0 : i32
      %dma_start3A_1114 = tpu.memref_slice %arg2[%dma_start3A_1113, %mul3A_2] : memref<200x4096xi32, #tpu.memory_space<hbm>> -> memref<200x128xi32, #tpu.memory_space<hbm>>
      %dma_start3A_1115 = arith.constant 0 : i32
      %dma_start3A_1116 = tpu.memref_slice %arg2[%dma_start3A_1115, %mul3A_2] : memref<200x4096xi32, #tpu.memory_space<hbm>> -> memref<200x128xi32, #tpu.memory_space<hbm>>
      tpu.enqueue_dma source(%dma_start3A_1116 : memref<200x128xi32, #tpu.memory_space<hbm>>) target(%arg5 : memref<200x128xi32, #tpu.memory_space<vmem>>) target_semaphore(%run_scoped3A : memref<!tpu.dma_semaphore, #tpu.memory_space<semaphore_mem>>)
      %dma_wait3A_1117 = arith.constant 0 : i32
      %dma_wait3A_1118 = tpu.memref_slice %arg2[%dma_wait3A_1117, %mul3A_2] : memref<200x4096xi32, #tpu.memory_space<hbm>> -> memref<200x128xi32, #tpu.memory_space<hbm>>
      %dma_wait3A_1119 = arith.constant 0 : i32
      %dma_wait3A_1120 = tpu.memref_slice %arg2[%dma_wait3A_1119, %mul3A_2] : memref<200x4096xi32, #tpu.memory_space<hbm>> -> memref<200x128xi32, #tpu.memory_space<hbm>>
      tpu.wait_dma2 semaphore(%run_scoped3A : memref<!tpu.dma_semaphore, #tpu.memory_space<semaphore_mem>>) src(%dma_wait3A_1120 : memref<200x128xi32, #tpu.memory_space<hbm>>) dst(%arg5 : memref<200x128xi32, #tpu.memory_space<vmem>>)
      tpu.yield
    }) : () -> ()
    %parallel_loop3A = arith.constant 0 : i32
    %parallel_loop3A_3 = arith.constant 200 : i32
    %parallel_loop3A_4 = arith.constant 1 : i32
    scf.for %parallel_loop3A_1113 = %parallel_loop3A to %parallel_loop3A_3 step %parallel_loop3A_4  : i32 {
      %parallel_loop3A_1114 = arith.index_cast %parallel_loop3A_1113 : i32 to index
      %parallel_loop3A_1115 = arith.constant 0 : index
      %parallel_loop3A_1116 = tpu.vector_load %arg5[%parallel_loop3A_1114, %parallel_loop3A_1115] {strides = array<i32>} : memref<200x128xi32, #tpu.memory_space<vmem>>, vector<16xi32>,
      %parallel_loop3A_1117 = arith.constant 2 : i32
      %parallel_loop3A_1118 = vector.broadcast %parallel_loop3A_1117 : i32 to vector<16xi32>
      %parallel_loop3A_1119 = arith.muli %parallel_loop3A_1116, %parallel_loop3A_1118 : vector<16xi32>
      %parallel_loop3A_1120 = arith.index_cast %parallel_loop3A_1113 : i32 to index
      %parallel_loop3A_1121 = arith.constant 0 : index
      %parallel_loop3A_1122 = tpu.vector_load %arg5[%parallel_loop3A_1120, %parallel_loop3A_1121] {strides = array<i32>} : memref<200x128xi32, #tpu.memory_space<vmem>>, vector<16xi32>,
      tpu.vector_store %arg5[%parallel_loop3A_1120, %parallel_loop3A_1121], %parallel_loop3A_1119 {strides = array<i32>} : memref<200x128xi32, #tpu.memory_space<vmem>>, vector<16xi32>,
      %parallel_loop3A_1123 = arith.index_cast %parallel_loop3A_1113 : i32 to index
      %parallel_loop3A_1124 = arith.constant 16 : index
      %parallel_loop3A_1125 = tpu.vector_load %arg5[%parallel_loop3A_1123, %parallel_loop3A_1124] {strides = array<i32>} : memref<200x128xi32, #tpu.memory_space<vmem>>, vector<16xi32>,
      %parallel_loop3A_1126 = arith.constant 2 : i32
      %parallel_loop3A_1127 = vector.broadcast %parallel_loop3A_1126 : i32 to vector<16xi32>
      %parallel_loop3A_1128 = arith.muli %parallel_loop3A_1125, %parallel_loop3A_1127 : vector<16xi32>
      %parallel_loop3A_1129 = arith.index_cast %parallel_loop3A_1113 : i32 to index
      %parallel_loop3A_1130 = arith.constant 16 : index
      %parallel_loop3A_1131 = tpu.vector_load %arg5[%parallel_loop3A_1129, %parallel_loop3A_1130] {strides = array<i32>} : memref<200x128xi32, #tpu.memory_space<vmem>>, vector<16xi32>,
      tpu.vector_store %arg5[%parallel_loop3A_1129, %parallel_loop3A_1130], %parallel_loop3A_1128 {strides = array<i32>} : memref<200x128xi32, #tpu.memory_space<vmem>>, vector<16xi32>,
      %parallel_loop3A_1132 = arith.index_cast %parallel_loop3A_1113 : i32 to index
      %parallel_loop3A_1133 = arith.constant 32 : index
      %parallel_loop3A_1134 = tpu.vector_load %arg5[%parallel_loop3A_1132, %parallel_loop3A_1133] {strides = array<i32>} : memref<200x128xi32, #tpu.memory_space<vmem>>, vector<16xi32>,
      %parallel_loop3A_1135 = arith.constant 2 : i32
      %parallel_loop3A_1136 = vector.broadcast %parallel_loop3A_1135 : i32 to vector<16xi32>
      %parallel_loop3A_1137 = arith.muli %parallel_loop3A_1134, %parallel_loop3A_1136 : vector<16xi32>
      %parallel_loop3A_1138 = arith.index_cast %parallel_loop3A_1113 : i32 to index
      %parallel_loop3A_1139 = arith.constant 32 : index
      %parallel_loop3A_1140 = tpu.vector_load %arg5[%parallel_loop3A_1138, %parallel_loop3A_1139] {strides = array<i32>} : memref<200x128xi32, #tpu.memory_space<vmem>>, vector<16xi32>,
      tpu.vector_store %arg5[%parallel_loop3A_1138, %parallel_loop3A_1139], %parallel_loop3A_1137 {strides = array<i32>} : memref<200x128xi32, #tpu.memory_space<vmem>>, vector<16xi32>,
      %parallel_loop3A_1141 = arith.index_cast %parallel_loop3A_1113 : i32 to index
      %parallel_loop3A_1142 = arith.constant 48 : index
      %parallel_loop3A_1143 = tpu.vector_load %arg5[%parallel_loop3A_1141, %parallel_loop3A_1142] {strides = array<i32>} : memref<200x128xi32, #tpu.memory_space<vmem>>, vector<16xi32>,
      %parallel_loop3A_1144 = arith.constant 2 : i32
      %parallel_loop3A_1145 = vector.broadcast %parallel_loop3A_1144 : i32 to vector<16xi32>
      %parallel_loop3A_1146 = arith.muli %parallel_loop3A_1143, %parallel_loop3A_1145 : vector<16xi32>
      %parallel_loop3A_1147 = arith.index_cast %parallel_loop3A_1113 : i32 to index
      %parallel_loop3A_1148 = arith.constant 48 : index
      %parallel_loop3A_1149 = tpu.vector_load %arg5[%parallel_loop3A_1147, %parallel_loop3A_1148] {strides = array<i32>} : memref<200x128xi32, #tpu.memory_space<vmem>>, vector<16xi32>,
      tpu.vector_store %arg5[%parallel_loop3A_1147, %parallel_loop3A_1148], %parallel_loop3A_1146 {strides = array<i32>} : memref<200x128xi32, #tpu.memory_space<vmem>>, vector<16xi32>,
      %parallel_loop3A_1150 = arith.index_cast %parallel_loop3A_1113 : i32 to index
      %parallel_loop3A_1151 = arith.constant 64 : index
      %parallel_loop3A_1152 = tpu.vector_load %arg5[%parallel_loop3A_1150, %parallel_loop3A_1151] {strides = array<i32>} : memref<200x128xi32, #tpu.memory_space<vmem>>, vector<16xi32>,
      %parallel_loop3A_1153 = arith.constant 2 : i32
      %parallel_loop3A_1154 = vector.broadcast %parallel_loop3A_1153 : i32 to vector<16xi32>
      %parallel_loop3A_1155 = arith.muli %parallel_loop3A_1152, %parallel_loop3A_1154 : vector<16xi32>
      %parallel_loop3A_1156 = arith.index_cast %parallel_loop3A_1113 : i32 to index
      %parallel_loop3A_1157 = arith.constant 64 : index
      %parallel_loop3A_1158 = tpu.vector_load %arg5[%parallel_loop3A_1156, %parallel_loop3A_1157] {strides = array<i32>} : memref<200x128xi32, #tpu.memory_space<vmem>>, vector<16xi32>,
      tpu.vector_store %arg5[%parallel_loop3A_1156, %parallel_loop3A_1157], %parallel_loop3A_1155 {strides = array<i32>} : memref<200x128xi32, #tpu.memory_space<vmem>>, vector<16xi32>,
      %parallel_loop3A_1159 = arith.index_cast %parallel_loop3A_1113 : i32 to index
      %parallel_loop3A_1160 = arith.constant 80 : index
      %parallel_loop3A_1161 = tpu.vector_load %arg5[%parallel_loop3A_1159, %parallel_loop3A_1160] {strides = array<i32>} : memref<200x128xi32, #tpu.memory_space<vmem>>, vector<16xi32>,
      %parallel_loop3A_1162 = arith.constant 2 : i32
      %parallel_loop3A_1163 = vector.broadcast %parallel_loop3A_1162 : i32 to vector<16xi32>
      %parallel_loop3A_1164 = arith.muli %parallel_loop3A_1161, %parallel_loop3A_1163 : vector<16xi32>
      %parallel_loop3A_1165 = arith.index_cast %parallel_loop3A_1113 : i32 to index
      %parallel_loop3A_1166 = arith.constant 80 : index
      %parallel_loop3A_1167 = tpu.vector_load %arg5[%parallel_loop3A_1165, %parallel_loop3A_1166] {strides = array<i32>} : memref<200x128xi32, #tpu.memory_space<vmem>>, vector<16xi32>,
      tpu.vector_store %arg5[%parallel_loop3A_1165, %parallel_loop3A_1166], %parallel_loop3A_1164 {strides = array<i32>} : memref<200x128xi32, #tpu.memory_space<vmem>>, vector<16xi32>,
      %parallel_loop3A_1168 = arith.index_cast %parallel_loop3A_1113 : i32 to index
      %parallel_loop3A_1169 = arith.constant 96 : index
      %parallel_loop3A_1170 = tpu.vector_load %arg5[%parallel_loop3A_1168, %parallel_loop3A_1169] {strides = array<i32>} : memref<200x128xi32, #tpu.memory_space<vmem>>, vector<16xi32>,
      %parallel_loop3A_1171 = arith.constant 2 : i32
      %parallel_loop3A_1172 = vector.broadcast %parallel_loop3A_1171 : i32 to vector<16xi32>
      %parallel_loop3A_1173 = arith.muli %parallel_loop3A_1170, %parallel_loop3A_1172 : vector<16xi32>
      %parallel_loop3A_1174 = arith.index_cast %parallel_loop3A_1113 : i32 to index
      %parallel_loop3A_1175 = arith.constant 96 : index
      %parallel_loop3A_1176 = tpu.vector_load %arg5[%parallel_loop3A_1174, %parallel_loop3A_1175] {strides = array<i32>} : memref<200x128xi32, #tpu.memory_space<vmem>>, vector<16xi32>,
      tpu.vector_store %arg5[%parallel_loop3A_1174, %parallel_loop3A_1175], %parallel_loop3A_1173 {strides = array<i32>} : memref<200x128xi32, #tpu.memory_space<vmem>>, vector<16xi32>,
      %parallel_loop3A_1177 = arith.index_cast %parallel_loop3A_1113 : i32 to index
      %parallel_loop3A_1178 = arith.constant 112 : index
      %parallel_loop3A_1179 = tpu.vector_load %arg5[%parallel_loop3A_1177, %parallel_loop3A_1178] {strides = array<i32>} : memref<200x128xi32, #tpu.memory_space<vmem>>, vector<16xi32>,
      %parallel_loop3A_1180 = arith.constant 2 : i32
      %parallel_loop3A_1181 = vector.broadcast %parallel_loop3A_1180 : i32 to vector<16xi32>
      %parallel_loop3A_1182 = arith.muli %parallel_loop3A_1179, %parallel_loop3A_1181 : vector<16xi32>
      %parallel_loop3A_1183 = arith.index_cast %parallel_loop3A_1113 : i32 to index
      %parallel_loop3A_1184 = arith.constant 112 : index
      %parallel_loop3A_1185 = tpu.vector_load %arg5[%parallel_loop3A_1183, %parallel_loop3A_1184] {strides = array<i32>} : memref<200x128xi32, #tpu.memory_space<vmem>>, vector<16xi32>,
      tpu.vector_store %arg5[%parallel_loop3A_1183, %parallel_loop3A_1184], %parallel_loop3A_1182 {strides = array<i32>} : memref<200x128xi32, #tpu.memory_space<vmem>>, vector<16xi32>,
    } {sc.loop_unroll_factor = 4 : i64, sc.parallel_access}
    %iota3A = tpu.iota {dimensions = array<i32: 0>} : vector<16xi32>
    %add3A_5 = arith.constant 0 : i32
    %add3A_6 = vector.broadcast %add3A_5 : i32 to vector<16xi32>
    %add3A_7 = arith.addi %add3A_6, %iota3A : vector<16xi32>
    %add3A_8 = arith.constant 16 : i32
    %add3A_9 = vector.broadcast %add3A_8 : i32 to vector<16xi32>
    %add3A_10 = arith.addi %add3A_9, %iota3A : vector<16xi32>
    %add3A_11 = arith.constant 32 : i32
    %add3A_12 = vector.broadcast %add3A_11 : i32 to vector<16xi32>
    %add3A_13 = arith.addi %add3A_12, %iota3A : vector<16xi32>
    %add3A_14 = arith.constant 48 : i32
    %add3A_15 = vector.broadcast %add3A_14 : i32 to vector<16xi32>
    %add3A_16 = arith.addi %add3A_15, %iota3A : vector<16xi32>
    %dma_start3A = arith.constant 0 : i32
    %dma_start3A_17 = arith.constant 0 : i32
    %dma_start3A_18 = tpu.memref_slice %arg5[%dma_start3A, %dma_start3A_17] : memref<200x128xi32, #tpu.memory_space<vmem>> -> memref<1x128xi32, #tpu.memory_space<vmem>>
    %dma_start3A_19 = tpu.memref_squeeze %dma_start3A_18 : memref<1x128xi32, #tpu.memory_space<vmem>> -> memref<128xi32, #tpu.memory_space<vmem>>
    %dma_start3A_20 = arith.constant 0 : i32
    %dma_start3A_21 = arith.constant 0 : i32
    %dma_start3A_22 = tpu.memref_slice %arg3[%dma_start3A_20, %dma_start3A_21] : memref<2000000x64xf32, #tpu.memory_space<hbm>> -> memref<2000000x64xf32, #tpu.memory_space<hbm>>
    tpu.enqueue_indirect_dma source(%dma_start3A_22 : memref<2000000x64xf32, #tpu.memory_space<hbm>>) target(%arg6 : memref<128x64xf32, #tpu.memory_space<vmem>>) offsets(%dma_start3A_19 : memref<128xi32, #tpu.memory_space<vmem>>) semaphore(%arg10 : memref<!tpu.dma_semaphore, #tpu.memory_space<semaphore_mem>>)
    %dma_start3A_23 = arith.constant 1 : i32
    %dma_start3A_24 = arith.constant 0 : i32
    %dma_start3A_25 = tpu.memref_slice %arg5[%dma_start3A_23, %dma_start3A_24] : memref<200x128xi32, #tpu.memory_space<vmem>> -> memref<1x128xi32, #tpu.memory_space<vmem>>
    %dma_start3A_26 = tpu.memref_squeeze %dma_start3A_25 : memref<1x128xi32, #tpu.memory_space<vmem>> -> memref<128xi32, #tpu.memory_space<vmem>>
    %dma_start3A_27 = arith.constant 0 : i32
    %dma_start3A_28 = arith.constant 0 : i32
    %dma_start3A_29 = tpu.memref_slice %arg3[%dma_start3A_27, %dma_start3A_28] : memref<2000000x64xf32, #tpu.memory_space<hbm>> -> memref<2000000x64xf32, #tpu.memory_space<hbm>>
    tpu.enqueue_indirect_dma source(%dma_start3A_29 : memref<2000000x64xf32, #tpu.memory_space<hbm>>) target(%arg7 : memref<128x64xf32, #tpu.memory_space<vmem>>) offsets(%dma_start3A_26 : memref<128xi32, #tpu.memory_space<vmem>>) semaphore(%arg11 : memref<!tpu.dma_semaphore, #tpu.memory_space<semaphore_mem>>)
    %dma_wait3A = arith.constant 0 : i32
    %dma_wait3A_30 = arith.constant 0 : i32
    %dma_wait3A_31 = tpu.memref_slice %arg5[%dma_wait3A, %dma_wait3A_30] : memref<200x128xi32, #tpu.memory_space<vmem>> -> memref<1x128xi32, #tpu.memory_space<vmem>>
    %dma_wait3A_32 = tpu.memref_squeeze %dma_wait3A_31 : memref<1x128xi32, #tpu.memory_space<vmem>> -> memref<128xi32, #tpu.memory_space<vmem>>
    %dma_wait3A_33 = arith.constant 0 : i32
    %dma_wait3A_34 = arith.constant 0 : i32
    %dma_wait3A_35 = tpu.memref_slice %arg3[%dma_wait3A_33, %dma_wait3A_34] : memref<2000000x64xf32, #tpu.memory_space<hbm>> -> memref<2000000x64xf32, #tpu.memory_space<hbm>>
    tpu.wait_indirect_dma semaphore(%arg10 : memref<!tpu.dma_semaphore, #tpu.memory_space<semaphore_mem>>) src(%dma_wait3A_35 : memref<2000000x64xf32, #tpu.memory_space<hbm>>) dst(%arg6 : memref<128x64xf32, #tpu.memory_space<vmem>>)
    %parallel_loop3A_36 = arith.constant 0 : i32
    %parallel_loop3A_37 = arith.constant 128 : i32
    %parallel_loop3A_38 = arith.constant 1 : i32
    scf.for %parallel_loop3A_1113 = %parallel_loop3A_36 to %parallel_loop3A_37 step %parallel_loop3A_38  : i32 {
      %parallel_loop3A_1114 = vector.broadcast %parallel_loop3A_1113 : i32 to vector<16xi32>
      %parallel_loop3A_1115 = arith.index_cast %parallel_loop3A_1113 : i32 to index
      %parallel_loop3A_1116 = arith.constant 0 : index
      %parallel_loop3A_1117 = tpu.vector_load %arg6[%parallel_loop3A_1115, %parallel_loop3A_1116] {strides = array<i32>} : memref<128x64xf32, #tpu.memory_space<vmem>>, vector<16xf32>,
      %parallel_loop3A_1118 = arith.constant 8.000000e+00 : f32
      %parallel_loop3A_1119 = vector.broadcast %parallel_loop3A_1118 : f32 to vector<16xf32>
      %parallel_loop3A_1120 = arith.mulf %parallel_loop3A_1117, %parallel_loop3A_1119 : vector<16xf32>
      tpu.vector_store_idx %arg8[%add3A_7, %parallel_loop3A_1114], %parallel_loop3A_1120 : memref<64x137xf32, #tpu.memory_space<vmem>>[vector<16xi32>, vector<16xi32>], vector<16xf32>,
      %parallel_loop3A_1121 = arith.index_cast %parallel_loop3A_1113 : i32 to index
      %parallel_loop3A_1122 = arith.constant 16 : index
      %parallel_loop3A_1123 = tpu.vector_load %arg6[%parallel_loop3A_1121, %parallel_loop3A_1122] {strides = array<i32>} : memref<128x64xf32, #tpu.memory_space<vmem>>, vector<16xf32>,
      %parallel_loop3A_1124 = arith.constant 8.000000e+00 : f32
      %parallel_loop3A_1125 = vector.broadcast %parallel_loop3A_1124 : f32 to vector<16xf32>
      %parallel_loop3A_1126 = arith.mulf %parallel_loop3A_1123, %parallel_loop3A_1125 : vector<16xf32>
      tpu.vector_store_idx %arg8[%add3A_10, %parallel_loop3A_1114], %parallel_loop3A_1126 : memref<64x137xf32, #tpu.memory_space<vmem>>[vector<16xi32>, vector<16xi32>], vector<16xf32>,
      %parallel_loop3A_1127 = arith.index_cast %parallel_loop3A_1113 : i32 to index
      %parallel_loop3A_1128 = arith.constant 32 : index
      %parallel_loop3A_1129 = tpu.vector_load %arg6[%parallel_loop3A_1127, %parallel_loop3A_1128] {strides = array<i32>} : memref<128x64xf32, #tpu.memory_space<vmem>>, vector<16xf32>,
      %parallel_loop3A_1130 = arith.constant 8.000000e+00 : f32
      %parallel_loop3A_1131 = vector.broadcast %parallel_loop3A_1130 : f32 to vector<16xf32>
      %parallel_loop3A_1132 = arith.mulf %parallel_loop3A_1129, %parallel_loop3A_1131 : vector<16xf32>
      tpu.vector_store_idx %arg8[%add3A_13, %parallel_loop3A_1114], %parallel_loop3A_1132 : memref<64x137xf32, #tpu.memory_space<vmem>>[vector<16xi32>, vector<16xi32>], vector<16xf32>,
      %parallel_loop3A_1133 = arith.index_cast %parallel_loop3A_1113 : i32 to index
      %parallel_loop3A_1134 = arith.constant 48 : index
      %parallel_loop3A_1135 = tpu.vector_load %arg6[%parallel_loop3A_1133, %parallel_loop3A_1134] {strides = array<i32>} : memref<128x64xf32, #tpu.memory_space<vmem>>, vector<16xf32>,
      %parallel_loop3A_1136 = arith.constant 8.000000e+00 : f32
      %parallel_loop3A_1137 = vector.broadcast %parallel_loop3A_1136 : f32 to vector<16xf32>
      %parallel_loop3A_1138 = arith.mulf %parallel_loop3A_1135, %parallel_loop3A_1137 : vector<16xf32>
      tpu.vector_store_idx %arg8[%add3A_16, %parallel_loop3A_1114], %parallel_loop3A_1138 : memref<64x137xf32, #tpu.memory_space<vmem>>[vector<16xi32>, vector<16xi32>], vector<16xf32>,
    } {sc.loop_unroll_factor = 4 : i64, sc.parallel_access}
    %dma_start3A_39 = arith.constant 2 : i32
    %dma_start3A_40 = arith.constant 0 : i32
    %dma_start3A_41 = tpu.memref_slice %arg5[%dma_start3A_39, %dma_start3A_40] : memref<200x128xi32, #tpu.memory_space<vmem>> -> memref<1x128xi32, #tpu.memory_space<vmem>>
    %dma_start3A_42 = tpu.memref_squeeze %dma_start3A_41 : memref<1x128xi32, #tpu.memory_space<vmem>> -> memref<128xi32, #tpu.memory_space<vmem>>
    %dma_start3A_43 = arith.constant 0 : i32
    %dma_start3A_44 = arith.constant 0 : i32
    %dma_start3A_45 = tpu.memref_slice %arg3[%dma_start3A_43, %dma_start3A_44] : memref<2000000x64xf32, #tpu.memory_space<hbm>> -> memref<2000000x64xf32, #tpu.memory_space<hbm>>
    tpu.enqueue_indirect_dma source(%dma_start3A_45 : memref<2000000x64xf32, #tpu.memory_space<hbm>>) target(%arg6 : memref<128x64xf32, #tpu.memory_space<vmem>>) offsets(%dma_start3A_42 : memref<128xi32, #tpu.memory_space<vmem>>) semaphore(%arg10 : memref<!tpu.dma_semaphore, #tpu.memory_space<semaphore_mem>>)
    %dma_start3A_46 = arith.constant 0 : i32
    %dma_start3A_47 = arith.constant 0 : i32
    %dma_start3A_48 = arith.constant 0 : i32
    %dma_start3A_49 = arith.constant 0 : i32
    %dma_start3A_50 = tpu.memref_slice %arg8[%dma_start3A_48, %dma_start3A_49] : memref<64x137xf32, #tpu.memory_space<vmem>> -> memref<8x128xf32, #tpu.memory_space<vmem>>
    %dma_start3A_51 = arith.constant 0 : i32
    %dma_start3A_52 = arith.constant 0 : i32
    %dma_start3A_53 = tpu.memref_slice %arg4[%dma_start3A_46, %dma_start3A_47, %add3A, %dma_start3A_51, %dma_start3A_52] : memref<200x8x32x8x128xf32, #tpu.memory_space<hbm>> -> memref<1x1x1x8x128xf32, #tpu.memory_space<hbm>>
    %dma_start3A_54 = tpu.memref_squeeze %dma_start3A_53 : memref<1x1x1x8x128xf32, #tpu.memory_space<hbm>> -> memref<8x128xf32, #tpu.memory_space<hbm>>
    %dma_start3A_55 = arith.constant 0 : i32
    %dma_start3A_56 = arith.constant 0 : i32
    %dma_start3A_57 = tpu.memref_slice %arg4[%dma_start3A_46, %dma_start3A_47, %add3A, %dma_start3A_55, %dma_start3A_56] : memref<200x8x32x8x128xf32, #tpu.memory_space<hbm>> -> memref<1x1x1x8x128xf32, #tpu.memory_space<hbm>>
    %dma_start3A_58 = tpu.memref_squeeze %dma_start3A_57 : memref<1x1x1x8x128xf32, #tpu.memory_space<hbm>> -> memref<8x128xf32, #tpu.memory_space<hbm>>
    %dma_start3A_59 = arith.constant 0 : i32
    %dma_start3A_60 = arith.constant 0 : i32
    %dma_start3A_61 = tpu.memref_slice %arg8[%dma_start3A_59, %dma_start3A_60] : memref<64x137xf32, #tpu.memory_space<vmem>> -> memref<8x128xf32, #tpu.memory_space<vmem>>
    tpu.enqueue_dma source(%dma_start3A_61 : memref<8x128xf32, #tpu.memory_space<vmem>>) target(%dma_start3A_58 : memref<8x128xf32, #tpu.memory_space<hbm>>) target_semaphore(%arg12 : memref<!tpu.dma_semaphore, #tpu.memory_space<semaphore_mem>>)
    %dma_start3A_62 = arith.constant 0 : i32
    %dma_start3A_63 = arith.constant 1 : i32
    %dma_start3A_64 = arith.constant 8 : i32
    %dma_start3A_65 = arith.constant 0 : i32
    %dma_start3A_66 = tpu.memref_slice %arg8[%dma_start3A_64, %dma_start3A_65] : memref<64x137xf32, #tpu.memory_space<vmem>> -> memref<8x128xf32, #tpu.memory_space<vmem>>
    %dma_start3A_67 = arith.constant 0 : i32
    %dma_start3A_68 = arith.constant 0 : i32
    %dma_start3A_69 = tpu.memref_slice %arg4[%dma_start3A_62, %dma_start3A_63, %add3A, %dma_start3A_67, %dma_start3A_68] : memref<200x8x32x8x128xf32, #tpu.memory_space<hbm>> -> memref<1x1x1x8x128xf32, #tpu.memory_space<hbm>>
    %dma_start3A_70 = tpu.memref_squeeze %dma_start3A_69 : memref<1x1x1x8x128xf32, #tpu.memory_space<hbm>> -> memref<8x128xf32, #tpu.memory_space<hbm>>
    %dma_start3A_71 = arith.constant 0 : i32
    %dma_start3A_72 = arith.constant 0 : i32
    %dma_start3A_73 = tpu.memref_slice %arg4[%dma_start3A_62, %dma_start3A_63, %add3A, %dma_start3A_71, %dma_start3A_72] : memref<200x8x32x8x128xf32, #tpu.memory_space<hbm>> -> memref<1x1x1x8x128xf32, #tpu.memory_space<hbm>>
    %dma_start3A_74 = tpu.memref_squeeze %dma_start3A_73 : memref<1x1x1x8x128xf32, #tpu.memory_space<hbm>> -> memref<8x128xf32, #tpu.memory_space<hbm>>
    %dma_start3A_75 = arith.constant 8 : i32
    %dma_start3A_76 = arith.constant 0 : i32
    %dma_start3A_77 = tpu.memref_slice %arg8[%dma_start3A_75, %dma_start3A_76] : memref<64x137xf32, #tpu.memory_space<vmem>> -> memref<8x128xf32, #tpu.memory_space<vmem>>
    tpu.enqueue_dma source(%dma_start3A_77 : memref<8x128xf32, #tpu.memory_space<vmem>>) target(%dma_start3A_74 : memref<8x128xf32, #tpu.memory_space<hbm>>) target_semaphore(%arg12 : memref<!tpu.dma_semaphore, #tpu.memory_space<semaphore_mem>>)
    %dma_start3A_78 = arith.constant 0 : i32
    %dma_start3A_79 = arith.constant 2 : i32
    %dma_start3A_80 = arith.constant 16 : i32
    %dma_start3A_81 = arith.constant 0 : i32
    %dma_start3A_82 = tpu.memref_slice %arg8[%dma_start3A_80, %dma_start3A_81] : memref<64x137xf32, #tpu.memory_space<vmem>> -> memref<8x128xf32, #tpu.memory_space<vmem>>
    %dma_start3A_83 = arith.constant 0 : i32
    %dma_start3A_84 = arith.constant 0 : i32
    %dma_start3A_85 = tpu.memref_slice %arg4[%dma_start3A_78, %dma_start3A_79, %add3A, %dma_start3A_83, %dma_start3A_84] : memref<200x8x32x8x128xf32, #tpu.memory_space<hbm>> -> memref<1x1x1x8x128xf32, #tpu.memory_space<hbm>>
    %dma_start3A_86 = tpu.memref_squeeze %dma_start3A_85 : memref<1x1x1x8x128xf32, #tpu.memory_space<hbm>> -> memref<8x128xf32, #tpu.memory_space<hbm>>
    %dma_start3A_87 = arith.constant 0 : i32
    %dma_start3A_88 = arith.constant 0 : i32
    %dma_start3A_89 = tpu.memref_slice %arg4[%dma_start3A_78, %dma_start3A_79, %add3A, %dma_start3A_87, %dma_start3A_88] : memref<200x8x32x8x128xf32, #tpu.memory_space<hbm>> -> memref<1x1x1x8x128xf32, #tpu.memory_space<hbm>>
    %dma_start3A_90 = tpu.memref_squeeze %dma_start3A_89 : memref<1x1x1x8x128xf32, #tpu.memory_space<hbm>> -> memref<8x128xf32, #tpu.memory_space<hbm>>
    %dma_start3A_91 = arith.constant 16 : i32
    %dma_start3A_92 = arith.constant 0 : i32
    %dma_start3A_93 = tpu.memref_slice %arg8[%dma_start3A_91, %dma_start3A_92] : memref<64x137xf32, #tpu.memory_space<vmem>> -> memref<8x128xf32, #tpu.memory_space<vmem>>
    tpu.enqueue_dma source(%dma_start3A_93 : memref<8x128xf32, #tpu.memory_space<vmem>>) target(%dma_start3A_90 : memref<8x128xf32, #tpu.memory_space<hbm>>) target_semaphore(%arg12 : memref<!tpu.dma_semaphore, #tpu.memory_space<semaphore_mem>>)
    %dma_start3A_94 = arith.constant 0 : i32
    %dma_start3A_95 = arith.constant 3 : i32
    %dma_start3A_96 = arith.constant 24 : i32
    %dma_start3A_97 = arith.constant 0 : i32
    %dma_start3A_98 = tpu.memref_slice %arg8[%dma_start3A_96, %dma_start3A_97] : memref<64x137xf32, #tpu.memory_space<vmem>> -> memref<8x128xf32, #tpu.memory_space<vmem>>
    %dma_start3A_99 = arith.constant 0 : i32
    %dma_start3A_100 = arith.constant 0 : i32
    %dma_start3A_101 = tpu.memref_slice %arg4[%dma_start3A_94, %dma_start3A_95, %add3A, %dma_start3A_99, %dma_start3A_100] : memref<200x8x32x8x128xf32, #tpu.memory_space<hbm>> -> memref<1x1x1x8x128xf32, #tpu.memory_space<hbm>>
    %dma_start3A_102 = tpu.memref_squeeze %dma_start3A_101 : memref<1x1x1x8x128xf32, #tpu.memory_space<hbm>> -> memref<8x128xf32, #tpu.memory_space<hbm>>
    %dma_start3A_103 = arith.constant 0 : i32
    %dma_start3A_104 = arith.constant 0 : i32
    %dma_start3A_105 = tpu.memref_slice %arg4[%dma_start3A_94, %dma_start3A_95, %add3A, %dma_start3A_103, %dma_start3A_104] : memref<200x8x32x8x128xf32, #tpu.memory_space<hbm>> -> memref<1x1x1x8x128xf32, #tpu.memory_space<hbm>>
    %dma_start3A_106 = tpu.memref_squeeze %dma_start3A_105 : memref<1x1x1x8x128xf32, #tpu.memory_space<hbm>> -> memref<8x128xf32, #tpu.memory_space<hbm>>
    %dma_start3A_107 = arith.constant 24 : i32
    %dma_start3A_108 = arith.constant 0 : i32
    %dma_start3A_109 = tpu.memref_slice %arg8[%dma_start3A_107, %dma_start3A_108] : memref<64x137xf32, #tpu.memory_space<vmem>> -> memref<8x128xf32, #tpu.memory_space<vmem>>
    tpu.enqueue_dma source(%dma_start3A_109 : memref<8x128xf32, #tpu.memory_space<vmem>>) target(%dma_start3A_106 : memref<8x128xf32, #tpu.memory_space<hbm>>) target_semaphore(%arg12 : memref<!tpu.dma_semaphore, #tpu.memory_space<semaphore_mem>>)
    %dma_start3A_110 = arith.constant 0 : i32
    %dma_start3A_111 = arith.constant 4 : i32
    %dma_start3A_112 = arith.constant 32 : i32
    %dma_start3A_113 = arith.constant 0 : i32
    %dma_start3A_114 = tpu.memref_slice %arg8[%dma_start3A_112, %dma_start3A_113] : memref<64x137xf32, #tpu.memory_space<vmem>> -> memref<8x128xf32, #tpu.memory_space<vmem>>
    %dma_start3A_115 = arith.constant 0 : i32
    %dma_start3A_116 = arith.constant 0 : i32
    %dma_start3A_117 = tpu.memref_slice %arg4[%dma_start3A_110, %dma_start3A_111, %add3A, %dma_start3A_115, %dma_start3A_116] : memref<200x8x32x8x128xf32, #tpu.memory_space<hbm>> -> memref<1x1x1x8x128xf32, #tpu.memory_space<hbm>>
    %dma_start3A_118 = tpu.memref_squeeze %dma_start3A_117 : memref<1x1x1x8x128xf32, #tpu.memory_space<hbm>> -> memref<8x128xf32, #tpu.memory_space<hbm>>
    %dma_start3A_119 = arith.constant 0 : i32
    %dma_start3A_120 = arith.constant 0 : i32
    %dma_start3A_121 = tpu.memref_slice %arg4[%dma_start3A_110, %dma_start3A_111, %add3A, %dma_start3A_119, %dma_start3A_120] : memref<200x8x32x8x128xf32, #tpu.memory_space<hbm>> -> memref<1x1x1x8x128xf32, #tpu.memory_space<hbm>>
    %dma_start3A_122 = tpu.memref_squeeze %dma_start3A_121 : memref<1x1x1x8x128xf32, #tpu.memory_space<hbm>> -> memref<8x128xf32, #tpu.memory_space<hbm>>
    %dma_start3A_123 = arith.constant 32 : i32
    %dma_start3A_124 = arith.constant 0 : i32
    %dma_start3A_125 = tpu.memref_slice %arg8[%dma_start3A_123, %dma_start3A_124] : memref<64x137xf32, #tpu.memory_space<vmem>> -> memref<8x128xf32, #tpu.memory_space<vmem>>
    tpu.enqueue_dma source(%dma_start3A_125 : memref<8x128xf32, #tpu.memory_space<vmem>>) target(%dma_start3A_122 : memref<8x128xf32, #tpu.memory_space<hbm>>) target_semaphore(%arg12 : memref<!tpu.dma_semaphore, #tpu.memory_space<semaphore_mem>>)
    %dma_start3A_126 = arith.constant 0 : i32
    %dma_start3A_127 = arith.constant 5 : i32
    %dma_start3A_128 = arith.constant 40 : i32
    %dma_start3A_129 = arith.constant 0 : i32
    %dma_start3A_130 = tpu.memref_slice %arg8[%dma_start3A_128, %dma_start3A_129] : memref<64x137xf32, #tpu.memory_space<vmem>> -> memref<8x128xf32, #tpu.memory_space<vmem>>
    %dma_start3A_131 = arith.constant 0 : i32
    %dma_start3A_132 = arith.constant 0 : i32
    %dma_start3A_133 = tpu.memref_slice %arg4[%dma_start3A_126, %dma_start3A_127, %add3A, %dma_start3A_131, %dma_start3A_132] : memref<200x8x32x8x128xf32, #tpu.memory_space<hbm>> -> memref<1x1x1x8x128xf32, #tpu.memory_space<hbm>>
    %dma_start3A_134 = tpu.memref_squeeze %dma_start3A_133 : memref<1x1x1x8x128xf32, #tpu.memory_space<hbm>> -> memref<8x128xf32, #tpu.memory_space<hbm>>
    %dma_start3A_135 = arith.constant 0 : i32
    %dma_start3A_136 = arith.constant 0 : i32
    %dma_start3A_137 = tpu.memref_slice %arg4[%dma_start3A_126, %dma_start3A_127, %add3A, %dma_start3A_135, %dma_start3A_136] : memref<200x8x32x8x128xf32, #tpu.memory_space<hbm>> -> memref<1x1x1x8x128xf32, #tpu.memory_space<hbm>>
    %dma_start3A_138 = tpu.memref_squeeze %dma_start3A_137 : memref<1x1x1x8x128xf32, #tpu.memory_space<hbm>> -> memref<8x128xf32, #tpu.memory_space<hbm>>
    %dma_start3A_139 = arith.constant 40 : i32
    %dma_start3A_140 = arith.constant 0 : i32
    %dma_start3A_141 = tpu.memref_slice %arg8[%dma_start3A_139, %dma_start3A_140] : memref<64x137xf32, #tpu.memory_space<vmem>> -> memref<8x128xf32, #tpu.memory_space<vmem>>
    tpu.enqueue_dma source(%dma_start3A_141 : memref<8x128xf32, #tpu.memory_space<vmem>>) target(%dma_start3A_138 : memref<8x128xf32, #tpu.memory_space<hbm>>) target_semaphore(%arg12 : memref<!tpu.dma_semaphore, #tpu.memory_space<semaphore_mem>>)
    %dma_start3A_142 = arith.constant 0 : i32
    %dma_start3A_143 = arith.constant 6 : i32
    %dma_start3A_144 = arith.constant 48 : i32
    %dma_start3A_145 = arith.constant 0 : i32
    %dma_start3A_146 = tpu.memref_slice %arg8[%dma_start3A_144, %dma_start3A_145] : memref<64x137xf32, #tpu.memory_space<vmem>> -> memref<8x128xf32, #tpu.memory_space<vmem>>
    %dma_start3A_147 = arith.constant 0 : i32
    %dma_start3A_148 = arith.constant 0 : i32
    %dma_start3A_149 = tpu.memref_slice %arg4[%dma_start3A_142, %dma_start3A_143, %add3A, %dma_start3A_147, %dma_start3A_148] : memref<200x8x32x8x128xf32, #tpu.memory_space<hbm>> -> memref<1x1x1x8x128xf32, #tpu.memory_space<hbm>>
    %dma_start3A_150 = tpu.memref_squeeze %dma_start3A_149 : memref<1x1x1x8x128xf32, #tpu.memory_space<hbm>> -> memref<8x128xf32, #tpu.memory_space<hbm>>
    %dma_start3A_151 = arith.constant 0 : i32
    %dma_start3A_152 = arith.constant 0 : i32
    %dma_start3A_153 = tpu.memref_slice %arg4[%dma_start3A_142, %dma_start3A_143, %add3A, %dma_start3A_151, %dma_start3A_152] : memref<200x8x32x8x128xf32, #tpu.memory_space<hbm>> -> memref<1x1x1x8x128xf32, #tpu.memory_space<hbm>>
    %dma_start3A_154 = tpu.memref_squeeze %dma_start3A_153 : memref<1x1x1x8x128xf32, #tpu.memory_space<hbm>> -> memref<8x128xf32, #tpu.memory_space<hbm>>
    %dma_start3A_155 = arith.constant 48 : i32
    %dma_start3A_156 = arith.constant 0 : i32
    %dma_start3A_157 = tpu.memref_slice %arg8[%dma_start3A_155, %dma_start3A_156] : memref<64x137xf32, #tpu.memory_space<vmem>> -> memref<8x128xf32, #tpu.memory_space<vmem>>
    tpu.enqueue_dma source(%dma_start3A_157 : memref<8x128xf32, #tpu.memory_space<vmem>>) target(%dma_start3A_154 : memref<8x128xf32, #tpu.memory_space<hbm>>) target_semaphore(%arg12 : memref<!tpu.dma_semaphore, #tpu.memory_space<semaphore_mem>>)
    %dma_start3A_158 = arith.constant 0 : i32
    %dma_start3A_159 = arith.constant 7 : i32
    %dma_start3A_160 = arith.constant 56 : i32
    %dma_start3A_161 = arith.constant 0 : i32
    %dma_start3A_162 = tpu.memref_slice %arg8[%dma_start3A_160, %dma_start3A_161] : memref<64x137xf32, #tpu.memory_space<vmem>> -> memref<8x128xf32, #tpu.memory_space<vmem>>
    %dma_start3A_163 = arith.constant 0 : i32
    %dma_start3A_164 = arith.constant 0 : i32
    %dma_start3A_165 = tpu.memref_slice %arg4[%dma_start3A_158, %dma_start3A_159, %add3A, %dma_start3A_163, %dma_start3A_164] : memref<200x8x32x8x128xf32, #tpu.memory_space<hbm>> -> memref<1x1x1x8x128xf32, #tpu.memory_space<hbm>>
    %dma_start3A_166 = tpu.memref_squeeze %dma_start3A_165 : memref<1x1x1x8x128xf32, #tpu.memory_space<hbm>> -> memref<8x128xf32, #tpu.memory_space<hbm>>
    %dma_start3A_167 = arith.constant 0 : i32
    %dma_start3A_168 = arith.constant 0 : i32
    %dma_start3A_169 = tpu.memref_slice %arg4[%dma_start3A_158, %dma_start3A_159, %add3A, %dma_start3A_167, %dma_start3A_168] : memref<200x8x32x8x128xf32, #tpu.memory_space<hbm>> -> memref<1x1x1x8x128xf32, #tpu.memory_space<hbm>>
    %dma_start3A_170 = tpu.memref_squeeze %dma_start3A_169 : memref<1x1x1x8x128xf32, #tpu.memory_space<hbm>> -> memref<8x128xf32, #tpu.memory_space<hbm>>
    %dma_start3A_171 = arith.constant 56 : i32
    %dma_start3A_172 = arith.constant 0 : i32
    %dma_start3A_173 = tpu.memref_slice %arg8[%dma_start3A_171, %dma_start3A_172] : memref<64x137xf32, #tpu.memory_space<vmem>> -> memref<8x128xf32, #tpu.memory_space<vmem>>
    tpu.enqueue_dma source(%dma_start3A_173 : memref<8x128xf32, #tpu.memory_space<vmem>>) target(%dma_start3A_170 : memref<8x128xf32, #tpu.memory_space<hbm>>) target_semaphore(%arg12 : memref<!tpu.dma_semaphore, #tpu.memory_space<semaphore_mem>>)
    %dma_wait3A_174 = arith.constant 0 : i32
    %dma_wait3A_175 = arith.constant 0 : i32
    %dma_wait3A_176 = tpu.memref_slice %arg5[%dma_wait3A_174, %dma_wait3A_175] : memref<200x128xi32, #tpu.memory_space<vmem>> -> memref<1x128xi32, #tpu.memory_space<vmem>>
    %dma_wait3A_177 = tpu.memref_squeeze %dma_wait3A_176 : memref<1x128xi32, #tpu.memory_space<vmem>> -> memref<128xi32, #tpu.memory_space<vmem>>
    %dma_wait3A_178 = arith.constant 0 : i32
    %dma_wait3A_179 = arith.constant 0 : i32
    %dma_wait3A_180 = tpu.memref_slice %arg3[%dma_wait3A_178, %dma_wait3A_179] : memref<2000000x64xf32, #tpu.memory_space<hbm>> -> memref<2000000x64xf32, #tpu.memory_space<hbm>>
    tpu.wait_indirect_dma semaphore(%arg11 : memref<!tpu.dma_semaphore, #tpu.memory_space<semaphore_mem>>) src(%dma_wait3A_180 : memref<2000000x64xf32, #tpu.memory_space<hbm>>) dst(%arg7 : memref<128x64xf32, #tpu.memory_space<vmem>>)
    %parallel_loop3A_181 = arith.constant 0 : i32
    %parallel_loop3A_182 = arith.constant 128 : i32
    %parallel_loop3A_183 = arith.constant 1 : i32
    scf.for %parallel_loop3A_1113 = %parallel_loop3A_181 to %parallel_loop3A_182 step %parallel_loop3A_183  : i32 {
      %parallel_loop3A_1114 = vector.broadcast %parallel_loop3A_1113 : i32 to vector<16xi32>
      %parallel_loop3A_1115 = arith.index_cast %parallel_loop3A_1113 : i32 to index
      %parallel_loop3A_1116 = arith.constant 0 : index
      %parallel_loop3A_1117 = tpu.vector_load %arg7[%parallel_loop3A_1115, %parallel_loop3A_1116] {strides = array<i32>} : memref<128x64xf32, #tpu.memory_space<vmem>>, vector<16xf32>,
      %parallel_loop3A_1118 = arith.constant 8.000000e+00 : f32
      %parallel_loop3A_1119 = vector.broadcast %parallel_loop3A_1118 : f32 to vector<16xf32>
      %parallel_loop3A_1120 = arith.mulf %parallel_loop3A_1117, %parallel_loop3A_1119 : vector<16xf32>
      tpu.vector_store_idx %arg9[%add3A_7, %parallel_loop3A_1114], %parallel_loop3A_1120 : memref<64x137xf32, #tpu.memory_space<vmem>>[vector<16xi32>, vector<16xi32>], vector<16xf32>,
      %parallel_loop3A_1121 = arith.index_cast %parallel_loop3A_1113 : i32 to index
      %parallel_loop3A_1122 = arith.constant 16 : index
      %parallel_loop3A_1123 = tpu.vector_load %arg7[%parallel_loop3A_1121, %parallel_loop3A_1122] {strides = array<i32>} : memref<128x64xf32, #tpu.memory_space<vmem>>, vector<16xf32>,
      %parallel_loop3A_1124 = arith.constant 8.000000e+00 : f32
      %parallel_loop3A_1125 = vector.broadcast %parallel_loop3A_1124 : f32 to vector<16xf32>
      %parallel_loop3A_1126 = arith.mulf %parallel_loop3A_1123, %parallel_loop3A_1125 : vector<16xf32>
      tpu.vector_store_idx %arg9[%add3A_10, %parallel_loop3A_1114], %parallel_loop3A_1126 : memref<64x137xf32, #tpu.memory_space<vmem>>[vector<16xi32>, vector<16xi32>], vector<16xf32>,
      %parallel_loop3A_1127 = arith.index_cast %parallel_loop3A_1113 : i32 to index
      %parallel_loop3A_1128 = arith.constant 32 : index
      %parallel_loop3A_1129 = tpu.vector_load %arg7[%parallel_loop3A_1127, %parallel_loop3A_1128] {strides = array<i32>} : memref<128x64xf32, #tpu.memory_space<vmem>>, vector<16xf32>,
      %parallel_loop3A_1130 = arith.constant 8.000000e+00 : f32
      %parallel_loop3A_1131 = vector.broadcast %parallel_loop3A_1130 : f32 to vector<16xf32>
      %parallel_loop3A_1132 = arith.mulf %parallel_loop3A_1129, %parallel_loop3A_1131 : vector<16xf32>
      tpu.vector_store_idx %arg9[%add3A_13, %parallel_loop3A_1114], %parallel_loop3A_1132 : memref<64x137xf32, #tpu.memory_space<vmem>>[vector<16xi32>, vector<16xi32>], vector<16xf32>,
      %parallel_loop3A_1133 = arith.index_cast %parallel_loop3A_1113 : i32 to index
      %parallel_loop3A_1134 = arith.constant 48 : index
      %parallel_loop3A_1135 = tpu.vector_load %arg7[%parallel_loop3A_1133, %parallel_loop3A_1134] {strides = array<i32>} : memref<128x64xf32, #tpu.memory_space<vmem>>, vector<16xf32>,
      %parallel_loop3A_1136 = arith.constant 8.000000e+00 : f32
      %parallel_loop3A_1137 = vector.broadcast %parallel_loop3A_1136 : f32 to vector<16xf32>
      %parallel_loop3A_1138 = arith.mulf %parallel_loop3A_1135, %parallel_loop3A_1137 : vector<16xf32>
      tpu.vector_store_idx %arg9[%add3A_16, %parallel_loop3A_1114], %parallel_loop3A_1138 : memref<64x137xf32, #tpu.memory_space<vmem>>[vector<16xi32>, vector<16xi32>], vector<16xf32>,
    } {sc.loop_unroll_factor = 4 : i64, sc.parallel_access}
    %dma_start3A_184 = arith.constant 3 : i32
    %dma_start3A_185 = arith.constant 0 : i32
    %dma_start3A_186 = tpu.memref_slice %arg5[%dma_start3A_184, %dma_start3A_185] : memref<200x128xi32, #tpu.memory_space<vmem>> -> memref<1x128xi32, #tpu.memory_space<vmem>>
    %dma_start3A_187 = tpu.memref_squeeze %dma_start3A_186 : memref<1x128xi32, #tpu.memory_space<vmem>> -> memref<128xi32, #tpu.memory_space<vmem>>
    %dma_start3A_188 = arith.constant 0 : i32
    %dma_start3A_189 = arith.constant 0 : i32
    %dma_start3A_190 = tpu.memref_slice %arg3[%dma_start3A_188, %dma_start3A_189] : memref<2000000x64xf32, #tpu.memory_space<hbm>> -> memref<2000000x64xf32, #tpu.memory_space<hbm>>
    tpu.enqueue_indirect_dma source(%dma_start3A_190 : memref<2000000x64xf32, #tpu.memory_space<hbm>>) target(%arg7 : memref<128x64xf32, #tpu.memory_space<vmem>>) offsets(%dma_start3A_187 : memref<128xi32, #tpu.memory_space<vmem>>) semaphore(%arg11 : memref<!tpu.dma_semaphore, #tpu.memory_space<semaphore_mem>>)
    %dma_start3A_191 = arith.constant 1 : i32
    %dma_start3A_192 = arith.constant 0 : i32
    %dma_start3A_193 = arith.constant 0 : i32
    %dma_start3A_194 = arith.constant 0 : i32
    %dma_start3A_195 = tpu.memref_slice %arg9[%dma_start3A_193, %dma_start3A_194] : memref<64x137xf32, #tpu.memory_space<vmem>> -> memref<8x128xf32, #tpu.memory_space<vmem>>
    %dma_start3A_196 = arith.constant 0 : i32
    %dma_start3A_197 = arith.constant 0 : i32
    %dma_start3A_198 = tpu.memref_slice %arg4[%dma_start3A_191, %dma_start3A_192, %add3A, %dma_start3A_196, %dma_start3A_197] : memref<200x8x32x8x128xf32, #tpu.memory_space<hbm>> -> memref<1x1x1x8x128xf32, #tpu.memory_space<hbm>>
    %dma_start3A_199 = tpu.memref_squeeze %dma_start3A_198 : memref<1x1x1x8x128xf32, #tpu.memory_space<hbm>> -> memref<8x128xf32, #tpu.memory_space<hbm>>
    %dma_start3A_200 = arith.constant 0 : i32
    %dma_start3A_201 = arith.constant 0 : i32
    %dma_start3A_202 = tpu.memref_slice %arg4[%dma_start3A_191, %dma_start3A_192, %add3A, %dma_start3A_200, %dma_start3A_201] : memref<200x8x32x8x128xf32, #tpu.memory_space<hbm>> -> memref<1x1x1x8x128xf32, #tpu.memory_space<hbm>>
    %dma_start3A_203 = tpu.memref_squeeze %dma_start3A_202 : memref<1x1x1x8x128xf32, #tpu.memory_space<hbm>> -> memref<8x128xf32, #tpu.memory_space<hbm>>
    %dma_start3A_204 = arith.constant 0 : i32
    %dma_start3A_205 = arith.constant 0 : i32
    %dma_start3A_206 = tpu.memref_slice %arg9[%dma_start3A_204, %dma_start3A_205] : memref<64x137xf32, #tpu.memory_space<vmem>> -> memref<8x128xf32, #tpu.memory_space<vmem>>
    tpu.enqueue_dma source(%dma_start3A_206 : memref<8x128xf32, #tpu.memory_space<vmem>>) target(%dma_start3A_203 : memref<8x128xf32, #tpu.memory_space<hbm>>) target_semaphore(%arg13 : memref<!tpu.dma_semaphore, #tpu.memory_space<semaphore_mem>>)
    %dma_start3A_207 = arith.constant 1 : i32
    %dma_start3A_208 = arith.constant 1 : i32
    %dma_start3A_209 = arith.constant 8 : i32
    %dma_start3A_210 = arith.constant 0 : i32
    %dma_start3A_211 = tpu.memref_slice %arg9[%dma_start3A_209, %dma_start3A_210] : memref<64x137xf32, #tpu.memory_space<vmem>> -> memref<8x128xf32, #tpu.memory_space<vmem>>
    %dma_start3A_212 = arith.constant 0 : i32
    %dma_start3A_213 = arith.constant 0 : i32
    %dma_start3A_214 = tpu.memref_slice %arg4[%dma_start3A_207, %dma_start3A_208, %add3A, %dma_start3A_212, %dma_start3A_213] : memref<200x8x32x8x128xf32, #tpu.memory_space<hbm>> -> memref<1x1x1x8x128xf32, #tpu.memory_space<hbm>>
    %dma_start3A_215 = tpu.memref_squeeze %dma_start3A_214 : memref<1x1x1x8x128xf32, #tpu.memory_space<hbm>> -> memref<8x128xf32, #tpu.memory_space<hbm>>
    %dma_start3A_216 = arith.constant 0 : i32
    %dma_start3A_217 = arith.constant 0 : i32
    %dma_start3A_218 = tpu.memref_slice %arg4[%dma_start3A_207, %dma_start3A_208, %add3A, %dma_start3A_216, %dma_start3A_217] : memref<200x8x32x8x128xf32, #tpu.memory_space<hbm>> -> memref<1x1x1x8x128xf32, #tpu.memory_space<hbm>>
    %dma_start3A_219 = tpu.memref_squeeze %dma_start3A_218 : memref<1x1x1x8x128xf32, #tpu.memory_space<hbm>> -> memref<8x128xf32, #tpu.memory_space<hbm>>
    %dma_start3A_220 = arith.constant 8 : i32
    %dma_start3A_221 = arith.constant 0 : i32
    %dma_start3A_222 = tpu.memref_slice %arg9[%dma_start3A_220, %dma_start3A_221] : memref<64x137xf32, #tpu.memory_space<vmem>> -> memref<8x128xf32, #tpu.memory_space<vmem>>
    tpu.enqueue_dma source(%dma_start3A_222 : memref<8x128xf32, #tpu.memory_space<vmem>>) target(%dma_start3A_219 : memref<8x128xf32, #tpu.memory_space<hbm>>) target_semaphore(%arg13 : memref<!tpu.dma_semaphore, #tpu.memory_space<semaphore_mem>>)
    %dma_start3A_223 = arith.constant 1 : i32
    %dma_start3A_224 = arith.constant 2 : i32
    %dma_start3A_225 = arith.constant 16 : i32
    %dma_start3A_226 = arith.constant 0 : i32
    %dma_start3A_227 = tpu.memref_slice %arg9[%dma_start3A_225, %dma_start3A_226] : memref<64x137xf32, #tpu.memory_space<vmem>> -> memref<8x128xf32, #tpu.memory_space<vmem>>
    %dma_start3A_228 = arith.constant 0 : i32
    %dma_start3A_229 = arith.constant 0 : i32
    %dma_start3A_230 = tpu.memref_slice %arg4[%dma_start3A_223, %dma_start3A_224, %add3A, %dma_start3A_228, %dma_start3A_229] : memref<200x8x32x8x128xf32, #tpu.memory_space<hbm>> -> memref<1x1x1x8x128xf32, #tpu.memory_space<hbm>>
    %dma_start3A_231 = tpu.memref_squeeze %dma_start3A_230 : memref<1x1x1x8x128xf32, #tpu.memory_space<hbm>> -> memref<8x128xf32, #tpu.memory_space<hbm>>
    %dma_start3A_232 = arith.constant 0 : i32
    %dma_start3A_233 = arith.constant 0 : i32
    %dma_start3A_234 = tpu.memref_slice %arg4[%dma_start3A_223, %dma_start3A_224, %add3A, %dma_start3A_232, %dma_start3A_233] : memref<200x8x32x8x128xf32, #tpu.memory_space<hbm>> -> memref<1x1x1x8x128xf32, #tpu.memory_space<hbm>>
    %dma_start3A_235 = tpu.memref_squeeze %dma_start3A_234 : memref<1x1x1x8x128xf32, #tpu.memory_space<hbm>> -> memref<8x128xf32, #tpu.memory_space<hbm>>
    %dma_start3A_236 = arith.constant 16 : i32
    %dma_start3A_237 = arith.constant 0 : i32
    %dma_start3A_238 = tpu.memref_slice %arg9[%dma_start3A_236, %dma_start3A_237] : memref<64x137xf32, #tpu.memory_space<vmem>> -> memref<8x128xf32, #tpu.memory_space<vmem>>
    tpu.enqueue_dma source(%dma_start3A_238 : memref<8x128xf32, #tpu.memory_space<vmem>>) target(%dma_start3A_235 : memref<8x128xf32, #tpu.memory_space<hbm>>) target_semaphore(%arg13 : memref<!tpu.dma_semaphore, #tpu.memory_space<semaphore_mem>>)
    %dma_start3A_239 = arith.constant 1 : i32
    %dma_start3A_240 = arith.constant 3 : i32
    %dma_start3A_241 = arith.constant 24 : i32
    %dma_start3A_242 = arith.constant 0 : i32
    %dma_start3A_243 = tpu.memref_slice %arg9[%dma_start3A_241, %dma_start3A_242] : memref<64x137xf32, #tpu.memory_space<vmem>> -> memref<8x128xf32, #tpu.memory_space<vmem>>
    %dma_start3A_244 = arith.constant 0 : i32
    %dma_start3A_245 = arith.constant 0 : i32
    %dma_start3A_246 = tpu.memref_slice %arg4[%dma_start3A_239, %dma_start3A_240, %add3A, %dma_start3A_244, %dma_start3A_245] : memref<200x8x32x8x128xf32, #tpu.memory_space<hbm>> -> memref<1x1x1x8x128xf32, #tpu.memory_space<hbm>>
    %dma_start3A_247 = tpu.memref_squeeze %dma_start3A_246 : memref<1x1x1x8x128xf32, #tpu.memory_space<hbm>> -> memref<8x128xf32, #tpu.memory_space<hbm>>
    %dma_start3A_248 = arith.constant 0 : i32
    %dma_start3A_249 = arith.constant 0 : i32
    %dma_start3A_250 = tpu.memref_slice %arg4[%dma_start3A_239, %dma_start3A_240, %add3A, %dma_start3A_248, %dma_start3A_249] : memref<200x8x32x8x128xf32, #tpu.memory_space<hbm>> -> memref<1x1x1x8x128xf32, #tpu.memory_space<hbm>>
    %dma_start3A_251 = tpu.memref_squeeze %dma_start3A_250 : memref<1x1x1x8x128xf32, #tpu.memory_space<hbm>> -> memref<8x128xf32, #tpu.memory_space<hbm>>
    %dma_start3A_252 = arith.constant 24 : i32
    %dma_start3A_253 = arith.constant 0 : i32
    %dma_start3A_254 = tpu.memref_slice %arg9[%dma_start3A_252, %dma_start3A_253] : memref<64x137xf32, #tpu.memory_space<vmem>> -> memref<8x128xf32, #tpu.memory_space<vmem>>
    tpu.enqueue_dma source(%dma_start3A_254 : memref<8x128xf32, #tpu.memory_space<vmem>>) target(%dma_start3A_251 : memref<8x128xf32, #tpu.memory_space<hbm>>) target_semaphore(%arg13 : memref<!tpu.dma_semaphore, #tpu.memory_space<semaphore_mem>>)
    %dma_start3A_255 = arith.constant 1 : i32
    %dma_start3A_256 = arith.constant 4 : i32
    %dma_start3A_257 = arith.constant 32 : i32
    %dma_start3A_258 = arith.constant 0 : i32
    %dma_start3A_259 = tpu.memref_slice %arg9[%dma_start3A_257, %dma_start3A_258] : memref<64x137xf32, #tpu.memory_space<vmem>> -> memref<8x128xf32, #tpu.memory_space<vmem>>
    %dma_start3A_260 = arith.constant 0 : i32
    %dma_start3A_261 = arith.constant 0 : i32
    %dma_start3A_262 = tpu.memref_slice %arg4[%dma_start3A_255, %dma_start3A_256, %add3A, %dma_start3A_260, %dma_start3A_261] : memref<200x8x32x8x128xf32, #tpu.memory_space<hbm>> -> memref<1x1x1x8x128xf32, #tpu.memory_space<hbm>>
    %dma_start3A_263 = tpu.memref_squeeze %dma_start3A_262 : memref<1x1x1x8x128xf32, #tpu.memory_space<hbm>> -> memref<8x128xf32, #tpu.memory_space<hbm>>
    %dma_start3A_264 = arith.constant 0 : i32
    %dma_start3A_265 = arith.constant 0 : i32
    %dma_start3A_266 = tpu.memref_slice %arg4[%dma_start3A_255, %dma_start3A_256, %add3A, %dma_start3A_264, %dma_start3A_265] : memref<200x8x32x8x128xf32, #tpu.memory_space<hbm>> -> memref<1x1x1x8x128xf32, #tpu.memory_space<hbm>>
    %dma_start3A_267 = tpu.memref_squeeze %dma_start3A_266 : memref<1x1x1x8x128xf32, #tpu.memory_space<hbm>> -> memref<8x128xf32, #tpu.memory_space<hbm>>
    %dma_start3A_268 = arith.constant 32 : i32
    %dma_start3A_269 = arith.constant 0 : i32
    %dma_start3A_270 = tpu.memref_slice %arg9[%dma_start3A_268, %dma_start3A_269] : memref<64x137xf32, #tpu.memory_space<vmem>> -> memref<8x128xf32, #tpu.memory_space<vmem>>
    tpu.enqueue_dma source(%dma_start3A_270 : memref<8x128xf32, #tpu.memory_space<vmem>>) target(%dma_start3A_267 : memref<8x128xf32, #tpu.memory_space<hbm>>) target_semaphore(%arg13 : memref<!tpu.dma_semaphore, #tpu.memory_space<semaphore_mem>>)
    %dma_start3A_271 = arith.constant 1 : i32
    %dma_start3A_272 = arith.constant 5 : i32
    %dma_start3A_273 = arith.constant 40 : i32
    %dma_start3A_274 = arith.constant 0 : i32
    %dma_start3A_275 = tpu.memref_slice %arg9[%dma_start3A_273, %dma_start3A_274] : memref<64x137xf32, #tpu.memory_space<vmem>> -> memref<8x128xf32, #tpu.memory_space<vmem>>
    %dma_start3A_276 = arith.constant 0 : i32
    %dma_start3A_277 = arith.constant 0 : i32
    %dma_start3A_278 = tpu.memref_slice %arg4[%dma_start3A_271, %dma_start3A_272, %add3A, %dma_start3A_276, %dma_start3A_277] : memref<200x8x32x8x128xf32, #tpu.memory_space<hbm>> -> memref<1x1x1x8x128xf32, #tpu.memory_space<hbm>>
    %dma_start3A_279 = tpu.memref_squeeze %dma_start3A_278 : memref<1x1x1x8x128xf32, #tpu.memory_space<hbm>> -> memref<8x128xf32, #tpu.memory_space<hbm>>
    %dma_start3A_280 = arith.constant 0 : i32
    %dma_start3A_281 = arith.constant 0 : i32
    %dma_start3A_282 = tpu.memref_slice %arg4[%dma_start3A_271, %dma_start3A_272, %add3A, %dma_start3A_280, %dma_start3A_281] : memref<200x8x32x8x128xf32, #tpu.memory_space<hbm>> -> memref<1x1x1x8x128xf32, #tpu.memory_space<hbm>>
    %dma_start3A_283 = tpu.memref_squeeze %dma_start3A_282 : memref<1x1x1x8x128xf32, #tpu.memory_space<hbm>> -> memref<8x128xf32, #tpu.memory_space<hbm>>
    %dma_start3A_284 = arith.constant 40 : i32
    %dma_start3A_285 = arith.constant 0 : i32
    %dma_start3A_286 = tpu.memref_slice %arg9[%dma_start3A_284, %dma_start3A_285] : memref<64x137xf32, #tpu.memory_space<vmem>> -> memref<8x128xf32, #tpu.memory_space<vmem>>
    tpu.enqueue_dma source(%dma_start3A_286 : memref<8x128xf32, #tpu.memory_space<vmem>>) target(%dma_start3A_283 : memref<8x128xf32, #tpu.memory_space<hbm>>) target_semaphore(%arg13 : memref<!tpu.dma_semaphore, #tpu.memory_space<semaphore_mem>>)
    %dma_start3A_287 = arith.constant 1 : i32
    %dma_start3A_288 = arith.constant 6 : i32
    %dma_start3A_289 = arith.constant 48 : i32
    %dma_start3A_290 = arith.constant 0 : i32
    %dma_start3A_291 = tpu.memref_slice %arg9[%dma_start3A_289, %dma_start3A_290] : memref<64x137xf32, #tpu.memory_space<vmem>> -> memref<8x128xf32, #tpu.memory_space<vmem>>
    %dma_start3A_292 = arith.constant 0 : i32
    %dma_start3A_293 = arith.constant 0 : i32
    %dma_start3A_294 = tpu.memref_slice %arg4[%dma_start3A_287, %dma_start3A_288, %add3A, %dma_start3A_292, %dma_start3A_293] : memref<200x8x32x8x128xf32, #tpu.memory_space<hbm>> -> memref<1x1x1x8x128xf32, #tpu.memory_space<hbm>>
    %dma_start3A_295 = tpu.memref_squeeze %dma_start3A_294 : memref<1x1x1x8x128xf32, #tpu.memory_space<hbm>> -> memref<8x128xf32, #tpu.memory_space<hbm>>
    %dma_start3A_296 = arith.constant 0 : i32
    %dma_start3A_297 = arith.constant 0 : i32
    %dma_start3A_298 = tpu.memref_slice %arg4[%dma_start3A_287, %dma_start3A_288, %add3A, %dma_start3A_296, %dma_start3A_297] : memref<200x8x32x8x128xf32, #tpu.memory_space<hbm>> -> memref<1x1x1x8x128xf32, #tpu.memory_space<hbm>>
    %dma_start3A_299 = tpu.memref_squeeze %dma_start3A_298 : memref<1x1x1x8x128xf32, #tpu.memory_space<hbm>> -> memref<8x128xf32, #tpu.memory_space<hbm>>
    %dma_start3A_300 = arith.constant 48 : i32
    %dma_start3A_301 = arith.constant 0 : i32
    %dma_start3A_302 = tpu.memref_slice %arg9[%dma_start3A_300, %dma_start3A_301] : memref<64x137xf32, #tpu.memory_space<vmem>> -> memref<8x128xf32, #tpu.memory_space<vmem>>
    tpu.enqueue_dma source(%dma_start3A_302 : memref<8x128xf32, #tpu.memory_space<vmem>>) target(%dma_start3A_299 : memref<8x128xf32, #tpu.memory_space<hbm>>) target_semaphore(%arg13 : memref<!tpu.dma_semaphore, #tpu.memory_space<semaphore_mem>>)
    %dma_start3A_303 = arith.constant 1 : i32
    %dma_start3A_304 = arith.constant 7 : i32
    %dma_start3A_305 = arith.constant 56 : i32
    %dma_start3A_306 = arith.constant 0 : i32
    %dma_start3A_307 = tpu.memref_slice %arg9[%dma_start3A_305, %dma_start3A_306] : memref<64x137xf32, #tpu.memory_space<vmem>> -> memref<8x128xf32, #tpu.memory_space<vmem>>
    %dma_start3A_308 = arith.constant 0 : i32
    %dma_start3A_309 = arith.constant 0 : i32
    %dma_start3A_310 = tpu.memref_slice %arg4[%dma_start3A_303, %dma_start3A_304, %add3A, %dma_start3A_308, %dma_start3A_309] : memref<200x8x32x8x128xf32, #tpu.memory_space<hbm>> -> memref<1x1x1x8x128xf32, #tpu.memory_space<hbm>>
    %dma_start3A_311 = tpu.memref_squeeze %dma_start3A_310 : memref<1x1x1x8x128xf32, #tpu.memory_space<hbm>> -> memref<8x128xf32, #tpu.memory_space<hbm>>
    %dma_start3A_312 = arith.constant 0 : i32
    %dma_start3A_313 = arith.constant 0 : i32
    %dma_start3A_314 = tpu.memref_slice %arg4[%dma_start3A_303, %dma_start3A_304, %add3A, %dma_start3A_312, %dma_start3A_313] : memref<200x8x32x8x128xf32, #tpu.memory_space<hbm>> -> memref<1x1x1x8x128xf32, #tpu.memory_space<hbm>>
    %dma_start3A_315 = tpu.memref_squeeze %dma_start3A_314 : memref<1x1x1x8x128xf32, #tpu.memory_space<hbm>> -> memref<8x128xf32, #tpu.memory_space<hbm>>
    %dma_start3A_316 = arith.constant 56 : i32
    %dma_start3A_317 = arith.constant 0 : i32
    %dma_start3A_318 = tpu.memref_slice %arg9[%dma_start3A_316, %dma_start3A_317] : memref<64x137xf32, #tpu.memory_space<vmem>> -> memref<8x128xf32, #tpu.memory_space<vmem>>
    tpu.enqueue_dma source(%dma_start3A_318 : memref<8x128xf32, #tpu.memory_space<vmem>>) target(%dma_start3A_315 : memref<8x128xf32, #tpu.memory_space<hbm>>) target_semaphore(%arg13 : memref<!tpu.dma_semaphore, #tpu.memory_space<semaphore_mem>>)
    %scan3A = arith.constant 0 : i32
    %scan3A_319 = arith.constant 1 : i32
    %scan3A_320 = arith.constant 98 : i32
    %scan3A_321 = arith.addi %scan3A_319, %scan3A_320 : i32
    %scan3A_322 = arith.constant 1 : i32
    %scan3A_323 = scf.for %scan3A_1113 = %scan3A_319 to %scan3A_321 step %scan3A_322 iter_args(%scan3A_1114 = %scan3A) -> (i32)  : i32 {
      %mul3A_1115 = arith.constant 2 : i32
      %mul3A_1116 = arith.muli %mul3A_1115, %scan3A_1113 : i32
      %dma_wait3A_1117 = arith.constant 0 : i32
      %dma_wait3A_1118 = arith.constant 0 : i32
      %dma_wait3A_1119 = tpu.memref_slice %arg5[%dma_wait3A_1117, %dma_wait3A_1118] : memref<200x128xi32, #tpu.memory_space<vmem>> -> memref<1x128xi32, #tpu.memory_space<vmem>>
      %dma_wait3A_1120 = tpu.memref_squeeze %dma_wait3A_1119 : memref<1x128xi32, #tpu.memory_space<vmem>> -> memref<128xi32, #tpu.memory_space<vmem>>
      %dma_wait3A_1121 = arith.constant 0 : i32
      %dma_wait3A_1122 = arith.constant 0 : i32
      %dma_wait3A_1123 = tpu.memref_slice %arg3[%dma_wait3A_1121, %dma_wait3A_1122] : memref<2000000x64xf32, #tpu.memory_space<hbm>> -> memref<2000000x64xf32, #tpu.memory_space<hbm>>
      tpu.wait_indirect_dma semaphore(%arg10 : memref<!tpu.dma_semaphore, #tpu.memory_space<semaphore_mem>>) src(%dma_wait3A_1123 : memref<2000000x64xf32, #tpu.memory_space<hbm>>) dst(%arg6 : memref<128x64xf32, #tpu.memory_space<vmem>>)
      %dma_wait3A_1124 = arith.constant 0 : i32
      %dma_wait3A_1125 = arith.constant 0 : i32
      %dma_wait3A_1126 = arith.constant 0 : i32
      %dma_wait3A_1127 = arith.constant 0 : i32
      %dma_wait3A_1128 = tpu.memref_slice %arg8[%dma_wait3A_1126, %dma_wait3A_1127] : memref<64x137xf32, #tpu.memory_space<vmem>> -> memref<8x128xf32, #tpu.memory_space<vmem>>
      %dma_wait3A_1129 = arith.constant 0 : i32
      %dma_wait3A_1130 = arith.constant 0 : i32
      %dma_wait3A_1131 = tpu.memref_slice %arg4[%dma_wait3A_1124, %dma_wait3A_1125, %add3A, %dma_wait3A_1129, %dma_wait3A_1130] : memref<200x8x32x8x128xf32, #tpu.memory_space<hbm>> -> memref<1x1x1x8x128xf32, #tpu.memory_space<hbm>>
      %dma_wait3A_1132 = tpu.memref_squeeze %dma_wait3A_1131 : memref<1x1x1x8x128xf32, #tpu.memory_space<hbm>> -> memref<8x128xf32, #tpu.memory_space<hbm>>
      %dma_wait3A_1133 = arith.constant 0 : i32
      %dma_wait3A_1134 = arith.constant 0 : i32
      %dma_wait3A_1135 = tpu.memref_slice %arg4[%dma_wait3A_1124, %dma_wait3A_1125, %add3A, %dma_wait3A_1133, %dma_wait3A_1134] : memref<200x8x32x8x128xf32, #tpu.memory_space<hbm>> -> memref<1x1x1x8x128xf32, #tpu.memory_space<hbm>>
      %dma_wait3A_1136 = tpu.memref_squeeze %dma_wait3A_1135 : memref<1x1x1x8x128xf32, #tpu.memory_space<hbm>> -> memref<8x128xf32, #tpu.memory_space<hbm>>
      %dma_wait3A_1137 = arith.constant 0 : i32
      %dma_wait3A_1138 = arith.constant 0 : i32
      %dma_wait3A_1139 = tpu.memref_slice %arg8[%dma_wait3A_1137, %dma_wait3A_1138] : memref<64x137xf32, #tpu.memory_space<vmem>> -> memref<8x128xf32, #tpu.memory_space<vmem>>
      tpu.wait_dma2 semaphore(%arg12 : memref<!tpu.dma_semaphore, #tpu.memory_space<semaphore_mem>>) src(%dma_wait3A_1139 : memref<8x128xf32, #tpu.memory_space<vmem>>) dst(%dma_wait3A_1136 : memref<8x128xf32, #tpu.memory_space<hbm>>)
      %dma_wait3A_1140 = arith.constant 0 : i32
      %dma_wait3A_1141 = arith.constant 1 : i32
      %dma_wait3A_1142 = arith.constant 0 : i32
      %dma_wait3A_1143 = arith.constant 0 : i32
      %dma_wait3A_1144 = tpu.memref_slice %arg8[%dma_wait3A_1142, %dma_wait3A_1143] : memref<64x137xf32, #tpu.memory_space<vmem>> -> memref<8x128xf32, #tpu.memory_space<vmem>>
      %dma_wait3A_1145 = arith.constant 0 : i32
      %dma_wait3A_1146 = arith.constant 0 : i32
      %dma_wait3A_1147 = tpu.memref_slice %arg4[%dma_wait3A_1140, %dma_wait3A_1141, %add3A, %dma_wait3A_1145, %dma_wait3A_1146] : memref<200x8x32x8x128xf32, #tpu.memory_space<hbm>> -> memref<1x1x1x8x128xf32, #tpu.memory_space<hbm>>
      %dma_wait3A_1148 = tpu.memref_squeeze %dma_wait3A_1147 : memref<1x1x1x8x128xf32, #tpu.memory_space<hbm>> -> memref<8x128xf32, #tpu.memory_space<hbm>>
      %dma_wait3A_1149 = arith.constant 0 : i32
      %dma_wait3A_1150 = arith.constant 0 : i32
      %dma_wait3A_1151 = tpu.memref_slice %arg4[%dma_wait3A_1140, %dma_wait3A_1141, %add3A, %dma_wait3A_1149, %dma_wait3A_1150] : memref<200x8x32x8x128xf32, #tpu.memory_space<hbm>> -> memref<1x1x1x8x128xf32, #tpu.memory_space<hbm>>
      %dma_wait3A_1152 = tpu.memref_squeeze %dma_wait3A_1151 : memref<1x1x1x8x128xf32, #tpu.memory_space<hbm>> -> memref<8x128xf32, #tpu.memory_space<hbm>>
      %dma_wait3A_1153 = arith.constant 0 : i32
      %dma_wait3A_1154 = arith.constant 0 : i32
      %dma_wait3A_1155 = tpu.memref_slice %arg8[%dma_wait3A_1153, %dma_wait3A_1154] : memref<64x137xf32, #tpu.memory_space<vmem>> -> memref<8x128xf32, #tpu.memory_space<vmem>>
      tpu.wait_dma2 semaphore(%arg12 : memref<!tpu.dma_semaphore, #tpu.memory_space<semaphore_mem>>) src(%dma_wait3A_1155 : memref<8x128xf32, #tpu.memory_space<vmem>>) dst(%dma_wait3A_1152 : memref<8x128xf32, #tpu.memory_space<hbm>>)
      %dma_wait3A_1156 = arith.constant 0 : i32
      %dma_wait3A_1157 = arith.constant 2 : i32
      %dma_wait3A_1158 = arith.constant 0 : i32
      %dma_wait3A_1159 = arith.constant 0 : i32
      %dma_wait3A_1160 = tpu.memref_slice %arg8[%dma_wait3A_1158, %dma_wait3A_1159] : memref<64x137xf32, #tpu.memory_space<vmem>> -> memref<8x128xf32, #tpu.memory_space<vmem>>
      %dma_wait3A_1161 = arith.constant 0 : i32
      %dma_wait3A_1162 = arith.constant 0 : i32
      %dma_wait3A_1163 = tpu.memref_slice %arg4[%dma_wait3A_1156, %dma_wait3A_1157, %add3A, %dma_wait3A_1161, %dma_wait3A_1162] : memref<200x8x32x8x128xf32, #tpu.memory_space<hbm>> -> memref<1x1x1x8x128xf32, #tpu.memory_space<hbm>>
      %dma_wait3A_1164 = tpu.memref_squeeze %dma_wait3A_1163 : memref<1x1x1x8x128xf32, #tpu.memory_space<hbm>> -> memref<8x128xf32, #tpu.memory_space<hbm>>
      %dma_wait3A_1165 = arith.constant 0 : i32
      %dma_wait3A_1166 = arith.constant 0 : i32
      %dma_wait3A_1167 = tpu.memref_slice %arg4[%dma_wait3A_1156, %dma_wait3A_1157, %add3A, %dma_wait3A_1165, %dma_wait3A_1166] : memref<200x8x32x8x128xf32, #tpu.memory_space<hbm>> -> memref<1x1x1x8x128xf32, #tpu.memory_space<hbm>>
      %dma_wait3A_1168 = tpu.memref_squeeze %dma_wait3A_1167 : memref<1x1x1x8x128xf32, #tpu.memory_space<hbm>> -> memref<8x128xf32, #tpu.memory_space<hbm>>
      %dma_wait3A_1169 = arith.constant 0 : i32
      %dma_wait3A_1170 = arith.constant 0 : i32
      %dma_wait3A_1171 = tpu.memref_slice %arg8[%dma_wait3A_1169, %dma_wait3A_1170] : memref<64x137xf32, #tpu.memory_space<vmem>> -> memref<8x128xf32, #tpu.memory_space<vmem>>
      tpu.wait_dma2 semaphore(%arg12 : memref<!tpu.dma_semaphore, #tpu.memory_space<semaphore_mem>>) src(%dma_wait3A_1171 : memref<8x128xf32, #tpu.memory_space<vmem>>) dst(%dma_wait3A_1168 : memref<8x128xf32, #tpu.memory_space<hbm>>)
      %dma_wait3A_1172 = arith.constant 0 : i32
      %dma_wait3A_1173 = arith.constant 3 : i32
      %dma_wait3A_1174 = arith.constant 0 : i32
      %dma_wait3A_1175 = arith.constant 0 : i32
      %dma_wait3A_1176 = tpu.memref_slice %arg8[%dma_wait3A_1174, %dma_wait3A_1175] : memref<64x137xf32, #tpu.memory_space<vmem>> -> memref<8x128xf32, #tpu.memory_space<vmem>>
      %dma_wait3A_1177 = arith.constant 0 : i32
      %dma_wait3A_1178 = arith.constant 0 : i32
      %dma_wait3A_1179 = tpu.memref_slice %arg4[%dma_wait3A_1172, %dma_wait3A_1173, %add3A, %dma_wait3A_1177, %dma_wait3A_1178] : memref<200x8x32x8x128xf32, #tpu.memory_space<hbm>> -> memref<1x1x1x8x128xf32, #tpu.memory_space<hbm>>
      %dma_wait3A_1180 = tpu.memref_squeeze %dma_wait3A_1179 : memref<1x1x1x8x128xf32, #tpu.memory_space<hbm>> -> memref<8x128xf32, #tpu.memory_space<hbm>>
      %dma_wait3A_1181 = arith.constant 0 : i32
      %dma_wait3A_1182 = arith.constant 0 : i32
      %dma_wait3A_1183 = tpu.memref_slice %arg4[%dma_wait3A_1172, %dma_wait3A_1173, %add3A, %dma_wait3A_1181, %dma_wait3A_1182] : memref<200x8x32x8x128xf32, #tpu.memory_space<hbm>> -> memref<1x1x1x8x128xf32, #tpu.memory_space<hbm>>
      %dma_wait3A_1184 = tpu.memref_squeeze %dma_wait3A_1183 : memref<1x1x1x8x128xf32, #tpu.memory_space<hbm>> -> memref<8x128xf32, #tpu.memory_space<hbm>>
      %dma_wait3A_1185 = arith.constant 0 : i32
      %dma_wait3A_1186 = arith.constant 0 : i32
      %dma_wait3A_1187 = tpu.memref_slice %arg8[%dma_wait3A_1185, %dma_wait3A_1186] : memref<64x137xf32, #tpu.memory_space<vmem>> -> memref<8x128xf32, #tpu.memory_space<vmem>>
      tpu.wait_dma2 semaphore(%arg12 : memref<!tpu.dma_semaphore, #tpu.memory_space<semaphore_mem>>) src(%dma_wait3A_1187 : memref<8x128xf32, #tpu.memory_space<vmem>>) dst(%dma_wait3A_1184 : memref<8x128xf32, #tpu.memory_space<hbm>>)
      %dma_wait3A_1188 = arith.constant 0 : i32
      %dma_wait3A_1189 = arith.constant 4 : i32
      %dma_wait3A_1190 = arith.constant 0 : i32
      %dma_wait3A_1191 = arith.constant 0 : i32
      %dma_wait3A_1192 = tpu.memref_slice %arg8[%dma_wait3A_1190, %dma_wait3A_1191] : memref<64x137xf32, #tpu.memory_space<vmem>> -> memref<8x128xf32, #tpu.memory_space<vmem>>
      %dma_wait3A_1193 = arith.constant 0 : i32
      %dma_wait3A_1194 = arith.constant 0 : i32
      %dma_wait3A_1195 = tpu.memref_slice %arg4[%dma_wait3A_1188, %dma_wait3A_1189, %add3A, %dma_wait3A_1193, %dma_wait3A_1194] : memref<200x8x32x8x128xf32, #tpu.memory_space<hbm>> -> memref<1x1x1x8x128xf32, #tpu.memory_space<hbm>>
      %dma_wait3A_1196 = tpu.memref_squeeze %dma_wait3A_1195 : memref<1x1x1x8x128xf32, #tpu.memory_space<hbm>> -> memref<8x128xf32, #tpu.memory_space<hbm>>
      %dma_wait3A_1197 = arith.constant 0 : i32
      %dma_wait3A_1198 = arith.constant 0 : i32
      %dma_wait3A_1199 = tpu.memref_slice %arg4[%dma_wait3A_1188, %dma_wait3A_1189, %add3A, %dma_wait3A_1197, %dma_wait3A_1198] : memref<200x8x32x8x128xf32, #tpu.memory_space<hbm>> -> memref<1x1x1x8x128xf32, #tpu.memory_space<hbm>>
      %dma_wait3A_1200 = tpu.memref_squeeze %dma_wait3A_1199 : memref<1x1x1x8x128xf32, #tpu.memory_space<hbm>> -> memref<8x128xf32, #tpu.memory_space<hbm>>
      %dma_wait3A_1201 = arith.constant 0 : i32
      %dma_wait3A_1202 = arith.constant 0 : i32
      %dma_wait3A_1203 = tpu.memref_slice %arg8[%dma_wait3A_1201, %dma_wait3A_1202] : memref<64x137xf32, #tpu.memory_space<vmem>> -> memref<8x128xf32, #tpu.memory_space<vmem>>
      tpu.wait_dma2 semaphore(%arg12 : memref<!tpu.dma_semaphore, #tpu.memory_space<semaphore_mem>>) src(%dma_wait3A_1203 : memref<8x128xf32, #tpu.memory_space<vmem>>) dst(%dma_wait3A_1200 : memref<8x128xf32, #tpu.memory_space<hbm>>)
      %dma_wait3A_1204 = arith.constant 0 : i32
      %dma_wait3A_1205 = arith.constant 5 : i32
      %dma_wait3A_1206 = arith.constant 0 : i32
      %dma_wait3A_1207 = arith.constant 0 : i32
      %dma_wait3A_1208 = tpu.memref_slice %arg8[%dma_wait3A_1206, %dma_wait3A_1207] : memref<64x137xf32, #tpu.memory_space<vmem>> -> memref<8x128xf32, #tpu.memory_space<vmem>>
      %dma_wait3A_1209 = arith.constant 0 : i32
      %dma_wait3A_1210 = arith.constant 0 : i32
      %dma_wait3A_1211 = tpu.memref_slice %arg4[%dma_wait3A_1204, %dma_wait3A_1205, %add3A, %dma_wait3A_1209, %dma_wait3A_1210] : memref<200x8x32x8x128xf32, #tpu.memory_space<hbm>> -> memref<1x1x1x8x128xf32, #tpu.memory_space<hbm>>
      %dma_wait3A_1212 = tpu.memref_squeeze %dma_wait3A_1211 : memref<1x1x1x8x128xf32, #tpu.memory_space<hbm>> -> memref<8x128xf32, #tpu.memory_space<hbm>>
      %dma_wait3A_1213 = arith.constant 0 : i32
      %dma_wait3A_1214 = arith.constant 0 : i32
      %dma_wait3A_1215 = tpu.memref_slice %arg4[%dma_wait3A_1204, %dma_wait3A_1205, %add3A, %dma_wait3A_1213, %dma_wait3A_1214] : memref<200x8x32x8x128xf32, #tpu.memory_space<hbm>> -> memref<1x1x1x8x128xf32, #tpu.memory_space<hbm>>
      %dma_wait3A_1216 = tpu.memref_squeeze %dma_wait3A_1215 : memref<1x1x1x8x128xf32, #tpu.memory_space<hbm>> -> memref<8x128xf32, #tpu.memory_space<hbm>>
      %dma_wait3A_1217 = arith.constant 0 : i32
      %dma_wait3A_1218 = arith.constant 0 : i32
      %dma_wait3A_1219 = tpu.memref_slice %arg8[%dma_wait3A_1217, %dma_wait3A_1218] : memref<64x137xf32, #tpu.memory_space<vmem>> -> memref<8x128xf32, #tpu.memory_space<vmem>>
      tpu.wait_dma2 semaphore(%arg12 : memref<!tpu.dma_semaphore, #tpu.memory_space<semaphore_mem>>) src(%dma_wait3A_1219 : memref<8x128xf32, #tpu.memory_space<vmem>>) dst(%dma_wait3A_1216 : memref<8x128xf32, #tpu.memory_space<hbm>>)
      %dma_wait3A_1220 = arith.constant 0 : i32
      %dma_wait3A_1221 = arith.constant 6 : i32
      %dma_wait3A_1222 = arith.constant 0 : i32
      %dma_wait3A_1223 = arith.constant 0 : i32
      %dma_wait3A_1224 = tpu.memref_slice %arg8[%dma_wait3A_1222, %dma_wait3A_1223] : memref<64x137xf32, #tpu.memory_space<vmem>> -> memref<8x128xf32, #tpu.memory_space<vmem>>
      %dma_wait3A_1225 = arith.constant 0 : i32
      %dma_wait3A_1226 = arith.constant 0 : i32
      %dma_wait3A_1227 = tpu.memref_slice %arg4[%dma_wait3A_1220, %dma_wait3A_1221, %add3A, %dma_wait3A_1225, %dma_wait3A_1226] : memref<200x8x32x8x128xf32, #tpu.memory_space<hbm>> -> memref<1x1x1x8x128xf32, #tpu.memory_space<hbm>>
      %dma_wait3A_1228 = tpu.memref_squeeze %dma_wait3A_1227 : memref<1x1x1x8x128xf32, #tpu.memory_space<hbm>> -> memref<8x128xf32, #tpu.memory_space<hbm>>
      %dma_wait3A_1229 = arith.constant 0 : i32
      %dma_wait3A_1230 = arith.constant 0 : i32
      %dma_wait3A_1231 = tpu.memref_slice %arg4[%dma_wait3A_1220, %dma_wait3A_1221, %add3A, %dma_wait3A_1229, %dma_wait3A_1230] : memref<200x8x32x8x128xf32, #tpu.memory_space<hbm>> -> memref<1x1x1x8x128xf32, #tpu.memory_space<hbm>>
      %dma_wait3A_1232 = tpu.memref_squeeze %dma_wait3A_1231 : memref<1x1x1x8x128xf32, #tpu.memory_space<hbm>> -> memref<8x128xf32, #tpu.memory_space<hbm>>
      %dma_wait3A_1233 = arith.constant 0 : i32
      %dma_wait3A_1234 = arith.constant 0 : i32
      %dma_wait3A_1235 = tpu.memref_slice %arg8[%dma_wait3A_1233, %dma_wait3A_1234] : memref<64x137xf32, #tpu.memory_space<vmem>> -> memref<8x128xf32, #tpu.memory_space<vmem>>
      tpu.wait_dma2 semaphore(%arg12 : memref<!tpu.dma_semaphore, #tpu.memory_space<semaphore_mem>>) src(%dma_wait3A_1235 : memref<8x128xf32, #tpu.memory_space<vmem>>) dst(%dma_wait3A_1232 : memref<8x128xf32, #tpu.memory_space<hbm>>)
      %dma_wait3A_1236 = arith.constant 0 : i32
      %dma_wait3A_1237 = arith.constant 7 : i32
      %dma_wait3A_1238 = arith.constant 0 : i32
      %dma_wait3A_1239 = arith.constant 0 : i32
      %dma_wait3A_1240 = tpu.memref_slice %arg8[%dma_wait3A_1238, %dma_wait3A_1239] : memref<64x137xf32, #tpu.memory_space<vmem>> -> memref<8x128xf32, #tpu.memory_space<vmem>>
      %dma_wait3A_1241 = arith.constant 0 : i32
      %dma_wait3A_1242 = arith.constant 0 : i32
      %dma_wait3A_1243 = tpu.memref_slice %arg4[%dma_wait3A_1236, %dma_wait3A_1237, %add3A, %dma_wait3A_1241, %dma_wait3A_1242] : memref<200x8x32x8x128xf32, #tpu.memory_space<hbm>> -> memref<1x1x1x8x128xf32, #tpu.memory_space<hbm>>
      %dma_wait3A_1244 = tpu.memref_squeeze %dma_wait3A_1243 : memref<1x1x1x8x128xf32, #tpu.memory_space<hbm>> -> memref<8x128xf32, #tpu.memory_space<hbm>>
      %dma_wait3A_1245 = arith.constant 0 : i32
      %dma_wait3A_1246 = arith.constant 0 : i32
      %dma_wait3A_1247 = tpu.memref_slice %arg4[%dma_wait3A_1236, %dma_wait3A_1237, %add3A, %dma_wait3A_1245, %dma_wait3A_1246] : memref<200x8x32x8x128xf32, #tpu.memory_space<hbm>> -> memref<1x1x1x8x128xf32, #tpu.memory_space<hbm>>
      %dma_wait3A_1248 = tpu.memref_squeeze %dma_wait3A_1247 : memref<1x1x1x8x128xf32, #tpu.memory_space<hbm>> -> memref<8x128xf32, #tpu.memory_space<hbm>>
      %dma_wait3A_1249 = arith.constant 0 : i32
      %dma_wait3A_1250 = arith.constant 0 : i32
      %dma_wait3A_1251 = tpu.memref_slice %arg8[%dma_wait3A_1249, %dma_wait3A_1250] : memref<64x137xf32, #tpu.memory_space<vmem>> -> memref<8x128xf32, #tpu.memory_space<vmem>>
      tpu.wait_dma2 semaphore(%arg12 : memref<!tpu.dma_semaphore, #tpu.memory_space<semaphore_mem>>) src(%dma_wait3A_1251 : memref<8x128xf32, #tpu.memory_space<vmem>>) dst(%dma_wait3A_1248 : memref<8x128xf32, #tpu.memory_space<hbm>>)
      %parallel_loop3A_1252 = arith.constant 0 : i32
      %parallel_loop3A_1253 = arith.constant 128 : i32
      %parallel_loop3A_1254 = arith.constant 1 : i32
      scf.for %parallel_loop3A_1652 = %parallel_loop3A_1252 to %parallel_loop3A_1253 step %parallel_loop3A_1254  : i32 {
        %parallel_loop3A_1653 = vector.broadcast %parallel_loop3A_1652 : i32 to vector<16xi32>
        %parallel_loop3A_1654 = arith.index_cast %parallel_loop3A_1652 : i32 to index
        %parallel_loop3A_1655 = arith.constant 0 : index
        %parallel_loop3A_1656 = tpu.vector_load %arg6[%parallel_loop3A_1654, %parallel_loop3A_1655] {strides = array<i32>} : memref<128x64xf32, #tpu.memory_space<vmem>>, vector<16xf32>,
        %parallel_loop3A_1657 = arith.constant 8.000000e+00 : f32
        %parallel_loop3A_1658 = vector.broadcast %parallel_loop3A_1657 : f32 to vector<16xf32>
        %parallel_loop3A_1659 = arith.mulf %parallel_loop3A_1656, %parallel_loop3A_1658 : vector<16xf32>
        tpu.vector_store_idx %arg8[%add3A_7, %parallel_loop3A_1653], %parallel_loop3A_1659 : memref<64x137xf32, #tpu.memory_space<vmem>>[vector<16xi32>, vector<16xi32>], vector<16xf32>,
        %parallel_loop3A_1660 = arith.index_cast %parallel_loop3A_1652 : i32 to index
        %parallel_loop3A_1661 = arith.constant 16 : index
        %parallel_loop3A_1662 = tpu.vector_load %arg6[%parallel_loop3A_1660, %parallel_loop3A_1661] {strides = array<i32>} : memref<128x64xf32, #tpu.memory_space<vmem>>, vector<16xf32>,
        %parallel_loop3A_1663 = arith.constant 8.000000e+00 : f32
        %parallel_loop3A_1664 = vector.broadcast %parallel_loop3A_1663 : f32 to vector<16xf32>
        %parallel_loop3A_1665 = arith.mulf %parallel_loop3A_1662, %parallel_loop3A_1664 : vector<16xf32>
        tpu.vector_store_idx %arg8[%add3A_10, %parallel_loop3A_1653], %parallel_loop3A_1665 : memref<64x137xf32, #tpu.memory_space<vmem>>[vector<16xi32>, vector<16xi32>], vector<16xf32>,
        %parallel_loop3A_1666 = arith.index_cast %parallel_loop3A_1652 : i32 to index
        %parallel_loop3A_1667 = arith.constant 32 : index
        %parallel_loop3A_1668 = tpu.vector_load %arg6[%parallel_loop3A_1666, %parallel_loop3A_1667] {strides = array<i32>} : memref<128x64xf32, #tpu.memory_space<vmem>>, vector<16xf32>,
        %parallel_loop3A_1669 = arith.constant 8.000000e+00 : f32
        %parallel_loop3A_1670 = vector.broadcast %parallel_loop3A_1669 : f32 to vector<16xf32>
        %parallel_loop3A_1671 = arith.mulf %parallel_loop3A_1668, %parallel_loop3A_1670 : vector<16xf32>
        tpu.vector_store_idx %arg8[%add3A_13, %parallel_loop3A_1653], %parallel_loop3A_1671 : memref<64x137xf32, #tpu.memory_space<vmem>>[vector<16xi32>, vector<16xi32>], vector<16xf32>,
        %parallel_loop3A_1672 = arith.index_cast %parallel_loop3A_1652 : i32 to index
        %parallel_loop3A_1673 = arith.constant 48 : index
        %parallel_loop3A_1674 = tpu.vector_load %arg6[%parallel_loop3A_1672, %parallel_loop3A_1673] {strides = array<i32>} : memref<128x64xf32, #tpu.memory_space<vmem>>, vector<16xf32>,
        %parallel_loop3A_1675 = arith.constant 8.000000e+00 : f32
        %parallel_loop3A_1676 = vector.broadcast %parallel_loop3A_1675 : f32 to vector<16xf32>
        %parallel_loop3A_1677 = arith.mulf %parallel_loop3A_1674, %parallel_loop3A_1676 : vector<16xf32>
        tpu.vector_store_idx %arg8[%add3A_16, %parallel_loop3A_1653], %parallel_loop3A_1677 : memref<64x137xf32, #tpu.memory_space<vmem>>[vector<16xi32>, vector<16xi32>], vector<16xf32>,
      } {sc.loop_unroll_factor = 4 : i64, sc.parallel_access}
      %add3A_1255 = arith.constant 2 : i32
      %add3A_1256 = arith.addi %mul3A_1116, %add3A_1255 : i32
      %dma_start3A_1257 = arith.constant 0 : i32
      %dma_start3A_1258 = tpu.memref_slice %arg5[%add3A_1256, %dma_start3A_1257] : memref<200x128xi32, #tpu.memory_space<vmem>> -> memref<1x128xi32, #tpu.memory_space<vmem>>
      %dma_start3A_1259 = tpu.memref_squeeze %dma_start3A_1258 : memref<1x128xi32, #tpu.memory_space<vmem>> -> memref<128xi32, #tpu.memory_space<vmem>>
      %dma_start3A_1260 = arith.constant 0 : i32
      %dma_start3A_1261 = arith.constant 0 : i32
      %dma_start3A_1262 = tpu.memref_slice %arg3[%dma_start3A_1260, %dma_start3A_1261] : memref<2000000x64xf32, #tpu.memory_space<hbm>> -> memref<2000000x64xf32, #tpu.memory_space<hbm>>
      tpu.enqueue_indirect_dma source(%dma_start3A_1262 : memref<2000000x64xf32, #tpu.memory_space<hbm>>) target(%arg6 : memref<128x64xf32, #tpu.memory_space<vmem>>) offsets(%dma_start3A_1259 : memref<128xi32, #tpu.memory_space<vmem>>) semaphore(%arg10 : memref<!tpu.dma_semaphore, #tpu.memory_space<semaphore_mem>>)
      %dma_start3A_1263 = arith.constant 0 : i32
      %dma_start3A_1264 = arith.constant 0 : i32
      %dma_start3A_1265 = arith.constant 0 : i32
      %dma_start3A_1266 = tpu.memref_slice %arg8[%dma_start3A_1264, %dma_start3A_1265] : memref<64x137xf32, #tpu.memory_space<vmem>> -> memref<8x128xf32, #tpu.memory_space<vmem>>
      %dma_start3A_1267 = arith.constant 0 : i32
      %dma_start3A_1268 = arith.constant 0 : i32
      %dma_start3A_1269 = tpu.memref_slice %arg4[%mul3A_1116, %dma_start3A_1263, %add3A, %dma_start3A_1267, %dma_start3A_1268] : memref<200x8x32x8x128xf32, #tpu.memory_space<hbm>> -> memref<1x1x1x8x128xf32, #tpu.memory_space<hbm>>
      %dma_start3A_1270 = tpu.memref_squeeze %dma_start3A_1269 : memref<1x1x1x8x128xf32, #tpu.memory_space<hbm>> -> memref<8x128xf32, #tpu.memory_space<hbm>>
      %dma_start3A_1271 = arith.constant 0 : i32
      %dma_start3A_1272 = arith.constant 0 : i32
      %dma_start3A_1273 = tpu.memref_slice %arg4[%mul3A_1116, %dma_start3A_1263, %add3A, %dma_start3A_1271, %dma_start3A_1272] : memref<200x8x32x8x128xf32, #tpu.memory_space<hbm>> -> memref<1x1x1x8x128xf32, #tpu.memory_space<hbm>>
      %dma_start3A_1274 = tpu.memref_squeeze %dma_start3A_1273 : memref<1x1x1x8x128xf32, #tpu.memory_space<hbm>> -> memref<8x128xf32, #tpu.memory_space<hbm>>
      %dma_start3A_1275 = arith.constant 0 : i32
      %dma_start3A_1276 = arith.constant 0 : i32
      %dma_start3A_1277 = tpu.memref_slice %arg8[%dma_start3A_1275, %dma_start3A_1276] : memref<64x137xf32, #tpu.memory_space<vmem>> -> memref<8x128xf32, #tpu.memory_space<vmem>>
      tpu.enqueue_dma source(%dma_start3A_1277 : memref<8x128xf32, #tpu.memory_space<vmem>>) target(%dma_start3A_1274 : memref<8x128xf32, #tpu.memory_space<hbm>>) target_semaphore(%arg12 : memref<!tpu.dma_semaphore, #tpu.memory_space<semaphore_mem>>)
      %dma_start3A_1278 = arith.constant 1 : i32
      %dma_start3A_1279 = arith.constant 8 : i32
      %dma_start3A_1280 = arith.constant 0 : i32
      %dma_start3A_1281 = tpu.memref_slice %arg8[%dma_start3A_1279, %dma_start3A_1280] : memref<64x137xf32, #tpu.memory_space<vmem>> -> memref<8x128xf32, #tpu.memory_space<vmem>>
      %dma_start3A_1282 = arith.constant 0 : i32
      %dma_start3A_1283 = arith.constant 0 : i32
      %dma_start3A_1284 = tpu.memref_slice %arg4[%mul3A_1116, %dma_start3A_1278, %add3A, %dma_start3A_1282, %dma_start3A_1283] : memref<200x8x32x8x128xf32, #tpu.memory_space<hbm>> -> memref<1x1x1x8x128xf32, #tpu.memory_space<hbm>>
      %dma_start3A_1285 = tpu.memref_squeeze %dma_start3A_1284 : memref<1x1x1x8x128xf32, #tpu.memory_space<hbm>> -> memref<8x128xf32, #tpu.memory_space<hbm>>
      %dma_start3A_1286 = arith.constant 0 : i32
      %dma_start3A_1287 = arith.constant 0 : i32
      %dma_start3A_1288 = tpu.memref_slice %arg4[%mul3A_1116, %dma_start3A_1278, %add3A, %dma_start3A_1286, %dma_start3A_1287] : memref<200x8x32x8x128xf32, #tpu.memory_space<hbm>> -> memref<1x1x1x8x128xf32, #tpu.memory_space<hbm>>
      %dma_start3A_1289 = tpu.memref_squeeze %dma_start3A_1288 : memref<1x1x1x8x128xf32, #tpu.memory_space<hbm>> -> memref<8x128xf32, #tpu.memory_space<hbm>>
      %dma_start3A_1290 = arith.constant 8 : i32
      %dma_start3A_1291 = arith.constant 0 : i32
      %dma_start3A_1292 = tpu.memref_slice %arg8[%dma_start3A_1290, %dma_start3A_1291] : memref<64x137xf32, #tpu.memory_space<vmem>> -> memref<8x128xf32, #tpu.memory_space<vmem>>
      tpu.enqueue_dma source(%dma_start3A_1292 : memref<8x128xf32, #tpu.memory_space<vmem>>) target(%dma_start3A_1289 : memref<8x128xf32, #tpu.memory_space<hbm>>) target_semaphore(%arg12 : memref<!tpu.dma_semaphore, #tpu.memory_space<semaphore_mem>>)
      %dma_start3A_1293 = arith.constant 2 : i32
      %dma_start3A_1294 = arith.constant 16 : i32
      %dma_start3A_1295 = arith.constant 0 : i32
      %dma_start3A_1296 = tpu.memref_slice %arg8[%dma_start3A_1294, %dma_start3A_1295] : memref<64x137xf32, #tpu.memory_space<vmem>> -> memref<8x128xf32, #tpu.memory_space<vmem>>
      %dma_start3A_1297 = arith.constant 0 : i32
      %dma_start3A_1298 = arith.constant 0 : i32
      %dma_start3A_1299 = tpu.memref_slice %arg4[%mul3A_1116, %dma_start3A_1293, %add3A, %dma_start3A_1297, %dma_start3A_1298] : memref<200x8x32x8x128xf32, #tpu.memory_space<hbm>> -> memref<1x1x1x8x128xf32, #tpu.memory_space<hbm>>
      %dma_start3A_1300 = tpu.memref_squeeze %dma_start3A_1299 : memref<1x1x1x8x128xf32, #tpu.memory_space<hbm>> -> memref<8x128xf32, #tpu.memory_space<hbm>>
      %dma_start3A_1301 = arith.constant 0 : i32
      %dma_start3A_1302 = arith.constant 0 : i32
      %dma_start3A_1303 = tpu.memref_slice %arg4[%mul3A_1116, %dma_start3A_1293, %add3A, %dma_start3A_1301, %dma_start3A_1302] : memref<200x8x32x8x128xf32, #tpu.memory_space<hbm>> -> memref<1x1x1x8x128xf32, #tpu.memory_space<hbm>>
      %dma_start3A_1304 = tpu.memref_squeeze %dma_start3A_1303 : memref<1x1x1x8x128xf32, #tpu.memory_space<hbm>> -> memref<8x128xf32, #tpu.memory_space<hbm>>
      %dma_start3A_1305 = arith.constant 16 : i32
      %dma_start3A_1306 = arith.constant 0 : i32
      %dma_start3A_1307 = tpu.memref_slice %arg8[%dma_start3A_1305, %dma_start3A_1306] : memref<64x137xf32, #tpu.memory_space<vmem>> -> memref<8x128xf32, #tpu.memory_space<vmem>>
      tpu.enqueue_dma source(%dma_start3A_1307 : memref<8x128xf32, #tpu.memory_space<vmem>>) target(%dma_start3A_1304 : memref<8x128xf32, #tpu.memory_space<hbm>>) target_semaphore(%arg12 : memref<!tpu.dma_semaphore, #tpu.memory_space<semaphore_mem>>)
      %dma_start3A_1308 = arith.constant 3 : i32
      %dma_start3A_1309 = arith.constant 24 : i32
      %dma_start3A_1310 = arith.constant 0 : i32
      %dma_start3A_1311 = tpu.memref_slice %arg8[%dma_start3A_1309, %dma_start3A_1310] : memref<64x137xf32, #tpu.memory_space<vmem>> -> memref<8x128xf32, #tpu.memory_space<vmem>>
      %dma_start3A_1312 = arith.constant 0 : i32
      %dma_start3A_1313 = arith.constant 0 : i32
      %dma_start3A_1314 = tpu.memref_slice %arg4[%mul3A_1116, %dma_start3A_1308, %add3A, %dma_start3A_1312, %dma_start3A_1313] : memref<200x8x32x8x128xf32, #tpu.memory_space<hbm>> -> memref<1x1x1x8x128xf32, #tpu.memory_space<hbm>>
      %dma_start3A_1315 = tpu.memref_squeeze %dma_start3A_1314 : memref<1x1x1x8x128xf32, #tpu.memory_space<hbm>> -> memref<8x128xf32, #tpu.memory_space<hbm>>
      %dma_start3A_1316 = arith.constant 0 : i32
      %dma_start3A_1317 = arith.constant 0 : i32
      %dma_start3A_1318 = tpu.memref_slice %arg4[%mul3A_1116, %dma_start3A_1308, %add3A, %dma_start3A_1316, %dma_start3A_1317] : memref<200x8x32x8x128xf32, #tpu.memory_space<hbm>> -> memref<1x1x1x8x128xf32, #tpu.memory_space<hbm>>
      %dma_start3A_1319 = tpu.memref_squeeze %dma_start3A_1318 : memref<1x1x1x8x128xf32, #tpu.memory_space<hbm>> -> memref<8x128xf32, #tpu.memory_space<hbm>>
      %dma_start3A_1320 = arith.constant 24 : i32
      %dma_start3A_1321 = arith.constant 0 : i32
      %dma_start3A_1322 = tpu.memref_slice %arg8[%dma_start3A_1320, %dma_start3A_1321] : memref<64x137xf32, #tpu.memory_space<vmem>> -> memref<8x128xf32, #tpu.memory_space<vmem>>
      tpu.enqueue_dma source(%dma_start3A_1322 : memref<8x128xf32, #tpu.memory_space<vmem>>) target(%dma_start3A_1319 : memref<8x128xf32, #tpu.memory_space<hbm>>) target_semaphore(%arg12 : memref<!tpu.dma_semaphore, #tpu.memory_space<semaphore_mem>>)
      %dma_start3A_1323 = arith.constant 4 : i32
      %dma_start3A_1324 = arith.constant 32 : i32
      %dma_start3A_1325 = arith.constant 0 : i32
      %dma_start3A_1326 = tpu.memref_slice %arg8[%dma_start3A_1324, %dma_start3A_1325] : memref<64x137xf32, #tpu.memory_space<vmem>> -> memref<8x128xf32, #tpu.memory_space<vmem>>
      %dma_start3A_1327 = arith.constant 0 : i32
      %dma_start3A_1328 = arith.constant 0 : i32
      %dma_start3A_1329 = tpu.memref_slice %arg4[%mul3A_1116, %dma_start3A_1323, %add3A, %dma_start3A_1327, %dma_start3A_1328] : memref<200x8x32x8x128xf32, #tpu.memory_space<hbm>> -> memref<1x1x1x8x128xf32, #tpu.memory_space<hbm>>
      %dma_start3A_1330 = tpu.memref_squeeze %dma_start3A_1329 : memref<1x1x1x8x128xf32, #tpu.memory_space<hbm>> -> memref<8x128xf32, #tpu.memory_space<hbm>>
      %dma_start3A_1331 = arith.constant 0 : i32
      %dma_start3A_1332 = arith.constant 0 : i32
      %dma_start3A_1333 = tpu.memref_slice %arg4[%mul3A_1116, %dma_start3A_1323, %add3A, %dma_start3A_1331, %dma_start3A_1332] : memref<200x8x32x8x128xf32, #tpu.memory_space<hbm>> -> memref<1x1x1x8x128xf32, #tpu.memory_space<hbm>>
      %dma_start3A_1334 = tpu.memref_squeeze %dma_start3A_1333 : memref<1x1x1x8x128xf32, #tpu.memory_space<hbm>> -> memref<8x128xf32, #tpu.memory_space<hbm>>
      %dma_start3A_1335 = arith.constant 32 : i32
      %dma_start3A_1336 = arith.constant 0 : i32
      %dma_start3A_1337 = tpu.memref_slice %arg8[%dma_start3A_1335, %dma_start3A_1336] : memref<64x137xf32, #tpu.memory_space<vmem>> -> memref<8x128xf32, #tpu.memory_space<vmem>>
      tpu.enqueue_dma source(%dma_start3A_1337 : memref<8x128xf32, #tpu.memory_space<vmem>>) target(%dma_start3A_1334 : memref<8x128xf32, #tpu.memory_space<hbm>>) target_semaphore(%arg12 : memref<!tpu.dma_semaphore, #tpu.memory_space<semaphore_mem>>)
      %dma_start3A_1338 = arith.constant 5 : i32
      %dma_start3A_1339 = arith.constant 40 : i32
      %dma_start3A_1340 = arith.constant 0 : i32
      %dma_start3A_1341 = tpu.memref_slice %arg8[%dma_start3A_1339, %dma_start3A_1340] : memref<64x137xf32, #tpu.memory_space<vmem>> -> memref<8x128xf32, #tpu.memory_space<vmem>>
      %dma_start3A_1342 = arith.constant 0 : i32
      %dma_start3A_1343 = arith.constant 0 : i32
      %dma_start3A_1344 = tpu.memref_slice %arg4[%mul3A_1116, %dma_start3A_1338, %add3A, %dma_start3A_1342, %dma_start3A_1343] : memref<200x8x32x8x128xf32, #tpu.memory_space<hbm>> -> memref<1x1x1x8x128xf32, #tpu.memory_space<hbm>>
      %dma_start3A_1345 = tpu.memref_squeeze %dma_start3A_1344 : memref<1x1x1x8x128xf32, #tpu.memory_space<hbm>> -> memref<8x128xf32, #tpu.memory_space<hbm>>
      %dma_start3A_1346 = arith.constant 0 : i32
      %dma_start3A_1347 = arith.constant 0 : i32
      %dma_start3A_1348 = tpu.memref_slice %arg4[%mul3A_1116, %dma_start3A_1338, %add3A, %dma_start3A_1346, %dma_start3A_1347] : memref<200x8x32x8x128xf32, #tpu.memory_space<hbm>> -> memref<1x1x1x8x128xf32, #tpu.memory_space<hbm>>
      %dma_start3A_1349 = tpu.memref_squeeze %dma_start3A_1348 : memref<1x1x1x8x128xf32, #tpu.memory_space<hbm>> -> memref<8x128xf32, #tpu.memory_space<hbm>>
      %dma_start3A_1350 = arith.constant 40 : i32
      %dma_start3A_1351 = arith.constant 0 : i32
      %dma_start3A_1352 = tpu.memref_slice %arg8[%dma_start3A_1350, %dma_start3A_1351] : memref<64x137xf32, #tpu.memory_space<vmem>> -> memref<8x128xf32, #tpu.memory_space<vmem>>
      tpu.enqueue_dma source(%dma_start3A_1352 : memref<8x128xf32, #tpu.memory_space<vmem>>) target(%dma_start3A_1349 : memref<8x128xf32, #tpu.memory_space<hbm>>) target_semaphore(%arg12 : memref<!tpu.dma_semaphore, #tpu.memory_space<semaphore_mem>>)
      %dma_start3A_1353 = arith.constant 6 : i32
      %dma_start3A_1354 = arith.constant 48 : i32
      %dma_start3A_1355 = arith.constant 0 : i32
      %dma_start3A_1356 = tpu.memref_slice %arg8[%dma_start3A_1354, %dma_start3A_1355] : memref<64x137xf32, #tpu.memory_space<vmem>> -> memref<8x128xf32, #tpu.memory_space<vmem>>
      %dma_start3A_1357 = arith.constant 0 : i32
      %dma_start3A_1358 = arith.constant 0 : i32
      %dma_start3A_1359 = tpu.memref_slice %arg4[%mul3A_1116, %dma_start3A_1353, %add3A, %dma_start3A_1357, %dma_start3A_1358] : memref<200x8x32x8x128xf32, #tpu.memory_space<hbm>> -> memref<1x1x1x8x128xf32, #tpu.memory_space<hbm>>
      %dma_start3A_1360 = tpu.memref_squeeze %dma_start3A_1359 : memref<1x1x1x8x128xf32, #tpu.memory_space<hbm>> -> memref<8x128xf32, #tpu.memory_space<hbm>>
      %dma_start3A_1361 = arith.constant 0 : i32
      %dma_start3A_1362 = arith.constant 0 : i32
      %dma_start3A_1363 = tpu.memref_slice %arg4[%mul3A_1116, %dma_start3A_1353, %add3A, %dma_start3A_1361, %dma_start3A_1362] : memref<200x8x32x8x128xf32, #tpu.memory_space<hbm>> -> memref<1x1x1x8x128xf32, #tpu.memory_space<hbm>>
      %dma_start3A_1364 = tpu.memref_squeeze %dma_start3A_1363 : memref<1x1x1x8x128xf32, #tpu.memory_space<hbm>> -> memref<8x128xf32, #tpu.memory_space<hbm>>
      %dma_start3A_1365 = arith.constant 48 : i32
      %dma_start3A_1366 = arith.constant 0 : i32
      %dma_start3A_1367 = tpu.memref_slice %arg8[%dma_start3A_1365, %dma_start3A_1366] : memref<64x137xf32, #tpu.memory_space<vmem>> -> memref<8x128xf32, #tpu.memory_space<vmem>>
      tpu.enqueue_dma source(%dma_start3A_1367 : memref<8x128xf32, #tpu.memory_space<vmem>>) target(%dma_start3A_1364 : memref<8x128xf32, #tpu.memory_space<hbm>>) target_semaphore(%arg12 : memref<!tpu.dma_semaphore, #tpu.memory_space<semaphore_mem>>)
      %dma_start3A_1368 = arith.constant 7 : i32
      %dma_start3A_1369 = arith.constant 56 : i32
      %dma_start3A_1370 = arith.constant 0 : i32
      %dma_start3A_1371 = tpu.memref_slice %arg8[%dma_start3A_1369, %dma_start3A_1370] : memref<64x137xf32, #tpu.memory_space<vmem>> -> memref<8x128xf32, #tpu.memory_space<vmem>>
      %dma_start3A_1372 = arith.constant 0 : i32
      %dma_start3A_1373 = arith.constant 0 : i32
      %dma_start3A_1374 = tpu.memref_slice %arg4[%mul3A_1116, %dma_start3A_1368, %add3A, %dma_start3A_1372, %dma_start3A_1373] : memref<200x8x32x8x128xf32, #tpu.memory_space<hbm>> -> memref<1x1x1x8x128xf32, #tpu.memory_space<hbm>>
      %dma_start3A_1375 = tpu.memref_squeeze %dma_start3A_1374 : memref<1x1x1x8x128xf32, #tpu.memory_space<hbm>> -> memref<8x128xf32, #tpu.memory_space<hbm>>
      %dma_start3A_1376 = arith.constant 0 : i32
      %dma_start3A_1377 = arith.constant 0 : i32
      %dma_start3A_1378 = tpu.memref_slice %arg4[%mul3A_1116, %dma_start3A_1368, %add3A, %dma_start3A_1376, %dma_start3A_1377] : memref<200x8x32x8x128xf32, #tpu.memory_space<hbm>> -> memref<1x1x1x8x128xf32, #tpu.memory_space<hbm>>
      %dma_start3A_1379 = tpu.memref_squeeze %dma_start3A_1378 : memref<1x1x1x8x128xf32, #tpu.memory_space<hbm>> -> memref<8x128xf32, #tpu.memory_space<hbm>>
      %dma_start3A_1380 = arith.constant 56 : i32
      %dma_start3A_1381 = arith.constant 0 : i32
      %dma_start3A_1382 = tpu.memref_slice %arg8[%dma_start3A_1380, %dma_start3A_1381] : memref<64x137xf32, #tpu.memory_space<vmem>> -> memref<8x128xf32, #tpu.memory_space<vmem>>
      tpu.enqueue_dma source(%dma_start3A_1382 : memref<8x128xf32, #tpu.memory_space<vmem>>) target(%dma_start3A_1379 : memref<8x128xf32, #tpu.memory_space<hbm>>) target_semaphore(%arg12 : memref<!tpu.dma_semaphore, #tpu.memory_space<semaphore_mem>>)
      %add3A_1383 = arith.constant 1 : i32
      %add3A_1384 = arith.addi %mul3A_1116, %add3A_1383 : i32
      %dma_wait3A_1385 = arith.constant 0 : i32
      %dma_wait3A_1386 = arith.constant 0 : i32
      %dma_wait3A_1387 = tpu.memref_slice %arg5[%dma_wait3A_1385, %dma_wait3A_1386] : memref<200x128xi32, #tpu.memory_space<vmem>> -> memref<1x128xi32, #tpu.memory_space<vmem>>
      %dma_wait3A_1388 = tpu.memref_squeeze %dma_wait3A_1387 : memref<1x128xi32, #tpu.memory_space<vmem>> -> memref<128xi32, #tpu.memory_space<vmem>>
      %dma_wait3A_1389 = arith.constant 0 : i32
      %dma_wait3A_1390 = arith.constant 0 : i32
      %dma_wait3A_1391 = tpu.memref_slice %arg3[%dma_wait3A_1389, %dma_wait3A_1390] : memref<2000000x64xf32, #tpu.memory_space<hbm>> -> memref<2000000x64xf32, #tpu.memory_space<hbm>>
      tpu.wait_indirect_dma semaphore(%arg11 : memref<!tpu.dma_semaphore, #tpu.memory_space<semaphore_mem>>) src(%dma_wait3A_1391 : memref<2000000x64xf32, #tpu.memory_space<hbm>>) dst(%arg7 : memref<128x64xf32, #tpu.memory_space<vmem>>)
      %dma_wait3A_1392 = arith.constant 0 : i32
      %dma_wait3A_1393 = arith.constant 0 : i32
      %dma_wait3A_1394 = arith.constant 0 : i32
      %dma_wait3A_1395 = arith.constant 0 : i32
      %dma_wait3A_1396 = tpu.memref_slice %arg9[%dma_wait3A_1394, %dma_wait3A_1395] : memref<64x137xf32, #tpu.memory_space<vmem>> -> memref<8x128xf32, #tpu.memory_space<vmem>>
      %dma_wait3A_1397 = arith.constant 0 : i32
      %dma_wait3A_1398 = arith.constant 0 : i32
      %dma_wait3A_1399 = tpu.memref_slice %arg4[%dma_wait3A_1392, %dma_wait3A_1393, %add3A, %dma_wait3A_1397, %dma_wait3A_1398] : memref<200x8x32x8x128xf32, #tpu.memory_space<hbm>> -> memref<1x1x1x8x128xf32, #tpu.memory_space<hbm>>
      %dma_wait3A_1400 = tpu.memref_squeeze %dma_wait3A_1399 : memref<1x1x1x8x128xf32, #tpu.memory_space<hbm>> -> memref<8x128xf32, #tpu.memory_space<hbm>>
      %dma_wait3A_1401 = arith.constant 0 : i32
      %dma_wait3A_1402 = arith.constant 0 : i32
      %dma_wait3A_1403 = tpu.memref_slice %arg4[%dma_wait3A_1392, %dma_wait3A_1393, %add3A, %dma_wait3A_1401, %dma_wait3A_1402] : memref<200x8x32x8x128xf32, #tpu.memory_space<hbm>> -> memref<1x1x1x8x128xf32, #tpu.memory_space<hbm>>
      %dma_wait3A_1404 = tpu.memref_squeeze %dma_wait3A_1403 : memref<1x1x1x8x128xf32, #tpu.memory_space<hbm>> -> memref<8x128xf32, #tpu.memory_space<hbm>>
      %dma_wait3A_1405 = arith.constant 0 : i32
      %dma_wait3A_1406 = arith.constant 0 : i32
      %dma_wait3A_1407 = tpu.memref_slice %arg9[%dma_wait3A_1405, %dma_wait3A_1406] : memref<64x137xf32, #tpu.memory_space<vmem>> -> memref<8x128xf32, #tpu.memory_space<vmem>>
      tpu.wait_dma2 semaphore(%arg13 : memref<!tpu.dma_semaphore, #tpu.memory_space<semaphore_mem>>) src(%dma_wait3A_1407 : memref<8x128xf32, #tpu.memory_space<vmem>>) dst(%dma_wait3A_1404 : memref<8x128xf32, #tpu.memory_space<hbm>>)
      %dma_wait3A_1408 = arith.constant 0 : i32
      %dma_wait3A_1409 = arith.constant 1 : i32
      %dma_wait3A_1410 = arith.constant 0 : i32
      %dma_wait3A_1411 = arith.constant 0 : i32
      %dma_wait3A_1412 = tpu.memref_slice %arg9[%dma_wait3A_1410, %dma_wait3A_1411] : memref<64x137xf32, #tpu.memory_space<vmem>> -> memref<8x128xf32, #tpu.memory_space<vmem>>
      %dma_wait3A_1413 = arith.constant 0 : i32
      %dma_wait3A_1414 = arith.constant 0 : i32
      %dma_wait3A_1415 = tpu.memref_slice %arg4[%dma_wait3A_1408, %dma_wait3A_1409, %add3A, %dma_wait3A_1413, %dma_wait3A_1414] : memref<200x8x32x8x128xf32, #tpu.memory_space<hbm>> -> memref<1x1x1x8x128xf32, #tpu.memory_space<hbm>>
      %dma_wait3A_1416 = tpu.memref_squeeze %dma_wait3A_1415 : memref<1x1x1x8x128xf32, #tpu.memory_space<hbm>> -> memref<8x128xf32, #tpu.memory_space<hbm>>
      %dma_wait3A_1417 = arith.constant 0 : i32
      %dma_wait3A_1418 = arith.constant 0 : i32
      %dma_wait3A_1419 = tpu.memref_slice %arg4[%dma_wait3A_1408, %dma_wait3A_1409, %add3A, %dma_wait3A_1417, %dma_wait3A_1418] : memref<200x8x32x8x128xf32, #tpu.memory_space<hbm>> -> memref<1x1x1x8x128xf32, #tpu.memory_space<hbm>>
      %dma_wait3A_1420 = tpu.memref_squeeze %dma_wait3A_1419 : memref<1x1x1x8x128xf32, #tpu.memory_space<hbm>> -> memref<8x128xf32, #tpu.memory_space<hbm>>
      %dma_wait3A_1421 = arith.constant 0 : i32
      %dma_wait3A_1422 = arith.constant 0 : i32
      %dma_wait3A_1423 = tpu.memref_slice %arg9[%dma_wait3A_1421, %dma_wait3A_1422] : memref<64x137xf32, #tpu.memory_space<vmem>> -> memref<8x128xf32, #tpu.memory_space<vmem>>
      tpu.wait_dma2 semaphore(%arg13 : memref<!tpu.dma_semaphore, #tpu.memory_space<semaphore_mem>>) src(%dma_wait3A_1423 : memref<8x128xf32, #tpu.memory_space<vmem>>) dst(%dma_wait3A_1420 : memref<8x128xf32, #tpu.memory_space<hbm>>)
      %dma_wait3A_1424 = arith.constant 0 : i32
      %dma_wait3A_1425 = arith.constant 2 : i32
      %dma_wait3A_1426 = arith.constant 0 : i32
      %dma_wait3A_1427 = arith.constant 0 : i32
      %dma_wait3A_1428 = tpu.memref_slice %arg9[%dma_wait3A_1426, %dma_wait3A_1427] : memref<64x137xf32, #tpu.memory_space<vmem>> -> memref<8x128xf32, #tpu.memory_space<vmem>>
      %dma_wait3A_1429 = arith.constant 0 : i32
      %dma_wait3A_1430 = arith.constant 0 : i32
      %dma_wait3A_1431 = tpu.memref_slice %arg4[%dma_wait3A_1424, %dma_wait3A_1425, %add3A, %dma_wait3A_1429, %dma_wait3A_1430] : memref<200x8x32x8x128xf32, #tpu.memory_space<hbm>> -> memref<1x1x1x8x128xf32, #tpu.memory_space<hbm>>
      %dma_wait3A_1432 = tpu.memref_squeeze %dma_wait3A_1431 : memref<1x1x1x8x128xf32, #tpu.memory_space<hbm>> -> memref<8x128xf32, #tpu.memory_space<hbm>>
      %dma_wait3A_1433 = arith.constant 0 : i32
      %dma_wait3A_1434 = arith.constant 0 : i32
      %dma_wait3A_1435 = tpu.memref_slice %arg4[%dma_wait3A_1424, %dma_wait3A_1425, %add3A, %dma_wait3A_1433, %dma_wait3A_1434] : memref<200x8x32x8x128xf32, #tpu.memory_space<hbm>> -> memref<1x1x1x8x128xf32, #tpu.memory_space<hbm>>
      %dma_wait3A_1436 = tpu.memref_squeeze %dma_wait3A_1435 : memref<1x1x1x8x128xf32, #tpu.memory_space<hbm>> -> memref<8x128xf32, #tpu.memory_space<hbm>>
      %dma_wait3A_1437 = arith.constant 0 : i32
      %dma_wait3A_1438 = arith.constant 0 : i32
      %dma_wait3A_1439 = tpu.memref_slice %arg9[%dma_wait3A_1437, %dma_wait3A_1438] : memref<64x137xf32, #tpu.memory_space<vmem>> -> memref<8x128xf32, #tpu.memory_space<vmem>>
      tpu.wait_dma2 semaphore(%arg13 : memref<!tpu.dma_semaphore, #tpu.memory_space<semaphore_mem>>) src(%dma_wait3A_1439 : memref<8x128xf32, #tpu.memory_space<vmem>>) dst(%dma_wait3A_1436 : memref<8x128xf32, #tpu.memory_space<hbm>>)
      %dma_wait3A_1440 = arith.constant 0 : i32
      %dma_wait3A_1441 = arith.constant 3 : i32
      %dma_wait3A_1442 = arith.constant 0 : i32
      %dma_wait3A_1443 = arith.constant 0 : i32
      %dma_wait3A_1444 = tpu.memref_slice %arg9[%dma_wait3A_1442, %dma_wait3A_1443] : memref<64x137xf32, #tpu.memory_space<vmem>> -> memref<8x128xf32, #tpu.memory_space<vmem>>
      %dma_wait3A_1445 = arith.constant 0 : i32
      %dma_wait3A_1446 = arith.constant 0 : i32
      %dma_wait3A_1447 = tpu.memref_slice %arg4[%dma_wait3A_1440, %dma_wait3A_1441, %add3A, %dma_wait3A_1445, %dma_wait3A_1446] : memref<200x8x32x8x128xf32, #tpu.memory_space<hbm>> -> memref<1x1x1x8x128xf32, #tpu.memory_space<hbm>>
      %dma_wait3A_1448 = tpu.memref_squeeze %dma_wait3A_1447 : memref<1x1x1x8x128xf32, #tpu.memory_space<hbm>> -> memref<8x128xf32, #tpu.memory_space<hbm>>
      %dma_wait3A_1449 = arith.constant 0 : i32
      %dma_wait3A_1450 = arith.constant 0 : i32
      %dma_wait3A_1451 = tpu.memref_slice %arg4[%dma_wait3A_1440, %dma_wait3A_1441, %add3A, %dma_wait3A_1449, %dma_wait3A_1450] : memref<200x8x32x8x128xf32, #tpu.memory_space<hbm>> -> memref<1x1x1x8x128xf32, #tpu.memory_space<hbm>>
      %dma_wait3A_1452 = tpu.memref_squeeze %dma_wait3A_1451 : memref<1x1x1x8x128xf32, #tpu.memory_space<hbm>> -> memref<8x128xf32, #tpu.memory_space<hbm>>
      %dma_wait3A_1453 = arith.constant 0 : i32
      %dma_wait3A_1454 = arith.constant 0 : i32
      %dma_wait3A_1455 = tpu.memref_slice %arg9[%dma_wait3A_1453, %dma_wait3A_1454] : memref<64x137xf32, #tpu.memory_space<vmem>> -> memref<8x128xf32, #tpu.memory_space<vmem>>
      tpu.wait_dma2 semaphore(%arg13 : memref<!tpu.dma_semaphore, #tpu.memory_space<semaphore_mem>>) src(%dma_wait3A_1455 : memref<8x128xf32, #tpu.memory_space<vmem>>) dst(%dma_wait3A_1452 : memref<8x128xf32, #tpu.memory_space<hbm>>)
      %dma_wait3A_1456 = arith.constant 0 : i32
      %dma_wait3A_1457 = arith.constant 4 : i32
      %dma_wait3A_1458 = arith.constant 0 : i32
      %dma_wait3A_1459 = arith.constant 0 : i32
      %dma_wait3A_1460 = tpu.memref_slice %arg9[%dma_wait3A_1458, %dma_wait3A_1459] : memref<64x137xf32, #tpu.memory_space<vmem>> -> memref<8x128xf32, #tpu.memory_space<vmem>>
      %dma_wait3A_1461 = arith.constant 0 : i32
      %dma_wait3A_1462 = arith.constant 0 : i32
      %dma_wait3A_1463 = tpu.memref_slice %arg4[%dma_wait3A_1456, %dma_wait3A_1457, %add3A, %dma_wait3A_1461, %dma_wait3A_1462] : memref<200x8x32x8x128xf32, #tpu.memory_space<hbm>> -> memref<1x1x1x8x128xf32, #tpu.memory_space<hbm>>
      %dma_wait3A_1464 = tpu.memref_squeeze %dma_wait3A_1463 : memref<1x1x1x8x128xf32, #tpu.memory_space<hbm>> -> memref<8x128xf32, #tpu.memory_space<hbm>>
      %dma_wait3A_1465 = arith.constant 0 : i32
      %dma_wait3A_1466 = arith.constant 0 : i32
      %dma_wait3A_1467 = tpu.memref_slice %arg4[%dma_wait3A_1456, %dma_wait3A_1457, %add3A, %dma_wait3A_1465, %dma_wait3A_1466] : memref<200x8x32x8x128xf32, #tpu.memory_space<hbm>> -> memref<1x1x1x8x128xf32, #tpu.memory_space<hbm>>
      %dma_wait3A_1468 = tpu.memref_squeeze %dma_wait3A_1467 : memref<1x1x1x8x128xf32, #tpu.memory_space<hbm>> -> memref<8x128xf32, #tpu.memory_space<hbm>>
      %dma_wait3A_1469 = arith.constant 0 : i32
      %dma_wait3A_1470 = arith.constant 0 : i32
      %dma_wait3A_1471 = tpu.memref_slice %arg9[%dma_wait3A_1469, %dma_wait3A_1470] : memref<64x137xf32, #tpu.memory_space<vmem>> -> memref<8x128xf32, #tpu.memory_space<vmem>>
      tpu.wait_dma2 semaphore(%arg13 : memref<!tpu.dma_semaphore, #tpu.memory_space<semaphore_mem>>) src(%dma_wait3A_1471 : memref<8x128xf32, #tpu.memory_space<vmem>>) dst(%dma_wait3A_1468 : memref<8x128xf32, #tpu.memory_space<hbm>>)
      %dma_wait3A_1472 = arith.constant 0 : i32
      %dma_wait3A_1473 = arith.constant 5 : i32
      %dma_wait3A_1474 = arith.constant 0 : i32
      %dma_wait3A_1475 = arith.constant 0 : i32
      %dma_wait3A_1476 = tpu.memref_slice %arg9[%dma_wait3A_1474, %dma_wait3A_1475] : memref<64x137xf32, #tpu.memory_space<vmem>> -> memref<8x128xf32, #tpu.memory_space<vmem>>
      %dma_wait3A_1477 = arith.constant 0 : i32
      %dma_wait3A_1478 = arith.constant 0 : i32
      %dma_wait3A_1479 = tpu.memref_slice %arg4[%dma_wait3A_1472, %dma_wait3A_1473, %add3A, %dma_wait3A_1477, %dma_wait3A_1478] : memref<200x8x32x8x128xf32, #tpu.memory_space<hbm>> -> memref<1x1x1x8x128xf32, #tpu.memory_space<hbm>>
      %dma_wait3A_1480 = tpu.memref_squeeze %dma_wait3A_1479 : memref<1x1x1x8x128xf32, #tpu.memory_space<hbm>> -> memref<8x128xf32, #tpu.memory_space<hbm>>
      %dma_wait3A_1481 = arith.constant 0 : i32
      %dma_wait3A_1482 = arith.constant 0 : i32
      %dma_wait3A_1483 = tpu.memref_slice %arg4[%dma_wait3A_1472, %dma_wait3A_1473, %add3A, %dma_wait3A_1481, %dma_wait3A_1482] : memref<200x8x32x8x128xf32, #tpu.memory_space<hbm>> -> memref<1x1x1x8x128xf32, #tpu.memory_space<hbm>>
      %dma_wait3A_1484 = tpu.memref_squeeze %dma_wait3A_1483 : memref<1x1x1x8x128xf32, #tpu.memory_space<hbm>> -> memref<8x128xf32, #tpu.memory_space<hbm>>
      %dma_wait3A_1485 = arith.constant 0 : i32
      %dma_wait3A_1486 = arith.constant 0 : i32
      %dma_wait3A_1487 = tpu.memref_slice %arg9[%dma_wait3A_1485, %dma_wait3A_1486] : memref<64x137xf32, #tpu.memory_space<vmem>> -> memref<8x128xf32, #tpu.memory_space<vmem>>
      tpu.wait_dma2 semaphore(%arg13 : memref<!tpu.dma_semaphore, #tpu.memory_space<semaphore_mem>>) src(%dma_wait3A_1487 : memref<8x128xf32, #tpu.memory_space<vmem>>) dst(%dma_wait3A_1484 : memref<8x128xf32, #tpu.memory_space<hbm>>)
      %dma_wait3A_1488 = arith.constant 0 : i32
      %dma_wait3A_1489 = arith.constant 6 : i32
      %dma_wait3A_1490 = arith.constant 0 : i32
      %dma_wait3A_1491 = arith.constant 0 : i32
      %dma_wait3A_1492 = tpu.memref_slice %arg9[%dma_wait3A_1490, %dma_wait3A_1491] : memref<64x137xf32, #tpu.memory_space<vmem>> -> memref<8x128xf32, #tpu.memory_space<vmem>>
      %dma_wait3A_1493 = arith.constant 0 : i32
      %dma_wait3A_1494 = arith.constant 0 : i32
      %dma_wait3A_1495 = tpu.memref_slice %arg4[%dma_wait3A_1488, %dma_wait3A_1489, %add3A, %dma_wait3A_1493, %dma_wait3A_1494] : memref<200x8x32x8x128xf32, #tpu.memory_space<hbm>> -> memref<1x1x1x8x128xf32, #tpu.memory_space<hbm>>
      %dma_wait3A_1496 = tpu.memref_squeeze %dma_wait3A_1495 : memref<1x1x1x8x128xf32, #tpu.memory_space<hbm>> -> memref<8x128xf32, #tpu.memory_space<hbm>>
      %dma_wait3A_1497 = arith.constant 0 : i32
      %dma_wait3A_1498 = arith.constant 0 : i32
      %dma_wait3A_1499 = tpu.memref_slice %arg4[%dma_wait3A_1488, %dma_wait3A_1489, %add3A, %dma_wait3A_1497, %dma_wait3A_1498] : memref<200x8x32x8x128xf32, #tpu.memory_space<hbm>> -> memref<1x1x1x8x128xf32, #tpu.memory_space<hbm>>
      %dma_wait3A_1500 = tpu.memref_squeeze %dma_wait3A_1499 : memref<1x1x1x8x128xf32, #tpu.memory_space<hbm>> -> memref<8x128xf32, #tpu.memory_space<hbm>>
      %dma_wait3A_1501 = arith.constant 0 : i32
      %dma_wait3A_1502 = arith.constant 0 : i32
      %dma_wait3A_1503 = tpu.memref_slice %arg9[%dma_wait3A_1501, %dma_wait3A_1502] : memref<64x137xf32, #tpu.memory_space<vmem>> -> memref<8x128xf32, #tpu.memory_space<vmem>>
      tpu.wait_dma2 semaphore(%arg13 : memref<!tpu.dma_semaphore, #tpu.memory_space<semaphore_mem>>) src(%dma_wait3A_1503 : memref<8x128xf32, #tpu.memory_space<vmem>>) dst(%dma_wait3A_1500 : memref<8x128xf32, #tpu.memory_space<hbm>>)
      %dma_wait3A_1504 = arith.constant 0 : i32
      %dma_wait3A_1505 = arith.constant 7 : i32
      %dma_wait3A_1506 = arith.constant 0 : i32
      %dma_wait3A_1507 = arith.constant 0 : i32
      %dma_wait3A_1508 = tpu.memref_slice %arg9[%dma_wait3A_1506, %dma_wait3A_1507] : memref<64x137xf32, #tpu.memory_space<vmem>> -> memref<8x128xf32, #tpu.memory_space<vmem>>
      %dma_wait3A_1509 = arith.constant 0 : i32
      %dma_wait3A_1510 = arith.constant 0 : i32
      %dma_wait3A_1511 = tpu.memref_slice %arg4[%dma_wait3A_1504, %dma_wait3A_1505, %add3A, %dma_wait3A_1509, %dma_wait3A_1510] : memref<200x8x32x8x128xf32, #tpu.memory_space<hbm>> -> memref<1x1x1x8x128xf32, #tpu.memory_space<hbm>>
      %dma_wait3A_1512 = tpu.memref_squeeze %dma_wait3A_1511 : memref<1x1x1x8x128xf32, #tpu.memory_space<hbm>> -> memref<8x128xf32, #tpu.memory_space<hbm>>
      %dma_wait3A_1513 = arith.constant 0 : i32
      %dma_wait3A_1514 = arith.constant 0 : i32
      %dma_wait3A_1515 = tpu.memref_slice %arg4[%dma_wait3A_1504, %dma_wait3A_1505, %add3A, %dma_wait3A_1513, %dma_wait3A_1514] : memref<200x8x32x8x128xf32, #tpu.memory_space<hbm>> -> memref<1x1x1x8x128xf32, #tpu.memory_space<hbm>>
      %dma_wait3A_1516 = tpu.memref_squeeze %dma_wait3A_1515 : memref<1x1x1x8x128xf32, #tpu.memory_space<hbm>> -> memref<8x128xf32, #tpu.memory_space<hbm>>
      %dma_wait3A_1517 = arith.constant 0 : i32
      %dma_wait3A_1518 = arith.constant 0 : i32
      %dma_wait3A_1519 = tpu.memref_slice %arg9[%dma_wait3A_1517, %dma_wait3A_1518] : memref<64x137xf32, #tpu.memory_space<vmem>> -> memref<8x128xf32, #tpu.memory_space<vmem>>
      tpu.wait_dma2 semaphore(%arg13 : memref<!tpu.dma_semaphore, #tpu.memory_space<semaphore_mem>>) src(%dma_wait3A_1519 : memref<8x128xf32, #tpu.memory_space<vmem>>) dst(%dma_wait3A_1516 : memref<8x128xf32, #tpu.memory_space<hbm>>)
      %parallel_loop3A_1520 = arith.constant 0 : i32
      %parallel_loop3A_1521 = arith.constant 128 : i32
      %parallel_loop3A_1522 = arith.constant 1 : i32
      scf.for %parallel_loop3A_1652 = %parallel_loop3A_1520 to %parallel_loop3A_1521 step %parallel_loop3A_1522  : i32 {
        %parallel_loop3A_1653 = vector.broadcast %parallel_loop3A_1652 : i32 to vector<16xi32>
        %parallel_loop3A_1654 = arith.index_cast %parallel_loop3A_1652 : i32 to index
        %parallel_loop3A_1655 = arith.constant 0 : index
        %parallel_loop3A_1656 = tpu.vector_load %arg7[%parallel_loop3A_1654, %parallel_loop3A_1655] {strides = array<i32>} : memref<128x64xf32, #tpu.memory_space<vmem>>, vector<16xf32>,
        %parallel_loop3A_1657 = arith.constant 8.000000e+00 : f32
        %parallel_loop3A_1658 = vector.broadcast %parallel_loop3A_1657 : f32 to vector<16xf32>
        %parallel_loop3A_1659 = arith.mulf %parallel_loop3A_1656, %parallel_loop3A_1658 : vector<16xf32>
        tpu.vector_store_idx %arg9[%add3A_7, %parallel_loop3A_1653], %parallel_loop3A_1659 : memref<64x137xf32, #tpu.memory_space<vmem>>[vector<16xi32>, vector<16xi32>], vector<16xf32>,
        %parallel_loop3A_1660 = arith.index_cast %parallel_loop3A_1652 : i32 to index
        %parallel_loop3A_1661 = arith.constant 16 : index
        %parallel_loop3A_1662 = tpu.vector_load %arg7[%parallel_loop3A_1660, %parallel_loop3A_1661] {strides = array<i32>} : memref<128x64xf32, #tpu.memory_space<vmem>>, vector<16xf32>,
        %parallel_loop3A_1663 = arith.constant 8.000000e+00 : f32
        %parallel_loop3A_1664 = vector.broadcast %parallel_loop3A_1663 : f32 to vector<16xf32>
        %parallel_loop3A_1665 = arith.mulf %parallel_loop3A_1662, %parallel_loop3A_1664 : vector<16xf32>
        tpu.vector_store_idx %arg9[%add3A_10, %parallel_loop3A_1653], %parallel_loop3A_1665 : memref<64x137xf32, #tpu.memory_space<vmem>>[vector<16xi32>, vector<16xi32>], vector<16xf32>,
        %parallel_loop3A_1666 = arith.index_cast %parallel_loop3A_1652 : i32 to index
        %parallel_loop3A_1667 = arith.constant 32 : index
        %parallel_loop3A_1668 = tpu.vector_load %arg7[%parallel_loop3A_1666, %parallel_loop3A_1667] {strides = array<i32>} : memref<128x64xf32, #tpu.memory_space<vmem>>, vector<16xf32>,
        %parallel_loop3A_1669 = arith.constant 8.000000e+00 : f32
        %parallel_loop3A_1670 = vector.broadcast %parallel_loop3A_1669 : f32 to vector<16xf32>
        %parallel_loop3A_1671 = arith.mulf %parallel_loop3A_1668, %parallel_loop3A_1670 : vector<16xf32>
        tpu.vector_store_idx %arg9[%add3A_13, %parallel_loop3A_1653], %parallel_loop3A_1671 : memref<64x137xf32, #tpu.memory_space<vmem>>[vector<16xi32>, vector<16xi32>], vector<16xf32>,
        %parallel_loop3A_1672 = arith.index_cast %parallel_loop3A_1652 : i32 to index
        %parallel_loop3A_1673 = arith.constant 48 : index
        %parallel_loop3A_1674 = tpu.vector_load %arg7[%parallel_loop3A_1672, %parallel_loop3A_1673] {strides = array<i32>} : memref<128x64xf32, #tpu.memory_space<vmem>>, vector<16xf32>,
        %parallel_loop3A_1675 = arith.constant 8.000000e+00 : f32
        %parallel_loop3A_1676 = vector.broadcast %parallel_loop3A_1675 : f32 to vector<16xf32>
        %parallel_loop3A_1677 = arith.mulf %parallel_loop3A_1674, %parallel_loop3A_1676 : vector<16xf32>
        tpu.vector_store_idx %arg9[%add3A_16, %parallel_loop3A_1653], %parallel_loop3A_1677 : memref<64x137xf32, #tpu.memory_space<vmem>>[vector<16xi32>, vector<16xi32>], vector<16xf32>,
      } {sc.loop_unroll_factor = 4 : i64, sc.parallel_access}
      %add3A_1523 = arith.constant 2 : i32
      %add3A_1524 = arith.addi %add3A_1384, %add3A_1523 : i32
      %dma_start3A_1525 = arith.constant 0 : i32
      %dma_start3A_1526 = tpu.memref_slice %arg5[%add3A_1524, %dma_start3A_1525] : memref<200x128xi32, #tpu.memory_space<vmem>> -> memref<1x128xi32, #tpu.memory_space<vmem>>
      %dma_start3A_1527 = tpu.memref_squeeze %dma_start3A_1526 : memref<1x128xi32, #tpu.memory_space<vmem>> -> memref<128xi32, #tpu.memory_space<vmem>>
      %dma_start3A_1528 = arith.constant 0 : i32
      %dma_start3A_1529 = arith.constant 0 : i32
      %dma_start3A_1530 = tpu.memref_slice %arg3[%dma_start3A_1528, %dma_start3A_1529] : memref<2000000x64xf32, #tpu.memory_space<hbm>> -> memref<2000000x64xf32, #tpu.memory_space<hbm>>
      tpu.enqueue_indirect_dma source(%dma_start3A_1530 : memref<2000000x64xf32, #tpu.memory_space<hbm>>) target(%arg7 : memref<128x64xf32, #tpu.memory_space<vmem>>) offsets(%dma_start3A_1527 : memref<128xi32, #tpu.memory_space<vmem>>) semaphore(%arg11 : memref<!tpu.dma_semaphore, #tpu.memory_space<semaphore_mem>>)
      %dma_start3A_1531 = arith.constant 0 : i32
      %dma_start3A_1532 = arith.constant 0 : i32
      %dma_start3A_1533 = arith.constant 0 : i32
      %dma_start3A_1534 = tpu.memref_slice %arg9[%dma_start3A_1532, %dma_start3A_1533] : memref<64x137xf32, #tpu.memory_space<vmem>> -> memref<8x128xf32, #tpu.memory_space<vmem>>
      %dma_start3A_1535 = arith.constant 0 : i32
      %dma_start3A_1536 = arith.constant 0 : i32
      %dma_start3A_1537 = tpu.memref_slice %arg4[%add3A_1384, %dma_start3A_1531, %add3A, %dma_start3A_1535, %dma_start3A_1536] : memref<200x8x32x8x128xf32, #tpu.memory_space<hbm>> -> memref<1x1x1x8x128xf32, #tpu.memory_space<hbm>>
      %dma_start3A_1538 = tpu.memref_squeeze %dma_start3A_1537 : memref<1x1x1x8x128xf32, #tpu.memory_space<hbm>> -> memref<8x128xf32, #tpu.memory_space<hbm>>
      %dma_start3A_1539 = arith.constant 0 : i32
      %dma_start3A_1540 = arith.constant 0 : i32
      %dma_start3A_1541 = tpu.memref_slice %arg4[%add3A_1384, %dma_start3A_1531, %add3A, %dma_start3A_1539, %dma_start3A_1540] : memref<200x8x32x8x128xf32, #tpu.memory_space<hbm>> -> memref<1x1x1x8x128xf32, #tpu.memory_space<hbm>>
      %dma_start3A_1542 = tpu.memref_squeeze %dma_start3A_1541 : memref<1x1x1x8x128xf32, #tpu.memory_space<hbm>> -> memref<8x128xf32, #tpu.memory_space<hbm>>
      %dma_start3A_1543 = arith.constant 0 : i32
      %dma_start3A_1544 = arith.constant 0 : i32
      %dma_start3A_1545 = tpu.memref_slice %arg9[%dma_start3A_1543, %dma_start3A_1544] : memref<64x137xf32, #tpu.memory_space<vmem>> -> memref<8x128xf32, #tpu.memory_space<vmem>>
      tpu.enqueue_dma source(%dma_start3A_1545 : memref<8x128xf32, #tpu.memory_space<vmem>>) target(%dma_start3A_1542 : memref<8x128xf32, #tpu.memory_space<hbm>>) target_semaphore(%arg13 : memref<!tpu.dma_semaphore, #tpu.memory_space<semaphore_mem>>)
      %dma_start3A_1546 = arith.constant 1 : i32
      %dma_start3A_1547 = arith.constant 8 : i32
      %dma_start3A_1548 = arith.constant 0 : i32
      %dma_start3A_1549 = tpu.memref_slice %arg9[%dma_start3A_1547, %dma_start3A_1548] : memref<64x137xf32, #tpu.memory_space<vmem>> -> memref<8x128xf32, #tpu.memory_space<vmem>>
      %dma_start3A_1550 = arith.constant 0 : i32
      %dma_start3A_1551 = arith.constant 0 : i32
      %dma_start3A_1552 = tpu.memref_slice %arg4[%add3A_1384, %dma_start3A_1546, %add3A, %dma_start3A_1550, %dma_start3A_1551] : memref<200x8x32x8x128xf32, #tpu.memory_space<hbm>> -> memref<1x1x1x8x128xf32, #tpu.memory_space<hbm>>
      %dma_start3A_1553 = tpu.memref_squeeze %dma_start3A_1552 : memref<1x1x1x8x128xf32, #tpu.memory_space<hbm>> -> memref<8x128xf32, #tpu.memory_space<hbm>>
      %dma_start3A_1554 = arith.constant 0 : i32
      %dma_start3A_1555 = arith.constant 0 : i32
      %dma_start3A_1556 = tpu.memref_slice %arg4[%add3A_1384, %dma_start3A_1546, %add3A, %dma_start3A_1554, %dma_start3A_1555] : memref<200x8x32x8x128xf32, #tpu.memory_space<hbm>> -> memref<1x1x1x8x128xf32, #tpu.memory_space<hbm>>
      %dma_start3A_1557 = tpu.memref_squeeze %dma_start3A_1556 : memref<1x1x1x8x128xf32, #tpu.memory_space<hbm>> -> memref<8x128xf32, #tpu.memory_space<hbm>>
      %dma_start3A_1558 = arith.constant 8 : i32
      %dma_start3A_1559 = arith.constant 0 : i32
      %dma_start3A_1560 = tpu.memref_slice %arg9[%dma_start3A_1558, %dma_start3A_1559] : memref<64x137xf32, #tpu.memory_space<vmem>> -> memref<8x128xf32, #tpu.memory_space<vmem>>
      tpu.enqueue_dma source(%dma_start3A_1560 : memref<8x128xf32, #tpu.memory_space<vmem>>) target(%dma_start3A_1557 : memref<8x128xf32, #tpu.memory_space<hbm>>) target_semaphore(%arg13 : memref<!tpu.dma_semaphore, #tpu.memory_space<semaphore_mem>>)
      %dma_start3A_1561 = arith.constant 2 : i32
      %dma_start3A_1562 = arith.constant 16 : i32
      %dma_start3A_1563 = arith.constant 0 : i32
      %dma_start3A_1564 = tpu.memref_slice %arg9[%dma_start3A_1562, %dma_start3A_1563] : memref<64x137xf32, #tpu.memory_space<vmem>> -> memref<8x128xf32, #tpu.memory_space<vmem>>
      %dma_start3A_1565 = arith.constant 0 : i32
      %dma_start3A_1566 = arith.constant 0 : i32
      %dma_start3A_1567 = tpu.memref_slice %arg4[%add3A_1384, %dma_start3A_1561, %add3A, %dma_start3A_1565, %dma_start3A_1566] : memref<200x8x32x8x128xf32, #tpu.memory_space<hbm>> -> memref<1x1x1x8x128xf32, #tpu.memory_space<hbm>>
      %dma_start3A_1568 = tpu.memref_squeeze %dma_start3A_1567 : memref<1x1x1x8x128xf32, #tpu.memory_space<hbm>> -> memref<8x128xf32, #tpu.memory_space<hbm>>
      %dma_start3A_1569 = arith.constant 0 : i32
      %dma_start3A_1570 = arith.constant 0 : i32
      %dma_start3A_1571 = tpu.memref_slice %arg4[%add3A_1384, %dma_start3A_1561, %add3A, %dma_start3A_1569, %dma_start3A_1570] : memref<200x8x32x8x128xf32, #tpu.memory_space<hbm>> -> memref<1x1x1x8x128xf32, #tpu.memory_space<hbm>>
      %dma_start3A_1572 = tpu.memref_squeeze %dma_start3A_1571 : memref<1x1x1x8x128xf32, #tpu.memory_space<hbm>> -> memref<8x128xf32, #tpu.memory_space<hbm>>
      %dma_start3A_1573 = arith.constant 16 : i32
      %dma_start3A_1574 = arith.constant 0 : i32
      %dma_start3A_1575 = tpu.memref_slice %arg9[%dma_start3A_1573, %dma_start3A_1574] : memref<64x137xf32, #tpu.memory_space<vmem>> -> memref<8x128xf32, #tpu.memory_space<vmem>>
      tpu.enqueue_dma source(%dma_start3A_1575 : memref<8x128xf32, #tpu.memory_space<vmem>>) target(%dma_start3A_1572 : memref<8x128xf32, #tpu.memory_space<hbm>>) target_semaphore(%arg13 : memref<!tpu.dma_semaphore, #tpu.memory_space<semaphore_mem>>)
      %dma_start3A_1576 = arith.constant 3 : i32
      %dma_start3A_1577 = arith.constant 24 : i32
      %dma_start3A_1578 = arith.constant 0 : i32
      %dma_start3A_1579 = tpu.memref_slice %arg9[%dma_start3A_1577, %dma_start3A_1578] : memref<64x137xf32, #tpu.memory_space<vmem>> -> memref<8x128xf32, #tpu.memory_space<vmem>>
      %dma_start3A_1580 = arith.constant 0 : i32
      %dma_start3A_1581 = arith.constant 0 : i32
      %dma_start3A_1582 = tpu.memref_slice %arg4[%add3A_1384, %dma_start3A_1576, %add3A, %dma_start3A_1580, %dma_start3A_1581] : memref<200x8x32x8x128xf32, #tpu.memory_space<hbm>> -> memref<1x1x1x8x128xf32, #tpu.memory_space<hbm>>
      %dma_start3A_1583 = tpu.memref_squeeze %dma_start3A_1582 : memref<1x1x1x8x128xf32, #tpu.memory_space<hbm>> -> memref<8x128xf32, #tpu.memory_space<hbm>>
      %dma_start3A_1584 = arith.constant 0 : i32
      %dma_start3A_1585 = arith.constant 0 : i32
      %dma_start3A_1586 = tpu.memref_slice %arg4[%add3A_1384, %dma_start3A_1576, %add3A, %dma_start3A_1584, %dma_start3A_1585] : memref<200x8x32x8x128xf32, #tpu.memory_space<hbm>> -> memref<1x1x1x8x128xf32, #tpu.memory_space<hbm>>
      %dma_start3A_1587 = tpu.memref_squeeze %dma_start3A_1586 : memref<1x1x1x8x128xf32, #tpu.memory_space<hbm>> -> memref<8x128xf32, #tpu.memory_space<hbm>>
      %dma_start3A_1588 = arith.constant 24 : i32
      %dma_start3A_1589 = arith.constant 0 : i32
      %dma_start3A_1590 = tpu.memref_slice %arg9[%dma_start3A_1588, %dma_start3A_1589] : memref<64x137xf32, #tpu.memory_space<vmem>> -> memref<8x128xf32, #tpu.memory_space<vmem>>
      tpu.enqueue_dma source(%dma_start3A_1590 : memref<8x128xf32, #tpu.memory_space<vmem>>) target(%dma_start3A_1587 : memref<8x128xf32, #tpu.memory_space<hbm>>) target_semaphore(%arg13 : memref<!tpu.dma_semaphore, #tpu.memory_space<semaphore_mem>>)
      %dma_start3A_1591 = arith.constant 4 : i32
      %dma_start3A_1592 = arith.constant 32 : i32
      %dma_start3A_1593 = arith.constant 0 : i32
      %dma_start3A_1594 = tpu.memref_slice %arg9[%dma_start3A_1592, %dma_start3A_1593] : memref<64x137xf32, #tpu.memory_space<vmem>> -> memref<8x128xf32, #tpu.memory_space<vmem>>
      %dma_start3A_1595 = arith.constant 0 : i32
      %dma_start3A_1596 = arith.constant 0 : i32
      %dma_start3A_1597 = tpu.memref_slice %arg4[%add3A_1384, %dma_start3A_1591, %add3A, %dma_start3A_1595, %dma_start3A_1596] : memref<200x8x32x8x128xf32, #tpu.memory_space<hbm>> -> memref<1x1x1x8x128xf32, #tpu.memory_space<hbm>>
      %dma_start3A_1598 = tpu.memref_squeeze %dma_start3A_1597 : memref<1x1x1x8x128xf32, #tpu.memory_space<hbm>> -> memref<8x128xf32, #tpu.memory_space<hbm>>
      %dma_start3A_1599 = arith.constant 0 : i32
      %dma_start3A_1600 = arith.constant 0 : i32
      %dma_start3A_1601 = tpu.memref_slice %arg4[%add3A_1384, %dma_start3A_1591, %add3A, %dma_start3A_1599, %dma_start3A_1600] : memref<200x8x32x8x128xf32, #tpu.memory_space<hbm>> -> memref<1x1x1x8x128xf32, #tpu.memory_space<hbm>>
      %dma_start3A_1602 = tpu.memref_squeeze %dma_start3A_1601 : memref<1x1x1x8x128xf32, #tpu.memory_space<hbm>> -> memref<8x128xf32, #tpu.memory_space<hbm>>
      %dma_start3A_1603 = arith.constant 32 : i32
      %dma_start3A_1604 = arith.constant 0 : i32
      %dma_start3A_1605 = tpu.memref_slice %arg9[%dma_start3A_1603, %dma_start3A_1604] : memref<64x137xf32, #tpu.memory_space<vmem>> -> memref<8x128xf32, #tpu.memory_space<vmem>>
      tpu.enqueue_dma source(%dma_start3A_1605 : memref<8x128xf32, #tpu.memory_space<vmem>>) target(%dma_start3A_1602 : memref<8x128xf32, #tpu.memory_space<hbm>>) target_semaphore(%arg13 : memref<!tpu.dma_semaphore, #tpu.memory_space<semaphore_mem>>)
      %dma_start3A_1606 = arith.constant 5 : i32
      %dma_start3A_1607 = arith.constant 40 : i32
      %dma_start3A_1608 = arith.constant 0 : i32
      %dma_start3A_1609 = tpu.memref_slice %arg9[%dma_start3A_1607, %dma_start3A_1608] : memref<64x137xf32, #tpu.memory_space<vmem>> -> memref<8x128xf32, #tpu.memory_space<vmem>>
      %dma_start3A_1610 = arith.constant 0 : i32
      %dma_start3A_1611 = arith.constant 0 : i32
      %dma_start3A_1612 = tpu.memref_slice %arg4[%add3A_1384, %dma_start3A_1606, %add3A, %dma_start3A_1610, %dma_start3A_1611] : memref<200x8x32x8x128xf32, #tpu.memory_space<hbm>> -> memref<1x1x1x8x128xf32, #tpu.memory_space<hbm>>
      %dma_start3A_1613 = tpu.memref_squeeze %dma_start3A_1612 : memref<1x1x1x8x128xf32, #tpu.memory_space<hbm>> -> memref<8x128xf32, #tpu.memory_space<hbm>>
      %dma_start3A_1614 = arith.constant 0 : i32
      %dma_start3A_1615 = arith.constant 0 : i32
      %dma_start3A_1616 = tpu.memref_slice %arg4[%add3A_1384, %dma_start3A_1606, %add3A, %dma_start3A_1614, %dma_start3A_1615] : memref<200x8x32x8x128xf32, #tpu.memory_space<hbm>> -> memref<1x1x1x8x128xf32, #tpu.memory_space<hbm>>
      %dma_start3A_1617 = tpu.memref_squeeze %dma_start3A_1616 : memref<1x1x1x8x128xf32, #tpu.memory_space<hbm>> -> memref<8x128xf32, #tpu.memory_space<hbm>>
      %dma_start3A_1618 = arith.constant 40 : i32
      %dma_start3A_1619 = arith.constant 0 : i32
      %dma_start3A_1620 = tpu.memref_slice %arg9[%dma_start3A_1618, %dma_start3A_1619] : memref<64x137xf32, #tpu.memory_space<vmem>> -> memref<8x128xf32, #tpu.memory_space<vmem>>
      tpu.enqueue_dma source(%dma_start3A_1620 : memref<8x128xf32, #tpu.memory_space<vmem>>) target(%dma_start3A_1617 : memref<8x128xf32, #tpu.memory_space<hbm>>) target_semaphore(%arg13 : memref<!tpu.dma_semaphore, #tpu.memory_space<semaphore_mem>>)
      %dma_start3A_1621 = arith.constant 6 : i32
      %dma_start3A_1622 = arith.constant 48 : i32
      %dma_start3A_1623 = arith.constant 0 : i32
      %dma_start3A_1624 = tpu.memref_slice %arg9[%dma_start3A_1622, %dma_start3A_1623] : memref<64x137xf32, #tpu.memory_space<vmem>> -> memref<8x128xf32, #tpu.memory_space<vmem>>
      %dma_start3A_1625 = arith.constant 0 : i32
      %dma_start3A_1626 = arith.constant 0 : i32
      %dma_start3A_1627 = tpu.memref_slice %arg4[%add3A_1384, %dma_start3A_1621, %add3A, %dma_start3A_1625, %dma_start3A_1626] : memref<200x8x32x8x128xf32, #tpu.memory_space<hbm>> -> memref<1x1x1x8x128xf32, #tpu.memory_space<hbm>>
      %dma_start3A_1628 = tpu.memref_squeeze %dma_start3A_1627 : memref<1x1x1x8x128xf32, #tpu.memory_space<hbm>> -> memref<8x128xf32, #tpu.memory_space<hbm>>
      %dma_start3A_1629 = arith.constant 0 : i32
      %dma_start3A_1630 = arith.constant 0 : i32
      %dma_start3A_1631 = tpu.memref_slice %arg4[%add3A_1384, %dma_start3A_1621, %add3A, %dma_start3A_1629, %dma_start3A_1630] : memref<200x8x32x8x128xf32, #tpu.memory_space<hbm>> -> memref<1x1x1x8x128xf32, #tpu.memory_space<hbm>>
      %dma_start3A_1632 = tpu.memref_squeeze %dma_start3A_1631 : memref<1x1x1x8x128xf32, #tpu.memory_space<hbm>> -> memref<8x128xf32, #tpu.memory_space<hbm>>
      %dma_start3A_1633 = arith.constant 48 : i32
      %dma_start3A_1634 = arith.constant 0 : i32
      %dma_start3A_1635 = tpu.memref_slice %arg9[%dma_start3A_1633, %dma_start3A_1634] : memref<64x137xf32, #tpu.memory_space<vmem>> -> memref<8x128xf32, #tpu.memory_space<vmem>>
      tpu.enqueue_dma source(%dma_start3A_1635 : memref<8x128xf32, #tpu.memory_space<vmem>>) target(%dma_start3A_1632 : memref<8x128xf32, #tpu.memory_space<hbm>>) target_semaphore(%arg13 : memref<!tpu.dma_semaphore, #tpu.memory_space<semaphore_mem>>)
      %dma_start3A_1636 = arith.constant 7 : i32
      %dma_start3A_1637 = arith.constant 56 : i32
      %dma_start3A_1638 = arith.constant 0 : i32
      %dma_start3A_1639 = tpu.memref_slice %arg9[%dma_start3A_1637, %dma_start3A_1638] : memref<64x137xf32, #tpu.memory_space<vmem>> -> memref<8x128xf32, #tpu.memory_space<vmem>>
      %dma_start3A_1640 = arith.constant 0 : i32
      %dma_start3A_1641 = arith.constant 0 : i32
      %dma_start3A_1642 = tpu.memref_slice %arg4[%add3A_1384, %dma_start3A_1636, %add3A, %dma_start3A_1640, %dma_start3A_1641] : memref<200x8x32x8x128xf32, #tpu.memory_space<hbm>> -> memref<1x1x1x8x128xf32, #tpu.memory_space<hbm>>
      %dma_start3A_1643 = tpu.memref_squeeze %dma_start3A_1642 : memref<1x1x1x8x128xf32, #tpu.memory_space<hbm>> -> memref<8x128xf32, #tpu.memory_space<hbm>>
      %dma_start3A_1644 = arith.constant 0 : i32
      %dma_start3A_1645 = arith.constant 0 : i32
      %dma_start3A_1646 = tpu.memref_slice %arg4[%add3A_1384, %dma_start3A_1636, %add3A, %dma_start3A_1644, %dma_start3A_1645] : memref<200x8x32x8x128xf32, #tpu.memory_space<hbm>> -> memref<1x1x1x8x128xf32, #tpu.memory_space<hbm>>
      %dma_start3A_1647 = tpu.memref_squeeze %dma_start3A_1646 : memref<1x1x1x8x128xf32, #tpu.memory_space<hbm>> -> memref<8x128xf32, #tpu.memory_space<hbm>>
      %dma_start3A_1648 = arith.constant 56 : i32
      %dma_start3A_1649 = arith.constant 0 : i32
      %dma_start3A_1650 = tpu.memref_slice %arg9[%dma_start3A_1648, %dma_start3A_1649] : memref<64x137xf32, #tpu.memory_space<vmem>> -> memref<8x128xf32, #tpu.memory_space<vmem>>
      tpu.enqueue_dma source(%dma_start3A_1650 : memref<8x128xf32, #tpu.memory_space<vmem>>) target(%dma_start3A_1647 : memref<8x128xf32, #tpu.memory_space<hbm>>) target_semaphore(%arg13 : memref<!tpu.dma_semaphore, #tpu.memory_space<semaphore_mem>>)
      %scan3A_1651 = arith.constant 0 : i32
      scf.yield %scan3A_1651 : i32
    }
    %scan3A_324 = arith.constant 98 : i32
    %dma_wait3A_325 = arith.constant 0 : i32
    %dma_wait3A_326 = arith.constant 0 : i32
    %dma_wait3A_327 = tpu.memref_slice %arg5[%dma_wait3A_325, %dma_wait3A_326] : memref<200x128xi32, #tpu.memory_space<vmem>> -> memref<1x128xi32, #tpu.memory_space<vmem>>
    %dma_wait3A_328 = tpu.memref_squeeze %dma_wait3A_327 : memref<1x128xi32, #tpu.memory_space<vmem>> -> memref<128xi32, #tpu.memory_space<vmem>>
    %dma_wait3A_329 = arith.constant 0 : i32
    %dma_wait3A_330 = arith.constant 0 : i32
    %dma_wait3A_331 = tpu.memref_slice %arg3[%dma_wait3A_329, %dma_wait3A_330] : memref<2000000x64xf32, #tpu.memory_space<hbm>> -> memref<2000000x64xf32, #tpu.memory_space<hbm>>
    tpu.wait_indirect_dma semaphore(%arg10 : memref<!tpu.dma_semaphore, #tpu.memory_space<semaphore_mem>>) src(%dma_wait3A_331 : memref<2000000x64xf32, #tpu.memory_space<hbm>>) dst(%arg6 : memref<128x64xf32, #tpu.memory_space<vmem>>)
    %dma_wait3A_332 = arith.constant 0 : i32
    %dma_wait3A_333 = arith.constant 0 : i32
    %dma_wait3A_334 = arith.constant 0 : i32
    %dma_wait3A_335 = arith.constant 0 : i32
    %dma_wait3A_336 = tpu.memref_slice %arg8[%dma_wait3A_334, %dma_wait3A_335] : memref<64x137xf32, #tpu.memory_space<vmem>> -> memref<8x128xf32, #tpu.memory_space<vmem>>
    %dma_wait3A_337 = arith.constant 0 : i32
    %dma_wait3A_338 = arith.constant 0 : i32
    %dma_wait3A_339 = tpu.memref_slice %arg4[%dma_wait3A_332, %dma_wait3A_333, %add3A, %dma_wait3A_337, %dma_wait3A_338] : memref<200x8x32x8x128xf32, #tpu.memory_space<hbm>> -> memref<1x1x1x8x128xf32, #tpu.memory_space<hbm>>
    %dma_wait3A_340 = tpu.memref_squeeze %dma_wait3A_339 : memref<1x1x1x8x128xf32, #tpu.memory_space<hbm>> -> memref<8x128xf32, #tpu.memory_space<hbm>>
    %dma_wait3A_341 = arith.constant 0 : i32
    %dma_wait3A_342 = arith.constant 0 : i32
    %dma_wait3A_343 = tpu.memref_slice %arg4[%dma_wait3A_332, %dma_wait3A_333, %add3A, %dma_wait3A_341, %dma_wait3A_342] : memref<200x8x32x8x128xf32, #tpu.memory_space<hbm>> -> memref<1x1x1x8x128xf32, #tpu.memory_space<hbm>>
    %dma_wait3A_344 = tpu.memref_squeeze %dma_wait3A_343 : memref<1x1x1x8x128xf32, #tpu.memory_space<hbm>> -> memref<8x128xf32, #tpu.memory_space<hbm>>
    %dma_wait3A_345 = arith.constant 0 : i32
    %dma_wait3A_346 = arith.constant 0 : i32
    %dma_wait3A_347 = tpu.memref_slice %arg8[%dma_wait3A_345, %dma_wait3A_346] : memref<64x137xf32, #tpu.memory_space<vmem>> -> memref<8x128xf32, #tpu.memory_space<vmem>>
    tpu.wait_dma2 semaphore(%arg12 : memref<!tpu.dma_semaphore, #tpu.memory_space<semaphore_mem>>) src(%dma_wait3A_347 : memref<8x128xf32, #tpu.memory_space<vmem>>) dst(%dma_wait3A_344 : memref<8x128xf32, #tpu.memory_space<hbm>>)
    %dma_wait3A_348 = arith.constant 0 : i32
    %dma_wait3A_349 = arith.constant 1 : i32
    %dma_wait3A_350 = arith.constant 0 : i32
    %dma_wait3A_351 = arith.constant 0 : i32
    %dma_wait3A_352 = tpu.memref_slice %arg8[%dma_wait3A_350, %dma_wait3A_351] : memref<64x137xf32, #tpu.memory_space<vmem>> -> memref<8x128xf32, #tpu.memory_space<vmem>>
    %dma_wait3A_353 = arith.constant 0 : i32
    %dma_wait3A_354 = arith.constant 0 : i32
    %dma_wait3A_355 = tpu.memref_slice %arg4[%dma_wait3A_348, %dma_wait3A_349, %add3A, %dma_wait3A_353, %dma_wait3A_354] : memref<200x8x32x8x128xf32, #tpu.memory_space<hbm>> -> memref<1x1x1x8x128xf32, #tpu.memory_space<hbm>>
    %dma_wait3A_356 = tpu.memref_squeeze %dma_wait3A_355 : memref<1x1x1x8x128xf32, #tpu.memory_space<hbm>> -> memref<8x128xf32, #tpu.memory_space<hbm>>
    %dma_wait3A_357 = arith.constant 0 : i32
    %dma_wait3A_358 = arith.constant 0 : i32
    %dma_wait3A_359 = tpu.memref_slice %arg4[%dma_wait3A_348, %dma_wait3A_349, %add3A, %dma_wait3A_357, %dma_wait3A_358] : memref<200x8x32x8x128xf32, #tpu.memory_space<hbm>> -> memref<1x1x1x8x128xf32, #tpu.memory_space<hbm>>
    %dma_wait3A_360 = tpu.memref_squeeze %dma_wait3A_359 : memref<1x1x1x8x128xf32, #tpu.memory_space<hbm>> -> memref<8x128xf32, #tpu.memory_space<hbm>>
    %dma_wait3A_361 = arith.constant 0 : i32
    %dma_wait3A_362 = arith.constant 0 : i32
    %dma_wait3A_363 = tpu.memref_slice %arg8[%dma_wait3A_361, %dma_wait3A_362] : memref<64x137xf32, #tpu.memory_space<vmem>> -> memref<8x128xf32, #tpu.memory_space<vmem>>
    tpu.wait_dma2 semaphore(%arg12 : memref<!tpu.dma_semaphore, #tpu.memory_space<semaphore_mem>>) src(%dma_wait3A_363 : memref<8x128xf32, #tpu.memory_space<vmem>>) dst(%dma_wait3A_360 : memref<8x128xf32, #tpu.memory_space<hbm>>)
    %dma_wait3A_364 = arith.constant 0 : i32
    %dma_wait3A_365 = arith.constant 2 : i32
    %dma_wait3A_366 = arith.constant 0 : i32
    %dma_wait3A_367 = arith.constant 0 : i32
    %dma_wait3A_368 = tpu.memref_slice %arg8[%dma_wait3A_366, %dma_wait3A_367] : memref<64x137xf32, #tpu.memory_space<vmem>> -> memref<8x128xf32, #tpu.memory_space<vmem>>
    %dma_wait3A_369 = arith.constant 0 : i32
    %dma_wait3A_370 = arith.constant 0 : i32
    %dma_wait3A_371 = tpu.memref_slice %arg4[%dma_wait3A_364, %dma_wait3A_365, %add3A, %dma_wait3A_369, %dma_wait3A_370] : memref<200x8x32x8x128xf32, #tpu.memory_space<hbm>> -> memref<1x1x1x8x128xf32, #tpu.memory_space<hbm>>
    %dma_wait3A_372 = tpu.memref_squeeze %dma_wait3A_371 : memref<1x1x1x8x128xf32, #tpu.memory_space<hbm>> -> memref<8x128xf32, #tpu.memory_space<hbm>>
    %dma_wait3A_373 = arith.constant 0 : i32
    %dma_wait3A_374 = arith.constant 0 : i32
    %dma_wait3A_375 = tpu.memref_slice %arg4[%dma_wait3A_364, %dma_wait3A_365, %add3A, %dma_wait3A_373, %dma_wait3A_374] : memref<200x8x32x8x128xf32, #tpu.memory_space<hbm>> -> memref<1x1x1x8x128xf32, #tpu.memory_space<hbm>>
    %dma_wait3A_376 = tpu.memref_squeeze %dma_wait3A_375 : memref<1x1x1x8x128xf32, #tpu.memory_space<hbm>> -> memref<8x128xf32, #tpu.memory_space<hbm>>
    %dma_wait3A_377 = arith.constant 0 : i32
    %dma_wait3A_378 = arith.constant 0 : i32
    %dma_wait3A_379 = tpu.memref_slice %arg8[%dma_wait3A_377, %dma_wait3A_378] : memref<64x137xf32, #tpu.memory_space<vmem>> -> memref<8x128xf32, #tpu.memory_space<vmem>>
    tpu.wait_dma2 semaphore(%arg12 : memref<!tpu.dma_semaphore, #tpu.memory_space<semaphore_mem>>) src(%dma_wait3A_379 : memref<8x128xf32, #tpu.memory_space<vmem>>) dst(%dma_wait3A_376 : memref<8x128xf32, #tpu.memory_space<hbm>>)
    %dma_wait3A_380 = arith.constant 0 : i32
    %dma_wait3A_381 = arith.constant 3 : i32
    %dma_wait3A_382 = arith.constant 0 : i32
    %dma_wait3A_383 = arith.constant 0 : i32
    %dma_wait3A_384 = tpu.memref_slice %arg8[%dma_wait3A_382, %dma_wait3A_383] : memref<64x137xf32, #tpu.memory_space<vmem>> -> memref<8x128xf32, #tpu.memory_space<vmem>>
    %dma_wait3A_385 = arith.constant 0 : i32
    %dma_wait3A_386 = arith.constant 0 : i32
    %dma_wait3A_387 = tpu.memref_slice %arg4[%dma_wait3A_380, %dma_wait3A_381, %add3A, %dma_wait3A_385, %dma_wait3A_386] : memref<200x8x32x8x128xf32, #tpu.memory_space<hbm>> -> memref<1x1x1x8x128xf32, #tpu.memory_space<hbm>>
    %dma_wait3A_388 = tpu.memref_squeeze %dma_wait3A_387 : memref<1x1x1x8x128xf32, #tpu.memory_space<hbm>> -> memref<8x128xf32, #tpu.memory_space<hbm>>
    %dma_wait3A_389 = arith.constant 0 : i32
    %dma_wait3A_390 = arith.constant 0 : i32
    %dma_wait3A_391 = tpu.memref_slice %arg4[%dma_wait3A_380, %dma_wait3A_381, %add3A, %dma_wait3A_389, %dma_wait3A_390] : memref<200x8x32x8x128xf32, #tpu.memory_space<hbm>> -> memref<1x1x1x8x128xf32, #tpu.memory_space<hbm>>
    %dma_wait3A_392 = tpu.memref_squeeze %dma_wait3A_391 : memref<1x1x1x8x128xf32, #tpu.memory_space<hbm>> -> memref<8x128xf32, #tpu.memory_space<hbm>>
    %dma_wait3A_393 = arith.constant 0 : i32
    %dma_wait3A_394 = arith.constant 0 : i32
    %dma_wait3A_395 = tpu.memref_slice %arg8[%dma_wait3A_393, %dma_wait3A_394] : memref<64x137xf32, #tpu.memory_space<vmem>> -> memref<8x128xf32, #tpu.memory_space<vmem>>
    tpu.wait_dma2 semaphore(%arg12 : memref<!tpu.dma_semaphore, #tpu.memory_space<semaphore_mem>>) src(%dma_wait3A_395 : memref<8x128xf32, #tpu.memory_space<vmem>>) dst(%dma_wait3A_392 : memref<8x128xf32, #tpu.memory_space<hbm>>)
    %dma_wait3A_396 = arith.constant 0 : i32
    %dma_wait3A_397 = arith.constant 4 : i32
    %dma_wait3A_398 = arith.constant 0 : i32
    %dma_wait3A_399 = arith.constant 0 : i32
    %dma_wait3A_400 = tpu.memref_slice %arg8[%dma_wait3A_398, %dma_wait3A_399] : memref<64x137xf32, #tpu.memory_space<vmem>> -> memref<8x128xf32, #tpu.memory_space<vmem>>
    %dma_wait3A_401 = arith.constant 0 : i32
    %dma_wait3A_402 = arith.constant 0 : i32
    %dma_wait3A_403 = tpu.memref_slice %arg4[%dma_wait3A_396, %dma_wait3A_397, %add3A, %dma_wait3A_401, %dma_wait3A_402] : memref<200x8x32x8x128xf32, #tpu.memory_space<hbm>> -> memref<1x1x1x8x128xf32, #tpu.memory_space<hbm>>
    %dma_wait3A_404 = tpu.memref_squeeze %dma_wait3A_403 : memref<1x1x1x8x128xf32, #tpu.memory_space<hbm>> -> memref<8x128xf32, #tpu.memory_space<hbm>>
    %dma_wait3A_405 = arith.constant 0 : i32
    %dma_wait3A_406 = arith.constant 0 : i32
    %dma_wait3A_407 = tpu.memref_slice %arg4[%dma_wait3A_396, %dma_wait3A_397, %add3A, %dma_wait3A_405, %dma_wait3A_406] : memref<200x8x32x8x128xf32, #tpu.memory_space<hbm>> -> memref<1x1x1x8x128xf32, #tpu.memory_space<hbm>>
    %dma_wait3A_408 = tpu.memref_squeeze %dma_wait3A_407 : memref<1x1x1x8x128xf32, #tpu.memory_space<hbm>> -> memref<8x128xf32, #tpu.memory_space<hbm>>
    %dma_wait3A_409 = arith.constant 0 : i32
    %dma_wait3A_410 = arith.constant 0 : i32
    %dma_wait3A_411 = tpu.memref_slice %arg8[%dma_wait3A_409, %dma_wait3A_410] : memref<64x137xf32, #tpu.memory_space<vmem>> -> memref<8x128xf32, #tpu.memory_space<vmem>>
    tpu.wait_dma2 semaphore(%arg12 : memref<!tpu.dma_semaphore, #tpu.memory_space<semaphore_mem>>) src(%dma_wait3A_411 : memref<8x128xf32, #tpu.memory_space<vmem>>) dst(%dma_wait3A_408 : memref<8x128xf32, #tpu.memory_space<hbm>>)
    %dma_wait3A_412 = arith.constant 0 : i32
    %dma_wait3A_413 = arith.constant 5 : i32
    %dma_wait3A_414 = arith.constant 0 : i32
    %dma_wait3A_415 = arith.constant 0 : i32
    %dma_wait3A_416 = tpu.memref_slice %arg8[%dma_wait3A_414, %dma_wait3A_415] : memref<64x137xf32, #tpu.memory_space<vmem>> -> memref<8x128xf32, #tpu.memory_space<vmem>>
    %dma_wait3A_417 = arith.constant 0 : i32
    %dma_wait3A_418 = arith.constant 0 : i32
    %dma_wait3A_419 = tpu.memref_slice %arg4[%dma_wait3A_412, %dma_wait3A_413, %add3A, %dma_wait3A_417, %dma_wait3A_418] : memref<200x8x32x8x128xf32, #tpu.memory_space<hbm>> -> memref<1x1x1x8x128xf32, #tpu.memory_space<hbm>>
    %dma_wait3A_420 = tpu.memref_squeeze %dma_wait3A_419 : memref<1x1x1x8x128xf32, #tpu.memory_space<hbm>> -> memref<8x128xf32, #tpu.memory_space<hbm>>
    %dma_wait3A_421 = arith.constant 0 : i32
    %dma_wait3A_422 = arith.constant 0 : i32
    %dma_wait3A_423 = tpu.memref_slice %arg4[%dma_wait3A_412, %dma_wait3A_413, %add3A, %dma_wait3A_421, %dma_wait3A_422] : memref<200x8x32x8x128xf32, #tpu.memory_space<hbm>> -> memref<1x1x1x8x128xf32, #tpu.memory_space<hbm>>
    %dma_wait3A_424 = tpu.memref_squeeze %dma_wait3A_423 : memref<1x1x1x8x128xf32, #tpu.memory_space<hbm>> -> memref<8x128xf32, #tpu.memory_space<hbm>>
    %dma_wait3A_425 = arith.constant 0 : i32
    %dma_wait3A_426 = arith.constant 0 : i32
    %dma_wait3A_427 = tpu.memref_slice %arg8[%dma_wait3A_425, %dma_wait3A_426] : memref<64x137xf32, #tpu.memory_space<vmem>> -> memref<8x128xf32, #tpu.memory_space<vmem>>
    tpu.wait_dma2 semaphore(%arg12 : memref<!tpu.dma_semaphore, #tpu.memory_space<semaphore_mem>>) src(%dma_wait3A_427 : memref<8x128xf32, #tpu.memory_space<vmem>>) dst(%dma_wait3A_424 : memref<8x128xf32, #tpu.memory_space<hbm>>)
    %dma_wait3A_428 = arith.constant 0 : i32
    %dma_wait3A_429 = arith.constant 6 : i32
    %dma_wait3A_430 = arith.constant 0 : i32
    %dma_wait3A_431 = arith.constant 0 : i32
    %dma_wait3A_432 = tpu.memref_slice %arg8[%dma_wait3A_430, %dma_wait3A_431] : memref<64x137xf32, #tpu.memory_space<vmem>> -> memref<8x128xf32, #tpu.memory_space<vmem>>
    %dma_wait3A_433 = arith.constant 0 : i32
    %dma_wait3A_434 = arith.constant 0 : i32
    %dma_wait3A_435 = tpu.memref_slice %arg4[%dma_wait3A_428, %dma_wait3A_429, %add3A, %dma_wait3A_433, %dma_wait3A_434] : memref<200x8x32x8x128xf32, #tpu.memory_space<hbm>> -> memref<1x1x1x8x128xf32, #tpu.memory_space<hbm>>
    %dma_wait3A_436 = tpu.memref_squeeze %dma_wait3A_435 : memref<1x1x1x8x128xf32, #tpu.memory_space<hbm>> -> memref<8x128xf32, #tpu.memory_space<hbm>>
    %dma_wait3A_437 = arith.constant 0 : i32
    %dma_wait3A_438 = arith.constant 0 : i32
    %dma_wait3A_439 = tpu.memref_slice %arg4[%dma_wait3A_428, %dma_wait3A_429, %add3A, %dma_wait3A_437, %dma_wait3A_438] : memref<200x8x32x8x128xf32, #tpu.memory_space<hbm>> -> memref<1x1x1x8x128xf32, #tpu.memory_space<hbm>>
    %dma_wait3A_440 = tpu.memref_squeeze %dma_wait3A_439 : memref<1x1x1x8x128xf32, #tpu.memory_space<hbm>> -> memref<8x128xf32, #tpu.memory_space<hbm>>
    %dma_wait3A_441 = arith.constant 0 : i32
    %dma_wait3A_442 = arith.constant 0 : i32
    %dma_wait3A_443 = tpu.memref_slice %arg8[%dma_wait3A_441, %dma_wait3A_442] : memref<64x137xf32, #tpu.memory_space<vmem>> -> memref<8x128xf32, #tpu.memory_space<vmem>>
    tpu.wait_dma2 semaphore(%arg12 : memref<!tpu.dma_semaphore, #tpu.memory_space<semaphore_mem>>) src(%dma_wait3A_443 : memref<8x128xf32, #tpu.memory_space<vmem>>) dst(%dma_wait3A_440 : memref<8x128xf32, #tpu.memory_space<hbm>>)
    %dma_wait3A_444 = arith.constant 0 : i32
    %dma_wait3A_445 = arith.constant 7 : i32
    %dma_wait3A_446 = arith.constant 0 : i32
    %dma_wait3A_447 = arith.constant 0 : i32
    %dma_wait3A_448 = tpu.memref_slice %arg8[%dma_wait3A_446, %dma_wait3A_447] : memref<64x137xf32, #tpu.memory_space<vmem>> -> memref<8x128xf32, #tpu.memory_space<vmem>>
    %dma_wait3A_449 = arith.constant 0 : i32
    %dma_wait3A_450 = arith.constant 0 : i32
    %dma_wait3A_451 = tpu.memref_slice %arg4[%dma_wait3A_444, %dma_wait3A_445, %add3A, %dma_wait3A_449, %dma_wait3A_450] : memref<200x8x32x8x128xf32, #tpu.memory_space<hbm>> -> memref<1x1x1x8x128xf32, #tpu.memory_space<hbm>>
    %dma_wait3A_452 = tpu.memref_squeeze %dma_wait3A_451 : memref<1x1x1x8x128xf32, #tpu.memory_space<hbm>> -> memref<8x128xf32, #tpu.memory_space<hbm>>
    %dma_wait3A_453 = arith.constant 0 : i32
    %dma_wait3A_454 = arith.constant 0 : i32
    %dma_wait3A_455 = tpu.memref_slice %arg4[%dma_wait3A_444, %dma_wait3A_445, %add3A, %dma_wait3A_453, %dma_wait3A_454] : memref<200x8x32x8x128xf32, #tpu.memory_space<hbm>> -> memref<1x1x1x8x128xf32, #tpu.memory_space<hbm>>
    %dma_wait3A_456 = tpu.memref_squeeze %dma_wait3A_455 : memref<1x1x1x8x128xf32, #tpu.memory_space<hbm>> -> memref<8x128xf32, #tpu.memory_space<hbm>>
    %dma_wait3A_457 = arith.constant 0 : i32
    %dma_wait3A_458 = arith.constant 0 : i32
    %dma_wait3A_459 = tpu.memref_slice %arg8[%dma_wait3A_457, %dma_wait3A_458] : memref<64x137xf32, #tpu.memory_space<vmem>> -> memref<8x128xf32, #tpu.memory_space<vmem>>
    tpu.wait_dma2 semaphore(%arg12 : memref<!tpu.dma_semaphore, #tpu.memory_space<semaphore_mem>>) src(%dma_wait3A_459 : memref<8x128xf32, #tpu.memory_space<vmem>>) dst(%dma_wait3A_456 : memref<8x128xf32, #tpu.memory_space<hbm>>)
    %parallel_loop3A_460 = arith.constant 0 : i32
    %parallel_loop3A_461 = arith.constant 128 : i32
    %parallel_loop3A_462 = arith.constant 1 : i32
    scf.for %parallel_loop3A_1113 = %parallel_loop3A_460 to %parallel_loop3A_461 step %parallel_loop3A_462  : i32 {
      %parallel_loop3A_1114 = vector.broadcast %parallel_loop3A_1113 : i32 to vector<16xi32>
      %parallel_loop3A_1115 = arith.index_cast %parallel_loop3A_1113 : i32 to index
      %parallel_loop3A_1116 = arith.constant 0 : index
      %parallel_loop3A_1117 = tpu.vector_load %arg6[%parallel_loop3A_1115, %parallel_loop3A_1116] {strides = array<i32>} : memref<128x64xf32, #tpu.memory_space<vmem>>, vector<16xf32>,
      %parallel_loop3A_1118 = arith.constant 8.000000e+00 : f32
      %parallel_loop3A_1119 = vector.broadcast %parallel_loop3A_1118 : f32 to vector<16xf32>
      %parallel_loop3A_1120 = arith.mulf %parallel_loop3A_1117, %parallel_loop3A_1119 : vector<16xf32>
      tpu.vector_store_idx %arg8[%add3A_7, %parallel_loop3A_1114], %parallel_loop3A_1120 : memref<64x137xf32, #tpu.memory_space<vmem>>[vector<16xi32>, vector<16xi32>], vector<16xf32>,
      %parallel_loop3A_1121 = arith.index_cast %parallel_loop3A_1113 : i32 to index
      %parallel_loop3A_1122 = arith.constant 16 : index
      %parallel_loop3A_1123 = tpu.vector_load %arg6[%parallel_loop3A_1121, %parallel_loop3A_1122] {strides = array<i32>} : memref<128x64xf32, #tpu.memory_space<vmem>>, vector<16xf32>,
      %parallel_loop3A_1124 = arith.constant 8.000000e+00 : f32
      %parallel_loop3A_1125 = vector.broadcast %parallel_loop3A_1124 : f32 to vector<16xf32>
      %parallel_loop3A_1126 = arith.mulf %parallel_loop3A_1123, %parallel_loop3A_1125 : vector<16xf32>
      tpu.vector_store_idx %arg8[%add3A_10, %parallel_loop3A_1114], %parallel_loop3A_1126 : memref<64x137xf32, #tpu.memory_space<vmem>>[vector<16xi32>, vector<16xi32>], vector<16xf32>,
      %parallel_loop3A_1127 = arith.index_cast %parallel_loop3A_1113 : i32 to index
      %parallel_loop3A_1128 = arith.constant 32 : index
      %parallel_loop3A_1129 = tpu.vector_load %arg6[%parallel_loop3A_1127, %parallel_loop3A_1128] {strides = array<i32>} : memref<128x64xf32, #tpu.memory_space<vmem>>, vector<16xf32>,
      %parallel_loop3A_1130 = arith.constant 8.000000e+00 : f32
      %parallel_loop3A_1131 = vector.broadcast %parallel_loop3A_1130 : f32 to vector<16xf32>
      %parallel_loop3A_1132 = arith.mulf %parallel_loop3A_1129, %parallel_loop3A_1131 : vector<16xf32>
      tpu.vector_store_idx %arg8[%add3A_13, %parallel_loop3A_1114], %parallel_loop3A_1132 : memref<64x137xf32, #tpu.memory_space<vmem>>[vector<16xi32>, vector<16xi32>], vector<16xf32>,
      %parallel_loop3A_1133 = arith.index_cast %parallel_loop3A_1113 : i32 to index
      %parallel_loop3A_1134 = arith.constant 48 : index
      %parallel_loop3A_1135 = tpu.vector_load %arg6[%parallel_loop3A_1133, %parallel_loop3A_1134] {strides = array<i32>} : memref<128x64xf32, #tpu.memory_space<vmem>>, vector<16xf32>,
      %parallel_loop3A_1136 = arith.constant 8.000000e+00 : f32
      %parallel_loop3A_1137 = vector.broadcast %parallel_loop3A_1136 : f32 to vector<16xf32>
      %parallel_loop3A_1138 = arith.mulf %parallel_loop3A_1135, %parallel_loop3A_1137 : vector<16xf32>
      tpu.vector_store_idx %arg8[%add3A_16, %parallel_loop3A_1114], %parallel_loop3A_1138 : memref<64x137xf32, #tpu.memory_space<vmem>>[vector<16xi32>, vector<16xi32>], vector<16xf32>,
    } {sc.loop_unroll_factor = 4 : i64, sc.parallel_access}
    %dma_start3A_463 = arith.constant 198 : i32
    %dma_start3A_464 = arith.constant 0 : i32
    %dma_start3A_465 = arith.constant 0 : i32
    %dma_start3A_466 = arith.constant 0 : i32
    %dma_start3A_467 = tpu.memref_slice %arg8[%dma_start3A_465, %dma_start3A_466] : memref<64x137xf32, #tpu.memory_space<vmem>> -> memref<8x128xf32, #tpu.memory_space<vmem>>
    %dma_start3A_468 = arith.constant 0 : i32
    %dma_start3A_469 = arith.constant 0 : i32
    %dma_start3A_470 = tpu.memref_slice %arg4[%dma_start3A_463, %dma_start3A_464, %add3A, %dma_start3A_468, %dma_start3A_469] : memref<200x8x32x8x128xf32, #tpu.memory_space<hbm>> -> memref<1x1x1x8x128xf32, #tpu.memory_space<hbm>>
    %dma_start3A_471 = tpu.memref_squeeze %dma_start3A_470 : memref<1x1x1x8x128xf32, #tpu.memory_space<hbm>> -> memref<8x128xf32, #tpu.memory_space<hbm>>
    %dma_start3A_472 = arith.constant 0 : i32
    %dma_start3A_473 = arith.constant 0 : i32
    %dma_start3A_474 = tpu.memref_slice %arg4[%dma_start3A_463, %dma_start3A_464, %add3A, %dma_start3A_472, %dma_start3A_473] : memref<200x8x32x8x128xf32, #tpu.memory_space<hbm>> -> memref<1x1x1x8x128xf32, #tpu.memory_space<hbm>>
    %dma_start3A_475 = tpu.memref_squeeze %dma_start3A_474 : memref<1x1x1x8x128xf32, #tpu.memory_space<hbm>> -> memref<8x128xf32, #tpu.memory_space<hbm>>
    %dma_start3A_476 = arith.constant 0 : i32
    %dma_start3A_477 = arith.constant 0 : i32
    %dma_start3A_478 = tpu.memref_slice %arg8[%dma_start3A_476, %dma_start3A_477] : memref<64x137xf32, #tpu.memory_space<vmem>> -> memref<8x128xf32, #tpu.memory_space<vmem>>
    tpu.enqueue_dma source(%dma_start3A_478 : memref<8x128xf32, #tpu.memory_space<vmem>>) target(%dma_start3A_475 : memref<8x128xf32, #tpu.memory_space<hbm>>) target_semaphore(%arg12 : memref<!tpu.dma_semaphore, #tpu.memory_space<semaphore_mem>>)
    %dma_start3A_479 = arith.constant 198 : i32
    %dma_start3A_480 = arith.constant 1 : i32
    %dma_start3A_481 = arith.constant 8 : i32
    %dma_start3A_482 = arith.constant 0 : i32
    %dma_start3A_483 = tpu.memref_slice %arg8[%dma_start3A_481, %dma_start3A_482] : memref<64x137xf32, #tpu.memory_space<vmem>> -> memref<8x128xf32, #tpu.memory_space<vmem>>
    %dma_start3A_484 = arith.constant 0 : i32
    %dma_start3A_485 = arith.constant 0 : i32
    %dma_start3A_486 = tpu.memref_slice %arg4[%dma_start3A_479, %dma_start3A_480, %add3A, %dma_start3A_484, %dma_start3A_485] : memref<200x8x32x8x128xf32, #tpu.memory_space<hbm>> -> memref<1x1x1x8x128xf32, #tpu.memory_space<hbm>>
    %dma_start3A_487 = tpu.memref_squeeze %dma_start3A_486 : memref<1x1x1x8x128xf32, #tpu.memory_space<hbm>> -> memref<8x128xf32, #tpu.memory_space<hbm>>
    %dma_start3A_488 = arith.constant 0 : i32
    %dma_start3A_489 = arith.constant 0 : i32
    %dma_start3A_490 = tpu.memref_slice %arg4[%dma_start3A_479, %dma_start3A_480, %add3A, %dma_start3A_488, %dma_start3A_489] : memref<200x8x32x8x128xf32, #tpu.memory_space<hbm>> -> memref<1x1x1x8x128xf32, #tpu.memory_space<hbm>>
    %dma_start3A_491 = tpu.memref_squeeze %dma_start3A_490 : memref<1x1x1x8x128xf32, #tpu.memory_space<hbm>> -> memref<8x128xf32, #tpu.memory_space<hbm>>
    %dma_start3A_492 = arith.constant 8 : i32
    %dma_start3A_493 = arith.constant 0 : i32
    %dma_start3A_494 = tpu.memref_slice %arg8[%dma_start3A_492, %dma_start3A_493] : memref<64x137xf32, #tpu.memory_space<vmem>> -> memref<8x128xf32, #tpu.memory_space<vmem>>
    tpu.enqueue_dma source(%dma_start3A_494 : memref<8x128xf32, #tpu.memory_space<vmem>>) target(%dma_start3A_491 : memref<8x128xf32, #tpu.memory_space<hbm>>) target_semaphore(%arg12 : memref<!tpu.dma_semaphore, #tpu.memory_space<semaphore_mem>>)
    %dma_start3A_495 = arith.constant 198 : i32
    %dma_start3A_496 = arith.constant 2 : i32
    %dma_start3A_497 = arith.constant 16 : i32
    %dma_start3A_498 = arith.constant 0 : i32
    %dma_start3A_499 = tpu.memref_slice %arg8[%dma_start3A_497, %dma_start3A_498] : memref<64x137xf32, #tpu.memory_space<vmem>> -> memref<8x128xf32, #tpu.memory_space<vmem>>
    %dma_start3A_500 = arith.constant 0 : i32
    %dma_start3A_501 = arith.constant 0 : i32
    %dma_start3A_502 = tpu.memref_slice %arg4[%dma_start3A_495, %dma_start3A_496, %add3A, %dma_start3A_500, %dma_start3A_501] : memref<200x8x32x8x128xf32, #tpu.memory_space<hbm>> -> memref<1x1x1x8x128xf32, #tpu.memory_space<hbm>>
    %dma_start3A_503 = tpu.memref_squeeze %dma_start3A_502 : memref<1x1x1x8x128xf32, #tpu.memory_space<hbm>> -> memref<8x128xf32, #tpu.memory_space<hbm>>
    %dma_start3A_504 = arith.constant 0 : i32
    %dma_start3A_505 = arith.constant 0 : i32
    %dma_start3A_506 = tpu.memref_slice %arg4[%dma_start3A_495, %dma_start3A_496, %add3A, %dma_start3A_504, %dma_start3A_505] : memref<200x8x32x8x128xf32, #tpu.memory_space<hbm>> -> memref<1x1x1x8x128xf32, #tpu.memory_space<hbm>>
    %dma_start3A_507 = tpu.memref_squeeze %dma_start3A_506 : memref<1x1x1x8x128xf32, #tpu.memory_space<hbm>> -> memref<8x128xf32, #tpu.memory_space<hbm>>
    %dma_start3A_508 = arith.constant 16 : i32
    %dma_start3A_509 = arith.constant 0 : i32
    %dma_start3A_510 = tpu.memref_slice %arg8[%dma_start3A_508, %dma_start3A_509] : memref<64x137xf32, #tpu.memory_space<vmem>> -> memref<8x128xf32, #tpu.memory_space<vmem>>
    tpu.enqueue_dma source(%dma_start3A_510 : memref<8x128xf32, #tpu.memory_space<vmem>>) target(%dma_start3A_507 : memref<8x128xf32, #tpu.memory_space<hbm>>) target_semaphore(%arg12 : memref<!tpu.dma_semaphore, #tpu.memory_space<semaphore_mem>>)
    %dma_start3A_511 = arith.constant 198 : i32
    %dma_start3A_512 = arith.constant 3 : i32
    %dma_start3A_513 = arith.constant 24 : i32
    %dma_start3A_514 = arith.constant 0 : i32
    %dma_start3A_515 = tpu.memref_slice %arg8[%dma_start3A_513, %dma_start3A_514] : memref<64x137xf32, #tpu.memory_space<vmem>> -> memref<8x128xf32, #tpu.memory_space<vmem>>
    %dma_start3A_516 = arith.constant 0 : i32
    %dma_start3A_517 = arith.constant 0 : i32
    %dma_start3A_518 = tpu.memref_slice %arg4[%dma_start3A_511, %dma_start3A_512, %add3A, %dma_start3A_516, %dma_start3A_517] : memref<200x8x32x8x128xf32, #tpu.memory_space<hbm>> -> memref<1x1x1x8x128xf32, #tpu.memory_space<hbm>>
    %dma_start3A_519 = tpu.memref_squeeze %dma_start3A_518 : memref<1x1x1x8x128xf32, #tpu.memory_space<hbm>> -> memref<8x128xf32, #tpu.memory_space<hbm>>
    %dma_start3A_520 = arith.constant 0 : i32
    %dma_start3A_521 = arith.constant 0 : i32
    %dma_start3A_522 = tpu.memref_slice %arg4[%dma_start3A_511, %dma_start3A_512, %add3A, %dma_start3A_520, %dma_start3A_521] : memref<200x8x32x8x128xf32, #tpu.memory_space<hbm>> -> memref<1x1x1x8x128xf32, #tpu.memory_space<hbm>>
    %dma_start3A_523 = tpu.memref_squeeze %dma_start3A_522 : memref<1x1x1x8x128xf32, #tpu.memory_space<hbm>> -> memref<8x128xf32, #tpu.memory_space<hbm>>
    %dma_start3A_524 = arith.constant 24 : i32
    %dma_start3A_525 = arith.constant 0 : i32
    %dma_start3A_526 = tpu.memref_slice %arg8[%dma_start3A_524, %dma_start3A_525] : memref<64x137xf32, #tpu.memory_space<vmem>> -> memref<8x128xf32, #tpu.memory_space<vmem>>
    tpu.enqueue_dma source(%dma_start3A_526 : memref<8x128xf32, #tpu.memory_space<vmem>>) target(%dma_start3A_523 : memref<8x128xf32, #tpu.memory_space<hbm>>) target_semaphore(%arg12 : memref<!tpu.dma_semaphore, #tpu.memory_space<semaphore_mem>>)
    %dma_start3A_527 = arith.constant 198 : i32
    %dma_start3A_528 = arith.constant 4 : i32
    %dma_start3A_529 = arith.constant 32 : i32
    %dma_start3A_530 = arith.constant 0 : i32
    %dma_start3A_531 = tpu.memref_slice %arg8[%dma_start3A_529, %dma_start3A_530] : memref<64x137xf32, #tpu.memory_space<vmem>> -> memref<8x128xf32, #tpu.memory_space<vmem>>
    %dma_start3A_532 = arith.constant 0 : i32
    %dma_start3A_533 = arith.constant 0 : i32
    %dma_start3A_534 = tpu.memref_slice %arg4[%dma_start3A_527, %dma_start3A_528, %add3A, %dma_start3A_532, %dma_start3A_533] : memref<200x8x32x8x128xf32, #tpu.memory_space<hbm>> -> memref<1x1x1x8x128xf32, #tpu.memory_space<hbm>>
    %dma_start3A_535 = tpu.memref_squeeze %dma_start3A_534 : memref<1x1x1x8x128xf32, #tpu.memory_space<hbm>> -> memref<8x128xf32, #tpu.memory_space<hbm>>
    %dma_start3A_536 = arith.constant 0 : i32
    %dma_start3A_537 = arith.constant 0 : i32
    %dma_start3A_538 = tpu.memref_slice %arg4[%dma_start3A_527, %dma_start3A_528, %add3A, %dma_start3A_536, %dma_start3A_537] : memref<200x8x32x8x128xf32, #tpu.memory_space<hbm>> -> memref<1x1x1x8x128xf32, #tpu.memory_space<hbm>>
    %dma_start3A_539 = tpu.memref_squeeze %dma_start3A_538 : memref<1x1x1x8x128xf32, #tpu.memory_space<hbm>> -> memref<8x128xf32, #tpu.memory_space<hbm>>
    %dma_start3A_540 = arith.constant 32 : i32
    %dma_start3A_541 = arith.constant 0 : i32
    %dma_start3A_542 = tpu.memref_slice %arg8[%dma_start3A_540, %dma_start3A_541] : memref<64x137xf32, #tpu.memory_space<vmem>> -> memref<8x128xf32, #tpu.memory_space<vmem>>
    tpu.enqueue_dma source(%dma_start3A_542 : memref<8x128xf32, #tpu.memory_space<vmem>>) target(%dma_start3A_539 : memref<8x128xf32, #tpu.memory_space<hbm>>) target_semaphore(%arg12 : memref<!tpu.dma_semaphore, #tpu.memory_space<semaphore_mem>>)
    %dma_start3A_543 = arith.constant 198 : i32
    %dma_start3A_544 = arith.constant 5 : i32
    %dma_start3A_545 = arith.constant 40 : i32
    %dma_start3A_546 = arith.constant 0 : i32
    %dma_start3A_547 = tpu.memref_slice %arg8[%dma_start3A_545, %dma_start3A_546] : memref<64x137xf32, #tpu.memory_space<vmem>> -> memref<8x128xf32, #tpu.memory_space<vmem>>
    %dma_start3A_548 = arith.constant 0 : i32
    %dma_start3A_549 = arith.constant 0 : i32
    %dma_start3A_550 = tpu.memref_slice %arg4[%dma_start3A_543, %dma_start3A_544, %add3A, %dma_start3A_548, %dma_start3A_549] : memref<200x8x32x8x128xf32, #tpu.memory_space<hbm>> -> memref<1x1x1x8x128xf32, #tpu.memory_space<hbm>>
    %dma_start3A_551 = tpu.memref_squeeze %dma_start3A_550 : memref<1x1x1x8x128xf32, #tpu.memory_space<hbm>> -> memref<8x128xf32, #tpu.memory_space<hbm>>
    %dma_start3A_552 = arith.constant 0 : i32
    %dma_start3A_553 = arith.constant 0 : i32
    %dma_start3A_554 = tpu.memref_slice %arg4[%dma_start3A_543, %dma_start3A_544, %add3A, %dma_start3A_552, %dma_start3A_553] : memref<200x8x32x8x128xf32, #tpu.memory_space<hbm>> -> memref<1x1x1x8x128xf32, #tpu.memory_space<hbm>>
    %dma_start3A_555 = tpu.memref_squeeze %dma_start3A_554 : memref<1x1x1x8x128xf32, #tpu.memory_space<hbm>> -> memref<8x128xf32, #tpu.memory_space<hbm>>
    %dma_start3A_556 = arith.constant 40 : i32
    %dma_start3A_557 = arith.constant 0 : i32
    %dma_start3A_558 = tpu.memref_slice %arg8[%dma_start3A_556, %dma_start3A_557] : memref<64x137xf32, #tpu.memory_space<vmem>> -> memref<8x128xf32, #tpu.memory_space<vmem>>
    tpu.enqueue_dma source(%dma_start3A_558 : memref<8x128xf32, #tpu.memory_space<vmem>>) target(%dma_start3A_555 : memref<8x128xf32, #tpu.memory_space<hbm>>) target_semaphore(%arg12 : memref<!tpu.dma_semaphore, #tpu.memory_space<semaphore_mem>>)
    %dma_start3A_559 = arith.constant 198 : i32
    %dma_start3A_560 = arith.constant 6 : i32
    %dma_start3A_561 = arith.constant 48 : i32
    %dma_start3A_562 = arith.constant 0 : i32
    %dma_start3A_563 = tpu.memref_slice %arg8[%dma_start3A_561, %dma_start3A_562] : memref<64x137xf32, #tpu.memory_space<vmem>> -> memref<8x128xf32, #tpu.memory_space<vmem>>
    %dma_start3A_564 = arith.constant 0 : i32
    %dma_start3A_565 = arith.constant 0 : i32
    %dma_start3A_566 = tpu.memref_slice %arg4[%dma_start3A_559, %dma_start3A_560, %add3A, %dma_start3A_564, %dma_start3A_565] : memref<200x8x32x8x128xf32, #tpu.memory_space<hbm>> -> memref<1x1x1x8x128xf32, #tpu.memory_space<hbm>>
    %dma_start3A_567 = tpu.memref_squeeze %dma_start3A_566 : memref<1x1x1x8x128xf32, #tpu.memory_space<hbm>> -> memref<8x128xf32, #tpu.memory_space<hbm>>
    %dma_start3A_568 = arith.constant 0 : i32
    %dma_start3A_569 = arith.constant 0 : i32
    %dma_start3A_570 = tpu.memref_slice %arg4[%dma_start3A_559, %dma_start3A_560, %add3A, %dma_start3A_568, %dma_start3A_569] : memref<200x8x32x8x128xf32, #tpu.memory_space<hbm>> -> memref<1x1x1x8x128xf32, #tpu.memory_space<hbm>>
    %dma_start3A_571 = tpu.memref_squeeze %dma_start3A_570 : memref<1x1x1x8x128xf32, #tpu.memory_space<hbm>> -> memref<8x128xf32, #tpu.memory_space<hbm>>
    %dma_start3A_572 = arith.constant 48 : i32
    %dma_start3A_573 = arith.constant 0 : i32
    %dma_start3A_574 = tpu.memref_slice %arg8[%dma_start3A_572, %dma_start3A_573] : memref<64x137xf32, #tpu.memory_space<vmem>> -> memref<8x128xf32, #tpu.memory_space<vmem>>
    tpu.enqueue_dma source(%dma_start3A_574 : memref<8x128xf32, #tpu.memory_space<vmem>>) target(%dma_start3A_571 : memref<8x128xf32, #tpu.memory_space<hbm>>) target_semaphore(%arg12 : memref<!tpu.dma_semaphore, #tpu.memory_space<semaphore_mem>>)
    %dma_start3A_575 = arith.constant 198 : i32
    %dma_start3A_576 = arith.constant 7 : i32
    %dma_start3A_577 = arith.constant 56 : i32
    %dma_start3A_578 = arith.constant 0 : i32
    %dma_start3A_579 = tpu.memref_slice %arg8[%dma_start3A_577, %dma_start3A_578] : memref<64x137xf32, #tpu.memory_space<vmem>> -> memref<8x128xf32, #tpu.memory_space<vmem>>
    %dma_start3A_580 = arith.constant 0 : i32
    %dma_start3A_581 = arith.constant 0 : i32
    %dma_start3A_582 = tpu.memref_slice %arg4[%dma_start3A_575, %dma_start3A_576, %add3A, %dma_start3A_580, %dma_start3A_581] : memref<200x8x32x8x128xf32, #tpu.memory_space<hbm>> -> memref<1x1x1x8x128xf32, #tpu.memory_space<hbm>>
    %dma_start3A_583 = tpu.memref_squeeze %dma_start3A_582 : memref<1x1x1x8x128xf32, #tpu.memory_space<hbm>> -> memref<8x128xf32, #tpu.memory_space<hbm>>
    %dma_start3A_584 = arith.constant 0 : i32
    %dma_start3A_585 = arith.constant 0 : i32
    %dma_start3A_586 = tpu.memref_slice %arg4[%dma_start3A_575, %dma_start3A_576, %add3A, %dma_start3A_584, %dma_start3A_585] : memref<200x8x32x8x128xf32, #tpu.memory_space<hbm>> -> memref<1x1x1x8x128xf32, #tpu.memory_space<hbm>>
    %dma_start3A_587 = tpu.memref_squeeze %dma_start3A_586 : memref<1x1x1x8x128xf32, #tpu.memory_space<hbm>> -> memref<8x128xf32, #tpu.memory_space<hbm>>
    %dma_start3A_588 = arith.constant 56 : i32
    %dma_start3A_589 = arith.constant 0 : i32
    %dma_start3A_590 = tpu.memref_slice %arg8[%dma_start3A_588, %dma_start3A_589] : memref<64x137xf32, #tpu.memory_space<vmem>> -> memref<8x128xf32, #tpu.memory_space<vmem>>
    tpu.enqueue_dma source(%dma_start3A_590 : memref<8x128xf32, #tpu.memory_space<vmem>>) target(%dma_start3A_587 : memref<8x128xf32, #tpu.memory_space<hbm>>) target_semaphore(%arg12 : memref<!tpu.dma_semaphore, #tpu.memory_space<semaphore_mem>>)
    %dma_wait3A_591 = arith.constant 0 : i32
    %dma_wait3A_592 = arith.constant 0 : i32
    %dma_wait3A_593 = tpu.memref_slice %arg5[%dma_wait3A_591, %dma_wait3A_592] : memref<200x128xi32, #tpu.memory_space<vmem>> -> memref<1x128xi32, #tpu.memory_space<vmem>>
    %dma_wait3A_594 = tpu.memref_squeeze %dma_wait3A_593 : memref<1x128xi32, #tpu.memory_space<vmem>> -> memref<128xi32, #tpu.memory_space<vmem>>
    %dma_wait3A_595 = arith.constant 0 : i32
    %dma_wait3A_596 = arith.constant 0 : i32
    %dma_wait3A_597 = tpu.memref_slice %arg3[%dma_wait3A_595, %dma_wait3A_596] : memref<2000000x64xf32, #tpu.memory_space<hbm>> -> memref<2000000x64xf32, #tpu.memory_space<hbm>>
    tpu.wait_indirect_dma semaphore(%arg11 : memref<!tpu.dma_semaphore, #tpu.memory_space<semaphore_mem>>) src(%dma_wait3A_597 : memref<2000000x64xf32, #tpu.memory_space<hbm>>) dst(%arg7 : memref<128x64xf32, #tpu.memory_space<vmem>>)
    %dma_wait3A_598 = arith.constant 0 : i32
    %dma_wait3A_599 = arith.constant 0 : i32
    %dma_wait3A_600 = arith.constant 0 : i32
    %dma_wait3A_601 = arith.constant 0 : i32
    %dma_wait3A_602 = tpu.memref_slice %arg9[%dma_wait3A_600, %dma_wait3A_601] : memref<64x137xf32, #tpu.memory_space<vmem>> -> memref<8x128xf32, #tpu.memory_space<vmem>>
    %dma_wait3A_603 = arith.constant 0 : i32
    %dma_wait3A_604 = arith.constant 0 : i32
    %dma_wait3A_605 = tpu.memref_slice %arg4[%dma_wait3A_598, %dma_wait3A_599, %add3A, %dma_wait3A_603, %dma_wait3A_604] : memref<200x8x32x8x128xf32, #tpu.memory_space<hbm>> -> memref<1x1x1x8x128xf32, #tpu.memory_space<hbm>>
    %dma_wait3A_606 = tpu.memref_squeeze %dma_wait3A_605 : memref<1x1x1x8x128xf32, #tpu.memory_space<hbm>> -> memref<8x128xf32, #tpu.memory_space<hbm>>
    %dma_wait3A_607 = arith.constant 0 : i32
    %dma_wait3A_608 = arith.constant 0 : i32
    %dma_wait3A_609 = tpu.memref_slice %arg4[%dma_wait3A_598, %dma_wait3A_599, %add3A, %dma_wait3A_607, %dma_wait3A_608] : memref<200x8x32x8x128xf32, #tpu.memory_space<hbm>> -> memref<1x1x1x8x128xf32, #tpu.memory_space<hbm>>
    %dma_wait3A_610 = tpu.memref_squeeze %dma_wait3A_609 : memref<1x1x1x8x128xf32, #tpu.memory_space<hbm>> -> memref<8x128xf32, #tpu.memory_space<hbm>>
    %dma_wait3A_611 = arith.constant 0 : i32
    %dma_wait3A_612 = arith.constant 0 : i32
    %dma_wait3A_613 = tpu.memref_slice %arg9[%dma_wait3A_611, %dma_wait3A_612] : memref<64x137xf32, #tpu.memory_space<vmem>> -> memref<8x128xf32, #tpu.memory_space<vmem>>
    tpu.wait_dma2 semaphore(%arg13 : memref<!tpu.dma_semaphore, #tpu.memory_space<semaphore_mem>>) src(%dma_wait3A_613 : memref<8x128xf32, #tpu.memory_space<vmem>>) dst(%dma_wait3A_610 : memref<8x128xf32, #tpu.memory_space<hbm>>)
    %dma_wait3A_614 = arith.constant 0 : i32
    %dma_wait3A_615 = arith.constant 1 : i32
    %dma_wait3A_616 = arith.constant 0 : i32
    %dma_wait3A_617 = arith.constant 0 : i32
    %dma_wait3A_618 = tpu.memref_slice %arg9[%dma_wait3A_616, %dma_wait3A_617] : memref<64x137xf32, #tpu.memory_space<vmem>> -> memref<8x128xf32, #tpu.memory_space<vmem>>
    %dma_wait3A_619 = arith.constant 0 : i32
    %dma_wait3A_620 = arith.constant 0 : i32
    %dma_wait3A_621 = tpu.memref_slice %arg4[%dma_wait3A_614, %dma_wait3A_615, %add3A, %dma_wait3A_619, %dma_wait3A_620] : memref<200x8x32x8x128xf32, #tpu.memory_space<hbm>> -> memref<1x1x1x8x128xf32, #tpu.memory_space<hbm>>
    %dma_wait3A_622 = tpu.memref_squeeze %dma_wait3A_621 : memref<1x1x1x8x128xf32, #tpu.memory_space<hbm>> -> memref<8x128xf32, #tpu.memory_space<hbm>>
    %dma_wait3A_623 = arith.constant 0 : i32
    %dma_wait3A_624 = arith.constant 0 : i32
    %dma_wait3A_625 = tpu.memref_slice %arg4[%dma_wait3A_614, %dma_wait3A_615, %add3A, %dma_wait3A_623, %dma_wait3A_624] : memref<200x8x32x8x128xf32, #tpu.memory_space<hbm>> -> memref<1x1x1x8x128xf32, #tpu.memory_space<hbm>>
    %dma_wait3A_626 = tpu.memref_squeeze %dma_wait3A_625 : memref<1x1x1x8x128xf32, #tpu.memory_space<hbm>> -> memref<8x128xf32, #tpu.memory_space<hbm>>
    %dma_wait3A_627 = arith.constant 0 : i32
    %dma_wait3A_628 = arith.constant 0 : i32
    %dma_wait3A_629 = tpu.memref_slice %arg9[%dma_wait3A_627, %dma_wait3A_628] : memref<64x137xf32, #tpu.memory_space<vmem>> -> memref<8x128xf32, #tpu.memory_space<vmem>>
    tpu.wait_dma2 semaphore(%arg13 : memref<!tpu.dma_semaphore, #tpu.memory_space<semaphore_mem>>) src(%dma_wait3A_629 : memref<8x128xf32, #tpu.memory_space<vmem>>) dst(%dma_wait3A_626 : memref<8x128xf32, #tpu.memory_space<hbm>>)
    %dma_wait3A_630 = arith.constant 0 : i32
    %dma_wait3A_631 = arith.constant 2 : i32
    %dma_wait3A_632 = arith.constant 0 : i32
    %dma_wait3A_633 = arith.constant 0 : i32
    %dma_wait3A_634 = tpu.memref_slice %arg9[%dma_wait3A_632, %dma_wait3A_633] : memref<64x137xf32, #tpu.memory_space<vmem>> -> memref<8x128xf32, #tpu.memory_space<vmem>>
    %dma_wait3A_635 = arith.constant 0 : i32
    %dma_wait3A_636 = arith.constant 0 : i32
    %dma_wait3A_637 = tpu.memref_slice %arg4[%dma_wait3A_630, %dma_wait3A_631, %add3A, %dma_wait3A_635, %dma_wait3A_636] : memref<200x8x32x8x128xf32, #tpu.memory_space<hbm>> -> memref<1x1x1x8x128xf32, #tpu.memory_space<hbm>>
    %dma_wait3A_638 = tpu.memref_squeeze %dma_wait3A_637 : memref<1x1x1x8x128xf32, #tpu.memory_space<hbm>> -> memref<8x128xf32, #tpu.memory_space<hbm>>
    %dma_wait3A_639 = arith.constant 0 : i32
    %dma_wait3A_640 = arith.constant 0 : i32
    %dma_wait3A_641 = tpu.memref_slice %arg4[%dma_wait3A_630, %dma_wait3A_631, %add3A, %dma_wait3A_639, %dma_wait3A_640] : memref<200x8x32x8x128xf32, #tpu.memory_space<hbm>> -> memref<1x1x1x8x128xf32, #tpu.memory_space<hbm>>
    %dma_wait3A_642 = tpu.memref_squeeze %dma_wait3A_641 : memref<1x1x1x8x128xf32, #tpu.memory_space<hbm>> -> memref<8x128xf32, #tpu.memory_space<hbm>>
    %dma_wait3A_643 = arith.constant 0 : i32
    %dma_wait3A_644 = arith.constant 0 : i32
    %dma_wait3A_645 = tpu.memref_slice %arg9[%dma_wait3A_643, %dma_wait3A_644] : memref<64x137xf32, #tpu.memory_space<vmem>> -> memref<8x128xf32, #tpu.memory_space<vmem>>
    tpu.wait_dma2 semaphore(%arg13 : memref<!tpu.dma_semaphore, #tpu.memory_space<semaphore_mem>>) src(%dma_wait3A_645 : memref<8x128xf32, #tpu.memory_space<vmem>>) dst(%dma_wait3A_642 : memref<8x128xf32, #tpu.memory_space<hbm>>)
    %dma_wait3A_646 = arith.constant 0 : i32
    %dma_wait3A_647 = arith.constant 3 : i32
    %dma_wait3A_648 = arith.constant 0 : i32
    %dma_wait3A_649 = arith.constant 0 : i32
    %dma_wait3A_650 = tpu.memref_slice %arg9[%dma_wait3A_648, %dma_wait3A_649] : memref<64x137xf32, #tpu.memory_space<vmem>> -> memref<8x128xf32, #tpu.memory_space<vmem>>
    %dma_wait3A_651 = arith.constant 0 : i32
    %dma_wait3A_652 = arith.constant 0 : i32
    %dma_wait3A_653 = tpu.memref_slice %arg4[%dma_wait3A_646, %dma_wait3A_647, %add3A, %dma_wait3A_651, %dma_wait3A_652] : memref<200x8x32x8x128xf32, #tpu.memory_space<hbm>> -> memref<1x1x1x8x128xf32, #tpu.memory_space<hbm>>
    %dma_wait3A_654 = tpu.memref_squeeze %dma_wait3A_653 : memref<1x1x1x8x128xf32, #tpu.memory_space<hbm>> -> memref<8x128xf32, #tpu.memory_space<hbm>>
    %dma_wait3A_655 = arith.constant 0 : i32
    %dma_wait3A_656 = arith.constant 0 : i32
    %dma_wait3A_657 = tpu.memref_slice %arg4[%dma_wait3A_646, %dma_wait3A_647, %add3A, %dma_wait3A_655, %dma_wait3A_656] : memref<200x8x32x8x128xf32, #tpu.memory_space<hbm>> -> memref<1x1x1x8x128xf32, #tpu.memory_space<hbm>>
    %dma_wait3A_658 = tpu.memref_squeeze %dma_wait3A_657 : memref<1x1x1x8x128xf32, #tpu.memory_space<hbm>> -> memref<8x128xf32, #tpu.memory_space<hbm>>
    %dma_wait3A_659 = arith.constant 0 : i32
    %dma_wait3A_660 = arith.constant 0 : i32
    %dma_wait3A_661 = tpu.memref_slice %arg9[%dma_wait3A_659, %dma_wait3A_660] : memref<64x137xf32, #tpu.memory_space<vmem>> -> memref<8x128xf32, #tpu.memory_space<vmem>>
    tpu.wait_dma2 semaphore(%arg13 : memref<!tpu.dma_semaphore, #tpu.memory_space<semaphore_mem>>) src(%dma_wait3A_661 : memref<8x128xf32, #tpu.memory_space<vmem>>) dst(%dma_wait3A_658 : memref<8x128xf32, #tpu.memory_space<hbm>>)
    %dma_wait3A_662 = arith.constant 0 : i32
    %dma_wait3A_663 = arith.constant 4 : i32
    %dma_wait3A_664 = arith.constant 0 : i32
    %dma_wait3A_665 = arith.constant 0 : i32
    %dma_wait3A_666 = tpu.memref_slice %arg9[%dma_wait3A_664, %dma_wait3A_665] : memref<64x137xf32, #tpu.memory_space<vmem>> -> memref<8x128xf32, #tpu.memory_space<vmem>>
    %dma_wait3A_667 = arith.constant 0 : i32
    %dma_wait3A_668 = arith.constant 0 : i32
    %dma_wait3A_669 = tpu.memref_slice %arg4[%dma_wait3A_662, %dma_wait3A_663, %add3A, %dma_wait3A_667, %dma_wait3A_668] : memref<200x8x32x8x128xf32, #tpu.memory_space<hbm>> -> memref<1x1x1x8x128xf32, #tpu.memory_space<hbm>>
    %dma_wait3A_670 = tpu.memref_squeeze %dma_wait3A_669 : memref<1x1x1x8x128xf32, #tpu.memory_space<hbm>> -> memref<8x128xf32, #tpu.memory_space<hbm>>
    %dma_wait3A_671 = arith.constant 0 : i32
    %dma_wait3A_672 = arith.constant 0 : i32
    %dma_wait3A_673 = tpu.memref_slice %arg4[%dma_wait3A_662, %dma_wait3A_663, %add3A, %dma_wait3A_671, %dma_wait3A_672] : memref<200x8x32x8x128xf32, #tpu.memory_space<hbm>> -> memref<1x1x1x8x128xf32, #tpu.memory_space<hbm>>
    %dma_wait3A_674 = tpu.memref_squeeze %dma_wait3A_673 : memref<1x1x1x8x128xf32, #tpu.memory_space<hbm>> -> memref<8x128xf32, #tpu.memory_space<hbm>>
    %dma_wait3A_675 = arith.constant 0 : i32
    %dma_wait3A_676 = arith.constant 0 : i32
    %dma_wait3A_677 = tpu.memref_slice %arg9[%dma_wait3A_675, %dma_wait3A_676] : memref<64x137xf32, #tpu.memory_space<vmem>> -> memref<8x128xf32, #tpu.memory_space<vmem>>
    tpu.wait_dma2 semaphore(%arg13 : memref<!tpu.dma_semaphore, #tpu.memory_space<semaphore_mem>>) src(%dma_wait3A_677 : memref<8x128xf32, #tpu.memory_space<vmem>>) dst(%dma_wait3A_674 : memref<8x128xf32, #tpu.memory_space<hbm>>)
    %dma_wait3A_678 = arith.constant 0 : i32
    %dma_wait3A_679 = arith.constant 5 : i32
    %dma_wait3A_680 = arith.constant 0 : i32
    %dma_wait3A_681 = arith.constant 0 : i32
    %dma_wait3A_682 = tpu.memref_slice %arg9[%dma_wait3A_680, %dma_wait3A_681] : memref<64x137xf32, #tpu.memory_space<vmem>> -> memref<8x128xf32, #tpu.memory_space<vmem>>
    %dma_wait3A_683 = arith.constant 0 : i32
    %dma_wait3A_684 = arith.constant 0 : i32
    %dma_wait3A_685 = tpu.memref_slice %arg4[%dma_wait3A_678, %dma_wait3A_679, %add3A, %dma_wait3A_683, %dma_wait3A_684] : memref<200x8x32x8x128xf32, #tpu.memory_space<hbm>> -> memref<1x1x1x8x128xf32, #tpu.memory_space<hbm>>
    %dma_wait3A_686 = tpu.memref_squeeze %dma_wait3A_685 : memref<1x1x1x8x128xf32, #tpu.memory_space<hbm>> -> memref<8x128xf32, #tpu.memory_space<hbm>>
    %dma_wait3A_687 = arith.constant 0 : i32
    %dma_wait3A_688 = arith.constant 0 : i32
    %dma_wait3A_689 = tpu.memref_slice %arg4[%dma_wait3A_678, %dma_wait3A_679, %add3A, %dma_wait3A_687, %dma_wait3A_688] : memref<200x8x32x8x128xf32, #tpu.memory_space<hbm>> -> memref<1x1x1x8x128xf32, #tpu.memory_space<hbm>>
    %dma_wait3A_690 = tpu.memref_squeeze %dma_wait3A_689 : memref<1x1x1x8x128xf32, #tpu.memory_space<hbm>> -> memref<8x128xf32, #tpu.memory_space<hbm>>
    %dma_wait3A_691 = arith.constant 0 : i32
    %dma_wait3A_692 = arith.constant 0 : i32
    %dma_wait3A_693 = tpu.memref_slice %arg9[%dma_wait3A_691, %dma_wait3A_692] : memref<64x137xf32, #tpu.memory_space<vmem>> -> memref<8x128xf32, #tpu.memory_space<vmem>>
    tpu.wait_dma2 semaphore(%arg13 : memref<!tpu.dma_semaphore, #tpu.memory_space<semaphore_mem>>) src(%dma_wait3A_693 : memref<8x128xf32, #tpu.memory_space<vmem>>) dst(%dma_wait3A_690 : memref<8x128xf32, #tpu.memory_space<hbm>>)
    %dma_wait3A_694 = arith.constant 0 : i32
    %dma_wait3A_695 = arith.constant 6 : i32
    %dma_wait3A_696 = arith.constant 0 : i32
    %dma_wait3A_697 = arith.constant 0 : i32
    %dma_wait3A_698 = tpu.memref_slice %arg9[%dma_wait3A_696, %dma_wait3A_697] : memref<64x137xf32, #tpu.memory_space<vmem>> -> memref<8x128xf32, #tpu.memory_space<vmem>>
    %dma_wait3A_699 = arith.constant 0 : i32
    %dma_wait3A_700 = arith.constant 0 : i32
    %dma_wait3A_701 = tpu.memref_slice %arg4[%dma_wait3A_694, %dma_wait3A_695, %add3A, %dma_wait3A_699, %dma_wait3A_700] : memref<200x8x32x8x128xf32, #tpu.memory_space<hbm>> -> memref<1x1x1x8x128xf32, #tpu.memory_space<hbm>>
    %dma_wait3A_702 = tpu.memref_squeeze %dma_wait3A_701 : memref<1x1x1x8x128xf32, #tpu.memory_space<hbm>> -> memref<8x128xf32, #tpu.memory_space<hbm>>
    %dma_wait3A_703 = arith.constant 0 : i32
    %dma_wait3A_704 = arith.constant 0 : i32
    %dma_wait3A_705 = tpu.memref_slice %arg4[%dma_wait3A_694, %dma_wait3A_695, %add3A, %dma_wait3A_703, %dma_wait3A_704] : memref<200x8x32x8x128xf32, #tpu.memory_space<hbm>> -> memref<1x1x1x8x128xf32, #tpu.memory_space<hbm>>
    %dma_wait3A_706 = tpu.memref_squeeze %dma_wait3A_705 : memref<1x1x1x8x128xf32, #tpu.memory_space<hbm>> -> memref<8x128xf32, #tpu.memory_space<hbm>>
    %dma_wait3A_707 = arith.constant 0 : i32
    %dma_wait3A_708 = arith.constant 0 : i32
    %dma_wait3A_709 = tpu.memref_slice %arg9[%dma_wait3A_707, %dma_wait3A_708] : memref<64x137xf32, #tpu.memory_space<vmem>> -> memref<8x128xf32, #tpu.memory_space<vmem>>
    tpu.wait_dma2 semaphore(%arg13 : memref<!tpu.dma_semaphore, #tpu.memory_space<semaphore_mem>>) src(%dma_wait3A_709 : memref<8x128xf32, #tpu.memory_space<vmem>>) dst(%dma_wait3A_706 : memref<8x128xf32, #tpu.memory_space<hbm>>)
    %dma_wait3A_710 = arith.constant 0 : i32
    %dma_wait3A_711 = arith.constant 7 : i32
    %dma_wait3A_712 = arith.constant 0 : i32
    %dma_wait3A_713 = arith.constant 0 : i32
    %dma_wait3A_714 = tpu.memref_slice %arg9[%dma_wait3A_712, %dma_wait3A_713] : memref<64x137xf32, #tpu.memory_space<vmem>> -> memref<8x128xf32, #tpu.memory_space<vmem>>
    %dma_wait3A_715 = arith.constant 0 : i32
    %dma_wait3A_716 = arith.constant 0 : i32
    %dma_wait3A_717 = tpu.memref_slice %arg4[%dma_wait3A_710, %dma_wait3A_711, %add3A, %dma_wait3A_715, %dma_wait3A_716] : memref<200x8x32x8x128xf32, #tpu.memory_space<hbm>> -> memref<1x1x1x8x128xf32, #tpu.memory_space<hbm>>
    %dma_wait3A_718 = tpu.memref_squeeze %dma_wait3A_717 : memref<1x1x1x8x128xf32, #tpu.memory_space<hbm>> -> memref<8x128xf32, #tpu.memory_space<hbm>>
    %dma_wait3A_719 = arith.constant 0 : i32
    %dma_wait3A_720 = arith.constant 0 : i32
    %dma_wait3A_721 = tpu.memref_slice %arg4[%dma_wait3A_710, %dma_wait3A_711, %add3A, %dma_wait3A_719, %dma_wait3A_720] : memref<200x8x32x8x128xf32, #tpu.memory_space<hbm>> -> memref<1x1x1x8x128xf32, #tpu.memory_space<hbm>>
    %dma_wait3A_722 = tpu.memref_squeeze %dma_wait3A_721 : memref<1x1x1x8x128xf32, #tpu.memory_space<hbm>> -> memref<8x128xf32, #tpu.memory_space<hbm>>
    %dma_wait3A_723 = arith.constant 0 : i32
    %dma_wait3A_724 = arith.constant 0 : i32
    %dma_wait3A_725 = tpu.memref_slice %arg9[%dma_wait3A_723, %dma_wait3A_724] : memref<64x137xf32, #tpu.memory_space<vmem>> -> memref<8x128xf32, #tpu.memory_space<vmem>>
    tpu.wait_dma2 semaphore(%arg13 : memref<!tpu.dma_semaphore, #tpu.memory_space<semaphore_mem>>) src(%dma_wait3A_725 : memref<8x128xf32, #tpu.memory_space<vmem>>) dst(%dma_wait3A_722 : memref<8x128xf32, #tpu.memory_space<hbm>>)
    %parallel_loop3A_726 = arith.constant 0 : i32
    %parallel_loop3A_727 = arith.constant 128 : i32
    %parallel_loop3A_728 = arith.constant 1 : i32
    scf.for %parallel_loop3A_1113 = %parallel_loop3A_726 to %parallel_loop3A_727 step %parallel_loop3A_728  : i32 {
      %parallel_loop3A_1114 = vector.broadcast %parallel_loop3A_1113 : i32 to vector<16xi32>
      %parallel_loop3A_1115 = arith.index_cast %parallel_loop3A_1113 : i32 to index
      %parallel_loop3A_1116 = arith.constant 0 : index
      %parallel_loop3A_1117 = tpu.vector_load %arg7[%parallel_loop3A_1115, %parallel_loop3A_1116] {strides = array<i32>} : memref<128x64xf32, #tpu.memory_space<vmem>>, vector<16xf32>,
      %parallel_loop3A_1118 = arith.constant 8.000000e+00 : f32
      %parallel_loop3A_1119 = vector.broadcast %parallel_loop3A_1118 : f32 to vector<16xf32>
      %parallel_loop3A_1120 = arith.mulf %parallel_loop3A_1117, %parallel_loop3A_1119 : vector<16xf32>
      tpu.vector_store_idx %arg9[%add3A_7, %parallel_loop3A_1114], %parallel_loop3A_1120 : memref<64x137xf32, #tpu.memory_space<vmem>>[vector<16xi32>, vector<16xi32>], vector<16xf32>,
      %parallel_loop3A_1121 = arith.index_cast %parallel_loop3A_1113 : i32 to index
      %parallel_loop3A_1122 = arith.constant 16 : index
      %parallel_loop3A_1123 = tpu.vector_load %arg7[%parallel_loop3A_1121, %parallel_loop3A_1122] {strides = array<i32>} : memref<128x64xf32, #tpu.memory_space<vmem>>, vector<16xf32>,
      %parallel_loop3A_1124 = arith.constant 8.000000e+00 : f32
      %parallel_loop3A_1125 = vector.broadcast %parallel_loop3A_1124 : f32 to vector<16xf32>
      %parallel_loop3A_1126 = arith.mulf %parallel_loop3A_1123, %parallel_loop3A_1125 : vector<16xf32>
      tpu.vector_store_idx %arg9[%add3A_10, %parallel_loop3A_1114], %parallel_loop3A_1126 : memref<64x137xf32, #tpu.memory_space<vmem>>[vector<16xi32>, vector<16xi32>], vector<16xf32>,
      %parallel_loop3A_1127 = arith.index_cast %parallel_loop3A_1113 : i32 to index
      %parallel_loop3A_1128 = arith.constant 32 : index
      %parallel_loop3A_1129 = tpu.vector_load %arg7[%parallel_loop3A_1127, %parallel_loop3A_1128] {strides = array<i32>} : memref<128x64xf32, #tpu.memory_space<vmem>>, vector<16xf32>,
      %parallel_loop3A_1130 = arith.constant 8.000000e+00 : f32
      %parallel_loop3A_1131 = vector.broadcast %parallel_loop3A_1130 : f32 to vector<16xf32>
      %parallel_loop3A_1132 = arith.mulf %parallel_loop3A_1129, %parallel_loop3A_1131 : vector<16xf32>
      tpu.vector_store_idx %arg9[%add3A_13, %parallel_loop3A_1114], %parallel_loop3A_1132 : memref<64x137xf32, #tpu.memory_space<vmem>>[vector<16xi32>, vector<16xi32>], vector<16xf32>,
      %parallel_loop3A_1133 = arith.index_cast %parallel_loop3A_1113 : i32 to index
      %parallel_loop3A_1134 = arith.constant 48 : index
      %parallel_loop3A_1135 = tpu.vector_load %arg7[%parallel_loop3A_1133, %parallel_loop3A_1134] {strides = array<i32>} : memref<128x64xf32, #tpu.memory_space<vmem>>, vector<16xf32>,
      %parallel_loop3A_1136 = arith.constant 8.000000e+00 : f32
      %parallel_loop3A_1137 = vector.broadcast %parallel_loop3A_1136 : f32 to vector<16xf32>
      %parallel_loop3A_1138 = arith.mulf %parallel_loop3A_1135, %parallel_loop3A_1137 : vector<16xf32>
      tpu.vector_store_idx %arg9[%add3A_16, %parallel_loop3A_1114], %parallel_loop3A_1138 : memref<64x137xf32, #tpu.memory_space<vmem>>[vector<16xi32>, vector<16xi32>], vector<16xf32>,
    } {sc.loop_unroll_factor = 4 : i64, sc.parallel_access}
    %dma_start3A_729 = arith.constant 199 : i32
    %dma_start3A_730 = arith.constant 0 : i32
    %dma_start3A_731 = arith.constant 0 : i32
    %dma_start3A_732 = arith.constant 0 : i32
    %dma_start3A_733 = tpu.memref_slice %arg9[%dma_start3A_731, %dma_start3A_732] : memref<64x137xf32, #tpu.memory_space<vmem>> -> memref<8x128xf32, #tpu.memory_space<vmem>>
    %dma_start3A_734 = arith.constant 0 : i32
    %dma_start3A_735 = arith.constant 0 : i32
    %dma_start3A_736 = tpu.memref_slice %arg4[%dma_start3A_729, %dma_start3A_730, %add3A, %dma_start3A_734, %dma_start3A_735] : memref<200x8x32x8x128xf32, #tpu.memory_space<hbm>> -> memref<1x1x1x8x128xf32, #tpu.memory_space<hbm>>
    %dma_start3A_737 = tpu.memref_squeeze %dma_start3A_736 : memref<1x1x1x8x128xf32, #tpu.memory_space<hbm>> -> memref<8x128xf32, #tpu.memory_space<hbm>>
    %dma_start3A_738 = arith.constant 0 : i32
    %dma_start3A_739 = arith.constant 0 : i32
    %dma_start3A_740 = tpu.memref_slice %arg4[%dma_start3A_729, %dma_start3A_730, %add3A, %dma_start3A_738, %dma_start3A_739] : memref<200x8x32x8x128xf32, #tpu.memory_space<hbm>> -> memref<1x1x1x8x128xf32, #tpu.memory_space<hbm>>
    %dma_start3A_741 = tpu.memref_squeeze %dma_start3A_740 : memref<1x1x1x8x128xf32, #tpu.memory_space<hbm>> -> memref<8x128xf32, #tpu.memory_space<hbm>>
    %dma_start3A_742 = arith.constant 0 : i32
    %dma_start3A_743 = arith.constant 0 : i32
    %dma_start3A_744 = tpu.memref_slice %arg9[%dma_start3A_742, %dma_start3A_743] : memref<64x137xf32, #tpu.memory_space<vmem>> -> memref<8x128xf32, #tpu.memory_space<vmem>>
    tpu.enqueue_dma source(%dma_start3A_744 : memref<8x128xf32, #tpu.memory_space<vmem>>) target(%dma_start3A_741 : memref<8x128xf32, #tpu.memory_space<hbm>>) target_semaphore(%arg13 : memref<!tpu.dma_semaphore, #tpu.memory_space<semaphore_mem>>)
    %dma_start3A_745 = arith.constant 199 : i32
    %dma_start3A_746 = arith.constant 1 : i32
    %dma_start3A_747 = arith.constant 8 : i32
    %dma_start3A_748 = arith.constant 0 : i32
    %dma_start3A_749 = tpu.memref_slice %arg9[%dma_start3A_747, %dma_start3A_748] : memref<64x137xf32, #tpu.memory_space<vmem>> -> memref<8x128xf32, #tpu.memory_space<vmem>>
    %dma_start3A_750 = arith.constant 0 : i32
    %dma_start3A_751 = arith.constant 0 : i32
    %dma_start3A_752 = tpu.memref_slice %arg4[%dma_start3A_745, %dma_start3A_746, %add3A, %dma_start3A_750, %dma_start3A_751] : memref<200x8x32x8x128xf32, #tpu.memory_space<hbm>> -> memref<1x1x1x8x128xf32, #tpu.memory_space<hbm>>
    %dma_start3A_753 = tpu.memref_squeeze %dma_start3A_752 : memref<1x1x1x8x128xf32, #tpu.memory_space<hbm>> -> memref<8x128xf32, #tpu.memory_space<hbm>>
    %dma_start3A_754 = arith.constant 0 : i32
    %dma_start3A_755 = arith.constant 0 : i32
    %dma_start3A_756 = tpu.memref_slice %arg4[%dma_start3A_745, %dma_start3A_746, %add3A, %dma_start3A_754, %dma_start3A_755] : memref<200x8x32x8x128xf32, #tpu.memory_space<hbm>> -> memref<1x1x1x8x128xf32, #tpu.memory_space<hbm>>
    %dma_start3A_757 = tpu.memref_squeeze %dma_start3A_756 : memref<1x1x1x8x128xf32, #tpu.memory_space<hbm>> -> memref<8x128xf32, #tpu.memory_space<hbm>>
    %dma_start3A_758 = arith.constant 8 : i32
    %dma_start3A_759 = arith.constant 0 : i32
    %dma_start3A_760 = tpu.memref_slice %arg9[%dma_start3A_758, %dma_start3A_759] : memref<64x137xf32, #tpu.memory_space<vmem>> -> memref<8x128xf32, #tpu.memory_space<vmem>>
    tpu.enqueue_dma source(%dma_start3A_760 : memref<8x128xf32, #tpu.memory_space<vmem>>) target(%dma_start3A_757 : memref<8x128xf32, #tpu.memory_space<hbm>>) target_semaphore(%arg13 : memref<!tpu.dma_semaphore, #tpu.memory_space<semaphore_mem>>)
    %dma_start3A_761 = arith.constant 199 : i32
    %dma_start3A_762 = arith.constant 2 : i32
    %dma_start3A_763 = arith.constant 16 : i32
    %dma_start3A_764 = arith.constant 0 : i32
    %dma_start3A_765 = tpu.memref_slice %arg9[%dma_start3A_763, %dma_start3A_764] : memref<64x137xf32, #tpu.memory_space<vmem>> -> memref<8x128xf32, #tpu.memory_space<vmem>>
    %dma_start3A_766 = arith.constant 0 : i32
    %dma_start3A_767 = arith.constant 0 : i32
    %dma_start3A_768 = tpu.memref_slice %arg4[%dma_start3A_761, %dma_start3A_762, %add3A, %dma_start3A_766, %dma_start3A_767] : memref<200x8x32x8x128xf32, #tpu.memory_space<hbm>> -> memref<1x1x1x8x128xf32, #tpu.memory_space<hbm>>
    %dma_start3A_769 = tpu.memref_squeeze %dma_start3A_768 : memref<1x1x1x8x128xf32, #tpu.memory_space<hbm>> -> memref<8x128xf32, #tpu.memory_space<hbm>>
    %dma_start3A_770 = arith.constant 0 : i32
    %dma_start3A_771 = arith.constant 0 : i32
    %dma_start3A_772 = tpu.memref_slice %arg4[%dma_start3A_761, %dma_start3A_762, %add3A, %dma_start3A_770, %dma_start3A_771] : memref<200x8x32x8x128xf32, #tpu.memory_space<hbm>> -> memref<1x1x1x8x128xf32, #tpu.memory_space<hbm>>
    %dma_start3A_773 = tpu.memref_squeeze %dma_start3A_772 : memref<1x1x1x8x128xf32, #tpu.memory_space<hbm>> -> memref<8x128xf32, #tpu.memory_space<hbm>>
    %dma_start3A_774 = arith.constant 16 : i32
    %dma_start3A_775 = arith.constant 0 : i32
    %dma_start3A_776 = tpu.memref_slice %arg9[%dma_start3A_774, %dma_start3A_775] : memref<64x137xf32, #tpu.memory_space<vmem>> -> memref<8x128xf32, #tpu.memory_space<vmem>>
    tpu.enqueue_dma source(%dma_start3A_776 : memref<8x128xf32, #tpu.memory_space<vmem>>) target(%dma_start3A_773 : memref<8x128xf32, #tpu.memory_space<hbm>>) target_semaphore(%arg13 : memref<!tpu.dma_semaphore, #tpu.memory_space<semaphore_mem>>)
    %dma_start3A_777 = arith.constant 199 : i32
    %dma_start3A_778 = arith.constant 3 : i32
    %dma_start3A_779 = arith.constant 24 : i32
    %dma_start3A_780 = arith.constant 0 : i32
    %dma_start3A_781 = tpu.memref_slice %arg9[%dma_start3A_779, %dma_start3A_780] : memref<64x137xf32, #tpu.memory_space<vmem>> -> memref<8x128xf32, #tpu.memory_space<vmem>>
    %dma_start3A_782 = arith.constant 0 : i32
    %dma_start3A_783 = arith.constant 0 : i32
    %dma_start3A_784 = tpu.memref_slice %arg4[%dma_start3A_777, %dma_start3A_778, %add3A, %dma_start3A_782, %dma_start3A_783] : memref<200x8x32x8x128xf32, #tpu.memory_space<hbm>> -> memref<1x1x1x8x128xf32, #tpu.memory_space<hbm>>
    %dma_start3A_785 = tpu.memref_squeeze %dma_start3A_784 : memref<1x1x1x8x128xf32, #tpu.memory_space<hbm>> -> memref<8x128xf32, #tpu.memory_space<hbm>>
    %dma_start3A_786 = arith.constant 0 : i32
    %dma_start3A_787 = arith.constant 0 : i32
    %dma_start3A_788 = tpu.memref_slice %arg4[%dma_start3A_777, %dma_start3A_778, %add3A, %dma_start3A_786, %dma_start3A_787] : memref<200x8x32x8x128xf32, #tpu.memory_space<hbm>> -> memref<1x1x1x8x128xf32, #tpu.memory_space<hbm>>
    %dma_start3A_789 = tpu.memref_squeeze %dma_start3A_788 : memref<1x1x1x8x128xf32, #tpu.memory_space<hbm>> -> memref<8x128xf32, #tpu.memory_space<hbm>>
    %dma_start3A_790 = arith.constant 24 : i32
    %dma_start3A_791 = arith.constant 0 : i32
    %dma_start3A_792 = tpu.memref_slice %arg9[%dma_start3A_790, %dma_start3A_791] : memref<64x137xf32, #tpu.memory_space<vmem>> -> memref<8x128xf32, #tpu.memory_space<vmem>>
    tpu.enqueue_dma source(%dma_start3A_792 : memref<8x128xf32, #tpu.memory_space<vmem>>) target(%dma_start3A_789 : memref<8x128xf32, #tpu.memory_space<hbm>>) target_semaphore(%arg13 : memref<!tpu.dma_semaphore, #tpu.memory_space<semaphore_mem>>)
    %dma_start3A_793 = arith.constant 199 : i32
    %dma_start3A_794 = arith.constant 4 : i32
    %dma_start3A_795 = arith.constant 32 : i32
    %dma_start3A_796 = arith.constant 0 : i32
    %dma_start3A_797 = tpu.memref_slice %arg9[%dma_start3A_795, %dma_start3A_796] : memref<64x137xf32, #tpu.memory_space<vmem>> -> memref<8x128xf32, #tpu.memory_space<vmem>>
    %dma_start3A_798 = arith.constant 0 : i32
    %dma_start3A_799 = arith.constant 0 : i32
    %dma_start3A_800 = tpu.memref_slice %arg4[%dma_start3A_793, %dma_start3A_794, %add3A, %dma_start3A_798, %dma_start3A_799] : memref<200x8x32x8x128xf32, #tpu.memory_space<hbm>> -> memref<1x1x1x8x128xf32, #tpu.memory_space<hbm>>
    %dma_start3A_801 = tpu.memref_squeeze %dma_start3A_800 : memref<1x1x1x8x128xf32, #tpu.memory_space<hbm>> -> memref<8x128xf32, #tpu.memory_space<hbm>>
    %dma_start3A_802 = arith.constant 0 : i32
    %dma_start3A_803 = arith.constant 0 : i32
    %dma_start3A_804 = tpu.memref_slice %arg4[%dma_start3A_793, %dma_start3A_794, %add3A, %dma_start3A_802, %dma_start3A_803] : memref<200x8x32x8x128xf32, #tpu.memory_space<hbm>> -> memref<1x1x1x8x128xf32, #tpu.memory_space<hbm>>
    %dma_start3A_805 = tpu.memref_squeeze %dma_start3A_804 : memref<1x1x1x8x128xf32, #tpu.memory_space<hbm>> -> memref<8x128xf32, #tpu.memory_space<hbm>>
    %dma_start3A_806 = arith.constant 32 : i32
    %dma_start3A_807 = arith.constant 0 : i32
    %dma_start3A_808 = tpu.memref_slice %arg9[%dma_start3A_806, %dma_start3A_807] : memref<64x137xf32, #tpu.memory_space<vmem>> -> memref<8x128xf32, #tpu.memory_space<vmem>>
    tpu.enqueue_dma source(%dma_start3A_808 : memref<8x128xf32, #tpu.memory_space<vmem>>) target(%dma_start3A_805 : memref<8x128xf32, #tpu.memory_space<hbm>>) target_semaphore(%arg13 : memref<!tpu.dma_semaphore, #tpu.memory_space<semaphore_mem>>)
    %dma_start3A_809 = arith.constant 199 : i32
    %dma_start3A_810 = arith.constant 5 : i32
    %dma_start3A_811 = arith.constant 40 : i32
    %dma_start3A_812 = arith.constant 0 : i32
    %dma_start3A_813 = tpu.memref_slice %arg9[%dma_start3A_811, %dma_start3A_812] : memref<64x137xf32, #tpu.memory_space<vmem>> -> memref<8x128xf32, #tpu.memory_space<vmem>>
    %dma_start3A_814 = arith.constant 0 : i32
    %dma_start3A_815 = arith.constant 0 : i32
    %dma_start3A_816 = tpu.memref_slice %arg4[%dma_start3A_809, %dma_start3A_810, %add3A, %dma_start3A_814, %dma_start3A_815] : memref<200x8x32x8x128xf32, #tpu.memory_space<hbm>> -> memref<1x1x1x8x128xf32, #tpu.memory_space<hbm>>
    %dma_start3A_817 = tpu.memref_squeeze %dma_start3A_816 : memref<1x1x1x8x128xf32, #tpu.memory_space<hbm>> -> memref<8x128xf32, #tpu.memory_space<hbm>>
    %dma_start3A_818 = arith.constant 0 : i32
    %dma_start3A_819 = arith.constant 0 : i32
    %dma_start3A_820 = tpu.memref_slice %arg4[%dma_start3A_809, %dma_start3A_810, %add3A, %dma_start3A_818, %dma_start3A_819] : memref<200x8x32x8x128xf32, #tpu.memory_space<hbm>> -> memref<1x1x1x8x128xf32, #tpu.memory_space<hbm>>
    %dma_start3A_821 = tpu.memref_squeeze %dma_start3A_820 : memref<1x1x1x8x128xf32, #tpu.memory_space<hbm>> -> memref<8x128xf32, #tpu.memory_space<hbm>>
    %dma_start3A_822 = arith.constant 40 : i32
    %dma_start3A_823 = arith.constant 0 : i32
    %dma_start3A_824 = tpu.memref_slice %arg9[%dma_start3A_822, %dma_start3A_823] : memref<64x137xf32, #tpu.memory_space<vmem>> -> memref<8x128xf32, #tpu.memory_space<vmem>>
    tpu.enqueue_dma source(%dma_start3A_824 : memref<8x128xf32, #tpu.memory_space<vmem>>) target(%dma_start3A_821 : memref<8x128xf32, #tpu.memory_space<hbm>>) target_semaphore(%arg13 : memref<!tpu.dma_semaphore, #tpu.memory_space<semaphore_mem>>)
    %dma_start3A_825 = arith.constant 199 : i32
    %dma_start3A_826 = arith.constant 6 : i32
    %dma_start3A_827 = arith.constant 48 : i32
    %dma_start3A_828 = arith.constant 0 : i32
    %dma_start3A_829 = tpu.memref_slice %arg9[%dma_start3A_827, %dma_start3A_828] : memref<64x137xf32, #tpu.memory_space<vmem>> -> memref<8x128xf32, #tpu.memory_space<vmem>>
    %dma_start3A_830 = arith.constant 0 : i32
    %dma_start3A_831 = arith.constant 0 : i32
    %dma_start3A_832 = tpu.memref_slice %arg4[%dma_start3A_825, %dma_start3A_826, %add3A, %dma_start3A_830, %dma_start3A_831] : memref<200x8x32x8x128xf32, #tpu.memory_space<hbm>> -> memref<1x1x1x8x128xf32, #tpu.memory_space<hbm>>
    %dma_start3A_833 = tpu.memref_squeeze %dma_start3A_832 : memref<1x1x1x8x128xf32, #tpu.memory_space<hbm>> -> memref<8x128xf32, #tpu.memory_space<hbm>>
    %dma_start3A_834 = arith.constant 0 : i32
    %dma_start3A_835 = arith.constant 0 : i32
    %dma_start3A_836 = tpu.memref_slice %arg4[%dma_start3A_825, %dma_start3A_826, %add3A, %dma_start3A_834, %dma_start3A_835] : memref<200x8x32x8x128xf32, #tpu.memory_space<hbm>> -> memref<1x1x1x8x128xf32, #tpu.memory_space<hbm>>
    %dma_start3A_837 = tpu.memref_squeeze %dma_start3A_836 : memref<1x1x1x8x128xf32, #tpu.memory_space<hbm>> -> memref<8x128xf32, #tpu.memory_space<hbm>>
    %dma_start3A_838 = arith.constant 48 : i32
    %dma_start3A_839 = arith.constant 0 : i32
    %dma_start3A_840 = tpu.memref_slice %arg9[%dma_start3A_838, %dma_start3A_839] : memref<64x137xf32, #tpu.memory_space<vmem>> -> memref<8x128xf32, #tpu.memory_space<vmem>>
    tpu.enqueue_dma source(%dma_start3A_840 : memref<8x128xf32, #tpu.memory_space<vmem>>) target(%dma_start3A_837 : memref<8x128xf32, #tpu.memory_space<hbm>>) target_semaphore(%arg13 : memref<!tpu.dma_semaphore, #tpu.memory_space<semaphore_mem>>)
    %dma_start3A_841 = arith.constant 199 : i32
    %dma_start3A_842 = arith.constant 7 : i32
    %dma_start3A_843 = arith.constant 56 : i32
    %dma_start3A_844 = arith.constant 0 : i32
    %dma_start3A_845 = tpu.memref_slice %arg9[%dma_start3A_843, %dma_start3A_844] : memref<64x137xf32, #tpu.memory_space<vmem>> -> memref<8x128xf32, #tpu.memory_space<vmem>>
    %dma_start3A_846 = arith.constant 0 : i32
    %dma_start3A_847 = arith.constant 0 : i32
    %dma_start3A_848 = tpu.memref_slice %arg4[%dma_start3A_841, %dma_start3A_842, %add3A, %dma_start3A_846, %dma_start3A_847] : memref<200x8x32x8x128xf32, #tpu.memory_space<hbm>> -> memref<1x1x1x8x128xf32, #tpu.memory_space<hbm>>
    %dma_start3A_849 = tpu.memref_squeeze %dma_start3A_848 : memref<1x1x1x8x128xf32, #tpu.memory_space<hbm>> -> memref<8x128xf32, #tpu.memory_space<hbm>>
    %dma_start3A_850 = arith.constant 0 : i32
    %dma_start3A_851 = arith.constant 0 : i32
    %dma_start3A_852 = tpu.memref_slice %arg4[%dma_start3A_841, %dma_start3A_842, %add3A, %dma_start3A_850, %dma_start3A_851] : memref<200x8x32x8x128xf32, #tpu.memory_space<hbm>> -> memref<1x1x1x8x128xf32, #tpu.memory_space<hbm>>
    %dma_start3A_853 = tpu.memref_squeeze %dma_start3A_852 : memref<1x1x1x8x128xf32, #tpu.memory_space<hbm>> -> memref<8x128xf32, #tpu.memory_space<hbm>>
    %dma_start3A_854 = arith.constant 56 : i32
    %dma_start3A_855 = arith.constant 0 : i32
    %dma_start3A_856 = tpu.memref_slice %arg9[%dma_start3A_854, %dma_start3A_855] : memref<64x137xf32, #tpu.memory_space<vmem>> -> memref<8x128xf32, #tpu.memory_space<vmem>>
    tpu.enqueue_dma source(%dma_start3A_856 : memref<8x128xf32, #tpu.memory_space<vmem>>) target(%dma_start3A_853 : memref<8x128xf32, #tpu.memory_space<hbm>>) target_semaphore(%arg13 : memref<!tpu.dma_semaphore, #tpu.memory_space<semaphore_mem>>)
    %dma_wait3A_857 = arith.constant 0 : i32
    %dma_wait3A_858 = arith.constant 0 : i32
    %dma_wait3A_859 = arith.constant 0 : i32
    %dma_wait3A_860 = arith.constant 0 : i32
    %dma_wait3A_861 = tpu.memref_slice %arg8[%dma_wait3A_859, %dma_wait3A_860] : memref<64x137xf32, #tpu.memory_space<vmem>> -> memref<8x128xf32, #tpu.memory_space<vmem>>
    %dma_wait3A_862 = arith.constant 0 : i32
    %dma_wait3A_863 = arith.constant 0 : i32
    %dma_wait3A_864 = tpu.memref_slice %arg4[%dma_wait3A_857, %dma_wait3A_858, %add3A, %dma_wait3A_862, %dma_wait3A_863] : memref<200x8x32x8x128xf32, #tpu.memory_space<hbm>> -> memref<1x1x1x8x128xf32, #tpu.memory_space<hbm>>
    %dma_wait3A_865 = tpu.memref_squeeze %dma_wait3A_864 : memref<1x1x1x8x128xf32, #tpu.memory_space<hbm>> -> memref<8x128xf32, #tpu.memory_space<hbm>>
    %dma_wait3A_866 = arith.constant 0 : i32
    %dma_wait3A_867 = arith.constant 0 : i32
    %dma_wait3A_868 = tpu.memref_slice %arg4[%dma_wait3A_857, %dma_wait3A_858, %add3A, %dma_wait3A_866, %dma_wait3A_867] : memref<200x8x32x8x128xf32, #tpu.memory_space<hbm>> -> memref<1x1x1x8x128xf32, #tpu.memory_space<hbm>>
    %dma_wait3A_869 = tpu.memref_squeeze %dma_wait3A_868 : memref<1x1x1x8x128xf32, #tpu.memory_space<hbm>> -> memref<8x128xf32, #tpu.memory_space<hbm>>
    %dma_wait3A_870 = arith.constant 0 : i32
    %dma_wait3A_871 = arith.constant 0 : i32
    %dma_wait3A_872 = tpu.memref_slice %arg8[%dma_wait3A_870, %dma_wait3A_871] : memref<64x137xf32, #tpu.memory_space<vmem>> -> memref<8x128xf32, #tpu.memory_space<vmem>>
    tpu.wait_dma2 semaphore(%arg12 : memref<!tpu.dma_semaphore, #tpu.memory_space<semaphore_mem>>) src(%dma_wait3A_872 : memref<8x128xf32, #tpu.memory_space<vmem>>) dst(%dma_wait3A_869 : memref<8x128xf32, #tpu.memory_space<hbm>>)
    %dma_wait3A_873 = arith.constant 0 : i32
    %dma_wait3A_874 = arith.constant 1 : i32
    %dma_wait3A_875 = arith.constant 0 : i32
    %dma_wait3A_876 = arith.constant 0 : i32
    %dma_wait3A_877 = tpu.memref_slice %arg8[%dma_wait3A_875, %dma_wait3A_876] : memref<64x137xf32, #tpu.memory_space<vmem>> -> memref<8x128xf32, #tpu.memory_space<vmem>>
    %dma_wait3A_878 = arith.constant 0 : i32
    %dma_wait3A_879 = arith.constant 0 : i32
    %dma_wait3A_880 = tpu.memref_slice %arg4[%dma_wait3A_873, %dma_wait3A_874, %add3A, %dma_wait3A_878, %dma_wait3A_879] : memref<200x8x32x8x128xf32, #tpu.memory_space<hbm>> -> memref<1x1x1x8x128xf32, #tpu.memory_space<hbm>>
    %dma_wait3A_881 = tpu.memref_squeeze %dma_wait3A_880 : memref<1x1x1x8x128xf32, #tpu.memory_space<hbm>> -> memref<8x128xf32, #tpu.memory_space<hbm>>
    %dma_wait3A_882 = arith.constant 0 : i32
    %dma_wait3A_883 = arith.constant 0 : i32
    %dma_wait3A_884 = tpu.memref_slice %arg4[%dma_wait3A_873, %dma_wait3A_874, %add3A, %dma_wait3A_882, %dma_wait3A_883] : memref<200x8x32x8x128xf32, #tpu.memory_space<hbm>> -> memref<1x1x1x8x128xf32, #tpu.memory_space<hbm>>
    %dma_wait3A_885 = tpu.memref_squeeze %dma_wait3A_884 : memref<1x1x1x8x128xf32, #tpu.memory_space<hbm>> -> memref<8x128xf32, #tpu.memory_space<hbm>>
    %dma_wait3A_886 = arith.constant 0 : i32
    %dma_wait3A_887 = arith.constant 0 : i32
    %dma_wait3A_888 = tpu.memref_slice %arg8[%dma_wait3A_886, %dma_wait3A_887] : memref<64x137xf32, #tpu.memory_space<vmem>> -> memref<8x128xf32, #tpu.memory_space<vmem>>
    tpu.wait_dma2 semaphore(%arg12 : memref<!tpu.dma_semaphore, #tpu.memory_space<semaphore_mem>>) src(%dma_wait3A_888 : memref<8x128xf32, #tpu.memory_space<vmem>>) dst(%dma_wait3A_885 : memref<8x128xf32, #tpu.memory_space<hbm>>)
    %dma_wait3A_889 = arith.constant 0 : i32
    %dma_wait3A_890 = arith.constant 2 : i32
    %dma_wait3A_891 = arith.constant 0 : i32
    %dma_wait3A_892 = arith.constant 0 : i32
    %dma_wait3A_893 = tpu.memref_slice %arg8[%dma_wait3A_891, %dma_wait3A_892] : memref<64x137xf32, #tpu.memory_space<vmem>> -> memref<8x128xf32, #tpu.memory_space<vmem>>
    %dma_wait3A_894 = arith.constant 0 : i32
    %dma_wait3A_895 = arith.constant 0 : i32
    %dma_wait3A_896 = tpu.memref_slice %arg4[%dma_wait3A_889, %dma_wait3A_890, %add3A, %dma_wait3A_894, %dma_wait3A_895] : memref<200x8x32x8x128xf32, #tpu.memory_space<hbm>> -> memref<1x1x1x8x128xf32, #tpu.memory_space<hbm>>
    %dma_wait3A_897 = tpu.memref_squeeze %dma_wait3A_896 : memref<1x1x1x8x128xf32, #tpu.memory_space<hbm>> -> memref<8x128xf32, #tpu.memory_space<hbm>>
    %dma_wait3A_898 = arith.constant 0 : i32
    %dma_wait3A_899 = arith.constant 0 : i32
    %dma_wait3A_900 = tpu.memref_slice %arg4[%dma_wait3A_889, %dma_wait3A_890, %add3A, %dma_wait3A_898, %dma_wait3A_899] : memref<200x8x32x8x128xf32, #tpu.memory_space<hbm>> -> memref<1x1x1x8x128xf32, #tpu.memory_space<hbm>>
    %dma_wait3A_901 = tpu.memref_squeeze %dma_wait3A_900 : memref<1x1x1x8x128xf32, #tpu.memory_space<hbm>> -> memref<8x128xf32, #tpu.memory_space<hbm>>
    %dma_wait3A_902 = arith.constant 0 : i32
    %dma_wait3A_903 = arith.constant 0 : i32
    %dma_wait3A_904 = tpu.memref_slice %arg8[%dma_wait3A_902, %dma_wait3A_903] : memref<64x137xf32, #tpu.memory_space<vmem>> -> memref<8x128xf32, #tpu.memory_space<vmem>>
    tpu.wait_dma2 semaphore(%arg12 : memref<!tpu.dma_semaphore, #tpu.memory_space<semaphore_mem>>) src(%dma_wait3A_904 : memref<8x128xf32, #tpu.memory_space<vmem>>) dst(%dma_wait3A_901 : memref<8x128xf32, #tpu.memory_space<hbm>>)
    %dma_wait3A_905 = arith.constant 0 : i32
    %dma_wait3A_906 = arith.constant 3 : i32
    %dma_wait3A_907 = arith.constant 0 : i32
    %dma_wait3A_908 = arith.constant 0 : i32
    %dma_wait3A_909 = tpu.memref_slice %arg8[%dma_wait3A_907, %dma_wait3A_908] : memref<64x137xf32, #tpu.memory_space<vmem>> -> memref<8x128xf32, #tpu.memory_space<vmem>>
    %dma_wait3A_910 = arith.constant 0 : i32
    %dma_wait3A_911 = arith.constant 0 : i32
    %dma_wait3A_912 = tpu.memref_slice %arg4[%dma_wait3A_905, %dma_wait3A_906, %add3A, %dma_wait3A_910, %dma_wait3A_911] : memref<200x8x32x8x128xf32, #tpu.memory_space<hbm>> -> memref<1x1x1x8x128xf32, #tpu.memory_space<hbm>>
    %dma_wait3A_913 = tpu.memref_squeeze %dma_wait3A_912 : memref<1x1x1x8x128xf32, #tpu.memory_space<hbm>> -> memref<8x128xf32, #tpu.memory_space<hbm>>
    %dma_wait3A_914 = arith.constant 0 : i32
    %dma_wait3A_915 = arith.constant 0 : i32
    %dma_wait3A_916 = tpu.memref_slice %arg4[%dma_wait3A_905, %dma_wait3A_906, %add3A, %dma_wait3A_914, %dma_wait3A_915] : memref<200x8x32x8x128xf32, #tpu.memory_space<hbm>> -> memref<1x1x1x8x128xf32, #tpu.memory_space<hbm>>
    %dma_wait3A_917 = tpu.memref_squeeze %dma_wait3A_916 : memref<1x1x1x8x128xf32, #tpu.memory_space<hbm>> -> memref<8x128xf32, #tpu.memory_space<hbm>>
    %dma_wait3A_918 = arith.constant 0 : i32
    %dma_wait3A_919 = arith.constant 0 : i32
    %dma_wait3A_920 = tpu.memref_slice %arg8[%dma_wait3A_918, %dma_wait3A_919] : memref<64x137xf32, #tpu.memory_space<vmem>> -> memref<8x128xf32, #tpu.memory_space<vmem>>
    tpu.wait_dma2 semaphore(%arg12 : memref<!tpu.dma_semaphore, #tpu.memory_space<semaphore_mem>>) src(%dma_wait3A_920 : memref<8x128xf32, #tpu.memory_space<vmem>>) dst(%dma_wait3A_917 : memref<8x128xf32, #tpu.memory_space<hbm>>)
    %dma_wait3A_921 = arith.constant 0 : i32
    %dma_wait3A_922 = arith.constant 4 : i32
    %dma_wait3A_923 = arith.constant 0 : i32
    %dma_wait3A_924 = arith.constant 0 : i32
    %dma_wait3A_925 = tpu.memref_slice %arg8[%dma_wait3A_923, %dma_wait3A_924] : memref<64x137xf32, #tpu.memory_space<vmem>> -> memref<8x128xf32, #tpu.memory_space<vmem>>
    %dma_wait3A_926 = arith.constant 0 : i32
    %dma_wait3A_927 = arith.constant 0 : i32
    %dma_wait3A_928 = tpu.memref_slice %arg4[%dma_wait3A_921, %dma_wait3A_922, %add3A, %dma_wait3A_926, %dma_wait3A_927] : memref<200x8x32x8x128xf32, #tpu.memory_space<hbm>> -> memref<1x1x1x8x128xf32, #tpu.memory_space<hbm>>
    %dma_wait3A_929 = tpu.memref_squeeze %dma_wait3A_928 : memref<1x1x1x8x128xf32, #tpu.memory_space<hbm>> -> memref<8x128xf32, #tpu.memory_space<hbm>>
    %dma_wait3A_930 = arith.constant 0 : i32
    %dma_wait3A_931 = arith.constant 0 : i32
    %dma_wait3A_932 = tpu.memref_slice %arg4[%dma_wait3A_921, %dma_wait3A_922, %add3A, %dma_wait3A_930, %dma_wait3A_931] : memref<200x8x32x8x128xf32, #tpu.memory_space<hbm>> -> memref<1x1x1x8x128xf32, #tpu.memory_space<hbm>>
    %dma_wait3A_933 = tpu.memref_squeeze %dma_wait3A_932 : memref<1x1x1x8x128xf32, #tpu.memory_space<hbm>> -> memref<8x128xf32, #tpu.memory_space<hbm>>
    %dma_wait3A_934 = arith.constant 0 : i32
    %dma_wait3A_935 = arith.constant 0 : i32
    %dma_wait3A_936 = tpu.memref_slice %arg8[%dma_wait3A_934, %dma_wait3A_935] : memref<64x137xf32, #tpu.memory_space<vmem>> -> memref<8x128xf32, #tpu.memory_space<vmem>>
    tpu.wait_dma2 semaphore(%arg12 : memref<!tpu.dma_semaphore, #tpu.memory_space<semaphore_mem>>) src(%dma_wait3A_936 : memref<8x128xf32, #tpu.memory_space<vmem>>) dst(%dma_wait3A_933 : memref<8x128xf32, #tpu.memory_space<hbm>>)
    %dma_wait3A_937 = arith.constant 0 : i32
    %dma_wait3A_938 = arith.constant 5 : i32
    %dma_wait3A_939 = arith.constant 0 : i32
    %dma_wait3A_940 = arith.constant 0 : i32
    %dma_wait3A_941 = tpu.memref_slice %arg8[%dma_wait3A_939, %dma_wait3A_940] : memref<64x137xf32, #tpu.memory_space<vmem>> -> memref<8x128xf32, #tpu.memory_space<vmem>>
    %dma_wait3A_942 = arith.constant 0 : i32
    %dma_wait3A_943 = arith.constant 0 : i32
    %dma_wait3A_944 = tpu.memref_slice %arg4[%dma_wait3A_937, %dma_wait3A_938, %add3A, %dma_wait3A_942, %dma_wait3A_943] : memref<200x8x32x8x128xf32, #tpu.memory_space<hbm>> -> memref<1x1x1x8x128xf32, #tpu.memory_space<hbm>>
    %dma_wait3A_945 = tpu.memref_squeeze %dma_wait3A_944 : memref<1x1x1x8x128xf32, #tpu.memory_space<hbm>> -> memref<8x128xf32, #tpu.memory_space<hbm>>
    %dma_wait3A_946 = arith.constant 0 : i32
    %dma_wait3A_947 = arith.constant 0 : i32
    %dma_wait3A_948 = tpu.memref_slice %arg4[%dma_wait3A_937, %dma_wait3A_938, %add3A, %dma_wait3A_946, %dma_wait3A_947] : memref<200x8x32x8x128xf32, #tpu.memory_space<hbm>> -> memref<1x1x1x8x128xf32, #tpu.memory_space<hbm>>
    %dma_wait3A_949 = tpu.memref_squeeze %dma_wait3A_948 : memref<1x1x1x8x128xf32, #tpu.memory_space<hbm>> -> memref<8x128xf32, #tpu.memory_space<hbm>>
    %dma_wait3A_950 = arith.constant 0 : i32
    %dma_wait3A_951 = arith.constant 0 : i32
    %dma_wait3A_952 = tpu.memref_slice %arg8[%dma_wait3A_950, %dma_wait3A_951] : memref<64x137xf32, #tpu.memory_space<vmem>> -> memref<8x128xf32, #tpu.memory_space<vmem>>
    tpu.wait_dma2 semaphore(%arg12 : memref<!tpu.dma_semaphore, #tpu.memory_space<semaphore_mem>>) src(%dma_wait3A_952 : memref<8x128xf32, #tpu.memory_space<vmem>>) dst(%dma_wait3A_949 : memref<8x128xf32, #tpu.memory_space<hbm>>)
    %dma_wait3A_953 = arith.constant 0 : i32
    %dma_wait3A_954 = arith.constant 6 : i32
    %dma_wait3A_955 = arith.constant 0 : i32
    %dma_wait3A_956 = arith.constant 0 : i32
    %dma_wait3A_957 = tpu.memref_slice %arg8[%dma_wait3A_955, %dma_wait3A_956] : memref<64x137xf32, #tpu.memory_space<vmem>> -> memref<8x128xf32, #tpu.memory_space<vmem>>
    %dma_wait3A_958 = arith.constant 0 : i32
    %dma_wait3A_959 = arith.constant 0 : i32
    %dma_wait3A_960 = tpu.memref_slice %arg4[%dma_wait3A_953, %dma_wait3A_954, %add3A, %dma_wait3A_958, %dma_wait3A_959] : memref<200x8x32x8x128xf32, #tpu.memory_space<hbm>> -> memref<1x1x1x8x128xf32, #tpu.memory_space<hbm>>
    %dma_wait3A_961 = tpu.memref_squeeze %dma_wait3A_960 : memref<1x1x1x8x128xf32, #tpu.memory_space<hbm>> -> memref<8x128xf32, #tpu.memory_space<hbm>>
    %dma_wait3A_962 = arith.constant 0 : i32
    %dma_wait3A_963 = arith.constant 0 : i32
    %dma_wait3A_964 = tpu.memref_slice %arg4[%dma_wait3A_953, %dma_wait3A_954, %add3A, %dma_wait3A_962, %dma_wait3A_963] : memref<200x8x32x8x128xf32, #tpu.memory_space<hbm>> -> memref<1x1x1x8x128xf32, #tpu.memory_space<hbm>>
    %dma_wait3A_965 = tpu.memref_squeeze %dma_wait3A_964 : memref<1x1x1x8x128xf32, #tpu.memory_space<hbm>> -> memref<8x128xf32, #tpu.memory_space<hbm>>
    %dma_wait3A_966 = arith.constant 0 : i32
    %dma_wait3A_967 = arith.constant 0 : i32
    %dma_wait3A_968 = tpu.memref_slice %arg8[%dma_wait3A_966, %dma_wait3A_967] : memref<64x137xf32, #tpu.memory_space<vmem>> -> memref<8x128xf32, #tpu.memory_space<vmem>>
    tpu.wait_dma2 semaphore(%arg12 : memref<!tpu.dma_semaphore, #tpu.memory_space<semaphore_mem>>) src(%dma_wait3A_968 : memref<8x128xf32, #tpu.memory_space<vmem>>) dst(%dma_wait3A_965 : memref<8x128xf32, #tpu.memory_space<hbm>>)
    %dma_wait3A_969 = arith.constant 0 : i32
    %dma_wait3A_970 = arith.constant 7 : i32
    %dma_wait3A_971 = arith.constant 0 : i32
    %dma_wait3A_972 = arith.constant 0 : i32
    %dma_wait3A_973 = tpu.memref_slice %arg8[%dma_wait3A_971, %dma_wait3A_972] : memref<64x137xf32, #tpu.memory_space<vmem>> -> memref<8x128xf32, #tpu.memory_space<vmem>>
    %dma_wait3A_974 = arith.constant 0 : i32
    %dma_wait3A_975 = arith.constant 0 : i32
    %dma_wait3A_976 = tpu.memref_slice %arg4[%dma_wait3A_969, %dma_wait3A_970, %add3A, %dma_wait3A_974, %dma_wait3A_975] : memref<200x8x32x8x128xf32, #tpu.memory_space<hbm>> -> memref<1x1x1x8x128xf32, #tpu.memory_space<hbm>>
    %dma_wait3A_977 = tpu.memref_squeeze %dma_wait3A_976 : memref<1x1x1x8x128xf32, #tpu.memory_space<hbm>> -> memref<8x128xf32, #tpu.memory_space<hbm>>
    %dma_wait3A_978 = arith.constant 0 : i32
    %dma_wait3A_979 = arith.constant 0 : i32
    %dma_wait3A_980 = tpu.memref_slice %arg4[%dma_wait3A_969, %dma_wait3A_970, %add3A, %dma_wait3A_978, %dma_wait3A_979] : memref<200x8x32x8x128xf32, #tpu.memory_space<hbm>> -> memref<1x1x1x8x128xf32, #tpu.memory_space<hbm>>
    %dma_wait3A_981 = tpu.memref_squeeze %dma_wait3A_980 : memref<1x1x1x8x128xf32, #tpu.memory_space<hbm>> -> memref<8x128xf32, #tpu.memory_space<hbm>>
    %dma_wait3A_982 = arith.constant 0 : i32
    %dma_wait3A_983 = arith.constant 0 : i32
    %dma_wait3A_984 = tpu.memref_slice %arg8[%dma_wait3A_982, %dma_wait3A_983] : memref<64x137xf32, #tpu.memory_space<vmem>> -> memref<8x128xf32, #tpu.memory_space<vmem>>
    tpu.wait_dma2 semaphore(%arg12 : memref<!tpu.dma_semaphore, #tpu.memory_space<semaphore_mem>>) src(%dma_wait3A_984 : memref<8x128xf32, #tpu.memory_space<vmem>>) dst(%dma_wait3A_981 : memref<8x128xf32, #tpu.memory_space<hbm>>)
    %dma_wait3A_985 = arith.constant 0 : i32
    %dma_wait3A_986 = arith.constant 0 : i32
    %dma_wait3A_987 = arith.constant 0 : i32
    %dma_wait3A_988 = arith.constant 0 : i32
    %dma_wait3A_989 = tpu.memref_slice %arg9[%dma_wait3A_987, %dma_wait3A_988] : memref<64x137xf32, #tpu.memory_space<vmem>> -> memref<8x128xf32, #tpu.memory_space<vmem>>
    %dma_wait3A_990 = arith.constant 0 : i32
    %dma_wait3A_991 = arith.constant 0 : i32
    %dma_wait3A_992 = tpu.memref_slice %arg4[%dma_wait3A_985, %dma_wait3A_986, %add3A, %dma_wait3A_990, %dma_wait3A_991] : memref<200x8x32x8x128xf32, #tpu.memory_space<hbm>> -> memref<1x1x1x8x128xf32, #tpu.memory_space<hbm>>
    %dma_wait3A_993 = tpu.memref_squeeze %dma_wait3A_992 : memref<1x1x1x8x128xf32, #tpu.memory_space<hbm>> -> memref<8x128xf32, #tpu.memory_space<hbm>>
    %dma_wait3A_994 = arith.constant 0 : i32
    %dma_wait3A_995 = arith.constant 0 : i32
    %dma_wait3A_996 = tpu.memref_slice %arg4[%dma_wait3A_985, %dma_wait3A_986, %add3A, %dma_wait3A_994, %dma_wait3A_995] : memref<200x8x32x8x128xf32, #tpu.memory_space<hbm>> -> memref<1x1x1x8x128xf32, #tpu.memory_space<hbm>>
    %dma_wait3A_997 = tpu.memref_squeeze %dma_wait3A_996 : memref<1x1x1x8x128xf32, #tpu.memory_space<hbm>> -> memref<8x128xf32, #tpu.memory_space<hbm>>
    %dma_wait3A_998 = arith.constant 0 : i32
    %dma_wait3A_999 = arith.constant 0 : i32
    %dma_wait3A_1000 = tpu.memref_slice %arg9[%dma_wait3A_998, %dma_wait3A_999] : memref<64x137xf32, #tpu.memory_space<vmem>> -> memref<8x128xf32, #tpu.memory_space<vmem>>
    tpu.wait_dma2 semaphore(%arg13 : memref<!tpu.dma_semaphore, #tpu.memory_space<semaphore_mem>>) src(%dma_wait3A_1000 : memref<8x128xf32, #tpu.memory_space<vmem>>) dst(%dma_wait3A_997 : memref<8x128xf32, #tpu.memory_space<hbm>>)
    %dma_wait3A_1001 = arith.constant 0 : i32
    %dma_wait3A_1002 = arith.constant 1 : i32
    %dma_wait3A_1003 = arith.constant 0 : i32
    %dma_wait3A_1004 = arith.constant 0 : i32
    %dma_wait3A_1005 = tpu.memref_slice %arg9[%dma_wait3A_1003, %dma_wait3A_1004] : memref<64x137xf32, #tpu.memory_space<vmem>> -> memref<8x128xf32, #tpu.memory_space<vmem>>
    %dma_wait3A_1006 = arith.constant 0 : i32
    %dma_wait3A_1007 = arith.constant 0 : i32
    %dma_wait3A_1008 = tpu.memref_slice %arg4[%dma_wait3A_1001, %dma_wait3A_1002, %add3A, %dma_wait3A_1006, %dma_wait3A_1007] : memref<200x8x32x8x128xf32, #tpu.memory_space<hbm>> -> memref<1x1x1x8x128xf32, #tpu.memory_space<hbm>>
    %dma_wait3A_1009 = tpu.memref_squeeze %dma_wait3A_1008 : memref<1x1x1x8x128xf32, #tpu.memory_space<hbm>> -> memref<8x128xf32, #tpu.memory_space<hbm>>
    %dma_wait3A_1010 = arith.constant 0 : i32
    %dma_wait3A_1011 = arith.constant 0 : i32
    %dma_wait3A_1012 = tpu.memref_slice %arg4[%dma_wait3A_1001, %dma_wait3A_1002, %add3A, %dma_wait3A_1010, %dma_wait3A_1011] : memref<200x8x32x8x128xf32, #tpu.memory_space<hbm>> -> memref<1x1x1x8x128xf32, #tpu.memory_space<hbm>>
    %dma_wait3A_1013 = tpu.memref_squeeze %dma_wait3A_1012 : memref<1x1x1x8x128xf32, #tpu.memory_space<hbm>> -> memref<8x128xf32, #tpu.memory_space<hbm>>
    %dma_wait3A_1014 = arith.constant 0 : i32
    %dma_wait3A_1015 = arith.constant 0 : i32
    %dma_wait3A_1016 = tpu.memref_slice %arg9[%dma_wait3A_1014, %dma_wait3A_1015] : memref<64x137xf32, #tpu.memory_space<vmem>> -> memref<8x128xf32, #tpu.memory_space<vmem>>
    tpu.wait_dma2 semaphore(%arg13 : memref<!tpu.dma_semaphore, #tpu.memory_space<semaphore_mem>>) src(%dma_wait3A_1016 : memref<8x128xf32, #tpu.memory_space<vmem>>) dst(%dma_wait3A_1013 : memref<8x128xf32, #tpu.memory_space<hbm>>)
    %dma_wait3A_1017 = arith.constant 0 : i32
    %dma_wait3A_1018 = arith.constant 2 : i32
    %dma_wait3A_1019 = arith.constant 0 : i32
    %dma_wait3A_1020 = arith.constant 0 : i32
    %dma_wait3A_1021 = tpu.memref_slice %arg9[%dma_wait3A_1019, %dma_wait3A_1020] : memref<64x137xf32, #tpu.memory_space<vmem>> -> memref<8x128xf32, #tpu.memory_space<vmem>>
    %dma_wait3A_1022 = arith.constant 0 : i32
    %dma_wait3A_1023 = arith.constant 0 : i32
    %dma_wait3A_1024 = tpu.memref_slice %arg4[%dma_wait3A_1017, %dma_wait3A_1018, %add3A, %dma_wait3A_1022, %dma_wait3A_1023] : memref<200x8x32x8x128xf32, #tpu.memory_space<hbm>> -> memref<1x1x1x8x128xf32, #tpu.memory_space<hbm>>
    %dma_wait3A_1025 = tpu.memref_squeeze %dma_wait3A_1024 : memref<1x1x1x8x128xf32, #tpu.memory_space<hbm>> -> memref<8x128xf32, #tpu.memory_space<hbm>>
    %dma_wait3A_1026 = arith.constant 0 : i32
    %dma_wait3A_1027 = arith.constant 0 : i32
    %dma_wait3A_1028 = tpu.memref_slice %arg4[%dma_wait3A_1017, %dma_wait3A_1018, %add3A, %dma_wait3A_1026, %dma_wait3A_1027] : memref<200x8x32x8x128xf32, #tpu.memory_space<hbm>> -> memref<1x1x1x8x128xf32, #tpu.memory_space<hbm>>
    %dma_wait3A_1029 = tpu.memref_squeeze %dma_wait3A_1028 : memref<1x1x1x8x128xf32, #tpu.memory_space<hbm>> -> memref<8x128xf32, #tpu.memory_space<hbm>>
    %dma_wait3A_1030 = arith.constant 0 : i32
    %dma_wait3A_1031 = arith.constant 0 : i32
    %dma_wait3A_1032 = tpu.memref_slice %arg9[%dma_wait3A_1030, %dma_wait3A_1031] : memref<64x137xf32, #tpu.memory_space<vmem>> -> memref<8x128xf32, #tpu.memory_space<vmem>>
    tpu.wait_dma2 semaphore(%arg13 : memref<!tpu.dma_semaphore, #tpu.memory_space<semaphore_mem>>) src(%dma_wait3A_1032 : memref<8x128xf32, #tpu.memory_space<vmem>>) dst(%dma_wait3A_1029 : memref<8x128xf32, #tpu.memory_space<hbm>>)
    %dma_wait3A_1033 = arith.constant 0 : i32
    %dma_wait3A_1034 = arith.constant 3 : i32
    %dma_wait3A_1035 = arith.constant 0 : i32
    %dma_wait3A_1036 = arith.constant 0 : i32
    %dma_wait3A_1037 = tpu.memref_slice %arg9[%dma_wait3A_1035, %dma_wait3A_1036] : memref<64x137xf32, #tpu.memory_space<vmem>> -> memref<8x128xf32, #tpu.memory_space<vmem>>
    %dma_wait3A_1038 = arith.constant 0 : i32
    %dma_wait3A_1039 = arith.constant 0 : i32
    %dma_wait3A_1040 = tpu.memref_slice %arg4[%dma_wait3A_1033, %dma_wait3A_1034, %add3A, %dma_wait3A_1038, %dma_wait3A_1039] : memref<200x8x32x8x128xf32, #tpu.memory_space<hbm>> -> memref<1x1x1x8x128xf32, #tpu.memory_space<hbm>>
    %dma_wait3A_1041 = tpu.memref_squeeze %dma_wait3A_1040 : memref<1x1x1x8x128xf32, #tpu.memory_space<hbm>> -> memref<8x128xf32, #tpu.memory_space<hbm>>
    %dma_wait3A_1042 = arith.constant 0 : i32
    %dma_wait3A_1043 = arith.constant 0 : i32
    %dma_wait3A_1044 = tpu.memref_slice %arg4[%dma_wait3A_1033, %dma_wait3A_1034, %add3A, %dma_wait3A_1042, %dma_wait3A_1043] : memref<200x8x32x8x128xf32, #tpu.memory_space<hbm>> -> memref<1x1x1x8x128xf32, #tpu.memory_space<hbm>>
    %dma_wait3A_1045 = tpu.memref_squeeze %dma_wait3A_1044 : memref<1x1x1x8x128xf32, #tpu.memory_space<hbm>> -> memref<8x128xf32, #tpu.memory_space<hbm>>
    %dma_wait3A_1046 = arith.constant 0 : i32
    %dma_wait3A_1047 = arith.constant 0 : i32
    %dma_wait3A_1048 = tpu.memref_slice %arg9[%dma_wait3A_1046, %dma_wait3A_1047] : memref<64x137xf32, #tpu.memory_space<vmem>> -> memref<8x128xf32, #tpu.memory_space<vmem>>
    tpu.wait_dma2 semaphore(%arg13 : memref<!tpu.dma_semaphore, #tpu.memory_space<semaphore_mem>>) src(%dma_wait3A_1048 : memref<8x128xf32, #tpu.memory_space<vmem>>) dst(%dma_wait3A_1045 : memref<8x128xf32, #tpu.memory_space<hbm>>)
    %dma_wait3A_1049 = arith.constant 0 : i32
    %dma_wait3A_1050 = arith.constant 4 : i32
    %dma_wait3A_1051 = arith.constant 0 : i32
    %dma_wait3A_1052 = arith.constant 0 : i32
    %dma_wait3A_1053 = tpu.memref_slice %arg9[%dma_wait3A_1051, %dma_wait3A_1052] : memref<64x137xf32, #tpu.memory_space<vmem>> -> memref<8x128xf32, #tpu.memory_space<vmem>>
    %dma_wait3A_1054 = arith.constant 0 : i32
    %dma_wait3A_1055 = arith.constant 0 : i32
    %dma_wait3A_1056 = tpu.memref_slice %arg4[%dma_wait3A_1049, %dma_wait3A_1050, %add3A, %dma_wait3A_1054, %dma_wait3A_1055] : memref<200x8x32x8x128xf32, #tpu.memory_space<hbm>> -> memref<1x1x1x8x128xf32, #tpu.memory_space<hbm>>
    %dma_wait3A_1057 = tpu.memref_squeeze %dma_wait3A_1056 : memref<1x1x1x8x128xf32, #tpu.memory_space<hbm>> -> memref<8x128xf32, #tpu.memory_space<hbm>>
    %dma_wait3A_1058 = arith.constant 0 : i32
    %dma_wait3A_1059 = arith.constant 0 : i32
    %dma_wait3A_1060 = tpu.memref_slice %arg4[%dma_wait3A_1049, %dma_wait3A_1050, %add3A, %dma_wait3A_1058, %dma_wait3A_1059] : memref<200x8x32x8x128xf32, #tpu.memory_space<hbm>> -> memref<1x1x1x8x128xf32, #tpu.memory_space<hbm>>
    %dma_wait3A_1061 = tpu.memref_squeeze %dma_wait3A_1060 : memref<1x1x1x8x128xf32, #tpu.memory_space<hbm>> -> memref<8x128xf32, #tpu.memory_space<hbm>>
    %dma_wait3A_1062 = arith.constant 0 : i32
    %dma_wait3A_1063 = arith.constant 0 : i32
    %dma_wait3A_1064 = tpu.memref_slice %arg9[%dma_wait3A_1062, %dma_wait3A_1063] : memref<64x137xf32, #tpu.memory_space<vmem>> -> memref<8x128xf32, #tpu.memory_space<vmem>>
    tpu.wait_dma2 semaphore(%arg13 : memref<!tpu.dma_semaphore, #tpu.memory_space<semaphore_mem>>) src(%dma_wait3A_1064 : memref<8x128xf32, #tpu.memory_space<vmem>>) dst(%dma_wait3A_1061 : memref<8x128xf32, #tpu.memory_space<hbm>>)
    %dma_wait3A_1065 = arith.constant 0 : i32
    %dma_wait3A_1066 = arith.constant 5 : i32
    %dma_wait3A_1067 = arith.constant 0 : i32
    %dma_wait3A_1068 = arith.constant 0 : i32
    %dma_wait3A_1069 = tpu.memref_slice %arg9[%dma_wait3A_1067, %dma_wait3A_1068] : memref<64x137xf32, #tpu.memory_space<vmem>> -> memref<8x128xf32, #tpu.memory_space<vmem>>
    %dma_wait3A_1070 = arith.constant 0 : i32
    %dma_wait3A_1071 = arith.constant 0 : i32
    %dma_wait3A_1072 = tpu.memref_slice %arg4[%dma_wait3A_1065, %dma_wait3A_1066, %add3A, %dma_wait3A_1070, %dma_wait3A_1071] : memref<200x8x32x8x128xf32, #tpu.memory_space<hbm>> -> memref<1x1x1x8x128xf32, #tpu.memory_space<hbm>>
    %dma_wait3A_1073 = tpu.memref_squeeze %dma_wait3A_1072 : memref<1x1x1x8x128xf32, #tpu.memory_space<hbm>> -> memref<8x128xf32, #tpu.memory_space<hbm>>
    %dma_wait3A_1074 = arith.constant 0 : i32
    %dma_wait3A_1075 = arith.constant 0 : i32
    %dma_wait3A_1076 = tpu.memref_slice %arg4[%dma_wait3A_1065, %dma_wait3A_1066, %add3A, %dma_wait3A_1074, %dma_wait3A_1075] : memref<200x8x32x8x128xf32, #tpu.memory_space<hbm>> -> memref<1x1x1x8x128xf32, #tpu.memory_space<hbm>>
    %dma_wait3A_1077 = tpu.memref_squeeze %dma_wait3A_1076 : memref<1x1x1x8x128xf32, #tpu.memory_space<hbm>> -> memref<8x128xf32, #tpu.memory_space<hbm>>
    %dma_wait3A_1078 = arith.constant 0 : i32
    %dma_wait3A_1079 = arith.constant 0 : i32
    %dma_wait3A_1080 = tpu.memref_slice %arg9[%dma_wait3A_1078, %dma_wait3A_1079] : memref<64x137xf32, #tpu.memory_space<vmem>> -> memref<8x128xf32, #tpu.memory_space<vmem>>
    tpu.wait_dma2 semaphore(%arg13 : memref<!tpu.dma_semaphore, #tpu.memory_space<semaphore_mem>>) src(%dma_wait3A_1080 : memref<8x128xf32, #tpu.memory_space<vmem>>) dst(%dma_wait3A_1077 : memref<8x128xf32, #tpu.memory_space<hbm>>)
    %dma_wait3A_1081 = arith.constant 0 : i32
    %dma_wait3A_1082 = arith.constant 6 : i32
    %dma_wait3A_1083 = arith.constant 0 : i32
    %dma_wait3A_1084 = arith.constant 0 : i32
    %dma_wait3A_1085 = tpu.memref_slice %arg9[%dma_wait3A_1083, %dma_wait3A_1084] : memref<64x137xf32, #tpu.memory_space<vmem>> -> memref<8x128xf32, #tpu.memory_space<vmem>>
    %dma_wait3A_1086 = arith.constant 0 : i32
    %dma_wait3A_1087 = arith.constant 0 : i32
    %dma_wait3A_1088 = tpu.memref_slice %arg4[%dma_wait3A_1081, %dma_wait3A_1082, %add3A, %dma_wait3A_1086, %dma_wait3A_1087] : memref<200x8x32x8x128xf32, #tpu.memory_space<hbm>> -> memref<1x1x1x8x128xf32, #tpu.memory_space<hbm>>
    %dma_wait3A_1089 = tpu.memref_squeeze %dma_wait3A_1088 : memref<1x1x1x8x128xf32, #tpu.memory_space<hbm>> -> memref<8x128xf32, #tpu.memory_space<hbm>>
    %dma_wait3A_1090 = arith.constant 0 : i32
    %dma_wait3A_1091 = arith.constant 0 : i32
    %dma_wait3A_1092 = tpu.memref_slice %arg4[%dma_wait3A_1081, %dma_wait3A_1082, %add3A, %dma_wait3A_1090, %dma_wait3A_1091] : memref<200x8x32x8x128xf32, #tpu.memory_space<hbm>> -> memref<1x1x1x8x128xf32, #tpu.memory_space<hbm>>
    %dma_wait3A_1093 = tpu.memref_squeeze %dma_wait3A_1092 : memref<1x1x1x8x128xf32, #tpu.memory_space<hbm>> -> memref<8x128xf32, #tpu.memory_space<hbm>>
    %dma_wait3A_1094 = arith.constant 0 : i32
    %dma_wait3A_1095 = arith.constant 0 : i32
    %dma_wait3A_1096 = tpu.memref_slice %arg9[%dma_wait3A_1094, %dma_wait3A_1095] : memref<64x137xf32, #tpu.memory_space<vmem>> -> memref<8x128xf32, #tpu.memory_space<vmem>>
    tpu.wait_dma2 semaphore(%arg13 : memref<!tpu.dma_semaphore, #tpu.memory_space<semaphore_mem>>) src(%dma_wait3A_1096 : memref<8x128xf32, #tpu.memory_space<vmem>>) dst(%dma_wait3A_1093 : memref<8x128xf32, #tpu.memory_space<hbm>>)
    %dma_wait3A_1097 = arith.constant 0 : i32
    %dma_wait3A_1098 = arith.constant 7 : i32
    %dma_wait3A_1099 = arith.constant 0 : i32
    %dma_wait3A_1100 = arith.constant 0 : i32
    %dma_wait3A_1101 = tpu.memref_slice %arg9[%dma_wait3A_1099, %dma_wait3A_1100] : memref<64x137xf32, #tpu.memory_space<vmem>> -> memref<8x128xf32, #tpu.memory_space<vmem>>
    %dma_wait3A_1102 = arith.constant 0 : i32
    %dma_wait3A_1103 = arith.constant 0 : i32
    %dma_wait3A_1104 = tpu.memref_slice %arg4[%dma_wait3A_1097, %dma_wait3A_1098, %add3A, %dma_wait3A_1102, %dma_wait3A_1103] : memref<200x8x32x8x128xf32, #tpu.memory_space<hbm>> -> memref<1x1x1x8x128xf32, #tpu.memory_space<hbm>>
    %dma_wait3A_1105 = tpu.memref_squeeze %dma_wait3A_1104 : memref<1x1x1x8x128xf32, #tpu.memory_space<hbm>> -> memref<8x128xf32, #tpu.memory_space<hbm>>
    %dma_wait3A_1106 = arith.constant 0 : i32
    %dma_wait3A_1107 = arith.constant 0 : i32
    %dma_wait3A_1108 = tpu.memref_slice %arg4[%dma_wait3A_1097, %dma_wait3A_1098, %add3A, %dma_wait3A_1106, %dma_wait3A_1107] : memref<200x8x32x8x128xf32, #tpu.memory_space<hbm>> -> memref<1x1x1x8x128xf32, #tpu.memory_space<hbm>>
    %dma_wait3A_1109 = tpu.memref_squeeze %dma_wait3A_1108 : memref<1x1x1x8x128xf32, #tpu.memory_space<hbm>> -> memref<8x128xf32, #tpu.memory_space<hbm>>
    %dma_wait3A_1110 = arith.constant 0 : i32
    %dma_wait3A_1111 = arith.constant 0 : i32
    %dma_wait3A_1112 = tpu.memref_slice %arg9[%dma_wait3A_1110, %dma_wait3A_1111] : memref<64x137xf32, #tpu.memory_space<vmem>> -> memref<8x128xf32, #tpu.memory_space<vmem>>
    tpu.wait_dma2 semaphore(%arg13 : memref<!tpu.dma_semaphore, #tpu.memory_space<semaphore_mem>>) src(%dma_wait3A_1112 : memref<8x128xf32, #tpu.memory_space<vmem>>) dst(%dma_wait3A_1109 : memref<8x128xf32, #tpu.memory_space<hbm>>)
    return
  }
}

</mosaic_0001>

<sc_bundles>
// kernel: kernel.3.cloned.1.call-start
scs
__scs_entry_jumppad:
0x0: {  	(pc) =	sbr.rel $0x88, $3  }
0x1: {  	(tag) =	ssettag $0x0;
	lr =	simm.s32 $0x1  }
0x2: {  	[smem:$0x3F9F] =	sst lr;
	_ =	strace $0xD0000000  }
0x3: {  	_ = 	snop  }
0x4: {  	_ = 	snop  }
0x5: {  	_ = 	snop  }
0x6: {  	_ = 	snop  }
0x7: {  	_ = 	snop  }
__scs_overlays_trampoline_lowered:
0x8: {  	[smem:$0x3FAE] =	sst s0  }
0x9: {  	[smem:$0x3FAF] =	sst s1  }
0xa: {  	[smem:$0x3FB0] =	sst s2  }
0xb: {  	[smem:$0x3FB1] =	sst s3  }
0xc: {  	[smem:$0x3FB2] =	sst s4  }
0xd: {  	[smem:$0x3FB3] =	sst s5  }
0xe: {  	[smem:$0x3FB4] =	sst s6  }
0xf: {  	[smem:$0x3FB5] =	sst s7  }
0x10: {  	[smem:$0x3FB6] =	sst s8  }
0x11: {  	[smem:$0x3FB7] =	sst s9;
	s0 =	simm.s32 @!p0 $0x0  }
0x12: {  	s1 =	sld [smem:$0x3F9D];
	s0 =	simm.s32 @p0 $0x1  }
0x13: {  	[smem:$0x3FB8] =	sst s0;
	s0 =	simm.s32 @!p1 $0x0  }
0x14: {  	s2 =	sld [smem:$0x3F9C];
	s0 =	simm.s32 @p1 $0x1  }
0x15: {  	[smem:$0x3FB9] =	sst s0;
	s0 =	simm.s32 @!p2 $0x0  }
0x16: {  	s3 =	sld [smem:$0x3FDB];
	s0 =	simm.s32 @p2 $0x1  }
0x17: {  	s4 =	simm.s32 $0x1BF5;
	[smem:$0x3FBB] =	sst s0  }
0x18: {  	s0 =	sld [smem:$0x3F9E];
	_ =	swait.ge [sflag:s4], $0x0  }
0x19: {  	s7 =	sld [smem:$0x3F9F]  }
0x1a: {  	s8 =	sadd.s32 $0xFFFFE003, lr  }
0x1b: {  	s9 =	sadd.s32 $0xFFFFFEF7, lr;
	s5 =	simm.s32 $0xFFFFFFFF;
	p2 =	slt.u32 s8, $0xFFFFF086  }
0x1c: {  	p1 =	slt.u32 s9, $0xF7A;
	s5 =	simm.s32 @!p2 $0x0  }
0x1d: {  	s5 =	simm.s32 @p1 $0x1;
	p0 =	seq.s32 s7, s2  }
0x1e: {  	s7 =	smul.u32 @!p0 $0xF7A, s2;
	p2 =	seq.s32 @!p0 s5, $0x0  }
0x1f: {  	s9 =	smul.u32 $0xF7A, s1;
	s8 =	simm.s32 @!p0 $0x1BF5;
	p2 =	por !p2, p0  }
0x20: {  	[sflag:s8] =	ssyncset.s32 @!p0 $0xFFFFF086;
	s6 =	sadd.s32 @!p0 s3, s7;
	s7 =	simm.s32 @!p0 $0x108  }
0x21: {  	s3 =	sadd.s32 s3, s9;
	s6 =	sadd.s32 @!p0 $0x88, s6;
	s7 =	simm.s32 @p2 $0x1082  }
0x22: {  	[simem:s7], [sflag:s8] =	dma.local @!p0 [hbm:s6], $0xF7A  }
0x23: {  	s9 =	sor.u32 $0xD0000000, s2;
	s6 =	simm.s32 $0x108;
	_ =	swait.ge @!p0 [sflag:s8], $0x0  }
0x24: {  	s3 =	sadd.s32 $0x88, s3;
	s6 =	simm.s32 @!p1 $0x1082;
	[sflag:s4] =	ssyncset.s32 $0xFFFFF086  }
0x25: {  	[simem:s6], [sflag:s4] =	dma.local [hbm:s3], $0xF7A  }
0x26: {  	[smem:$0x3F9F] =	sst s1;
	(tag) =	ssettag s2;
	_ =	strace s9  }
0x27: {  	s1 =	sld [smem:$0x3FAF]  }
0x28: {  	s2 =	sld [smem:$0x3FB0]  }
0x29: {  	s4 =	sld [smem:$0x3FB2]  }
0x2a: {  	p0 =	seq.s32 s5, $0x0;
	s5 =	sld [smem:$0x3FB3]  }
0x2b: {  	s6 =	sld [smem:$0x3FB4]  }
0x2c: {  	s7 =	sld [smem:$0x3FB5]  }
0x2d: {  	s3 =	simm.s32 $0x108;
	s8 =	sld [smem:$0x3FB6]  }
0x2e: {  	s3 =	simm.s32 @!p0 $0x1082;
	s9 =	sld [smem:$0x3FB7]  }
0x2f: {  	lr =	sadd.s32 s0, s3;
	s0 =	sld [smem:$0x3FAE]  }
0x30: {  	s3 =	sld [smem:$0x3FB1]  }
0x31: {  	[smem:$0x3FBA] =	sst s10  }
0x32: {  	s10 =	sld [smem:$0x3FB8];
	_ =	sdelay $0x3  }
0x33: {  	p0 =	seq.s32 s10, $0x1;
	s10 =	sld [smem:$0x3FBA];
	_ =	sdelay $0x3  }
0x34: {  	[smem:$0x3FBA] =	sst s10  }
0x35: {  	s10 =	sld [smem:$0x3FB9];
	_ =	sdelay $0x3  }
0x36: {  	p1 =	seq.s32 s10, $0x1;
	s10 =	sld [smem:$0x3FBA];
	_ =	sdelay $0x3  }
0x37: {  	[smem:$0x3FBA] =	sst s10  }
0x38: {  	s10 =	sld [smem:$0x3FBB]  }
0x39: {  	_ = 	snop;
	(pc) =	sbr.ind lr, $3  }
0x3a: {  	_ = 	snop  }
0x3b: {  	_ = 	snop  }
0x3c: {  	p2 =	seq.s32 s10, $0x1;
	s10 =	sld [smem:$0x3FBA]  }
0x3d: {  	_ =	shalt  }
0x3e: {  	_ =	shalt  }
0x3f: {  	_ =	shalt  }
0x40: {  	_ =	shalt  }
0x41: {  	_ =	shalt  }
0x42: {  	_ =	shalt  }
0x43: {  	_ =	shalt  }
0x44: {  	_ =	shalt  }
0x45: {  	_ =	shalt  }
0x46: {  	_ =	shalt  }
0x47: {  	_ =	shalt  }
0x48: {  	_ =	shalt  }
0x49: {  	_ =	shalt  }
0x4a: {  	_ =	shalt  }
0x4b: {  	_ =	shalt  }
0x4c: {  	_ =	shalt  }
0x4d: {  	_ =	shalt  }
0x4e: {  	_ =	shalt  }
0x4f: {  	_ =	shalt  }
0x50: {  	_ =	shalt  }
0x51: {  	_ =	shalt  }
0x52: {  	_ =	shalt  }
0x53: {  	_ =	shalt  }
0x54: {  	_ =	shalt  }
0x55: {  	_ =	shalt  }
0x56: {  	_ =	shalt  }
0x57: {  	_ =	shalt  }
0x58: {  	_ =	shalt  }
0x59: {  	_ =	shalt  }
0x5a: {  	_ =	shalt  }
0x5b: {  	_ =	shalt  }
0x5c: {  	_ =	shalt  }
0x5d: {  	_ =	shalt  }
0x5e: {  	_ =	shalt  }
0x5f: {  	_ =	shalt  }
0x60: {  	_ =	shalt  }
0x61: {  	_ =	shalt  }
0x62: {  	_ =	shalt  }
0x63: {  	_ =	shalt  }
0x64: {  	_ =	shalt  }
0x65: {  	_ =	shalt  }
0x66: {  	_ =	shalt  }
0x67: {  	_ =	shalt  }
0x68: {  	_ =	shalt  }
0x69: {  	_ =	shalt  }
0x6a: {  	_ =	shalt  }
0x6b: {  	_ =	shalt  }
0x6c: {  	_ =	shalt  }
0x6d: {  	_ =	shalt  }
0x6e: {  	_ =	shalt  }
0x6f: {  	_ =	shalt  }
0x70: {  	_ =	shalt  }
0x71: {  	_ =	shalt  }
0x72: {  	_ =	shalt  }
0x73: {  	_ =	shalt  }
0x74: {  	_ =	shalt  }
0x75: {  	_ =	shalt  }
0x76: {  	_ =	shalt  }
0x77: {  	_ =	shalt  }
0x78: {  	_ =	shalt  }
0x79: {  	_ =	shalt  }
0x7a: {  	_ =	shalt  }
0x7b: {  	_ =	shalt  }
0x7c: {  	_ =	shalt  }
0x7d: {  	_ =	shalt  }
0x7e: {  	_ =	shalt  }
0x7f: {  	_ =	shalt  }
0x80: {  	_ =	shalt  }
0x81: {  	_ =	shalt  }
0x82: {  	_ =	shalt  }
0x83: {  	_ =	shalt  }
0x84: {  	_ =	shalt  }
0x85: {  	_ =	shalt  }
0x86: {  	_ =	shalt  }
0x87: {  	_ =	shalt  }
.Lfunc_end0:
.L_simem_size_0:
called_computation.1_lowered:
.L_overlay_start_0:
0x88: {  	s2 =	sld [smem:$0x3FD9]  }
0x89: {  	s3 =	sld [smem:$0x3FFE];
	_ =	sdelay $0x1  }
0x8a: {  	s1 =	srdreg.scid  }
0x8b: {  	s0 =	sand.u32 $0x1, s1  }
0x8c: {  	s17 =	sshll.u32 s0, $0xA;
	s2 =	sadd.s32 s3, s2  }
0x8d: {  	s2 =	sadd.s32 s2, s17  }
0x8e: {  	[smem:$0x3FC6] =	sst s2  }
0x8f: {  	_ = 	snop  }
0x90: {  	s2 =	sld [smem:$0x3FD0];
	(tm) =	ssettm $0x1  }
0x91: {  	s18 =	sld [smem:$0x3FFB];
	_ =	sdelay $0x3  }
0x92: {  	_ =	strace s18  }
0x93: {  	s3 =	sld [smem:$0x3FFC];
	_ =	sdelay $0x3  }
0x94: {  	_ =	strace s3  }
0x95: {  	s3 =	sld [smem:$0x3FFD];
	_ =	sdelay $0x3  }
0x96: {  	_ =	strace s3  }
0x97: {  	_ =	strace $0x8FFFFFFF  }
0x98: {  	s19 =	sld [smem:$0x3FDB];
	_ =	sdelay $0x1  }
0x99: {  	s4 =	simm.s32 $_scs_section_size  }
0x9a: {  	s5 =	simm.s32 $_size__tile_overlayer_lowered;
	s6 =	simm.s32 $_tile_overlayer_lowered  }
0x9b: {  	s22 =	simm.s32 $0x1BFF;
	s21 =	sshll.u32 s6, $0x1;
	s3 =	sadd.s32 s4, s19  }
0x9c: {  	s7 =	simm.s32 $0x0;
	s20 =	sshll.u32 s5, $0x1;
	s5 =	sadd.s32 s21, s3  }
0x9d: {  	[timem:s7], [sflag:s22] =	dma.local [hbm:s5], s20  }
0x9e: {  	_ =	swait.ge [sflag:s22], s20  }
0x9f: {  	s4 =	ssub.s32 $0x0, s20;
	[sflag:s22] =	ssyncset.done $0x0  }
0xa0: {  	[sflag:s22] =	ssyncadd.s32 s4;
	_ =	sdelay $0x1  }
0xa1: {  	s23 =	simm.s32 $0x1B8B  }
0xa2: {  	_ =	swait.ge [sflag:s23], $0x1  }
0xa3: {  	[sflag:s23] =	ssyncset.done $0x0  }
0xa4: {  	s25 =	simm.s32 $0x1B8E;
	s24 =	sld [smem:$0x3FFE];
	[sflag:s23] =	ssyncadd.s32 $0xFFFFFFFF  }
0xa5: {  	s26 =	simm.s32 $execute0_lowered;
	[smem:$0x3FD2] =	sst s25  }
0xa6: {  	s5 =	sshll.u32 s26, $0x1;
	_ =	strace $0x80000049;
	[dreg:$0x1] =	wrdreg $0xFFFFFFFF  }
0xa7: {  	s28 =	simm.s32 $_size_execute0_lowered;
	s3 =	sadd.s32 s3, s5;
	[dreg:$0x0] =	wrdreg $0x0  }
0xa8: {  	s5 =	sshll.u32 s28, $0x1;
	[dreg:$0x2] =	wrdreg s3  }
0xa9: {  	[dreg:$0x3] =	wrdreg s5  }
0xaa: {  	[dreg:$0x4] =	wrdreg $0xC0  }
0xab: {  	_ =	task [dreg:s7], $0x5FFFF  }
0xac: {  	[dreg:$0x1] =	wrdreg $0xFFFFFFFF  }
0xad: {  	[dreg:$0x0] =	wrdreg $0x60  }
0xae: {  	[dreg:$0x2] =	wrdreg s24  }
0xaf: {  	[dreg:$0x3] =	wrdreg s2  }
0xb0: {  	[dreg:$0x4] =	wrdreg $0x9  }
0xb1: {  	_ =	task.clear_ibuf [dreg:s7], $0x5FFFF;
	_ =	strace $0x90000049  }
0xb2: {  	s29 =	simm.s32 $0x9;
	_ =	strace $0x8000004B  }
0xb3: {  	_ =	swait.ge [sflag:s29], $0x1  }
0xb4: {  	[sflag:s29] =	ssyncadd.s32 $0xFFFFFFFF  }
0xb5: {  	_ =	strace $0x9000004B  }
0xb6: {  	_ =	sfence  }
0xb7: {  	s30 =	sld [smem:$0x0];
	_ =	sdelay $0x2  }
0xb8: {  	s31 =	sshll.u32 s1, $0xD;
	s1 =	sshrl.u32 s1, $0x2  }
0xb9: {  	s3 =	sand.u32 $0x4000, s31;
	s1 =	sadd.s32 s1, s30  }
0xba: {  	s0 =	sor.u32 s3, s0;
	s1 =	sshll.u32 s1, $0x11  }
0xbb: {  	s0 =	sor.u32 s1, s0  }
0xbc: {  	s0 =	sadd.s32 $0x8F2B, s0  }
0xbd: {  	[sflag:s0] =	ssyncadd.remote.s32 $0x1  }
0xbe: {  	_ =	sfence.sel $0xFFFF  }
0xbf: {  	[dreg:$0x0] =	wrdreg $0xFFFFFFFF;
	(pc) =	sbr.abs _section_cstart, $3  }
0xc0: {  	[dreg:$0x1] =	wrdreg $0xFFFFFFFF  }
0xc1: {  	_ =	task.clear_ibuf [dreg:s7], $0x2FFFF;
	_ =	strace $0x9FFFFFFF  }
0xc2: {  	(tm) =	ssettm $0x7FFFFFFF  }
0xc3: {  	_ =	shalt  }
tec
execute0_lowered:
.L_overlay_start_1:
0x0: {  	(tag) =	ssettag $0x1  }
0x1: {  	s0 =	rddreg [dreg:$0x0];
	s1 =	srdreg.scid  }
0x2: {  	s2 =	stileid.u32;
	s7 =	rddreg [dreg:$0x1]  }
0x3: {  	s3 =	simm.s32 $0x0;
	s1 =	sand.u32 $0x1, s1;
	s2 =	sshll.u32 s2, $0x1  }
0x4: {  	[smem:$0x7FF] =	sst s3;
	s13 =	sadd.s32 $0x1000, s7;
	s14 =	sadd.s32 $0x2000, s7  }
0x5: {  	s15 =	sadd.s32 $0x3000, s7;
	s18 =	sadd.s32 $0x4000, s7;
	s19 =	sadd.s32 $0x5000, s7  }
0x6: {  	s21 =	sadd.s32 $0x6000, s7;
	s2 =	sor.u32 s1, s2;
	s1 =	ssub.s32 $0x2, s1  }
0x7: {  	_ =	strace $0x8000004A;
	[dreg:$0x12] =	wrdreg s13;
	s4 =	sshll.u32 s2, $0x4  }
0x8: {  	[dreg:$0x13] =	wrdreg s14;
	s5 =	sshrl.u32 s1, $0x1;
	s6 =	sadd.s32 s4, s0  }
0x9: {  	s11 =	ssub.s32 s1, s5;
	s5 =	sshll.u32 s2, $0x7;
	s12 =	sadd.s32 $0xF42E00, s6  }
0xa: {  	s24 =	sadd.s32 $0x7000, s7;
	s2 =	sadd.s32 s5, s13;
	[dreg:$0x3] =	wrdreg s12  }
0xb: {  	s25 =	sadd.s32 $0x8000, s7;
	s17 =	sadd.s32 s5, s15;
	[dreg:$0x5] =	wrdreg s2  }
0xc: {  	s26 =	sadd.s32 $0x9000, s7;
	s23 =	sadd.s32 s5, s21;
	[dreg:$0x7] =	wrdreg s17  }
0xd: {  	s4 =	sadd.s32 $0xF5BE00, s0;
	s0 =	smax.u32 s11, $0x1;
	[dreg:$0xa] =	wrdreg s23  }
0xe: {  	s10 =	sadd.s32 $0xB000, s7;
	s8 =	sadd.s32 s5, s26;
	[dreg:$0xd] =	wrdreg s0  }
0xf: {  	s9 =	sadd.s32 $0xA000, s7;
	s11 =	sadd.s32 s5, s10;
	[dreg:$0xe] =	wrdreg s8  }
0x10: {  	s16 =	smov.u32 s15;
	s1 =	sadd.s32 s7, s5;
	[dreg:$0x10] =	wrdreg s11  }
0x11: {  	s22 =	smov.u32 s21;
	s2 =	sadd.s32 s5, s14;
	[dreg:$0x4] =	wrdreg s1  }
0x12: {  	s29 =	smov.u32 s26;
	s0 =	sadd.s32 s5, s9;
	[dreg:$0x6] =	wrdreg s2  }
0x13: {  	s30 =	smov.u32 s9;
	s21 =	sadd.s32 $0x631000, s1;
	[dreg:$0xf] =	wrdreg s0  }
0x14: {  	s6 =	smov.u32 s10;
	s26 =	sadd.s32 $0x633000, s1;
	[dreg:$0x18] =	wrdreg s21  }
0x15: {  	s13 =	sadd.s32 $0xD000, s7;
	s10 =	sadd.s32 $0x637000, s1;
	[dreg:$0x1a] =	wrdreg s26  }
0x16: {  	s8 =	sadd.s32 $0xC000, s7;
	s2 =	sadd.s32 s5, s18;
	[dreg:$0x1e] =	wrdreg s10  }
0x17: {  	s17 =	smov.u32 s18;
	s12 =	sadd.s32 s5, s8;
	[dreg:$0x8] =	wrdreg s2  }
0x18: {  	s14 =	sadd.s32 $0xE000, s7;
	s0 =	sadd.s32 s5, s13;
	[dreg:$0x11] =	wrdreg s12  }
0x19: {  	s7 =	sadd.s32 $0xF000, s7;
	s15 =	sadd.s32 s5, s14;
	[dreg:$0x14] =	wrdreg s0  }
0x1a: {  	s11 =	smov.u32 s14;
	s18 =	sadd.s32 s5, s7;
	[dreg:$0x15] =	wrdreg s15  }
0x1b: {  	s14 =	smov.u32 s7;
	s7 =	sadd.s32 $0x635000, s1;
	[dreg:$0x16] =	wrdreg s18  }
0x1c: {  	s9 =	smov.u32 s13;
	s13 =	sadd.s32 $0x639000, s1;
	[dreg:$0x1c] =	wrdreg s7  }
0x1d: {  	s21 =	sadd.s32 $0x63D000, s1;
	[smem:$0x7F7] =	sst s13  }
0x1e: {  	s26 =	sadd.s32 $0x63F000, s1;
	[smem:$0x7FB] =	sst s21  }
0x1f: {  	s2 =	sadd.s32 s5, s19;
	[smem:$0x7FD] =	sst s26  }
0x20: {  	s20 =	smov.u32 s19;
	s19 =	sadd.s32 $0x630000, s1;
	[dreg:$0x9] =	wrdreg s2  }
0x21: {  	s31 =	simm.s32 $0x80;
	s12 =	sadd.s32 $0x638000, s1;
	[dreg:$0x17] =	wrdreg s19  }
0x22: {  	s28 =	smov.u32 s25;
	s15 =	sadd.s32 $0x63A000, s1;
	[dreg:$0x1f] =	wrdreg s12  }
0x23: {  	s23 =	smov.u32 s24;
	s18 =	sadd.s32 $0x63B000, s1;
	[smem:$0x7F8] =	sst s15  }
0x24: {  	s10 =	simm.s32 $0x100;
	s2 =	sadd.s32 s5, s24;
	[smem:$0x7F9] =	sst s18  }
0x25: {  	s13 =	simm.s32 $0xA400;
	s24 =	sadd.s32 $0x632000, s1;
	[dreg:$0xb] =	wrdreg s2  }
0x26: {  	s21 =	simm.s32 $0x3;
	s19 =	sadd.s32 $0x63C000, s1;
	[dreg:$0x19] =	wrdreg s24  }
0x27: {  	s12 =	simm.s32 $0x1;
	s2 =	sadd.s32 s5, s25;
	[smem:$0x7FA] =	sst s19  }
0x28: {  	v0 =	vlaneseq.u32;
	s25 =	smov.u32 s8;
	s8 =	sadd.s32 $0x636000, s1;
	[dreg:$0xc] =	wrdreg s2  }
0x29: {  	v0 =	vmul.u32 $0x90, v0;
	s18 =	simm.s32 $0x2;
	s24 =	sadd.s32 $0x63E000, s1;
	[dreg:$0x1d] =	wrdreg s8  }
0x2a: {  	s19 =	simm.s32 $0xC800;
	s2 =	sadd.s32 $0x634000, s1;
	[smem:$0x7FC] =	sst s24  }
0x2b: {  	v1 =	vadd.s32 $0x900, v0;
	v2 =	vadd.s32 $0x1200, v0;
	v3 =	vadd.s32 $0x1B00, v0;
	s24 =	simm.s32 $0x4;
	s1 =	simm.s32 $0x0;
	[dreg:$0x1b] =	wrdreg s2  }
.LBB2_1:
0x2c: {  	[smem:$0x7F6] =	sst s1  }
0x2d: {  	s0 =	rddreg [dreg:$0x3];
	s15 =	simm.s32 $0x1000;
	s26 =	simm.s32 $0x5  }
0x2e: {  	[tilespmem:s3], [sflag:$0x5] =	stream.strided.gather [hbm4b:s0+s31], $0x6400, s15, s31, $0x38;
	[tilespmem:$0xEC00] =	vst v63  }
0x2f: {  	_ =	swait.ge [sflag:s26], $0x6400  }
0x30: {  	[sflag:s26] =	ssyncset.done $0x0  }
0x31: {  	[sflag:s26] =	ssyncadd.s32 $0xFFFF9C00  }
0x32: {  	v4 =	vld [tilespmem:s10+$0xF0]  }
0x33: {  	v5 =	vld [tilespmem:s10+$0xFFFFFF10]  }
0x34: {  	v6 =	vld [tilespmem:s10+$0xFFFFFF20]  }
0x35: {  	v7 =	vld [tilespmem:s10+$0xFFFFFF30]  }
0x36: {  	v8 =	vld [tilespmem:s10+$0xFFFFFF40]  }
0x37: {  	v9 =	vld [tilespmem:s10+$0xFFFFFF50];
	v4 =	vshll.u32 v4, $0x1  }
0x38: {  	v10 =	vld [tilespmem:s10+$0xFFFFFF60];
	v5 =	vshll.u32 v5, $0x1;
	[tilespmem:s10+$0xF0] =	vst v4  }
0x39: {  	[tilespmem:s10+$0xFFFFFF10] =	vst v5;
	v4 =	vshll.u32 v6, $0x1;
	v5 =	vld [tilespmem:s10+$0xFFFFFF70]  }
0x3a: {  	v6 =	vld [tilespmem:s10+$0xFFFFFF80];
	[tilespmem:s10+$0xFFFFFF20] =	vst v4;
	v4 =	vshll.u32 v7, $0x1  }
0x3b: {  	v7 =	vld [tilespmem:s10+$0xFFFFFF90];
	[tilespmem:s10+$0xFFFFFF30] =	vst v4;
	v4 =	vshll.u32 v8, $0x1  }
0x3c: {  	v8 =	vld [tilespmem:s10+$0xFFFFFFA0];
	[tilespmem:s10+$0xFFFFFF40] =	vst v4;
	v4 =	vshll.u32 v9, $0x1  }
0x3d: {  	v9 =	vld [tilespmem:s10+$0xFFFFFFB0];
	[tilespmem:s10+$0xFFFFFF50] =	vst v4;
	v4 =	vshll.u32 v10, $0x1  }
0x3e: {  	[tilespmem:s10+$0xFFFFFF60] =	vst v4;
	v4 =	vshll.u32 v5, $0x1;
	v5 =	vld [tilespmem:s10+$0xFFFFFFC0]  }
0x3f: {  	[tilespmem:s10+$0xFFFFFF70] =	vst v4;
	v4 =	vshll.u32 v6, $0x1;
	v6 =	vld [tilespmem:s10+$0xFFFFFFD0]  }
0x40: {  	[tilespmem:s10+$0xFFFFFF80] =	vst v4;
	v4 =	vshll.u32 v7, $0x1;
	v7 =	vld [tilespmem:s10+$0xFFFFFFE0]  }
0x41: {  	[tilespmem:s10+$0xFFFFFF90] =	vst v4;
	v4 =	vshll.u32 v8, $0x1;
	v8 =	vld [tilespmem:s10+$0xFFFFFFF0]  }
0x42: {  	[tilespmem:s10+$0xFFFFFFA0] =	vst v4;
	v4 =	vshll.u32 v9, $0x1;
	v9 =	vld [tilespmem:s10+$0x0]  }
0x43: {  	[tilespmem:s10+$0xFFFFFFB0] =	vst v4;
	v4 =	vshll.u32 v5, $0x1;
	v5 =	vld [tilespmem:s10+$0x10]  }
0x44: {  	[tilespmem:s10+$0xFFFFFFC0] =	vst v4;
	v4 =	vshll.u32 v6, $0x1;
	v6 =	vld [tilespmem:s10+$0x20]  }
0x45: {  	[tilespmem:s10+$0xFFFFFFD0] =	vst v4;
	v4 =	vshll.u32 v7, $0x1;
	v7 =	vld [tilespmem:s10+$0x30]  }
0x46: {  	[tilespmem:s10+$0xFFFFFFE0] =	vst v4;
	v4 =	vshll.u32 v8, $0x1;
	v8 =	vld [tilespmem:s10+$0x40]  }
0x47: {  	[tilespmem:s10+$0xFFFFFFF0] =	vst v4;
	v4 =	vshll.u32 v9, $0x1;
	v9 =	vld [tilespmem:s10+$0x50]  }
0x48: {  	[tilespmem:s10+$0x0] =	vst v4;
	v4 =	vshll.u32 v5, $0x1;
	v5 =	vld [tilespmem:s10+$0x60]  }
0x49: {  	[tilespmem:s10+$0x10] =	vst v4;
	v4 =	vshll.u32 v6, $0x1;
	v6 =	vld [tilespmem:s10+$0x70]  }
0x4a: {  	[tilespmem:s10+$0x20] =	vst v4;
	v4 =	vshll.u32 v7, $0x1;
	v7 =	vld [tilespmem:s10+$0x80]  }
0x4b: {  	[tilespmem:s10+$0x30] =	vst v4;
	v4 =	vshll.u32 v8, $0x1;
	v8 =	vld [tilespmem:s10+$0x90]  }
0x4c: {  	[tilespmem:s10+$0x40] =	vst v4;
	v4 =	vshll.u32 v9, $0x1;
	v9 =	vld [tilespmem:s10+$0xA0]  }
0x4d: {  	[tilespmem:s10+$0x50] =	vst v4;
	v5 =	vshll.u32 v5, $0x1;
	v4 =	vld [tilespmem:s10+$0xB0]  }
0x4e: {  	[tilespmem:s10+$0x60] =	vst v5;
	v6 =	vshll.u32 v6, $0x1;
	v5 =	vld [tilespmem:s10+$0xC0]  }
0x4f: {  	[tilespmem:s10+$0x70] =	vst v6;
	v7 =	vshll.u32 v7, $0x1;
	v6 =	vld [tilespmem:s10+$0xD0]  }
0x50: {  	[tilespmem:s10+$0x80] =	vst v7;
	v10 =	vshll.u32 v8, $0x1;
	v7 =	vld [tilespmem:s10+$0xE0]  }
0x51: {  	s1 =	simm.s32 $0x0;
	s2 =	simm.s32 $0x300;
	s0 =	simm.s32 $0x100;
	v8 =	vld [tilespmem:s10+$0xFFFFFF00];
	[tilespmem:s10+$0x90] =	vst v10;
	v9 =	vshll.u32 v9, $0x1  }
.LBB2_2:
0x52: {  	v10 =	vld [tilespmem:s2+$0xF0];
	s1 =	sadd.s32 $0x4, s1;
	[tilespmem:s0+$0xA0] =	vst v9;
	v4 =	vshll.u32 v4, $0x1  }
0x53: {  	v9 =	vld [tilespmem:s2+$0xFFFFFF10];
	p0 =	slt.u32 s1, $0xC4;
	[tilespmem:s0+$0xB0] =	vst v4;
	v4 =	vshll.u32 v5, $0x1  }
0x54: {  	v5 =	vld [tilespmem:s2+$0xFFFFFF20];
	[tilespmem:s0+$0xC0] =	vst v4;
	v4 =	vshll.u32 v6, $0x1  }
0x55: {  	v6 =	vld [tilespmem:s2+$0xFFFFFF30];
	[tilespmem:s0+$0xD0] =	vst v4;
	v4 =	vshll.u32 v7, $0x1  }
0x56: {  	v7 =	vld [tilespmem:s2+$0xFFFFFF40];
	v8 =	vshll.u32 v8, $0x1;
	[tilespmem:s0+$0xE0] =	vst v4  }
0x57: {  	v4 =	vld [tilespmem:s2+$0xFFFFFF50];
	v10 =	vshll.u32 v10, $0x1;
	[tilespmem:s0+$0xFFFFFF00] =	vst v8;
	s0 =	smov.u32 s2  }
0x58: {  	v8 =	vshll.u32 v9, $0x1;
	v9 =	vld [tilespmem:s2+$0xFFFFFF60];
	[tilespmem:s2+$0xF0] =	vst v10  }
0x59: {  	[tilespmem:s2+$0xFFFFFF10] =	vst v8;
	v5 =	vshll.u32 v5, $0x1;
	v8 =	vld [tilespmem:s2+$0xFFFFFF70]  }
0x5a: {  	[tilespmem:s2+$0xFFFFFF20] =	vst v5;
	v5 =	vshll.u32 v6, $0x1;
	v6 =	vld [tilespmem:s2+$0xFFFFFF80]  }
0x5b: {  	[tilespmem:s2+$0xFFFFFF30] =	vst v5;
	v5 =	vshll.u32 v7, $0x1;
	v7 =	vld [tilespmem:s2+$0xFFFFFF90]  }
0x5c: {  	[tilespmem:s2+$0xFFFFFF40] =	vst v5;
	v4 =	vshll.u32 v4, $0x1;
	v5 =	vld [tilespmem:s2+$0xFFFFFFA0]  }
0x5d: {  	[tilespmem:s2+$0xFFFFFF50] =	vst v4;
	v4 =	vshll.u32 v9, $0x1;
	v9 =	vld [tilespmem:s2+$0xFFFFFFB0]  }
0x5e: {  	[tilespmem:s2+$0xFFFFFF60] =	vst v4;
	v4 =	vshll.u32 v8, $0x1;
	v8 =	vld [tilespmem:s2+$0xFFFFFFC0]  }
0x5f: {  	[tilespmem:s2+$0xFFFFFF70] =	vst v4;
	v4 =	vshll.u32 v6, $0x1;
	v6 =	vld [tilespmem:s2+$0xFFFFFFD0]  }
0x60: {  	[tilespmem:s2+$0xFFFFFF80] =	vst v4;
	v4 =	vshll.u32 v7, $0x1;
	v7 =	vld [tilespmem:s2+$0xFFFFFFE0]  }
0x61: {  	[tilespmem:s2+$0xFFFFFF90] =	vst v4;
	v4 =	vshll.u32 v5, $0x1;
	v5 =	vld [tilespmem:s2+$0xFFFFFFF0]  }
0x62: {  	[tilespmem:s2+$0xFFFFFFA0] =	vst v4;
	v4 =	vshll.u32 v9, $0x1;
	v9 =	vld [tilespmem:s2+$0x0]  }
0x63: {  	[tilespmem:s2+$0xFFFFFFB0] =	vst v4;
	v4 =	vshll.u32 v8, $0x1;
	v8 =	vld [tilespmem:s2+$0x10]  }
0x64: {  	[tilespmem:s2+$0xFFFFFFC0] =	vst v4;
	v4 =	vshll.u32 v6, $0x1;
	v6 =	vld [tilespmem:s2+$0x20]  }
0x65: {  	[tilespmem:s2+$0xFFFFFFD0] =	vst v4;
	v4 =	vshll.u32 v7, $0x1;
	v7 =	vld [tilespmem:s2+$0x30]  }
0x66: {  	[tilespmem:s2+$0xFFFFFFE0] =	vst v4;
	v4 =	vshll.u32 v5, $0x1;
	v5 =	vld [tilespmem:s2+$0x40]  }
0x67: {  	[tilespmem:s2+$0xFFFFFFF0] =	vst v4;
	v4 =	vshll.u32 v9, $0x1;
	v9 =	vld [tilespmem:s2+$0x50]  }
0x68: {  	[tilespmem:s2+$0x0] =	vst v4;
	v4 =	vshll.u32 v8, $0x1;
	v8 =	vld [tilespmem:s2+$0x60]  }
0x69: {  	[tilespmem:s2+$0x10] =	vst v4;
	v4 =	vshll.u32 v6, $0x1;
	v6 =	vld [tilespmem:s2+$0x70]  }
0x6a: {  	[tilespmem:s2+$0x20] =	vst v4;
	v4 =	vshll.u32 v7, $0x1;
	v7 =	vld [tilespmem:s2+$0x80]  }
0x6b: {  	[tilespmem:s2+$0x30] =	vst v4;
	v4 =	vshll.u32 v5, $0x1;
	v10 =	vld [tilespmem:s2+$0x90]  }
0x6c: {  	[tilespmem:s2+$0x40] =	vst v4;
	v4 =	vshll.u32 v9, $0x1;
	v9 =	vld [tilespmem:s2+$0xA0]  }
.Ltmp0:
0x6d: {  	[tilespmem:s2+$0x50] =	vst v4;
	v5 =	vshll.u32 v8, $0x1;
	v4 =	vld [tilespmem:s2+$0xB0];
	(pc) =	sbr.rel @p0 .LBB2_2-.Ltmp0, $4  }
0x6e: {  	[tilespmem:s2+$0x60] =	vst v5;
	v6 =	vshll.u32 v6, $0x1;
	v5 =	vld [tilespmem:s2+$0xC0]  }
0x6f: {  	[tilespmem:s2+$0x70] =	vst v6;
	v7 =	vshll.u32 v7, $0x1;
	v6 =	vld [tilespmem:s2+$0xD0]  }
0x70: {  	[tilespmem:s2+$0x80] =	vst v7;
	v10 =	vshll.u32 v10, $0x1;
	v7 =	vld [tilespmem:s2+$0xE0]  }
0x71: {  	s2 =	sadd.s32 $0x200, s2;
	v8 =	vld [tilespmem:s0+$0xFFFFFF00];
	[tilespmem:s0+$0x90] =	vst v10;
	v9 =	vshll.u32 v9, $0x1  }
0x72: {  	[tilespmem:s0+$0xA0] =	vst v9;
	v4 =	vshll.u32 v4, $0x1  }
0x73: {  	[tilespmem:s0+$0xB0] =	vst v4;
	v4 =	vshll.u32 v5, $0x1  }
0x74: {  	[tilespmem:s0+$0xC0] =	vst v4;
	v4 =	vshll.u32 v6, $0x1  }
0x75: {  	[tilespmem:s0+$0xD0] =	vst v4;
	v4 =	vshll.u32 v7, $0x1  }
0x76: {  	v5 =	vshll.u32 v8, $0x1;
	[tilespmem:s0+$0xE0] =	vst v4  }
0x77: {  	s2 =	simm.s32 $0x0;
	s1 =	simm.s32 $0x6400;
	[tilespmem:s0+$0xFFFFFF00] =	vst v5  }
0x78: {  	[tilespmem:s1], [sflag:$0x1] =	stream.indirect.gather [hbm4b:s4+s31], $0x40, s2, s31, $0xb8;
	[tilespmem:$0xEC00] =	vst v63  }
0x79: {  	s7 =	simm.s32 $0x8400  }
0x7a: {  	[tilespmem:s7], [sflag:$0x2] =	stream.indirect.gather [hbm4b:s4+s31], $0x40, s31, s31, $0xb8;
	[tilespmem:$0xEC00] =	vst v63  }
0x7b: {  	_ =	swait.ge [sflag:s12], $0x2000  }
0x7c: {  	[sflag:s12] =	ssyncset.done $0x0  }
0x7d: {  	s8 =	simm.s32 $0x3;
	s7 =	simm.s32 $0x6480;
	[sflag:s12] =	ssyncadd.s32 $0xFFFFE000  }
0x7e: {  	v4 =	vmov s8;
	v5 =	vld [tilespmem:s7+$0x40]  }
0x7f: {  	v9 =	vand.u32 $0x7F, v4  }
0x80: {  	v4 =	vadd.s32 v0, v9  }
0x81: {  	s15 =	simm.s32 $0x1;
	s26 =	simm.s32 $0x2;
	v6 =	vmov s2;
	v7 =	vld [tilespmem:s7+$0xFFFFFF80]  }
0x82: {  	v11 =	vmov s26;
	v8 =	vand.u32 $0x7C, v6;
	v6 =	vmov s15;
	v10 =	vld [tilespmem:s7+$0xFFFFFFC0]  }
0x83: {  	v12 =	vadd.s32 v0, v8;
	v15 =	vand.u32 $0x7D, v6;
	v6 =	vld [tilespmem:s7+$0x0];
	v5 =	vmul.f32 $8.000000000e+00, v5  }
0x84: {  	v17 =	vand.u32 $0x7E, v11;
	v13 =	vadd.s32 v0, v15  }
0x85: {  	v11 =	vadd.s32 v0, v17;
	[tilespmem:v4+s13+$0x0] =	vst.idx.msk $0xffff, v5  }
0x86: {  	v4 =	vmul.f32 $8.000000000e+00, v7;
	v5 =	vld [tilespmem:s7+$0x50]  }
0x87: {  	v7 =	vmul.f32 $8.000000000e+00, v10  }
0x88: {  	[tilespmem:v12+s13+$0x0] =	vst.idx.msk $0xffff, v4;
	v4 =	vmul.f32 $8.000000000e+00, v6;
	v6 =	vadd.s32 v1, v9  }
0x89: {  	[tilespmem:v13+s13+$0x0] =	vst.idx.msk $0xffff, v7;
	v10 =	vld [tilespmem:s7+$0xFFFFFF90]  }
0x8a: {  	v7 =	vld [tilespmem:s7+$0xFFFFFFD0];
	[tilespmem:v11+s13+$0x0] =	vst.idx.msk $0xffff, v4  }
0x8b: {  	v11 =	vld [tilespmem:s7+$0x10];
	v4 =	vmul.f32 $8.000000000e+00, v5  }
0x8c: {  	s8 =	simm.s32 $0x7;
	s1 =	simm.s32 $0x4;
	s2 =	simm.s32 $0x6580;
	v12 =	vadd.s32 v1, v15  }
0x8d: {  	v14 =	vld [tilespmem:s2+$0x40];
	v13 =	vadd.s32 v1, v17;
	v5 =	vmov s1;
	[tilespmem:v6+s13+$0x0] =	vst.idx.msk $0xffff, v4;
	v6 =	vmov s8  }
0x8e: {  	v16 =	vadd.s32 v1, v8;
	v4 =	vand.u32 $0x7C, v5;
	v5 =	vand.u32 $0x7F, v6;
	v18 =	vld [tilespmem:s7+$0x60]  }
0x8f: {  	s15 =	simm.s32 $0x5;
	v22 =	vadd.s32 v2, v9;
	v19 =	vld [tilespmem:s2+$0xFFFFFF80];
	v6 =	vmul.f32 $8.000000000e+00, v7;
	v20 =	vadd.s32 v0, v5  }
0x90: {  	s26 =	simm.s32 $0x6;
	v21 =	vld [tilespmem:s2+$0xFFFFFFC0];
	v10 =	vmul.f32 $8.000000000e+00, v10;
	v7 =	vmul.f32 $8.000000000e+00, v11;
	v11 =	vmov s15  }
0x91: {  	v23 =	vadd.s32 v0, v4;
	[tilespmem:v12+s13+$0x0] =	vst.idx.msk $0xffff, v6;
	v12 =	vmov s26;
	v6 =	vand.u32 $0x7D, v11;
	v11 =	vld [tilespmem:s2+$0x0]  }
0x92: {  	[tilespmem:v13+s13+$0x0] =	vst.idx.msk $0xffff, v7;
	v13 =	vadd.s32 v0, v6;
	v7 =	vand.u32 $0x7E, v12;
	v12 =	vmul.f32 $8.000000000e+00, v14;
	v14 =	vld [tilespmem:s7+$0xFFFFFFE0]  }
0x93: {  	[tilespmem:v16+s13+$0x0] =	vst.idx.msk $0xffff, v10;
	v10 =	vadd.s32 v0, v7;
	v16 =	vld [tilespmem:s7+$0x20];
	v18 =	vmul.f32 $8.000000000e+00, v18  }
0x94: {  	v19 =	vmul.f32 $8.000000000e+00, v19;
	[tilespmem:v20+s13+$0x0] =	vst.idx.msk $0xffff, v12;
	v12 =	vld [tilespmem:s7+$0xFFFFFFA0];
	v20 =	vadd.s32 v2, v15  }
0x95: {  	v25 =	vadd.s32 v2, v17;
	v21 =	vmul.f32 $8.000000000e+00, v21;
	v24 =	vld [tilespmem:s2+$0x50];
	[tilespmem:v22+s13+$0x0] =	vst.idx.msk $0xffff, v18  }
0x96: {  	[tilespmem:v23+s13+$0x0] =	vst.idx.msk $0xffff, v19;
	v19 =	vadd.s32 v2, v8;
	v11 =	vmul.f32 $8.000000000e+00, v11;
	v22 =	vld [tilespmem:s7+$0x70]  }
0x97: {  	v23 =	vld [tilespmem:s2+$0xFFFFFF90];
	[tilespmem:v13+s13+$0x0] =	vst.idx.msk $0xffff, v21;
	v21 =	vadd.s32 v1, v5;
	v14 =	vmul.f32 $8.000000000e+00, v14  }
0x98: {  	v27 =	vadd.s32 v3, v9;
	v26 =	vld [tilespmem:s2+$0xFFFFFFD0];
	[tilespmem:v10+s13+$0x0] =	vst.idx.msk $0xffff, v11;
	v10 =	vmul.f32 $8.000000000e+00, v16  }
0x99: {  	v18 =	vadd.s32 v1, v4;
	v13 =	vld [tilespmem:s2+$0x10];
	v9 =	vmul.f32 $8.000000000e+00, v12;
	[tilespmem:v20+s13+$0x0] =	vst.idx.msk $0xffff, v14  }
0x9a: {  	s0 =	simm.s32 $0x8;
	v16 =	vadd.s32 v1, v6;
	[tilespmem:v25+s13+$0x0] =	vst.idx.msk $0xffff, v10;
	v14 =	vmul.f32 $8.000000000e+00, v24;
	v12 =	vld [tilespmem:s7+$0xFFFFFFF0]  }
0x9b: {  	v20 =	vmov s0;
	v10 =	vadd.s32 v1, v7;
	v11 =	vld [tilespmem:s7+$0x30];
	[tilespmem:v19+s13+$0x0] =	vst.idx.msk $0xffff, v9;
	v63 =	vmul.f32 $8.000000000e+00, v22  }
0x9c: {  	s1 =	simm.s32 $0x6680;
	s8 =	simm.s32 $0xB;
	v15 =	vadd.s32 v3, v15;
	v9 =	vand.u32 $0x7C, v20;
	v20 =	vmul.f32 $8.000000000e+00, v23;
	[tilespmem:v21+s13+$0x0] =	vst.idx.msk $0xffff, v14;
	v14 =	vld [tilespmem:s7+$0xFFFFFFB0]  }
0x9d: {  	v17 =	vadd.s32 v3, v17;
	v22 =	vmov s8;
	v19 =	vld [tilespmem:s1+$0x40];
	s7 =	simm.s32 $0xC;
	v21 =	vmul.f32 $8.000000000e+00, v26;
	[tilespmem:v27+s13+$0x0] =	vst.idx.msk $0xffff, v63  }
.LBB2_4:
0x9e: {  	p0 =	slt.u32 s7, $0x7C;
	s8 =	sadd.s32 $0x1, s0;
	v22 =	vand.u32 $0x7F, v22;
	[tilespmem:v18+s13+$0x0] =	vst.idx.msk $0xffff, v20;
	v13 =	vmul.f32 $8.000000000e+00, v13;
	v18 =	vld [tilespmem:s2+$0x60];
	v20 =	vadd.s32 v3, v8;
	v8 =	vmovc v4  }
0x9f: {  	v4 =	vmovc v9;
	v23 =	vld [tilespmem:s1+$0xFFFFFF80];
	v24 =	vmov s8;
	s8 =	sadd.s32 $0x2, s0;
	v25 =	vadd.s32 v0, v22;
	[tilespmem:v16+s13+$0x0] =	vst.idx.msk $0xffff, v21;
	v12 =	vmul.f32 $8.000000000e+00, v12;
	s0 =	smov.u32 s7  }
0xa0: {  	v9 =	vld [tilespmem:s1+$0xFFFFFFC0];
	v16 =	vmov s8;
	[tilespmem:v10+s13+$0x0] =	vst.idx.msk $0xffff, v13;
	v10 =	vadd.s32 v2, v5;
	v11 =	vmul.f32 $8.000000000e+00, v11  }
0xa1: {  	v13 =	vadd.s32 v0, v4;
	v21 =	vand.u32 $0x7D, v24;
	v24 =	vld [tilespmem:s1+$0x0];
	v14 =	vmul.f32 $8.000000000e+00, v14;
	[tilespmem:v15+s13+$0x0] =	vst.idx.msk $0xffff, v12  }
0xa2: {  	v12 =	vadd.s32 v0, v21;
	v26 =	vand.u32 $0x7E, v16;
	v15 =	vmul.f32 $8.000000000e+00, v19;
	v16 =	vld [tilespmem:s2+$0xFFFFFFE0];
	[tilespmem:v17+s13+$0x0] =	vst.idx.msk $0xffff, v11  }
0xa3: {  	v11 =	vadd.s32 v0, v26;
	v17 =	vld [tilespmem:s2+$0x20];
	v18 =	vmul.f32 $8.000000000e+00, v18;
	[tilespmem:v20+s13+$0x0] =	vst.idx.msk $0xffff, v14  }
0xa4: {  	v19 =	vadd.s32 v2, v6;
	v14 =	vmul.f32 $8.000000000e+00, v23;
	[tilespmem:v25+s13+$0x0] =	vst.idx.msk $0xffff, v15;
	v15 =	vld [tilespmem:s2+$0xFFFFFFA0]  }
0xa5: {  	v23 =	vadd.s32 v2, v7;
	v9 =	vmul.f32 $8.000000000e+00, v9;
	v20 =	vld [tilespmem:s1+$0x50];
	[tilespmem:v10+s13+$0x0] =	vst.idx.msk $0xffff, v18  }
0xa6: {  	[tilespmem:v13+s13+$0x0] =	vst.idx.msk $0xffff, v14;
	v10 =	vmul.f32 $8.000000000e+00, v24;
	v14 =	vadd.s32 v2, v8;
	v24 =	vld [tilespmem:s2+$0x70]  }
0xa7: {  	v27 =	vadd.s32 v1, v22;
	v25 =	vld [tilespmem:s1+$0xFFFFFF90];
	[tilespmem:v12+s13+$0x0] =	vst.idx.msk $0xffff, v9;
	v9 =	vmul.f32 $8.000000000e+00, v16  }
0xa8: {  	v29 =	vadd.s32 v3, v5;
	v5 =	vmov v22;
	v28 =	vld [tilespmem:s1+$0xFFFFFFD0];
	[tilespmem:v11+s13+$0x0] =	vst.idx.msk $0xffff, v10;
	v10 =	vmul.f32 $8.000000000e+00, v17  }
.Ltmp1:
0xa9: {  	v18 =	vadd.s32 v1, v4;
	v13 =	vld [tilespmem:s1+$0x10];
	v11 =	vmul.f32 $8.000000000e+00, v15;
	[tilespmem:v19+s13+$0x0] =	vst.idx.msk $0xffff, v9;
	(pc) =	sbr.rel @p0 .LBB2_4-.Ltmp1, $4  }
0xaa: {  	v16 =	vadd.s32 v1, v21;
	v15 =	vmul.f32 $8.000000000e+00, v20;
	v12 =	vld [tilespmem:s2+$0xFFFFFFF0];
	[tilespmem:v23+s13+$0x0] =	vst.idx.msk $0xffff, v10  }
0xab: {  	v9 =	vmov s7;
	v10 =	vadd.s32 v1, v26;
	[tilespmem:v14+s13+$0x0] =	vst.idx.msk $0xffff, v11;
	v11 =	vld [tilespmem:s2+$0x30];
	v23 =	vmul.f32 $8.000000000e+00, v24  }
0xac: {  	s8 =	sadd.s32 $0x3, s7;
	v9 =	vand.u32 $0x7C, v9;
	v20 =	vmul.f32 $8.000000000e+00, v25;
	[tilespmem:v27+s13+$0x0] =	vst.idx.msk $0xffff, v15;
	v14 =	vld [tilespmem:s2+$0xFFFFFFB0];
	v15 =	vadd.s32 v3, v6;
	v6 =	vmovc v21;
	s2 =	smov.u32 s1;
	s1 =	sadd.s32 $0x100, s1  }
0xad: {  	v22 =	vmov s8;
	v17 =	vadd.s32 v3, v7;
	v7 =	vmovc v26;
	s7 =	sadd.s32 $0x4, s7;
	v19 =	vld [tilespmem:s1+$0x40];
	v21 =	vmul.f32 $8.000000000e+00, v28;
	[tilespmem:v29+s13+$0x0] =	vst.idx.msk $0xffff, v23  }
0xae: {  	s7 =	sadd.s32 $0x1, s0  }
0xaf: {  	v22 =	vand.u32 $0x7F, v22;
	v24 =	vld [tilespmem:s1+$0xFFFFFFC0];
	v23 =	vmov s7;
	s7 =	sadd.s32 $0x2, s0  }
0xb0: {  	v27 =	vld [tilespmem:s1+$0x0];
	v25 =	vadd.s32 v0, v22;
	v26 =	vmov s7;
	v23 =	vand.u32 $0x7D, v23  }
0xb1: {  	v28 =	vld [tilespmem:s1+$0xFFFFFF80];
	v29 =	vadd.s32 v0, v23;
	v26 =	vand.u32 $0x7E, v26  }
0xb2: {  	v30 =	vadd.s32 v0, v26  }
0xb3: {  	[tilespmem:v18+s13+$0x0] =	vst.idx.msk $0xffff, v20;
	v18 =	vadd.s32 v0, v9;
	v19 =	vmul.f32 $8.000000000e+00, v19  }
0xb4: {  	[tilespmem:v16+s13+$0x0] =	vst.idx.msk $0xffff, v21;
	v16 =	vmul.f32 $8.000000000e+00, v24  }
0xb5: {  	[tilespmem:v25+s13+$0x0] =	vst.idx.msk $0xffff, v19;
	v19 =	vmul.f32 $8.000000000e+00, v27  }
0xb6: {  	v20 =	vmul.f32 $8.000000000e+00, v28;
	[tilespmem:v29+s13+$0x0] =	vst.idx.msk $0xffff, v16;
	v16 =	vld [tilespmem:s1+$0x50]  }
0xb7: {  	v13 =	vmul.f32 $8.000000000e+00, v13;
	v8 =	vadd.s32 v3, v8;
	v21 =	vld [tilespmem:s1+$0xFFFFFFD0];
	[tilespmem:v30+s13+$0x0] =	vst.idx.msk $0xffff, v19  }
0xb8: {  	v12 =	vmul.f32 $8.000000000e+00, v12;
	[tilespmem:v18+s13+$0x0] =	vst.idx.msk $0xffff, v20;
	v18 =	vadd.s32 v1, v22;
	v19 =	vld [tilespmem:s1+$0x10]  }
0xb9: {  	[tilespmem:v10+s13+$0x0] =	vst.idx.msk $0xffff, v13;
	v10 =	vmul.f32 $8.000000000e+00, v11;
	v13 =	vadd.s32 v1, v23;
	v11 =	vld [tilespmem:s1+$0xFFFFFF90]  }
0xba: {  	v14 =	vmul.f32 $8.000000000e+00, v14;
	[tilespmem:v15+s13+$0x0] =	vst.idx.msk $0xffff, v12;
	v12 =	vadd.s32 v1, v26;
	v20 =	vld [tilespmem:s2+$0x60]  }
0xbb: {  	v15 =	vld [tilespmem:s2+$0xFFFFFFE0];
	[tilespmem:v17+s13+$0x0] =	vst.idx.msk $0xffff, v10;
	v10 =	vadd.s32 v1, v9;
	v16 =	vmul.f32 $8.000000000e+00, v16  }
0xbc: {  	v58 =	vld [tilespmem:s2+$0x20];
	v17 =	vadd.s32 v2, v5;
	[tilespmem:v8+s13+$0x0] =	vst.idx.msk $0xffff, v14;
	v8 =	vmul.f32 $8.000000000e+00, v21  }
0xbd: {  	v14 =	vld [tilespmem:s2+$0xFFFFFFA0];
	v21 =	vadd.s32 v2, v6;
	[tilespmem:v18+s13+$0x0] =	vst.idx.msk $0xffff, v16;
	v16 =	vmul.f32 $8.000000000e+00, v19  }
0xbe: {  	v11 =	vmul.f32 $8.000000000e+00, v11;
	v18 =	vadd.s32 v2, v7;
	v19 =	vld [tilespmem:s1+$0x60];
	[tilespmem:v13+s13+$0x0] =	vst.idx.msk $0xffff, v8  }
0xbf: {  	v8 =	vmul.f32 $8.000000000e+00, v20;
	v13 =	vadd.s32 v2, v4;
	[tilespmem:v12+s13+$0x0] =	vst.idx.msk $0xffff, v16;
	v12 =	vld [tilespmem:s1+$0xFFFFFFE0]  }
0xc0: {  	v15 =	vmul.f32 $8.000000000e+00, v15;
	[tilespmem:v10+s13+$0x0] =	vst.idx.msk $0xffff, v11;
	v10 =	vadd.s32 v2, v22;
	v11 =	vld [tilespmem:s1+$0x20]  }
0xc1: {  	v16 =	vld [tilespmem:s1+$0xFFFFFFA0];
	[tilespmem:v17+s13+$0x0] =	vst.idx.msk $0xffff, v8;
	v8 =	vmul.f32 $8.000000000e+00, v58;
	v17 =	vadd.s32 v2, v23  }
0xc2: {  	v14 =	vmul.f32 $8.000000000e+00, v14;
	v20 =	vld [tilespmem:s2+$0x70];
	[tilespmem:v21+s13+$0x0] =	vst.idx.msk $0xffff, v15;
	v15 =	vadd.s32 v2, v26  }
0xc3: {  	v21 =	vld [tilespmem:s2+$0xFFFFFFF0];
	[tilespmem:v18+s13+$0x0] =	vst.idx.msk $0xffff, v8;
	v18 =	vadd.s32 v2, v9;
	v8 =	vmul.f32 $8.000000000e+00, v19  }
0xc4: {  	v5 =	vadd.s32 v3, v5;
	[tilespmem:v13+s13+$0x0] =	vst.idx.msk $0xffff, v14;
	v13 =	vld [tilespmem:s2+$0x30];
	v12 =	vmul.f32 $8.000000000e+00, v12  }
0xc5: {  	v6 =	vadd.s32 v3, v6;
	v14 =	vld [tilespmem:s2+$0xFFFFFFB0];
	[tilespmem:v10+s13+$0x0] =	vst.idx.msk $0xffff, v8;
	v8 =	vmul.f32 $8.000000000e+00, v11  }
0xc6: {  	v7 =	vadd.s32 v3, v7;
	v11 =	vmul.f32 $8.000000000e+00, v16;
	v10 =	vld [tilespmem:s1+$0x70];
	[tilespmem:v17+s13+$0x0] =	vst.idx.msk $0xffff, v12  }
0xc7: {  	v4 =	vadd.s32 v3, v4;
	v12 =	vmul.f32 $8.000000000e+00, v20;
	v16 =	vld [tilespmem:s1+$0xFFFFFFF0];
	[tilespmem:v15+s13+$0x0] =	vst.idx.msk $0xffff, v8  }
0xc8: {  	v8 =	vmul.f32 $8.000000000e+00, v21;
	v15 =	vadd.s32 v3, v22;
	[tilespmem:v18+s13+$0x0] =	vst.idx.msk $0xffff, v11;
	v11 =	vld [tilespmem:s1+$0x30]  }
0xc9: {  	[tilespmem:v5+s13+$0x0] =	vst.idx.msk $0xffff, v12;
	v5 =	vmul.f32 $8.000000000e+00, v13;
	v12 =	vld [tilespmem:s1+$0xFFFFFFB0];
	v13 =	vadd.s32 v3, v23  }
0xca: {  	v14 =	vmul.f32 $8.000000000e+00, v14;
	[tilespmem:v6+s13+$0x0] =	vst.idx.msk $0xffff, v8;
	v6 =	vadd.s32 v3, v26  }
0xcb: {  	[tilespmem:v7+s13+$0x0] =	vst.idx.msk $0xffff, v5;
	v7 =	vadd.s32 v3, v9;
	v5 =	vmul.f32 $8.000000000e+00, v10  }
0xcc: {  	[tilespmem:v4+s13+$0x0] =	vst.idx.msk $0xffff, v14;
	v4 =	vmul.f32 $8.000000000e+00, v16  }
0xcd: {  	[tilespmem:v15+s13+$0x0] =	vst.idx.msk $0xffff, v5;
	v5 =	vmul.f32 $8.000000000e+00, v11  }
0xce: {  	v8 =	vmul.f32 $8.000000000e+00, v12;
	[tilespmem:v13+s13+$0x0] =	vst.idx.msk $0xffff, v4  }
0xcf: {  	[tilespmem:v6+s13+$0x0] =	vst.idx.msk $0xffff, v5  }
0xd0: {  	s8 =	simm.s32 $0x6400;
	[tilespmem:v7+s13+$0x0] =	vst.idx.msk $0xffff, v8  }
0xd1: {  	[tilespmem:s8], [sflag:$0x1] =	stream.indirect.gather [hbm4b:s4+s31], $0x40, s10, s31, $0xb8;
	[tilespmem:$0xEC00] =	vst v63  }
0xd2: {  	s0 =	simm.s32 $0x0;
	s2 =	rddreg [dreg:$0x4]  }
0xd3: {  	[hbm4b:s2+s0] =	stream.linear.scatter [tilespmem:s13], [sflag:$0x3], $0x80, $0x38;
	[tilespmem:$0xEC00] =	vst v63  }
0xd4: {  	s26 =	simm.s32 $0xA490;
	s15 =	sadd.s32 $0x10, s2  }
0xd5: {  	[hbm4b:s15+s0] =	stream.linear.scatter [tilespmem:s26], [sflag:$0x3], $0x80, $0x38;
	[tilespmem:$0xEC00] =	vst v63  }
0xd6: {  	s10 =	simm.s32 $0xA520;
	s8 =	sadd.s32 $0x20, s2  }
0xd7: {  	[hbm4b:s8+s0] =	stream.linear.scatter [tilespmem:s10], [sflag:$0x3], $0x80, $0x38;
	[tilespmem:$0xEC00] =	vst v63  }
0xd8: {  	s15 =	sadd.s32 $0x30, s2;
	s26 =	simm.s32 $0xA5B0  }
0xd9: {  	[hbm4b:s15+s0] =	stream.linear.scatter [tilespmem:s26], [sflag:$0x3], $0x80, $0x38;
	[tilespmem:$0xEC00] =	vst v63  }
0xda: {  	s8 =	sadd.s32 $0x40, s2;
	s10 =	simm.s32 $0xA640  }
0xdb: {  	[hbm4b:s8+s0] =	stream.linear.scatter [tilespmem:s10], [sflag:$0x3], $0x80, $0x38;
	[tilespmem:$0xEC00] =	vst v63  }
0xdc: {  	s15 =	sadd.s32 $0x50, s2;
	s26 =	simm.s32 $0xA6D0  }
0xdd: {  	[hbm4b:s15+s0] =	stream.linear.scatter [tilespmem:s26], [sflag:$0x3], $0x80, $0x38;
	[tilespmem:$0xEC00] =	vst v63  }
0xde: {  	s8 =	sadd.s32 $0x60, s2;
	s10 =	simm.s32 $0xA760  }
0xdf: {  	[hbm4b:s8+s0] =	stream.linear.scatter [tilespmem:s10], [sflag:$0x3], $0x80, $0x38;
	[tilespmem:$0xEC00] =	vst v63  }
0xe0: {  	s15 =	sadd.s32 $0x70, s2;
	s26 =	simm.s32 $0xA7F0  }
0xe1: {  	[hbm4b:s15+s0] =	stream.linear.scatter [tilespmem:s26], [sflag:$0x3], $0x80, $0x38;
	[tilespmem:$0xEC00] =	vst v63  }
0xe2: {  	s7 =	simm.s32 $0xA880;
	s2 =	rddreg [dreg:$0x5]  }
0xe3: {  	[hbm4b:s2+s0] =	stream.linear.scatter [tilespmem:s7], [sflag:$0x3], $0x80, $0x38;
	[tilespmem:$0xEC00] =	vst v63  }
0xe4: {  	s8 =	sadd.s32 $0x10, s2;
	s10 =	simm.s32 $0xA910  }
0xe5: {  	[hbm4b:s8+s0] =	stream.linear.scatter [tilespmem:s10], [sflag:$0x3], $0x80, $0x38;
	[tilespmem:$0xEC00] =	vst v63  }
0xe6: {  	s15 =	sadd.s32 $0x20, s2;
	s26 =	simm.s32 $0xA9A0  }
0xe7: {  	[hbm4b:s15+s0] =	stream.linear.scatter [tilespmem:s26], [sflag:$0x3], $0x80, $0x38;
	[tilespmem:$0xEC00] =	vst v63  }
0xe8: {  	s8 =	sadd.s32 $0x30, s2;
	s10 =	simm.s32 $0xAA30  }
0xe9: {  	[hbm4b:s8+s0] =	stream.linear.scatter [tilespmem:s10], [sflag:$0x3], $0x80, $0x38;
	[tilespmem:$0xEC00] =	vst v63  }
0xea: {  	s15 =	sadd.s32 $0x40, s2;
	s26 =	simm.s32 $0xAAC0  }
0xeb: {  	[hbm4b:s15+s0] =	stream.linear.scatter [tilespmem:s26], [sflag:$0x3], $0x80, $0x38;
	[tilespmem:$0xEC00] =	vst v63  }
0xec: {  	s8 =	sadd.s32 $0x50, s2;
	s10 =	simm.s32 $0xAB50  }
0xed: {  	[hbm4b:s8+s0] =	stream.linear.scatter [tilespmem:s10], [sflag:$0x3], $0x80, $0x38;
	[tilespmem:$0xEC00] =	vst v63  }
0xee: {  	s15 =	sadd.s32 $0x60, s2;
	s26 =	simm.s32 $0xABE0  }
0xef: {  	[hbm4b:s15+s0] =	stream.linear.scatter [tilespmem:s26], [sflag:$0x3], $0x80, $0x38;
	[tilespmem:$0xEC00] =	vst v63  }
0xf0: {  	s7 =	sadd.s32 $0x70, s2;
	s8 =	simm.s32 $0xAC70  }
0xf1: {  	[hbm4b:s7+s0] =	stream.linear.scatter [tilespmem:s8], [sflag:$0x3], $0x80, $0x38;
	[tilespmem:$0xEC00] =	vst v63  }
0xf2: {  	s2 =	rddreg [dreg:$0x6];
	s10 =	simm.s32 $0xAD00  }
0xf3: {  	[hbm4b:s2+s0] =	stream.linear.scatter [tilespmem:s10], [sflag:$0x3], $0x80, $0x38;
	[tilespmem:$0xEC00] =	vst v63  }
0xf4: {  	s15 =	sadd.s32 $0x10, s2;
	s26 =	simm.s32 $0xAD90  }
0xf5: {  	[hbm4b:s15+s0] =	stream.linear.scatter [tilespmem:s26], [sflag:$0x3], $0x80, $0x38;
	[tilespmem:$0xEC00] =	vst v63  }
0xf6: {  	s8 =	sadd.s32 $0x20, s2;
	s10 =	simm.s32 $0xAE20  }
0xf7: {  	[hbm4b:s8+s0] =	stream.linear.scatter [tilespmem:s10], [sflag:$0x3], $0x80, $0x38;
	[tilespmem:$0xEC00] =	vst v63  }
0xf8: {  	s15 =	sadd.s32 $0x30, s2;
	s26 =	simm.s32 $0xAEB0  }
0xf9: {  	[hbm4b:s15+s0] =	stream.linear.scatter [tilespmem:s26], [sflag:$0x3], $0x80, $0x38;
	[tilespmem:$0xEC00] =	vst v63  }
0xfa: {  	s8 =	sadd.s32 $0x40, s2;
	s10 =	simm.s32 $0xAF40  }
0xfb: {  	[hbm4b:s8+s0] =	stream.linear.scatter [tilespmem:s10], [sflag:$0x3], $0x80, $0x38;
	[tilespmem:$0xEC00] =	vst v63  }
0xfc: {  	s15 =	sadd.s32 $0x50, s2;
	s26 =	simm.s32 $0xAFD0  }
0xfd: {  	[hbm4b:s15+s0] =	stream.linear.scatter [tilespmem:s26], [sflag:$0x3], $0x80, $0x38;
	[tilespmem:$0xEC00] =	vst v63  }
0xfe: {  	s8 =	sadd.s32 $0x60, s2;
	s10 =	simm.s32 $0xB060  }
0xff: {  	[hbm4b:s8+s0] =	stream.linear.scatter [tilespmem:s10], [sflag:$0x3], $0x80, $0x38;
	[tilespmem:$0xEC00] =	vst v63  }
0x100: {  	s15 =	sadd.s32 $0x70, s2;
	s26 =	simm.s32 $0xB0F0  }
0x101: {  	[hbm4b:s15+s0] =	stream.linear.scatter [tilespmem:s26], [sflag:$0x3], $0x80, $0x38;
	[tilespmem:$0xEC00] =	vst v63  }
0x102: {  	s7 =	simm.s32 $0xB180;
	s2 =	rddreg [dreg:$0x7]  }
0x103: {  	[hbm4b:s2+s0] =	stream.linear.scatter [tilespmem:s7], [sflag:$0x3], $0x80, $0x38;
	[tilespmem:$0xEC00] =	vst v63  }
0x104: {  	s8 =	sadd.s32 $0x10, s2;
	s10 =	simm.s32 $0xB210  }
0x105: {  	[hbm4b:s8+s0] =	stream.linear.scatter [tilespmem:s10], [sflag:$0x3], $0x80, $0x38;
	[tilespmem:$0xEC00] =	vst v63  }
0x106: {  	s15 =	sadd.s32 $0x20, s2;
	s26 =	simm.s32 $0xB2A0  }
0x107: {  	[hbm4b:s15+s0] =	stream.linear.scatter [tilespmem:s26], [sflag:$0x3], $0x80, $0x38;
	[tilespmem:$0xEC00] =	vst v63  }
0x108: {  	s8 =	sadd.s32 $0x30, s2;
	s10 =	simm.s32 $0xB330  }
0x109: {  	[hbm4b:s8+s0] =	stream.linear.scatter [tilespmem:s10], [sflag:$0x3], $0x80, $0x38;
	[tilespmem:$0xEC00] =	vst v63  }
0x10a: {  	s15 =	sadd.s32 $0x40, s2;
	s26 =	simm.s32 $0xB3C0  }
0x10b: {  	[hbm4b:s15+s0] =	stream.linear.scatter [tilespmem:s26], [sflag:$0x3], $0x80, $0x38;
	[tilespmem:$0xEC00] =	vst v63  }
0x10c: {  	s8 =	sadd.s32 $0x50, s2;
	s10 =	simm.s32 $0xB450  }
0x10d: {  	[hbm4b:s8+s0] =	stream.linear.scatter [tilespmem:s10], [sflag:$0x3], $0x80, $0x38;
	[tilespmem:$0xEC00] =	vst v63  }
0x10e: {  	s15 =	sadd.s32 $0x60, s2;
	s26 =	simm.s32 $0xB4E0  }
0x10f: {  	[hbm4b:s15+s0] =	stream.linear.scatter [tilespmem:s26], [sflag:$0x3], $0x80, $0x38;
	[tilespmem:$0xEC00] =	vst v63  }
0x110: {  	s7 =	sadd.s32 $0x70, s2;
	s8 =	simm.s32 $0xB570  }
0x111: {  	[hbm4b:s7+s0] =	stream.linear.scatter [tilespmem:s8], [sflag:$0x3], $0x80, $0x38;
	[tilespmem:$0xEC00] =	vst v63  }
0x112: {  	s2 =	rddreg [dreg:$0x8];
	s10 =	simm.s32 $0xB600  }
0x113: {  	[hbm4b:s2+s0] =	stream.linear.scatter [tilespmem:s10], [sflag:$0x3], $0x80, $0x38;
	[tilespmem:$0xEC00] =	vst v63  }
0x114: {  	s15 =	sadd.s32 $0x10, s2;
	s26 =	simm.s32 $0xB690  }
0x115: {  	[hbm4b:s15+s0] =	stream.linear.scatter [tilespmem:s26], [sflag:$0x3], $0x80, $0x38;
	[tilespmem:$0xEC00] =	vst v63  }
0x116: {  	s8 =	sadd.s32 $0x20, s2;
	s10 =	simm.s32 $0xB720  }
0x117: {  	[hbm4b:s8+s0] =	stream.linear.scatter [tilespmem:s10], [sflag:$0x3], $0x80, $0x38;
	[tilespmem:$0xEC00] =	vst v63  }
0x118: {  	s15 =	sadd.s32 $0x30, s2;
	s26 =	simm.s32 $0xB7B0  }
0x119: {  	[hbm4b:s15+s0] =	stream.linear.scatter [tilespmem:s26], [sflag:$0x3], $0x80, $0x38;
	[tilespmem:$0xEC00] =	vst v63  }
0x11a: {  	s8 =	sadd.s32 $0x40, s2;
	s10 =	simm.s32 $0xB840  }
0x11b: {  	[hbm4b:s8+s0] =	stream.linear.scatter [tilespmem:s10], [sflag:$0x3], $0x80, $0x38;
	[tilespmem:$0xEC00] =	vst v63  }
0x11c: {  	s15 =	sadd.s32 $0x50, s2;
	s26 =	simm.s32 $0xB8D0  }
0x11d: {  	[hbm4b:s15+s0] =	stream.linear.scatter [tilespmem:s26], [sflag:$0x3], $0x80, $0x38;
	[tilespmem:$0xEC00] =	vst v63  }
0x11e: {  	s8 =	sadd.s32 $0x60, s2;
	s10 =	simm.s32 $0xB960  }
0x11f: {  	[hbm4b:s8+s0] =	stream.linear.scatter [tilespmem:s10], [sflag:$0x3], $0x80, $0x38;
	[tilespmem:$0xEC00] =	vst v63  }
0x120: {  	s15 =	sadd.s32 $0x70, s2;
	s26 =	simm.s32 $0xB9F0  }
0x121: {  	[hbm4b:s15+s0] =	stream.linear.scatter [tilespmem:s26], [sflag:$0x3], $0x80, $0x38;
	[tilespmem:$0xEC00] =	vst v63  }
0x122: {  	s7 =	simm.s32 $0xBA80;
	s2 =	rddreg [dreg:$0x9]  }
0x123: {  	[hbm4b:s2+s0] =	stream.linear.scatter [tilespmem:s7], [sflag:$0x3], $0x80, $0x38;
	[tilespmem:$0xEC00] =	vst v63  }
0x124: {  	s8 =	sadd.s32 $0x10, s2;
	s10 =	simm.s32 $0xBB10  }
0x125: {  	[hbm4b:s8+s0] =	stream.linear.scatter [tilespmem:s10], [sflag:$0x3], $0x80, $0x38;
	[tilespmem:$0xEC00] =	vst v63  }
0x126: {  	s15 =	sadd.s32 $0x20, s2;
	s26 =	simm.s32 $0xBBA0  }
0x127: {  	[hbm4b:s15+s0] =	stream.linear.scatter [tilespmem:s26], [sflag:$0x3], $0x80, $0x38;
	[tilespmem:$0xEC00] =	vst v63  }
0x128: {  	s8 =	sadd.s32 $0x30, s2;
	s10 =	simm.s32 $0xBC30  }
0x129: {  	[hbm4b:s8+s0] =	stream.linear.scatter [tilespmem:s10], [sflag:$0x3], $0x80, $0x38;
	[tilespmem:$0xEC00] =	vst v63  }
0x12a: {  	s15 =	sadd.s32 $0x40, s2;
	s26 =	simm.s32 $0xBCC0  }
0x12b: {  	[hbm4b:s15+s0] =	stream.linear.scatter [tilespmem:s26], [sflag:$0x3], $0x80, $0x38;
	[tilespmem:$0xEC00] =	vst v63  }
0x12c: {  	s8 =	sadd.s32 $0x50, s2;
	s10 =	simm.s32 $0xBD50  }
0x12d: {  	[hbm4b:s8+s0] =	stream.linear.scatter [tilespmem:s10], [sflag:$0x3], $0x80, $0x38;
	[tilespmem:$0xEC00] =	vst v63  }
0x12e: {  	s15 =	sadd.s32 $0x60, s2;
	s26 =	simm.s32 $0xBDE0  }
0x12f: {  	[hbm4b:s15+s0] =	stream.linear.scatter [tilespmem:s26], [sflag:$0x3], $0x80, $0x38;
	[tilespmem:$0xEC00] =	vst v63  }
0x130: {  	s7 =	sadd.s32 $0x70, s2;
	s8 =	simm.s32 $0xBE70  }
0x131: {  	[hbm4b:s7+s0] =	stream.linear.scatter [tilespmem:s8], [sflag:$0x3], $0x80, $0x38;
	[tilespmem:$0xEC00] =	vst v63  }
0x132: {  	s2 =	rddreg [dreg:$0xa];
	s10 =	simm.s32 $0xBF00  }
0x133: {  	[hbm4b:s2+s0] =	stream.linear.scatter [tilespmem:s10], [sflag:$0x3], $0x80, $0x38;
	[tilespmem:$0xEC00] =	vst v63  }
0x134: {  	s15 =	sadd.s32 $0x10, s2;
	s26 =	simm.s32 $0xBF90  }
0x135: {  	[hbm4b:s15+s0] =	stream.linear.scatter [tilespmem:s26], [sflag:$0x3], $0x80, $0x38;
	[tilespmem:$0xEC00] =	vst v63  }
0x136: {  	s8 =	sadd.s32 $0x20, s2;
	s10 =	simm.s32 $0xC020  }
0x137: {  	[hbm4b:s8+s0] =	stream.linear.scatter [tilespmem:s10], [sflag:$0x3], $0x80, $0x38;
	[tilespmem:$0xEC00] =	vst v63  }
0x138: {  	s15 =	sadd.s32 $0x30, s2;
	s26 =	simm.s32 $0xC0B0  }
0x139: {  	[hbm4b:s15+s0] =	stream.linear.scatter [tilespmem:s26], [sflag:$0x3], $0x80, $0x38;
	[tilespmem:$0xEC00] =	vst v63  }
0x13a: {  	s8 =	sadd.s32 $0x40, s2;
	s10 =	simm.s32 $0xC140  }
0x13b: {  	[hbm4b:s8+s0] =	stream.linear.scatter [tilespmem:s10], [sflag:$0x3], $0x80, $0x38;
	[tilespmem:$0xEC00] =	vst v63  }
0x13c: {  	s15 =	sadd.s32 $0x50, s2;
	s26 =	simm.s32 $0xC1D0  }
0x13d: {  	[hbm4b:s15+s0] =	stream.linear.scatter [tilespmem:s26], [sflag:$0x3], $0x80, $0x38;
	[tilespmem:$0xEC00] =	vst v63  }
0x13e: {  	s8 =	sadd.s32 $0x60, s2;
	s10 =	simm.s32 $0xC260  }
0x13f: {  	[hbm4b:s8+s0] =	stream.linear.scatter [tilespmem:s10], [sflag:$0x3], $0x80, $0x38;
	[tilespmem:$0xEC00] =	vst v63  }
0x140: {  	s15 =	sadd.s32 $0x70, s2;
	s26 =	simm.s32 $0xC2F0  }
0x141: {  	[hbm4b:s15+s0] =	stream.linear.scatter [tilespmem:s26], [sflag:$0x3], $0x80, $0x38;
	[tilespmem:$0xEC00] =	vst v63  }
0x142: {  	s7 =	simm.s32 $0xC380;
	s2 =	rddreg [dreg:$0xb]  }
0x143: {  	[hbm4b:s2+s0] =	stream.linear.scatter [tilespmem:s7], [sflag:$0x3], $0x80, $0x38;
	[tilespmem:$0xEC00] =	vst v63  }
0x144: {  	s8 =	sadd.s32 $0x10, s2;
	s10 =	simm.s32 $0xC410  }
0x145: {  	[hbm4b:s8+s0] =	stream.linear.scatter [tilespmem:s10], [sflag:$0x3], $0x80, $0x38;
	[tilespmem:$0xEC00] =	vst v63  }
0x146: {  	s15 =	sadd.s32 $0x20, s2;
	s26 =	simm.s32 $0xC4A0  }
0x147: {  	[hbm4b:s15+s0] =	stream.linear.scatter [tilespmem:s26], [sflag:$0x3], $0x80, $0x38;
	[tilespmem:$0xEC00] =	vst v63  }
0x148: {  	s8 =	sadd.s32 $0x30, s2;
	s10 =	simm.s32 $0xC530  }
0x149: {  	[hbm4b:s8+s0] =	stream.linear.scatter [tilespmem:s10], [sflag:$0x3], $0x80, $0x38;
	[tilespmem:$0xEC00] =	vst v63  }
0x14a: {  	s15 =	sadd.s32 $0x40, s2;
	s26 =	simm.s32 $0xC5C0  }
0x14b: {  	[hbm4b:s15+s0] =	stream.linear.scatter [tilespmem:s26], [sflag:$0x3], $0x80, $0x38;
	[tilespmem:$0xEC00] =	vst v63  }
0x14c: {  	s8 =	sadd.s32 $0x50, s2;
	s10 =	simm.s32 $0xC650  }
0x14d: {  	[hbm4b:s8+s0] =	stream.linear.scatter [tilespmem:s10], [sflag:$0x3], $0x80, $0x38;
	[tilespmem:$0xEC00] =	vst v63  }
0x14e: {  	s15 =	sadd.s32 $0x60, s2;
	s26 =	simm.s32 $0xC6E0  }
0x14f: {  	[hbm4b:s15+s0] =	stream.linear.scatter [tilespmem:s26], [sflag:$0x3], $0x80, $0x38;
	[tilespmem:$0xEC00] =	vst v63  }
0x150: {  	s7 =	sadd.s32 $0x70, s2;
	s8 =	simm.s32 $0xC770  }
0x151: {  	[hbm4b:s7+s0] =	stream.linear.scatter [tilespmem:s8], [sflag:$0x3], $0x80, $0x38;
	[tilespmem:$0xEC00] =	vst v63  }
0x152: {  	_ =	swait.ge [sflag:s18], $0x2000  }
0x153: {  	[sflag:s18] =	ssyncset.done $0x0  }
0x154: {  	s1 =	simm.s32 $0x8480;
	s10 =	simm.s32 $0x3;
	[sflag:s18] =	ssyncadd.s32 $0xFFFFE000  }
0x155: {  	v4 =	vmov s10;
	v5 =	vld [tilespmem:s1+$0x40]  }
0x156: {  	v9 =	vand.u32 $0x7F, v4  }
0x157: {  	v6 =	vmov s0;
	v4 =	vadd.s32 v0, v9  }
0x158: {  	v8 =	vand.u32 $0x7C, v6;
	s15 =	simm.s32 $0x1;
	v7 =	vld [tilespmem:s1+$0xFFFFFF80]  }
0x159: {  	v12 =	vadd.s32 v0, v8;
	s26 =	simm.s32 $0x2;
	v6 =	vmov s15;
	v10 =	vld [tilespmem:s1+$0xFFFFFFC0]  }
0x15a: {  	v11 =	vmov s26;
	v15 =	vand.u32 $0x7D, v6;
	v6 =	vld [tilespmem:s1+$0x0];
	v5 =	vmul.f32 $8.000000000e+00, v5  }
0x15b: {  	v17 =	vand.u32 $0x7E, v11;
	v13 =	vadd.s32 v0, v15  }
0x15c: {  	v11 =	vadd.s32 v0, v17;
	[tilespmem:v4+s19+$0x0] =	vst.idx.msk $0xffff, v5  }
0x15d: {  	v4 =	vmul.f32 $8.000000000e+00, v7;
	v5 =	vld [tilespmem:s1+$0x50]  }
0x15e: {  	v7 =	vmul.f32 $8.000000000e+00, v10  }
0x15f: {  	[tilespmem:v12+s19+$0x0] =	vst.idx.msk $0xffff, v4;
	v4 =	vmul.f32 $8.000000000e+00, v6;
	v6 =	vadd.s32 v1, v9  }
0x160: {  	[tilespmem:v13+s19+$0x0] =	vst.idx.msk $0xffff, v7;
	v10 =	vld [tilespmem:s1+$0xFFFFFF90]  }
0x161: {  	v7 =	vld [tilespmem:s1+$0xFFFFFFD0];
	[tilespmem:v11+s19+$0x0] =	vst.idx.msk $0xffff, v4  }
0x162: {  	v11 =	vld [tilespmem:s1+$0x10];
	v4 =	vmul.f32 $8.000000000e+00, v5  }
0x163: {  	s2 =	simm.s32 $0x8580;
	s7 =	simm.s32 $0x4;
	s8 =	simm.s32 $0x7;
	v12 =	vadd.s32 v1, v15  }
0x164: {  	v14 =	vld [tilespmem:s2+$0x40];
	v13 =	vadd.s32 v1, v17;
	v5 =	vmov s7;
	[tilespmem:v6+s19+$0x0] =	vst.idx.msk $0xffff, v4;
	v6 =	vmov s8  }
0x165: {  	v16 =	vadd.s32 v1, v8;
	v4 =	vand.u32 $0x7C, v5;
	v5 =	vand.u32 $0x7F, v6;
	v18 =	vld [tilespmem:s1+$0x60]  }
0x166: {  	s10 =	simm.s32 $0x5;
	v22 =	vadd.s32 v2, v9;
	v19 =	vld [tilespmem:s2+$0xFFFFFF80];
	v6 =	vmul.f32 $8.000000000e+00, v7;
	v20 =	vadd.s32 v0, v5  }
0x167: {  	s15 =	simm.s32 $0x6;
	v21 =	vld [tilespmem:s2+$0xFFFFFFC0];
	v10 =	vmul.f32 $8.000000000e+00, v10;
	v7 =	vmul.f32 $8.000000000e+00, v11;
	v11 =	vmov s10  }
0x168: {  	v23 =	vadd.s32 v0, v4;
	[tilespmem:v12+s19+$0x0] =	vst.idx.msk $0xffff, v6;
	v12 =	vmov s15;
	v6 =	vand.u32 $0x7D, v11;
	v11 =	vld [tilespmem:s2+$0x0]  }
0x169: {  	[tilespmem:v13+s19+$0x0] =	vst.idx.msk $0xffff, v7;
	v13 =	vadd.s32 v0, v6;
	v7 =	vand.u32 $0x7E, v12;
	v12 =	vmul.f32 $8.000000000e+00, v14;
	v14 =	vld [tilespmem:s1+$0xFFFFFFE0]  }
0x16a: {  	[tilespmem:v16+s19+$0x0] =	vst.idx.msk $0xffff, v10;
	v10 =	vadd.s32 v0, v7;
	v16 =	vld [tilespmem:s1+$0x20];
	v18 =	vmul.f32 $8.000000000e+00, v18  }
0x16b: {  	v19 =	vmul.f32 $8.000000000e+00, v19;
	[tilespmem:v20+s19+$0x0] =	vst.idx.msk $0xffff, v12;
	v12 =	vld [tilespmem:s1+$0xFFFFFFA0];
	v20 =	vadd.s32 v2, v15  }
0x16c: {  	v60 =	vadd.s32 v2, v17;
	v21 =	vmul.f32 $8.000000000e+00, v21;
	v59 =	vld [tilespmem:s2+$0x50];
	[tilespmem:v22+s19+$0x0] =	vst.idx.msk $0xffff, v18  }
0x16d: {  	[tilespmem:v23+s19+$0x0] =	vst.idx.msk $0xffff, v19;
	v19 =	vadd.s32 v2, v8;
	v11 =	vmul.f32 $8.000000000e+00, v11;
	v22 =	vld [tilespmem:s1+$0x70]  }
0x16e: {  	v23 =	vld [tilespmem:s2+$0xFFFFFF90];
	[tilespmem:v13+s19+$0x0] =	vst.idx.msk $0xffff, v21;
	v21 =	vadd.s32 v1, v5;
	v14 =	vmul.f32 $8.000000000e+00, v14  }
0x16f: {  	v62 =	vadd.s32 v3, v9;
	v61 =	vld [tilespmem:s2+$0xFFFFFFD0];
	[tilespmem:v10+s19+$0x0] =	vst.idx.msk $0xffff, v11;
	v10 =	vmul.f32 $8.000000000e+00, v16  }
0x170: {  	v18 =	vadd.s32 v1, v4;
	v13 =	vld [tilespmem:s2+$0x10];
	v9 =	vmul.f32 $8.000000000e+00, v12;
	[tilespmem:v20+s19+$0x0] =	vst.idx.msk $0xffff, v14  }
0x171: {  	s0 =	simm.s32 $0x8;
	v16 =	vadd.s32 v1, v6;
	[tilespmem:v60+s19+$0x0] =	vst.idx.msk $0xffff, v10;
	v14 =	vmul.f32 $8.000000000e+00, v59;
	v12 =	vld [tilespmem:s1+$0xFFFFFFF0]  }
0x172: {  	v20 =	vmov s0;
	v10 =	vadd.s32 v1, v7;
	v11 =	vld [tilespmem:s1+$0x30];
	[tilespmem:v19+s19+$0x0] =	vst.idx.msk $0xffff, v9;
	v63 =	vmul.f32 $8.000000000e+00, v22  }
0x173: {  	s26 =	simm.s32 $0xB;
	v15 =	vadd.s32 v3, v15;
	v9 =	vand.u32 $0x7C, v20;
	v20 =	vmul.f32 $8.000000000e+00, v23;
	[tilespmem:v21+s19+$0x0] =	vst.idx.msk $0xffff, v14;
	v14 =	vld [tilespmem:s1+$0xFFFFFFB0];
	s1 =	simm.s32 $0x8680  }
0x174: {  	v17 =	vadd.s32 v3, v17;
	s7 =	simm.s32 $0xC;
	v22 =	vmov s26;
	v21 =	vmul.f32 $8.000000000e+00, v61;
	v19 =	vld [tilespmem:s1+$0x40];
	[tilespmem:v62+s19+$0x0] =	vst.idx.msk $0xffff, v63  }
.LBB2_6:
0x175: {  	p0 =	slt.u32 s7, $0x7C;
	s8 =	sadd.s32 $0x1, s0;
	v22 =	vand.u32 $0x7F, v22;
	[tilespmem:v18+s19+$0x0] =	vst.idx.msk $0xffff, v20;
	v13 =	vmul.f32 $8.000000000e+00, v13;
	v18 =	vld [tilespmem:s2+$0x60];
	v20 =	vadd.s32 v3, v8;
	v8 =	vmovc v4  }
0x176: {  	v4 =	vmovc v9;
	v23 =	vld [tilespmem:s1+$0xFFFFFF80];
	v24 =	vmov s8;
	s8 =	sadd.s32 $0x2, s0;
	v25 =	vadd.s32 v0, v22;
	[tilespmem:v16+s19+$0x0] =	vst.idx.msk $0xffff, v21;
	v12 =	vmul.f32 $8.000000000e+00, v12;
	s0 =	smov.u32 s7  }
0x177: {  	v9 =	vld [tilespmem:s1+$0xFFFFFFC0];
	v16 =	vmov s8;
	[tilespmem:v10+s19+$0x0] =	vst.idx.msk $0xffff, v13;
	v10 =	vadd.s32 v2, v5;
	v11 =	vmul.f32 $8.000000000e+00, v11  }
0x178: {  	v13 =	vadd.s32 v0, v4;
	v21 =	vand.u32 $0x7D, v24;
	v24 =	vld [tilespmem:s1+$0x0];
	v14 =	vmul.f32 $8.000000000e+00, v14;
	[tilespmem:v15+s19+$0x0] =	vst.idx.msk $0xffff, v12  }
0x179: {  	v12 =	vadd.s32 v0, v21;
	v26 =	vand.u32 $0x7E, v16;
	v15 =	vmul.f32 $8.000000000e+00, v19;
	v16 =	vld [tilespmem:s2+$0xFFFFFFE0];
	[tilespmem:v17+s19+$0x0] =	vst.idx.msk $0xffff, v11  }
0x17a: {  	v11 =	vadd.s32 v0, v26;
	v17 =	vld [tilespmem:s2+$0x20];
	v18 =	vmul.f32 $8.000000000e+00, v18;
	[tilespmem:v20+s19+$0x0] =	vst.idx.msk $0xffff, v14  }
0x17b: {  	v19 =	vadd.s32 v2, v6;
	v14 =	vmul.f32 $8.000000000e+00, v23;
	[tilespmem:v25+s19+$0x0] =	vst.idx.msk $0xffff, v15;
	v15 =	vld [tilespmem:s2+$0xFFFFFFA0]  }
0x17c: {  	v23 =	vadd.s32 v2, v7;
	v9 =	vmul.f32 $8.000000000e+00, v9;
	v20 =	vld [tilespmem:s1+$0x50];
	[tilespmem:v10+s19+$0x0] =	vst.idx.msk $0xffff, v18  }
0x17d: {  	[tilespmem:v13+s19+$0x0] =	vst.idx.msk $0xffff, v14;
	v10 =	vmul.f32 $8.000000000e+00, v24;
	v14 =	vadd.s32 v2, v8;
	v24 =	vld [tilespmem:s2+$0x70]  }
0x17e: {  	v27 =	vadd.s32 v1, v22;
	v25 =	vld [tilespmem:s1+$0xFFFFFF90];
	[tilespmem:v12+s19+$0x0] =	vst.idx.msk $0xffff, v9;
	v9 =	vmul.f32 $8.000000000e+00, v16  }
0x17f: {  	v29 =	vadd.s32 v3, v5;
	v5 =	vmov v22;
	v28 =	vld [tilespmem:s1+$0xFFFFFFD0];
	[tilespmem:v11+s19+$0x0] =	vst.idx.msk $0xffff, v10;
	v10 =	vmul.f32 $8.000000000e+00, v17  }
.Ltmp2:
0x180: {  	v18 =	vadd.s32 v1, v4;
	v13 =	vld [tilespmem:s1+$0x10];
	v11 =	vmul.f32 $8.000000000e+00, v15;
	[tilespmem:v19+s19+$0x0] =	vst.idx.msk $0xffff, v9;
	(pc) =	sbr.rel @p0 .LBB2_6-.Ltmp2, $4  }
0x181: {  	v16 =	vadd.s32 v1, v21;
	v15 =	vmul.f32 $8.000000000e+00, v20;
	v12 =	vld [tilespmem:s2+$0xFFFFFFF0];
	[tilespmem:v23+s19+$0x0] =	vst.idx.msk $0xffff, v10  }
0x182: {  	v9 =	vmov s7;
	v10 =	vadd.s32 v1, v26;
	[tilespmem:v14+s19+$0x0] =	vst.idx.msk $0xffff, v11;
	v11 =	vld [tilespmem:s2+$0x30];
	v23 =	vmul.f32 $8.000000000e+00, v24  }
0x183: {  	s8 =	sadd.s32 $0x3, s7;
	v9 =	vand.u32 $0x7C, v9;
	v20 =	vmul.f32 $8.000000000e+00, v25;
	[tilespmem:v27+s19+$0x0] =	vst.idx.msk $0xffff, v15;
	v14 =	vld [tilespmem:s2+$0xFFFFFFB0];
	v15 =	vadd.s32 v3, v6;
	v6 =	vmovc v21;
	s2 =	smov.u32 s1;
	s1 =	sadd.s32 $0x100, s1  }
0x184: {  	v22 =	vmov s8;
	v17 =	vadd.s32 v3, v7;
	v7 =	vmovc v26;
	s7 =	sadd.s32 $0x4, s7;
	v19 =	vld [tilespmem:s1+$0x40];
	v21 =	vmul.f32 $8.000000000e+00, v28;
	[tilespmem:v29+s19+$0x0] =	vst.idx.msk $0xffff, v23  }
0x185: {  	s7 =	sadd.s32 $0x1, s0;
	v22 =	vand.u32 $0x7F, v22;
	v28 =	vld [tilespmem:s1+$0xFFFFFF80]  }
0x186: {  	s10 =	sadd.s32 $0x2, s0;
	v24 =	vld [tilespmem:s1+$0xFFFFFFC0];
	v23 =	vmov s7;
	v26 =	vadd.s32 v0, v22  }
0x187: {  	v27 =	vld [tilespmem:s1+$0x0];
	v51 =	vadd.s32 v0, v9;
	v25 =	vmov s10;
	v23 =	vand.u32 $0x7D, v23  }
0x188: {  	v25 =	vand.u32 $0x7E, v25;
	v29 =	vadd.s32 v0, v23  }
0x189: {  	[tilespmem:v18+s19+$0x0] =	vst.idx.msk $0xffff, v20;
	v30 =	vadd.s32 v0, v25;
	v19 =	vmul.f32 $8.000000000e+00, v19  }
0x18a: {  	[tilespmem:v16+s19+$0x0] =	vst.idx.msk $0xffff, v21;
	v54 =	vmul.f32 $8.000000000e+00, v28  }
0x18b: {  	v52 =	vmul.f32 $8.000000000e+00, v24;
	[tilespmem:v26+s19+$0x0] =	vst.idx.msk $0xffff, v19  }
0x18c: {  	v53 =	vmul.f32 $8.000000000e+00, v27;
	v55 =	vld [tilespmem:s1+$0x50];
	[tilespmem:v51+s19+$0x0] =	vst.idx.msk $0xffff, v54  }
0x18d: {  	v13 =	vmul.f32 $8.000000000e+00, v13;
	v8 =	vadd.s32 v3, v8;
	[tilespmem:v29+s19+$0x0] =	vst.idx.msk $0xffff, v52;
	v59 =	vld [tilespmem:s1+$0xFFFFFF90]  }
0x18e: {  	v12 =	vmul.f32 $8.000000000e+00, v12;
	v57 =	vadd.s32 v1, v22;
	[tilespmem:v30+s19+$0x0] =	vst.idx.msk $0xffff, v53;
	v56 =	vld [tilespmem:s1+$0xFFFFFFD0]  }
0x18f: {  	[tilespmem:v10+s19+$0x0] =	vst.idx.msk $0xffff, v13;
	v58 =	vmul.f32 $8.000000000e+00, v11;
	v28 =	vadd.s32 v1, v9;
	v19 =	vld [tilespmem:s1+$0x10]  }
0x190: {  	v61 =	vld [tilespmem:s2+$0x60];
	v60 =	vadd.s32 v1, v23;
	v14 =	vmul.f32 $8.000000000e+00, v14;
	[tilespmem:v15+s19+$0x0] =	vst.idx.msk $0xffff, v12  }
0x191: {  	v32 =	vld [tilespmem:s2+$0xFFFFFFA0];
	v62 =	vadd.s32 v1, v25;
	[tilespmem:v17+s19+$0x0] =	vst.idx.msk $0xffff, v58;
	v16 =	vmul.f32 $8.000000000e+00, v55  }
0x192: {  	[tilespmem:v8+s19+$0x0] =	vst.idx.msk $0xffff, v14;
	v29 =	vadd.s32 v2, v5;
	v30 =	vld [tilespmem:s2+$0x20];
	v11 =	vmul.f32 $8.000000000e+00, v59  }
0x193: {  	v38 =	vadd.s32 v2, v4;
	v63 =	vld [tilespmem:s2+$0xFFFFFFE0];
	v31 =	vmul.f32 $8.000000000e+00, v56;
	[tilespmem:v57+s19+$0x0] =	vst.idx.msk $0xffff, v16  }
0x194: {  	v35 =	vadd.s32 v2, v7;
	v34 =	vmul.f32 $8.000000000e+00, v19;
	v36 =	vld [tilespmem:s1+$0x60];
	[tilespmem:v28+s19+$0x0] =	vst.idx.msk $0xffff, v11  }
0x195: {  	v33 =	vadd.s32 v2, v6;
	v37 =	vmul.f32 $8.000000000e+00, v61;
	[tilespmem:v60+s19+$0x0] =	vst.idx.msk $0xffff, v31;
	v43 =	vld [tilespmem:s1+$0xFFFFFFA0]  }
0x196: {  	v40 =	vadd.s32 v2, v22;
	v14 =	vmul.f32 $8.000000000e+00, v32;
	[tilespmem:v62+s19+$0x0] =	vst.idx.msk $0xffff, v34;
	v39 =	vld [tilespmem:s1+$0xFFFFFFE0]  }
0x197: {  	v48 =	vadd.s32 v2, v9;
	[tilespmem:v29+s19+$0x0] =	vst.idx.msk $0xffff, v37;
	v42 =	vmul.f32 $8.000000000e+00, v30;
	v41 =	vld [tilespmem:s1+$0x20]  }
0x198: {  	v44 =	vadd.s32 v2, v23;
	v15 =	vmul.f32 $8.000000000e+00, v63;
	[tilespmem:v38+s19+$0x0] =	vst.idx.msk $0xffff, v14;
	v45 =	vld [tilespmem:s2+$0x70]  }
0x199: {  	v46 =	vadd.s32 v2, v25;
	v14 =	vld [tilespmem:s2+$0xFFFFFFB0];
	[tilespmem:v35+s19+$0x0] =	vst.idx.msk $0xffff, v42;
	v47 =	vmul.f32 $8.000000000e+00, v36  }
0x19a: {  	v5 =	vadd.s32 v3, v5;
	[tilespmem:v33+s19+$0x0] =	vst.idx.msk $0xffff, v15;
	v49 =	vld [tilespmem:s2+$0x30];
	v53 =	vmul.f32 $8.000000000e+00, v43  }
0x19b: {  	v4 =	vadd.s32 v3, v4;
	v21 =	vld [tilespmem:s2+$0xFFFFFFF0];
	v12 =	vmul.f32 $8.000000000e+00, v39;
	[tilespmem:v40+s19+$0x0] =	vst.idx.msk $0xffff, v47  }
0x19c: {  	v52 =	vadd.s32 v3, v7;
	v51 =	vmul.f32 $8.000000000e+00, v41;
	v10 =	vld [tilespmem:s1+$0x70];
	[tilespmem:v48+s19+$0x0] =	vst.idx.msk $0xffff, v53  }
0x19d: {  	v50 =	vadd.s32 v3, v6;
	v54 =	vmul.f32 $8.000000000e+00, v45;
	[tilespmem:v44+s19+$0x0] =	vst.idx.msk $0xffff, v12;
	v59 =	vld [tilespmem:s1+$0xFFFFFFB0]  }
0x19e: {  	v57 =	vadd.s32 v3, v22;
	v14 =	vmul.f32 $8.000000000e+00, v14;
	[tilespmem:v46+s19+$0x0] =	vst.idx.msk $0xffff, v51;
	v55 =	vld [tilespmem:s1+$0xFFFFFFF0]  }
0x19f: {  	v62 =	vadd.s32 v3, v9;
	[tilespmem:v5+s19+$0x0] =	vst.idx.msk $0xffff, v54;
	v5 =	vmul.f32 $8.000000000e+00, v49;
	v58 =	vld [tilespmem:s1+$0x30]  }
0x1a0: {  	v56 =	vmul.f32 $8.000000000e+00, v21;
	v60 =	vadd.s32 v3, v23;
	[tilespmem:v4+s19+$0x0] =	vst.idx.msk $0xffff, v14  }
0x1a1: {  	v61 =	vadd.s32 v3, v25;
	[tilespmem:v52+s19+$0x0] =	vst.idx.msk $0xffff, v5;
	v5 =	vmul.f32 $8.000000000e+00, v10  }
0x1a2: {  	[tilespmem:v50+s19+$0x0] =	vst.idx.msk $0xffff, v56;
	v63 =	vmul.f32 $8.000000000e+00, v59  }
0x1a3: {  	v4 =	vmul.f32 $8.000000000e+00, v55;
	[tilespmem:v57+s19+$0x0] =	vst.idx.msk $0xffff, v5  }
0x1a4: {  	v5 =	vmul.f32 $8.000000000e+00, v58;
	[tilespmem:v62+s19+$0x0] =	vst.idx.msk $0xffff, v63  }
0x1a5: {  	[tilespmem:v60+s19+$0x0] =	vst.idx.msk $0xffff, v4  }
0x1a6: {  	s15 =	simm.s32 $0x8400;
	s26 =	simm.s32 $0x180;
	[tilespmem:v61+s19+$0x0] =	vst.idx.msk $0xffff, v5  }
0x1a7: {  	[tilespmem:s15], [sflag:$0x2] =	stream.indirect.gather [hbm4b:s4+s31], $0x40, s26, s31, $0xb8;
	[tilespmem:$0xEC00] =	vst v63  }
0x1a8: {  	s1 =	rddreg [dreg:$0xc]  }
0x1a9: {  	[hbm4b:s1+s3] =	stream.linear.scatter [tilespmem:s19], [sflag:$0x4], $0x80, $0x38;
	[tilespmem:$0xEC00] =	vst v63  }
0x1aa: {  	s7 =	simm.s32 $0xC890;
	s2 =	sadd.s32 $0x10, s1  }
0x1ab: {  	[hbm4b:s2+s3] =	stream.linear.scatter [tilespmem:s7], [sflag:$0x4], $0x80, $0x38;
	[tilespmem:$0xEC00] =	vst v63  }
0x1ac: {  	s10 =	simm.s32 $0xC920;
	s8 =	sadd.s32 $0x20, s1  }
0x1ad: {  	[hbm4b:s8+s3] =	stream.linear.scatter [tilespmem:s10], [sflag:$0x4], $0x80, $0x38;
	[tilespmem:$0xEC00] =	vst v63  }
0x1ae: {  	s26 =	simm.s32 $0xC9B0;
	s15 =	sadd.s32 $0x30, s1  }
0x1af: {  	[hbm4b:s15+s3] =	stream.linear.scatter [tilespmem:s26], [sflag:$0x4], $0x80, $0x38;
	[tilespmem:$0xEC00] =	vst v63  }
0x1b0: {  	s2 =	sadd.s32 $0x40, s1;
	s7 =	simm.s32 $0xCA40  }
0x1b1: {  	[hbm4b:s2+s3] =	stream.linear.scatter [tilespmem:s7], [sflag:$0x4], $0x80, $0x38;
	[tilespmem:$0xEC00] =	vst v63  }
0x1b2: {  	s8 =	sadd.s32 $0x50, s1;
	s10 =	simm.s32 $0xCAD0  }
0x1b3: {  	[hbm4b:s8+s3] =	stream.linear.scatter [tilespmem:s10], [sflag:$0x4], $0x80, $0x38;
	[tilespmem:$0xEC00] =	vst v63  }
0x1b4: {  	s15 =	sadd.s32 $0x60, s1;
	s26 =	simm.s32 $0xCB60  }
0x1b5: {  	[hbm4b:s15+s3] =	stream.linear.scatter [tilespmem:s26], [sflag:$0x4], $0x80, $0x38;
	[tilespmem:$0xEC00] =	vst v63  }
0x1b6: {  	s1 =	sadd.s32 $0x70, s1;
	s2 =	simm.s32 $0xCBF0  }
0x1b7: {  	[hbm4b:s1+s3] =	stream.linear.scatter [tilespmem:s2], [sflag:$0x4], $0x80, $0x38;
	[tilespmem:$0xEC00] =	vst v63  }
0x1b8: {  	s7 =	simm.s32 $0xCC80;
	s1 =	rddreg [dreg:$0xe]  }
0x1b9: {  	[hbm4b:s1+s3] =	stream.linear.scatter [tilespmem:s7], [sflag:$0x4], $0x80, $0x38;
	[tilespmem:$0xEC00] =	vst v63  }
0x1ba: {  	s10 =	simm.s32 $0xCD10;
	s8 =	sadd.s32 $0x10, s1  }
0x1bb: {  	[hbm4b:s8+s3] =	stream.linear.scatter [tilespmem:s10], [sflag:$0x4], $0x80, $0x38;
	[tilespmem:$0xEC00] =	vst v63  }
0x1bc: {  	s26 =	simm.s32 $0xCDA0;
	s15 =	sadd.s32 $0x20, s1  }
0x1bd: {  	[hbm4b:s15+s3] =	stream.linear.scatter [tilespmem:s26], [sflag:$0x4], $0x80, $0x38;
	[tilespmem:$0xEC00] =	vst v63  }
0x1be: {  	s2 =	sadd.s32 $0x30, s1;
	s7 =	simm.s32 $0xCE30  }
0x1bf: {  	[hbm4b:s2+s3] =	stream.linear.scatter [tilespmem:s7], [sflag:$0x4], $0x80, $0x38;
	[tilespmem:$0xEC00] =	vst v63  }
0x1c0: {  	s8 =	sadd.s32 $0x40, s1;
	s10 =	simm.s32 $0xCEC0  }
0x1c1: {  	[hbm4b:s8+s3] =	stream.linear.scatter [tilespmem:s10], [sflag:$0x4], $0x80, $0x38;
	[tilespmem:$0xEC00] =	vst v63  }
0x1c2: {  	s15 =	sadd.s32 $0x50, s1;
	s26 =	simm.s32 $0xCF50  }
0x1c3: {  	[hbm4b:s15+s3] =	stream.linear.scatter [tilespmem:s26], [sflag:$0x4], $0x80, $0x38;
	[tilespmem:$0xEC00] =	vst v63  }
0x1c4: {  	s7 =	sadd.s32 $0x60, s1;
	s8 =	simm.s32 $0xCFE0  }
0x1c5: {  	[hbm4b:s7+s3] =	stream.linear.scatter [tilespmem:s8], [sflag:$0x4], $0x80, $0x38;
	[tilespmem:$0xEC00] =	vst v63  }
0x1c6: {  	s10 =	sadd.s32 $0x70, s1;
	s15 =	simm.s32 $0xD070  }
0x1c7: {  	[hbm4b:s10+s3] =	stream.linear.scatter [tilespmem:s15], [sflag:$0x4], $0x80, $0x38;
	[tilespmem:$0xEC00] =	vst v63  }
0x1c8: {  	s1 =	rddreg [dreg:$0xf];
	s26 =	simm.s32 $0xD100  }
0x1c9: {  	[hbm4b:s1+s3] =	stream.linear.scatter [tilespmem:s26], [sflag:$0x4], $0x80, $0x38;
	[tilespmem:$0xEC00] =	vst v63  }
0x1ca: {  	s2 =	sadd.s32 $0x10, s1;
	s7 =	simm.s32 $0xD190  }
0x1cb: {  	[hbm4b:s2+s3] =	stream.linear.scatter [tilespmem:s7], [sflag:$0x4], $0x80, $0x38;
	[tilespmem:$0xEC00] =	vst v63  }
0x1cc: {  	s8 =	sadd.s32 $0x20, s1;
	s10 =	simm.s32 $0xD220  }
0x1cd: {  	[hbm4b:s8+s3] =	stream.linear.scatter [tilespmem:s10], [sflag:$0x4], $0x80, $0x38;
	[tilespmem:$0xEC00] =	vst v63  }
0x1ce: {  	s15 =	sadd.s32 $0x30, s1;
	s26 =	simm.s32 $0xD2B0  }
0x1cf: {  	[hbm4b:s15+s3] =	stream.linear.scatter [tilespmem:s26], [sflag:$0x4], $0x80, $0x38;
	[tilespmem:$0xEC00] =	vst v63  }
0x1d0: {  	s2 =	sadd.s32 $0x40, s1;
	s7 =	simm.s32 $0xD340  }
0x1d1: {  	[hbm4b:s2+s3] =	stream.linear.scatter [tilespmem:s7], [sflag:$0x4], $0x80, $0x38;
	[tilespmem:$0xEC00] =	vst v63  }
0x1d2: {  	s8 =	sadd.s32 $0x50, s1;
	s10 =	simm.s32 $0xD3D0  }
0x1d3: {  	[hbm4b:s8+s3] =	stream.linear.scatter [tilespmem:s10], [sflag:$0x4], $0x80, $0x38;
	[tilespmem:$0xEC00] =	vst v63  }
0x1d4: {  	s15 =	sadd.s32 $0x60, s1;
	s26 =	simm.s32 $0xD460  }
0x1d5: {  	[hbm4b:s15+s3] =	stream.linear.scatter [tilespmem:s26], [sflag:$0x4], $0x80, $0x38;
	[tilespmem:$0xEC00] =	vst v63  }
0x1d6: {  	s1 =	sadd.s32 $0x70, s1;
	s2 =	simm.s32 $0xD4F0  }
0x1d7: {  	[hbm4b:s1+s3] =	stream.linear.scatter [tilespmem:s2], [sflag:$0x4], $0x80, $0x38;
	[tilespmem:$0xEC00] =	vst v63  }
0x1d8: {  	s7 =	simm.s32 $0xD580;
	s1 =	rddreg [dreg:$0x10]  }
0x1d9: {  	[hbm4b:s1+s3] =	stream.linear.scatter [tilespmem:s7], [sflag:$0x4], $0x80, $0x38;
	[tilespmem:$0xEC00] =	vst v63  }
0x1da: {  	s10 =	simm.s32 $0xD610;
	s8 =	sadd.s32 $0x10, s1  }
0x1db: {  	[hbm4b:s8+s3] =	stream.linear.scatter [tilespmem:s10], [sflag:$0x4], $0x80, $0x38;
	[tilespmem:$0xEC00] =	vst v63  }
0x1dc: {  	s26 =	simm.s32 $0xD6A0;
	s15 =	sadd.s32 $0x20, s1  }
0x1dd: {  	[hbm4b:s15+s3] =	stream.linear.scatter [tilespmem:s26], [sflag:$0x4], $0x80, $0x38;
	[tilespmem:$0xEC00] =	vst v63  }
0x1de: {  	s2 =	sadd.s32 $0x30, s1;
	s7 =	simm.s32 $0xD730  }
0x1df: {  	[hbm4b:s2+s3] =	stream.linear.scatter [tilespmem:s7], [sflag:$0x4], $0x80, $0x38;
	[tilespmem:$0xEC00] =	vst v63  }
0x1e0: {  	s8 =	sadd.s32 $0x40, s1;
	s10 =	simm.s32 $0xD7C0  }
0x1e1: {  	[hbm4b:s8+s3] =	stream.linear.scatter [tilespmem:s10], [sflag:$0x4], $0x80, $0x38;
	[tilespmem:$0xEC00] =	vst v63  }
0x1e2: {  	s15 =	sadd.s32 $0x50, s1;
	s26 =	simm.s32 $0xD850  }
0x1e3: {  	[hbm4b:s15+s3] =	stream.linear.scatter [tilespmem:s26], [sflag:$0x4], $0x80, $0x38;
	[tilespmem:$0xEC00] =	vst v63  }
0x1e4: {  	s7 =	sadd.s32 $0x60, s1;
	s8 =	simm.s32 $0xD8E0  }
0x1e5: {  	[hbm4b:s7+s3] =	stream.linear.scatter [tilespmem:s8], [sflag:$0x4], $0x80, $0x38;
	[tilespmem:$0xEC00] =	vst v63  }
0x1e6: {  	s10 =	sadd.s32 $0x70, s1;
	s15 =	simm.s32 $0xD970  }
0x1e7: {  	[hbm4b:s10+s3] =	stream.linear.scatter [tilespmem:s15], [sflag:$0x4], $0x80, $0x38;
	[tilespmem:$0xEC00] =	vst v63  }
0x1e8: {  	s1 =	rddreg [dreg:$0x11];
	s26 =	simm.s32 $0xDA00  }
0x1e9: {  	[hbm4b:s1+s3] =	stream.linear.scatter [tilespmem:s26], [sflag:$0x4], $0x80, $0x38;
	[tilespmem:$0xEC00] =	vst v63  }
0x1ea: {  	s2 =	sadd.s32 $0x10, s1;
	s7 =	simm.s32 $0xDA90  }
0x1eb: {  	[hbm4b:s2+s3] =	stream.linear.scatter [tilespmem:s7], [sflag:$0x4], $0x80, $0x38;
	[tilespmem:$0xEC00] =	vst v63  }
0x1ec: {  	s8 =	sadd.s32 $0x20, s1;
	s10 =	simm.s32 $0xDB20  }
0x1ed: {  	[hbm4b:s8+s3] =	stream.linear.scatter [tilespmem:s10], [sflag:$0x4], $0x80, $0x38;
	[tilespmem:$0xEC00] =	vst v63  }
0x1ee: {  	s15 =	sadd.s32 $0x30, s1;
	s26 =	simm.s32 $0xDBB0  }
0x1ef: {  	[hbm4b:s15+s3] =	stream.linear.scatter [tilespmem:s26], [sflag:$0x4], $0x80, $0x38;
	[tilespmem:$0xEC00] =	vst v63  }
0x1f0: {  	s2 =	sadd.s32 $0x40, s1;
	s7 =	simm.s32 $0xDC40  }
0x1f1: {  	[hbm4b:s2+s3] =	stream.linear.scatter [tilespmem:s7], [sflag:$0x4], $0x80, $0x38;
	[tilespmem:$0xEC00] =	vst v63  }
0x1f2: {  	s8 =	sadd.s32 $0x50, s1;
	s10 =	simm.s32 $0xDCD0  }
0x1f3: {  	[hbm4b:s8+s3] =	stream.linear.scatter [tilespmem:s10], [sflag:$0x4], $0x80, $0x38;
	[tilespmem:$0xEC00] =	vst v63  }
0x1f4: {  	s15 =	sadd.s32 $0x60, s1;
	s26 =	simm.s32 $0xDD60  }
0x1f5: {  	[hbm4b:s15+s3] =	stream.linear.scatter [tilespmem:s26], [sflag:$0x4], $0x80, $0x38;
	[tilespmem:$0xEC00] =	vst v63  }
0x1f6: {  	s1 =	sadd.s32 $0x70, s1;
	s2 =	simm.s32 $0xDDF0  }
0x1f7: {  	[hbm4b:s1+s3] =	stream.linear.scatter [tilespmem:s2], [sflag:$0x4], $0x80, $0x38;
	[tilespmem:$0xEC00] =	vst v63  }
0x1f8: {  	s7 =	simm.s32 $0xDE80;
	s1 =	rddreg [dreg:$0x14]  }
0x1f9: {  	[hbm4b:s1+s3] =	stream.linear.scatter [tilespmem:s7], [sflag:$0x4], $0x80, $0x38;
	[tilespmem:$0xEC00] =	vst v63  }
0x1fa: {  	s10 =	simm.s32 $0xDF10;
	s8 =	sadd.s32 $0x10, s1  }
0x1fb: {  	[hbm4b:s8+s3] =	stream.linear.scatter [tilespmem:s10], [sflag:$0x4], $0x80, $0x38;
	[tilespmem:$0xEC00] =	vst v63  }
0x1fc: {  	s26 =	simm.s32 $0xDFA0;
	s15 =	sadd.s32 $0x20, s1  }
0x1fd: {  	[hbm4b:s15+s3] =	stream.linear.scatter [tilespmem:s26], [sflag:$0x4], $0x80, $0x38;
	[tilespmem:$0xEC00] =	vst v63  }
0x1fe: {  	s2 =	sadd.s32 $0x30, s1;
	s7 =	simm.s32 $0xE030  }
0x1ff: {  	[hbm4b:s2+s3] =	stream.linear.scatter [tilespmem:s7], [sflag:$0x4], $0x80, $0x38;
	[tilespmem:$0xEC00] =	vst v63  }
0x200: {  	s8 =	sadd.s32 $0x40, s1;
	s10 =	simm.s32 $0xE0C0  }
0x201: {  	[hbm4b:s8+s3] =	stream.linear.scatter [tilespmem:s10], [sflag:$0x4], $0x80, $0x38;
	[tilespmem:$0xEC00] =	vst v63  }
0x202: {  	s15 =	sadd.s32 $0x50, s1;
	s26 =	simm.s32 $0xE150  }
0x203: {  	[hbm4b:s15+s3] =	stream.linear.scatter [tilespmem:s26], [sflag:$0x4], $0x80, $0x38;
	[tilespmem:$0xEC00] =	vst v63  }
0x204: {  	s7 =	sadd.s32 $0x60, s1;
	s8 =	simm.s32 $0xE1E0  }
0x205: {  	[hbm4b:s7+s3] =	stream.linear.scatter [tilespmem:s8], [sflag:$0x4], $0x80, $0x38;
	[tilespmem:$0xEC00] =	vst v63  }
0x206: {  	s10 =	sadd.s32 $0x70, s1;
	s15 =	simm.s32 $0xE270  }
0x207: {  	[hbm4b:s10+s3] =	stream.linear.scatter [tilespmem:s15], [sflag:$0x4], $0x80, $0x38;
	[tilespmem:$0xEC00] =	vst v63  }
0x208: {  	s1 =	rddreg [dreg:$0x15];
	s26 =	simm.s32 $0xE300  }
0x209: {  	[hbm4b:s1+s3] =	stream.linear.scatter [tilespmem:s26], [sflag:$0x4], $0x80, $0x38;
	[tilespmem:$0xEC00] =	vst v63  }
0x20a: {  	s2 =	sadd.s32 $0x10, s1;
	s7 =	simm.s32 $0xE390  }
0x20b: {  	[hbm4b:s2+s3] =	stream.linear.scatter [tilespmem:s7], [sflag:$0x4], $0x80, $0x38;
	[tilespmem:$0xEC00] =	vst v63  }
0x20c: {  	s8 =	sadd.s32 $0x20, s1;
	s10 =	simm.s32 $0xE420  }
0x20d: {  	[hbm4b:s8+s3] =	stream.linear.scatter [tilespmem:s10], [sflag:$0x4], $0x80, $0x38;
	[tilespmem:$0xEC00] =	vst v63  }
0x20e: {  	s15 =	sadd.s32 $0x30, s1;
	s26 =	simm.s32 $0xE4B0  }
0x20f: {  	[hbm4b:s15+s3] =	stream.linear.scatter [tilespmem:s26], [sflag:$0x4], $0x80, $0x38;
	[tilespmem:$0xEC00] =	vst v63  }
0x210: {  	s2 =	sadd.s32 $0x40, s1;
	s7 =	simm.s32 $0xE540  }
0x211: {  	[hbm4b:s2+s3] =	stream.linear.scatter [tilespmem:s7], [sflag:$0x4], $0x80, $0x38;
	[tilespmem:$0xEC00] =	vst v63  }
0x212: {  	s8 =	sadd.s32 $0x50, s1;
	s10 =	simm.s32 $0xE5D0  }
0x213: {  	[hbm4b:s8+s3] =	stream.linear.scatter [tilespmem:s10], [sflag:$0x4], $0x80, $0x38;
	[tilespmem:$0xEC00] =	vst v63  }
0x214: {  	s15 =	sadd.s32 $0x60, s1;
	s26 =	simm.s32 $0xE660  }
0x215: {  	[hbm4b:s15+s3] =	stream.linear.scatter [tilespmem:s26], [sflag:$0x4], $0x80, $0x38;
	[tilespmem:$0xEC00] =	vst v63  }
0x216: {  	s7 =	sadd.s32 $0x70, s1;
	s8 =	simm.s32 $0xE6F0  }
0x217: {  	[hbm4b:s7+s3] =	stream.linear.scatter [tilespmem:s8], [sflag:$0x4], $0x80, $0x38;
	[tilespmem:$0xEC00] =	vst v63  }
0x218: {  	s1 =	rddreg [dreg:$0x16];
	s10 =	simm.s32 $0xE780  }
0x219: {  	[hbm4b:s1+s3] =	stream.linear.scatter [tilespmem:s10], [sflag:$0x4], $0x80, $0x38;
	[tilespmem:$0xEC00] =	vst v63  }
0x21a: {  	s15 =	sadd.s32 $0x10, s1;
	s26 =	simm.s32 $0xE810  }
0x21b: {  	[hbm4b:s15+s3] =	stream.linear.scatter [tilespmem:s26], [sflag:$0x4], $0x80, $0x38;
	[tilespmem:$0xEC00] =	vst v63  }
0x21c: {  	s2 =	sadd.s32 $0x20, s1;
	s7 =	simm.s32 $0xE8A0  }
0x21d: {  	[hbm4b:s2+s3] =	stream.linear.scatter [tilespmem:s7], [sflag:$0x4], $0x80, $0x38;
	[tilespmem:$0xEC00] =	vst v63  }
0x21e: {  	s8 =	sadd.s32 $0x30, s1;
	s10 =	simm.s32 $0xE930  }
0x21f: {  	[hbm4b:s8+s3] =	stream.linear.scatter [tilespmem:s10], [sflag:$0x4], $0x80, $0x38;
	[tilespmem:$0xEC00] =	vst v63  }
0x220: {  	s15 =	sadd.s32 $0x40, s1;
	s26 =	simm.s32 $0xE9C0  }
0x221: {  	[hbm4b:s15+s3] =	stream.linear.scatter [tilespmem:s26], [sflag:$0x4], $0x80, $0x38;
	[tilespmem:$0xEC00] =	vst v63  }
0x222: {  	s2 =	sadd.s32 $0x50, s1;
	s7 =	simm.s32 $0xEA50  }
0x223: {  	[hbm4b:s2+s3] =	stream.linear.scatter [tilespmem:s7], [sflag:$0x4], $0x80, $0x38;
	[tilespmem:$0xEC00] =	vst v63  }
0x224: {  	s8 =	sadd.s32 $0x60, s1;
	s10 =	simm.s32 $0xEAE0  }
0x225: {  	[hbm4b:s8+s3] =	stream.linear.scatter [tilespmem:s10], [sflag:$0x4], $0x80, $0x38;
	[tilespmem:$0xEC00] =	vst v63  }
0x226: {  	s15 =	sadd.s32 $0x70, s1;
	s26 =	simm.s32 $0xEB70  }
0x227: {  	[hbm4b:s15+s3] =	stream.linear.scatter [tilespmem:s26], [sflag:$0x4], $0x80, $0x38;
	[tilespmem:$0xEC00] =	vst v63  }
0x228: {  	s26 =	simm.s32 $0x1  }
.LBB2_8:
0x229: {  	_ =	swait.ge [sflag:s12], $0x2000  }
0x22a: {  	[sflag:s12] =	ssyncset.done $0x0  }
0x22b: {  	[sflag:s12] =	ssyncadd.s32 $0xFFFFE000  }
0x22c: {  	_ =	swait.ge [sflag:s21], $0x400  }
0x22d: {  	[sflag:s21] =	ssyncset.done $0x0  }
0x22e: {  	[sflag:s21] =	ssyncadd.s32 $0xFFFFFC00  }
0x22f: {  	_ =	swait.ge [sflag:s21], $0x400  }
0x230: {  	[sflag:s21] =	ssyncset.done $0x0  }
0x231: {  	[sflag:s21] =	ssyncadd.s32 $0xFFFFFC00  }
0x232: {  	_ =	swait.ge [sflag:s21], $0x400  }
0x233: {  	[sflag:s21] =	ssyncset.done $0x0  }
0x234: {  	[sflag:s21] =	ssyncadd.s32 $0xFFFFFC00  }
0x235: {  	_ =	swait.ge [sflag:s21], $0x400  }
0x236: {  	[sflag:s21] =	ssyncset.done $0x0  }
0x237: {  	[sflag:s21] =	ssyncadd.s32 $0xFFFFFC00  }
0x238: {  	_ =	swait.ge [sflag:s21], $0x400  }
0x239: {  	[sflag:s21] =	ssyncset.done $0x0  }
0x23a: {  	[sflag:s21] =	ssyncadd.s32 $0xFFFFFC00  }
0x23b: {  	_ =	swait.ge [sflag:s21], $0x400  }
0x23c: {  	[sflag:s21] =	ssyncset.done $0x0  }
0x23d: {  	[sflag:s21] =	ssyncadd.s32 $0xFFFFFC00  }
0x23e: {  	_ =	swait.ge [sflag:s21], $0x400  }
0x23f: {  	[sflag:s21] =	ssyncset.done $0x0  }
0x240: {  	[sflag:s21] =	ssyncadd.s32 $0xFFFFFC00  }
0x241: {  	_ =	swait.ge [sflag:s21], $0x400  }
0x242: {  	[sflag:s21] =	ssyncset.done $0x0  }
0x243: {  	s7 =	simm.s32 $0x6480;
	s0 =	simm.s32 $0x3;
	[sflag:s21] =	ssyncadd.s32 $0xFFFFFC00  }
0x244: {  	v4 =	vmov s0;
	v5 =	vld [tilespmem:s7+$0x40]  }
0x245: {  	v9 =	vand.u32 $0x7F, v4  }
0x246: {  	s10 =	simm.s32 $0x0;
	v4 =	vadd.s32 v0, v9  }
0x247: {  	s15 =	simm.s32 $0x1;
	s1 =	simm.s32 $0x2;
	v6 =	vmov s10;
	v7 =	vld [tilespmem:s7+$0xFFFFFF80]  }
0x248: {  	v11 =	vmov s1;
	v8 =	vand.u32 $0x7C, v6;
	v6 =	vmov s15;
	v10 =	vld [tilespmem:s7+$0xFFFFFFC0]  }
0x249: {  	v12 =	vadd.s32 v0, v8;
	v15 =	vand.u32 $0x7D, v6;
	v6 =	vld [tilespmem:s7+$0x0];
	v5 =	vmul.f32 $8.000000000e+00, v5  }
0x24a: {  	v17 =	vand.u32 $0x7E, v11;
	v13 =	vadd.s32 v0, v15  }
0x24b: {  	v11 =	vadd.s32 v0, v17;
	[tilespmem:v4+s13+$0x0] =	vst.idx.msk $0xffff, v5  }
0x24c: {  	v4 =	vmul.f32 $8.000000000e+00, v7;
	v5 =	vld [tilespmem:s7+$0x50]  }
0x24d: {  	v7 =	vmul.f32 $8.000000000e+00, v10  }
0x24e: {  	[tilespmem:v12+s13+$0x0] =	vst.idx.msk $0xffff, v4;
	v4 =	vmul.f32 $8.000000000e+00, v6;
	v6 =	vadd.s32 v1, v9  }
0x24f: {  	[tilespmem:v13+s13+$0x0] =	vst.idx.msk $0xffff, v7;
	v10 =	vld [tilespmem:s7+$0xFFFFFF90]  }
0x250: {  	v7 =	vld [tilespmem:s7+$0xFFFFFFD0];
	[tilespmem:v11+s13+$0x0] =	vst.idx.msk $0xffff, v4  }
0x251: {  	v11 =	vld [tilespmem:s7+$0x10];
	v4 =	vmul.f32 $8.000000000e+00, v5  }
0x252: {  	s8 =	simm.s32 $0x7;
	s2 =	simm.s32 $0x6580;
	s1 =	simm.s32 $0x4;
	v12 =	vadd.s32 v1, v15  }
0x253: {  	v14 =	vld [tilespmem:s2+$0x40];
	v13 =	vadd.s32 v1, v17;
	v5 =	vmov s1;
	[tilespmem:v6+s13+$0x0] =	vst.idx.msk $0xffff, v4;
	v6 =	vmov s8  }
0x254: {  	v16 =	vadd.s32 v1, v8;
	v4 =	vand.u32 $0x7C, v5;
	v5 =	vand.u32 $0x7F, v6;
	v18 =	vld [tilespmem:s7+$0x60]  }
0x255: {  	s10 =	simm.s32 $0x5;
	v22 =	vadd.s32 v2, v9;
	v19 =	vld [tilespmem:s2+$0xFFFFFF80];
	v6 =	vmul.f32 $8.000000000e+00, v7;
	v20 =	vadd.s32 v0, v5  }
0x256: {  	s15 =	simm.s32 $0x6;
	v21 =	vld [tilespmem:s2+$0xFFFFFFC0];
	v10 =	vmul.f32 $8.000000000e+00, v10;
	v7 =	vmul.f32 $8.000000000e+00, v11;
	v11 =	vmov s10  }
0x257: {  	v23 =	vadd.s32 v0, v4;
	[tilespmem:v12+s13+$0x0] =	vst.idx.msk $0xffff, v6;
	v12 =	vmov s15;
	v6 =	vand.u32 $0x7D, v11;
	v11 =	vld [tilespmem:s2+$0x0]  }
0x258: {  	[tilespmem:v13+s13+$0x0] =	vst.idx.msk $0xffff, v7;
	v13 =	vadd.s32 v0, v6;
	v7 =	vand.u32 $0x7E, v12;
	v12 =	vmul.f32 $8.000000000e+00, v14;
	v14 =	vld [tilespmem:s7+$0xFFFFFFE0]  }
0x259: {  	[tilespmem:v16+s13+$0x0] =	vst.idx.msk $0xffff, v10;
	v10 =	vadd.s32 v0, v7;
	v16 =	vld [tilespmem:s7+$0x20];
	v18 =	vmul.f32 $8.000000000e+00, v18  }
0x25a: {  	v19 =	vmul.f32 $8.000000000e+00, v19;
	[tilespmem:v20+s13+$0x0] =	vst.idx.msk $0xffff, v12;
	v12 =	vld [tilespmem:s7+$0xFFFFFFA0];
	v20 =	vadd.s32 v2, v15  }
0x25b: {  	v25 =	vadd.s32 v2, v17;
	v21 =	vmul.f32 $8.000000000e+00, v21;
	v24 =	vld [tilespmem:s2+$0x50];
	[tilespmem:v22+s13+$0x0] =	vst.idx.msk $0xffff, v18  }
0x25c: {  	[tilespmem:v23+s13+$0x0] =	vst.idx.msk $0xffff, v19;
	v19 =	vadd.s32 v2, v8;
	v11 =	vmul.f32 $8.000000000e+00, v11;
	v22 =	vld [tilespmem:s7+$0x70]  }
0x25d: {  	v23 =	vld [tilespmem:s2+$0xFFFFFF90];
	[tilespmem:v13+s13+$0x0] =	vst.idx.msk $0xffff, v21;
	v21 =	vadd.s32 v1, v5;
	v14 =	vmul.f32 $8.000000000e+00, v14  }
0x25e: {  	v27 =	vadd.s32 v3, v9;
	v26 =	vld [tilespmem:s2+$0xFFFFFFD0];
	[tilespmem:v10+s13+$0x0] =	vst.idx.msk $0xffff, v11;
	v10 =	vmul.f32 $8.000000000e+00, v16  }
0x25f: {  	v18 =	vadd.s32 v1, v4;
	v13 =	vld [tilespmem:s2+$0x10];
	v9 =	vmul.f32 $8.000000000e+00, v12;
	[tilespmem:v20+s13+$0x0] =	vst.idx.msk $0xffff, v14  }
0x260: {  	s0 =	simm.s32 $0x8;
	v16 =	vadd.s32 v1, v6;
	[tilespmem:v25+s13+$0x0] =	vst.idx.msk $0xffff, v10;
	v14 =	vmul.f32 $8.000000000e+00, v24;
	v12 =	vld [tilespmem:s7+$0xFFFFFFF0]  }
0x261: {  	v20 =	vmov s0;
	v10 =	vadd.s32 v1, v7;
	v11 =	vld [tilespmem:s7+$0x30];
	[tilespmem:v19+s13+$0x0] =	vst.idx.msk $0xffff, v9;
	v63 =	vmul.f32 $8.000000000e+00, v22  }
0x262: {  	s1 =	simm.s32 $0x6680;
	s8 =	simm.s32 $0xB;
	v15 =	vadd.s32 v3, v15;
	v9 =	vand.u32 $0x7C, v20;
	v20 =	vmul.f32 $8.000000000e+00, v23;
	[tilespmem:v21+s13+$0x0] =	vst.idx.msk $0xffff, v14;
	v14 =	vld [tilespmem:s7+$0xFFFFFFB0]  }
0x263: {  	v17 =	vadd.s32 v3, v17;
	v22 =	vmov s8;
	v19 =	vld [tilespmem:s1+$0x40];
	s7 =	simm.s32 $0xC;
	v21 =	vmul.f32 $8.000000000e+00, v26;
	[tilespmem:v27+s13+$0x0] =	vst.idx.msk $0xffff, v63  }
.LBB2_9:
0x264: {  	p0 =	slt.u32 s7, $0x7C;
	s8 =	sadd.s32 $0x1, s0;
	v22 =	vand.u32 $0x7F, v22;
	[tilespmem:v18+s13+$0x0] =	vst.idx.msk $0xffff, v20;
	v13 =	vmul.f32 $8.000000000e+00, v13;
	v18 =	vld [tilespmem:s2+$0x60];
	v20 =	vadd.s32 v3, v8;
	v8 =	vmovc v4  }
0x265: {  	v4 =	vmovc v9;
	v23 =	vld [tilespmem:s1+$0xFFFFFF80];
	v24 =	vmov s8;
	s8 =	sadd.s32 $0x2, s0;
	v25 =	vadd.s32 v0, v22;
	[tilespmem:v16+s13+$0x0] =	vst.idx.msk $0xffff, v21;
	v12 =	vmul.f32 $8.000000000e+00, v12;
	s0 =	smov.u32 s7  }
0x266: {  	v9 =	vld [tilespmem:s1+$0xFFFFFFC0];
	v16 =	vmov s8;
	[tilespmem:v10+s13+$0x0] =	vst.idx.msk $0xffff, v13;
	v10 =	vadd.s32 v2, v5;
	v11 =	vmul.f32 $8.000000000e+00, v11  }
0x267: {  	v13 =	vadd.s32 v0, v4;
	v21 =	vand.u32 $0x7D, v24;
	v24 =	vld [tilespmem:s1+$0x0];
	v14 =	vmul.f32 $8.000000000e+00, v14;
	[tilespmem:v15+s13+$0x0] =	vst.idx.msk $0xffff, v12  }
0x268: {  	v12 =	vadd.s32 v0, v21;
	v26 =	vand.u32 $0x7E, v16;
	v15 =	vmul.f32 $8.000000000e+00, v19;
	v16 =	vld [tilespmem:s2+$0xFFFFFFE0];
	[tilespmem:v17+s13+$0x0] =	vst.idx.msk $0xffff, v11  }
0x269: {  	v11 =	vadd.s32 v0, v26;
	v17 =	vld [tilespmem:s2+$0x20];
	v18 =	vmul.f32 $8.000000000e+00, v18;
	[tilespmem:v20+s13+$0x0] =	vst.idx.msk $0xffff, v14  }
0x26a: {  	v19 =	vadd.s32 v2, v6;
	v14 =	vmul.f32 $8.000000000e+00, v23;
	[tilespmem:v25+s13+$0x0] =	vst.idx.msk $0xffff, v15;
	v15 =	vld [tilespmem:s2+$0xFFFFFFA0]  }
0x26b: {  	v23 =	vadd.s32 v2, v7;
	v9 =	vmul.f32 $8.000000000e+00, v9;
	v20 =	vld [tilespmem:s1+$0x50];
	[tilespmem:v10+s13+$0x0] =	vst.idx.msk $0xffff, v18  }
0x26c: {  	[tilespmem:v13+s13+$0x0] =	vst.idx.msk $0xffff, v14;
	v10 =	vmul.f32 $8.000000000e+00, v24;
	v14 =	vadd.s32 v2, v8;
	v24 =	vld [tilespmem:s2+$0x70]  }
0x26d: {  	v27 =	vadd.s32 v1, v22;
	v25 =	vld [tilespmem:s1+$0xFFFFFF90];
	[tilespmem:v12+s13+$0x0] =	vst.idx.msk $0xffff, v9;
	v9 =	vmul.f32 $8.000000000e+00, v16  }
0x26e: {  	v29 =	vadd.s32 v3, v5;
	v5 =	vmov v22;
	v28 =	vld [tilespmem:s1+$0xFFFFFFD0];
	[tilespmem:v11+s13+$0x0] =	vst.idx.msk $0xffff, v10;
	v10 =	vmul.f32 $8.000000000e+00, v17  }
.Ltmp3:
0x26f: {  	v18 =	vadd.s32 v1, v4;
	v13 =	vld [tilespmem:s1+$0x10];
	v11 =	vmul.f32 $8.000000000e+00, v15;
	[tilespmem:v19+s13+$0x0] =	vst.idx.msk $0xffff, v9;
	(pc) =	sbr.rel @p0 .LBB2_9-.Ltmp3, $4  }
0x270: {  	v16 =	vadd.s32 v1, v21;
	v15 =	vmul.f32 $8.000000000e+00, v20;
	v12 =	vld [tilespmem:s2+$0xFFFFFFF0];
	[tilespmem:v23+s13+$0x0] =	vst.idx.msk $0xffff, v10  }
0x271: {  	v9 =	vmov s7;
	v10 =	vadd.s32 v1, v26;
	[tilespmem:v14+s13+$0x0] =	vst.idx.msk $0xffff, v11;
	v11 =	vld [tilespmem:s2+$0x30];
	v23 =	vmul.f32 $8.000000000e+00, v24  }
0x272: {  	s8 =	sadd.s32 $0x3, s7;
	v9 =	vand.u32 $0x7C, v9;
	v20 =	vmul.f32 $8.000000000e+00, v25;
	[tilespmem:v27+s13+$0x0] =	vst.idx.msk $0xffff, v15;
	v14 =	vld [tilespmem:s2+$0xFFFFFFB0];
	v15 =	vadd.s32 v3, v6;
	v6 =	vmovc v21;
	s2 =	smov.u32 s1;
	s1 =	sadd.s32 $0x100, s1  }
0x273: {  	v22 =	vmov s8;
	v17 =	vadd.s32 v3, v7;
	v7 =	vmovc v26;
	s7 =	sadd.s32 $0x4, s7;
	v19 =	vld [tilespmem:s1+$0x40];
	v21 =	vmul.f32 $8.000000000e+00, v28;
	[tilespmem:v29+s13+$0x0] =	vst.idx.msk $0xffff, v23  }
0x274: {  	s7 =	sadd.s32 $0x1, s0  }
0x275: {  	v22 =	vand.u32 $0x7F, v22;
	s15 =	sadd.s32 $0x2, s0;
	v24 =	vld [tilespmem:s1+$0xFFFFFFC0];
	v23 =	vmov s7  }
0x276: {  	v27 =	vld [tilespmem:s1+$0x0];
	v25 =	vadd.s32 v0, v22;
	v26 =	vmov s15;
	v23 =	vand.u32 $0x7D, v23  }
0x277: {  	v28 =	vld [tilespmem:s1+$0xFFFFFF80];
	v26 =	vand.u32 $0x7E, v26;
	v29 =	vadd.s32 v0, v23  }
0x278: {  	v30 =	vadd.s32 v0, v26  }
0x279: {  	[tilespmem:v18+s13+$0x0] =	vst.idx.msk $0xffff, v20;
	v18 =	vadd.s32 v0, v9;
	v19 =	vmul.f32 $8.000000000e+00, v19  }
0x27a: {  	[tilespmem:v16+s13+$0x0] =	vst.idx.msk $0xffff, v21;
	v16 =	vmul.f32 $8.000000000e+00, v24  }
0x27b: {  	[tilespmem:v25+s13+$0x0] =	vst.idx.msk $0xffff, v19;
	v19 =	vmul.f32 $8.000000000e+00, v27  }
0x27c: {  	v20 =	vmul.f32 $8.000000000e+00, v28;
	[tilespmem:v29+s13+$0x0] =	vst.idx.msk $0xffff, v16;
	v16 =	vld [tilespmem:s1+$0x50]  }
0x27d: {  	v13 =	vmul.f32 $8.000000000e+00, v13;
	v8 =	vadd.s32 v3, v8;
	[tilespmem:v30+s13+$0x0] =	vst.idx.msk $0xffff, v19;
	v21 =	vld [tilespmem:s1+$0xFFFFFFD0]  }
0x27e: {  	v12 =	vmul.f32 $8.000000000e+00, v12;
	[tilespmem:v18+s13+$0x0] =	vst.idx.msk $0xffff, v20;
	v18 =	vadd.s32 v1, v22;
	v19 =	vld [tilespmem:s1+$0x10]  }
0x27f: {  	[tilespmem:v10+s13+$0x0] =	vst.idx.msk $0xffff, v13;
	v10 =	vmul.f32 $8.000000000e+00, v11;
	v13 =	vadd.s32 v1, v23;
	v11 =	vld [tilespmem:s1+$0xFFFFFF90]  }
0x280: {  	v14 =	vmul.f32 $8.000000000e+00, v14;
	[tilespmem:v15+s13+$0x0] =	vst.idx.msk $0xffff, v12;
	v12 =	vadd.s32 v1, v26;
	v20 =	vld [tilespmem:s2+$0x60]  }
0x281: {  	v15 =	vld [tilespmem:s2+$0xFFFFFFE0];
	[tilespmem:v17+s13+$0x0] =	vst.idx.msk $0xffff, v10;
	v10 =	vadd.s32 v1, v9;
	v16 =	vmul.f32 $8.000000000e+00, v16  }
0x282: {  	v58 =	vld [tilespmem:s2+$0x20];
	v17 =	vadd.s32 v2, v5;
	[tilespmem:v8+s13+$0x0] =	vst.idx.msk $0xffff, v14;
	v8 =	vmul.f32 $8.000000000e+00, v21  }
0x283: {  	v14 =	vld [tilespmem:s2+$0xFFFFFFA0];
	v21 =	vadd.s32 v2, v6;
	[tilespmem:v18+s13+$0x0] =	vst.idx.msk $0xffff, v16;
	v16 =	vmul.f32 $8.000000000e+00, v19  }
0x284: {  	v11 =	vmul.f32 $8.000000000e+00, v11;
	v18 =	vadd.s32 v2, v7;
	v19 =	vld [tilespmem:s1+$0x60];
	[tilespmem:v13+s13+$0x0] =	vst.idx.msk $0xffff, v8  }
0x285: {  	v8 =	vmul.f32 $8.000000000e+00, v20;
	v13 =	vadd.s32 v2, v4;
	[tilespmem:v12+s13+$0x0] =	vst.idx.msk $0xffff, v16;
	v12 =	vld [tilespmem:s1+$0xFFFFFFE0]  }
0x286: {  	v15 =	vmul.f32 $8.000000000e+00, v15;
	[tilespmem:v10+s13+$0x0] =	vst.idx.msk $0xffff, v11;
	v10 =	vadd.s32 v2, v22;
	v11 =	vld [tilespmem:s1+$0x20]  }
0x287: {  	v16 =	vld [tilespmem:s1+$0xFFFFFFA0];
	[tilespmem:v17+s13+$0x0] =	vst.idx.msk $0xffff, v8;
	v8 =	vmul.f32 $8.000000000e+00, v58;
	v17 =	vadd.s32 v2, v23  }
0x288: {  	v14 =	vmul.f32 $8.000000000e+00, v14;
	v20 =	vld [tilespmem:s2+$0x70];
	[tilespmem:v21+s13+$0x0] =	vst.idx.msk $0xffff, v15;
	v15 =	vadd.s32 v2, v26  }
0x289: {  	v21 =	vld [tilespmem:s2+$0xFFFFFFF0];
	[tilespmem:v18+s13+$0x0] =	vst.idx.msk $0xffff, v8;
	v18 =	vadd.s32 v2, v9;
	v8 =	vmul.f32 $8.000000000e+00, v19  }
0x28a: {  	v5 =	vadd.s32 v3, v5;
	[tilespmem:v13+s13+$0x0] =	vst.idx.msk $0xffff, v14;
	v13 =	vld [tilespmem:s2+$0x30];
	v12 =	vmul.f32 $8.000000000e+00, v12  }
0x28b: {  	v6 =	vadd.s32 v3, v6;
	v14 =	vld [tilespmem:s2+$0xFFFFFFB0];
	[tilespmem:v10+s13+$0x0] =	vst.idx.msk $0xffff, v8;
	v8 =	vmul.f32 $8.000000000e+00, v11  }
0x28c: {  	v7 =	vadd.s32 v3, v7;
	v11 =	vmul.f32 $8.000000000e+00, v16;
	v10 =	vld [tilespmem:s1+$0x70];
	[tilespmem:v17+s13+$0x0] =	vst.idx.msk $0xffff, v12  }
0x28d: {  	v4 =	vadd.s32 v3, v4;
	v12 =	vmul.f32 $8.000000000e+00, v20;
	v16 =	vld [tilespmem:s1+$0xFFFFFFF0];
	[tilespmem:v15+s13+$0x0] =	vst.idx.msk $0xffff, v8  }
0x28e: {  	v8 =	vmul.f32 $8.000000000e+00, v21;
	v15 =	vadd.s32 v3, v22;
	[tilespmem:v18+s13+$0x0] =	vst.idx.msk $0xffff, v11;
	v11 =	vld [tilespmem:s1+$0x30]  }
0x28f: {  	[tilespmem:v5+s13+$0x0] =	vst.idx.msk $0xffff, v12;
	v5 =	vmul.f32 $8.000000000e+00, v13;
	v12 =	vld [tilespmem:s1+$0xFFFFFFB0];
	v13 =	vadd.s32 v3, v23  }
0x290: {  	v14 =	vmul.f32 $8.000000000e+00, v14;
	[tilespmem:v6+s13+$0x0] =	vst.idx.msk $0xffff, v8;
	v6 =	vadd.s32 v3, v26  }
0x291: {  	[tilespmem:v7+s13+$0x0] =	vst.idx.msk $0xffff, v5;
	v7 =	vadd.s32 v3, v9;
	v5 =	vmul.f32 $8.000000000e+00, v10  }
0x292: {  	[tilespmem:v4+s13+$0x0] =	vst.idx.msk $0xffff, v14;
	v4 =	vmul.f32 $8.000000000e+00, v16  }
0x293: {  	[tilespmem:v15+s13+$0x0] =	vst.idx.msk $0xffff, v5;
	v5 =	vmul.f32 $8.000000000e+00, v11  }
0x294: {  	s7 =	sshll.u32 s26, $0x8;
	v8 =	vmul.f32 $8.000000000e+00, v12;
	[tilespmem:v13+s13+$0x0] =	vst.idx.msk $0xffff, v4  }
0x295: {  	s8 =	sshll.u32 s26, $0x10;
	s15 =	simm.s32 $0x6400;
	s2 =	sand.u32 $0x3FFFFF00, s7;
	[tilespmem:v6+s13+$0x0] =	vst.idx.msk $0xffff, v5  }
0x296: {  	s7 =	sor.u32 s5, s8;
	s8 =	rddreg [dreg:$0x1];
	s10 =	sadd.s32 $0x100, s2;
	[tilespmem:v7+s13+$0x0] =	vst.idx.msk $0xffff, v8  }
0x297: {  	[tilespmem:s15], [sflag:$0x1] =	stream.indirect.gather [hbm4b:s4+s31], $0x40, s10, s31, $0xb8;
	[tilespmem:$0xEC00] =	vst v63  }
0x298: {  	s0 =	simm.s32 $0x0;
	s1 =	sadd.s32 s8, s7  }
0x299: {  	[hbm4b:s1+s0] =	stream.linear.scatter [tilespmem:s13], [sflag:$0x3], $0x80, $0x38;
	[tilespmem:$0xEC00] =	vst v63  }
0x29a: {  	s8 =	sadd.s32 $0x10, s1;
	s10 =	simm.s32 $0xA490  }
0x29b: {  	[hbm4b:s8+s0] =	stream.linear.scatter [tilespmem:s10], [sflag:$0x3], $0x80, $0x38;
	[tilespmem:$0xEC00] =	vst v63  }
0x29c: {  	s15 =	simm.s32 $0xA520;
	s10 =	sadd.s32 $0x20, s1  }
0x29d: {  	[hbm4b:s10+s0] =	stream.linear.scatter [tilespmem:s15], [sflag:$0x3], $0x80, $0x38;
	[tilespmem:$0xEC00] =	vst v63  }
0x29e: {  	s10 =	sadd.s32 $0x30, s1;
	s15 =	simm.s32 $0xA5B0  }
0x29f: {  	[hbm4b:s10+s0] =	stream.linear.scatter [tilespmem:s15], [sflag:$0x3], $0x80, $0x38;
	[tilespmem:$0xEC00] =	vst v63  }
0x2a0: {  	s10 =	sadd.s32 $0x40, s1;
	s15 =	simm.s32 $0xA640  }
0x2a1: {  	[hbm4b:s10+s0] =	stream.linear.scatter [tilespmem:s15], [sflag:$0x3], $0x80, $0x38;
	[tilespmem:$0xEC00] =	vst v63  }
0x2a2: {  	s10 =	sadd.s32 $0x50, s1;
	s15 =	simm.s32 $0xA6D0  }
0x2a3: {  	[hbm4b:s10+s0] =	stream.linear.scatter [tilespmem:s15], [sflag:$0x3], $0x80, $0x38;
	[tilespmem:$0xEC00] =	vst v63  }
0x2a4: {  	s10 =	sadd.s32 $0x60, s1;
	s15 =	simm.s32 $0xA760  }
0x2a5: {  	[hbm4b:s10+s0] =	stream.linear.scatter [tilespmem:s15], [sflag:$0x3], $0x80, $0x38;
	[tilespmem:$0xEC00] =	vst v63  }
0x2a6: {  	s1 =	sadd.s32 $0x70, s1;
	s15 =	simm.s32 $0xA7F0;
	s10 =	rddreg [dreg:$0x12]  }
0x2a7: {  	[hbm4b:s1+s0] =	stream.linear.scatter [tilespmem:s15], [sflag:$0x3], $0x80, $0x38;
	[tilespmem:$0xEC00] =	vst v63  }
0x2a8: {  	s1 =	sadd.s32 s7, s10;
	s15 =	simm.s32 $0xA880  }
0x2a9: {  	[hbm4b:s1+s0] =	stream.linear.scatter [tilespmem:s15], [sflag:$0x3], $0x80, $0x38;
	[tilespmem:$0xEC00] =	vst v63  }
0x2aa: {  	s10 =	sadd.s32 $0x10, s1;
	s15 =	simm.s32 $0xA910  }
0x2ab: {  	[hbm4b:s10+s0] =	stream.linear.scatter [tilespmem:s15], [sflag:$0x3], $0x80, $0x38;
	[tilespmem:$0xEC00] =	vst v63  }
0x2ac: {  	s10 =	sadd.s32 $0x20, s1;
	s15 =	simm.s32 $0xA9A0  }
0x2ad: {  	[hbm4b:s10+s0] =	stream.linear.scatter [tilespmem:s15], [sflag:$0x3], $0x80, $0x38;
	[tilespmem:$0xEC00] =	vst v63  }
0x2ae: {  	s10 =	sadd.s32 $0x30, s1;
	s15 =	simm.s32 $0xAA30  }
0x2af: {  	[hbm4b:s10+s0] =	stream.linear.scatter [tilespmem:s15], [sflag:$0x3], $0x80, $0x38;
	[tilespmem:$0xEC00] =	vst v63  }
0x2b0: {  	s10 =	sadd.s32 $0x40, s1;
	s15 =	simm.s32 $0xAAC0  }
0x2b1: {  	[hbm4b:s10+s0] =	stream.linear.scatter [tilespmem:s15], [sflag:$0x3], $0x80, $0x38;
	[tilespmem:$0xEC00] =	vst v63  }
0x2b2: {  	s10 =	sadd.s32 $0x50, s1;
	s15 =	simm.s32 $0xAB50  }
0x2b3: {  	[hbm4b:s10+s0] =	stream.linear.scatter [tilespmem:s15], [sflag:$0x3], $0x80, $0x38;
	[tilespmem:$0xEC00] =	vst v63  }
0x2b4: {  	s10 =	sadd.s32 $0x60, s1;
	s15 =	simm.s32 $0xABE0  }
0x2b5: {  	[hbm4b:s10+s0] =	stream.linear.scatter [tilespmem:s15], [sflag:$0x3], $0x80, $0x38;
	[tilespmem:$0xEC00] =	vst v63  }
0x2b6: {  	s1 =	sadd.s32 $0x70, s1;
	s15 =	simm.s32 $0xAC70;
	s10 =	rddreg [dreg:$0x13]  }
0x2b7: {  	[hbm4b:s1+s0] =	stream.linear.scatter [tilespmem:s15], [sflag:$0x3], $0x80, $0x38;
	[tilespmem:$0xEC00] =	vst v63  }
0x2b8: {  	s1 =	sadd.s32 s7, s10;
	s15 =	simm.s32 $0xAD00  }
0x2b9: {  	[hbm4b:s1+s0] =	stream.linear.scatter [tilespmem:s15], [sflag:$0x3], $0x80, $0x38;
	[tilespmem:$0xEC00] =	vst v63  }
0x2ba: {  	s10 =	sadd.s32 $0x10, s1;
	s15 =	simm.s32 $0xAD90  }
0x2bb: {  	[hbm4b:s10+s0] =	stream.linear.scatter [tilespmem:s15], [sflag:$0x3], $0x80, $0x38;
	[tilespmem:$0xEC00] =	vst v63  }
0x2bc: {  	s10 =	sadd.s32 $0x20, s1;
	s15 =	simm.s32 $0xAE20  }
0x2bd: {  	[hbm4b:s10+s0] =	stream.linear.scatter [tilespmem:s15], [sflag:$0x3], $0x80, $0x38;
	[tilespmem:$0xEC00] =	vst v63  }
0x2be: {  	s10 =	sadd.s32 $0x30, s1;
	s15 =	simm.s32 $0xAEB0  }
0x2bf: {  	[hbm4b:s10+s0] =	stream.linear.scatter [tilespmem:s15], [sflag:$0x3], $0x80, $0x38;
	[tilespmem:$0xEC00] =	vst v63  }
0x2c0: {  	s10 =	sadd.s32 $0x40, s1;
	s15 =	simm.s32 $0xAF40  }
0x2c1: {  	[hbm4b:s10+s0] =	stream.linear.scatter [tilespmem:s15], [sflag:$0x3], $0x80, $0x38;
	[tilespmem:$0xEC00] =	vst v63  }
0x2c2: {  	s10 =	sadd.s32 $0x50, s1;
	s15 =	simm.s32 $0xAFD0  }
0x2c3: {  	[hbm4b:s10+s0] =	stream.linear.scatter [tilespmem:s15], [sflag:$0x3], $0x80, $0x38;
	[tilespmem:$0xEC00] =	vst v63  }
0x2c4: {  	s10 =	sadd.s32 $0x60, s1;
	s15 =	simm.s32 $0xB060  }
0x2c5: {  	[hbm4b:s10+s0] =	stream.linear.scatter [tilespmem:s15], [sflag:$0x3], $0x80, $0x38;
	[tilespmem:$0xEC00] =	vst v63  }
0x2c6: {  	s1 =	sadd.s32 $0x70, s1;
	s10 =	simm.s32 $0xB0F0  }
0x2c7: {  	[hbm4b:s1+s0] =	stream.linear.scatter [tilespmem:s10], [sflag:$0x3], $0x80, $0x38;
	[tilespmem:$0xEC00] =	vst v63  }
0x2c8: {  	s15 =	simm.s32 $0xB180;
	s1 =	sadd.s32 s7, s16  }
0x2c9: {  	[hbm4b:s1+s0] =	stream.linear.scatter [tilespmem:s15], [sflag:$0x3], $0x80, $0x38;
	[tilespmem:$0xEC00] =	vst v63  }
0x2ca: {  	s10 =	sadd.s32 $0x10, s1;
	s15 =	simm.s32 $0xB210  }
0x2cb: {  	[hbm4b:s10+s0] =	stream.linear.scatter [tilespmem:s15], [sflag:$0x3], $0x80, $0x38;
	[tilespmem:$0xEC00] =	vst v63  }
0x2cc: {  	s10 =	sadd.s32 $0x20, s1;
	s15 =	simm.s32 $0xB2A0  }
0x2cd: {  	[hbm4b:s10+s0] =	stream.linear.scatter [tilespmem:s15], [sflag:$0x3], $0x80, $0x38;
	[tilespmem:$0xEC00] =	vst v63  }
0x2ce: {  	s10 =	sadd.s32 $0x30, s1;
	s15 =	simm.s32 $0xB330  }
0x2cf: {  	[hbm4b:s10+s0] =	stream.linear.scatter [tilespmem:s15], [sflag:$0x3], $0x80, $0x38;
	[tilespmem:$0xEC00] =	vst v63  }
0x2d0: {  	s10 =	sadd.s32 $0x40, s1;
	s15 =	simm.s32 $0xB3C0  }
0x2d1: {  	[hbm4b:s10+s0] =	stream.linear.scatter [tilespmem:s15], [sflag:$0x3], $0x80, $0x38;
	[tilespmem:$0xEC00] =	vst v63  }
0x2d2: {  	s10 =	sadd.s32 $0x50, s1;
	s15 =	simm.s32 $0xB450  }
0x2d3: {  	[hbm4b:s10+s0] =	stream.linear.scatter [tilespmem:s15], [sflag:$0x3], $0x80, $0x38;
	[tilespmem:$0xEC00] =	vst v63  }
0x2d4: {  	s10 =	sadd.s32 $0x60, s1;
	s15 =	simm.s32 $0xB4E0  }
0x2d5: {  	[hbm4b:s10+s0] =	stream.linear.scatter [tilespmem:s15], [sflag:$0x3], $0x80, $0x38;
	[tilespmem:$0xEC00] =	vst v63  }
0x2d6: {  	s1 =	sadd.s32 $0x70, s1;
	s10 =	simm.s32 $0xB570  }
0x2d7: {  	[hbm4b:s1+s0] =	stream.linear.scatter [tilespmem:s10], [sflag:$0x3], $0x80, $0x38;
	[tilespmem:$0xEC00] =	vst v63  }
0x2d8: {  	s15 =	simm.s32 $0xB600;
	s1 =	sadd.s32 s7, s17  }
0x2d9: {  	[hbm4b:s1+s0] =	stream.linear.scatter [tilespmem:s15], [sflag:$0x3], $0x80, $0x38;
	[tilespmem:$0xEC00] =	vst v63  }
0x2da: {  	s10 =	sadd.s32 $0x10, s1;
	s15 =	simm.s32 $0xB690  }
0x2db: {  	[hbm4b:s10+s0] =	stream.linear.scatter [tilespmem:s15], [sflag:$0x3], $0x80, $0x38;
	[tilespmem:$0xEC00] =	vst v63  }
0x2dc: {  	s10 =	sadd.s32 $0x20, s1;
	s15 =	simm.s32 $0xB720  }
0x2dd: {  	[hbm4b:s10+s0] =	stream.linear.scatter [tilespmem:s15], [sflag:$0x3], $0x80, $0x38;
	[tilespmem:$0xEC00] =	vst v63  }
0x2de: {  	s10 =	sadd.s32 $0x30, s1;
	s15 =	simm.s32 $0xB7B0  }
0x2df: {  	[hbm4b:s10+s0] =	stream.linear.scatter [tilespmem:s15], [sflag:$0x3], $0x80, $0x38;
	[tilespmem:$0xEC00] =	vst v63  }
0x2e0: {  	s10 =	sadd.s32 $0x40, s1;
	s15 =	simm.s32 $0xB840  }
0x2e1: {  	[hbm4b:s10+s0] =	stream.linear.scatter [tilespmem:s15], [sflag:$0x3], $0x80, $0x38;
	[tilespmem:$0xEC00] =	vst v63  }
0x2e2: {  	s10 =	sadd.s32 $0x50, s1;
	s15 =	simm.s32 $0xB8D0  }
0x2e3: {  	[hbm4b:s10+s0] =	stream.linear.scatter [tilespmem:s15], [sflag:$0x3], $0x80, $0x38;
	[tilespmem:$0xEC00] =	vst v63  }
0x2e4: {  	s10 =	sadd.s32 $0x60, s1;
	s15 =	simm.s32 $0xB960  }
0x2e5: {  	[hbm4b:s10+s0] =	stream.linear.scatter [tilespmem:s15], [sflag:$0x3], $0x80, $0x38;
	[tilespmem:$0xEC00] =	vst v63  }
0x2e6: {  	s1 =	sadd.s32 $0x70, s1;
	s10 =	simm.s32 $0xB9F0  }
0x2e7: {  	[hbm4b:s1+s0] =	stream.linear.scatter [tilespmem:s10], [sflag:$0x3], $0x80, $0x38;
	[tilespmem:$0xEC00] =	vst v63  }
0x2e8: {  	s15 =	simm.s32 $0xBA80;
	s1 =	sadd.s32 s7, s20  }
0x2e9: {  	[hbm4b:s1+s0] =	stream.linear.scatter [tilespmem:s15], [sflag:$0x3], $0x80, $0x38;
	[tilespmem:$0xEC00] =	vst v63  }
0x2ea: {  	s10 =	sadd.s32 $0x10, s1;
	s15 =	simm.s32 $0xBB10  }
0x2eb: {  	[hbm4b:s10+s0] =	stream.linear.scatter [tilespmem:s15], [sflag:$0x3], $0x80, $0x38;
	[tilespmem:$0xEC00] =	vst v63  }
0x2ec: {  	s10 =	sadd.s32 $0x20, s1;
	s15 =	simm.s32 $0xBBA0  }
0x2ed: {  	[hbm4b:s10+s0] =	stream.linear.scatter [tilespmem:s15], [sflag:$0x3], $0x80, $0x38;
	[tilespmem:$0xEC00] =	vst v63  }
0x2ee: {  	s10 =	sadd.s32 $0x30, s1;
	s15 =	simm.s32 $0xBC30  }
0x2ef: {  	[hbm4b:s10+s0] =	stream.linear.scatter [tilespmem:s15], [sflag:$0x3], $0x80, $0x38;
	[tilespmem:$0xEC00] =	vst v63  }
0x2f0: {  	s10 =	sadd.s32 $0x40, s1;
	s15 =	simm.s32 $0xBCC0  }
0x2f1: {  	[hbm4b:s10+s0] =	stream.linear.scatter [tilespmem:s15], [sflag:$0x3], $0x80, $0x38;
	[tilespmem:$0xEC00] =	vst v63  }
0x2f2: {  	s10 =	sadd.s32 $0x50, s1;
	s15 =	simm.s32 $0xBD50  }
0x2f3: {  	[hbm4b:s10+s0] =	stream.linear.scatter [tilespmem:s15], [sflag:$0x3], $0x80, $0x38;
	[tilespmem:$0xEC00] =	vst v63  }
0x2f4: {  	s10 =	sadd.s32 $0x60, s1;
	s15 =	simm.s32 $0xBDE0  }
0x2f5: {  	[hbm4b:s10+s0] =	stream.linear.scatter [tilespmem:s15], [sflag:$0x3], $0x80, $0x38;
	[tilespmem:$0xEC00] =	vst v63  }
0x2f6: {  	s1 =	sadd.s32 $0x70, s1;
	s10 =	simm.s32 $0xBE70  }
0x2f7: {  	[hbm4b:s1+s0] =	stream.linear.scatter [tilespmem:s10], [sflag:$0x3], $0x80, $0x38;
	[tilespmem:$0xEC00] =	vst v63  }
0x2f8: {  	s15 =	simm.s32 $0xBF00;
	s1 =	sadd.s32 s7, s22  }
0x2f9: {  	[hbm4b:s1+s0] =	stream.linear.scatter [tilespmem:s15], [sflag:$0x3], $0x80, $0x38;
	[tilespmem:$0xEC00] =	vst v63  }
0x2fa: {  	s10 =	sadd.s32 $0x10, s1;
	s15 =	simm.s32 $0xBF90  }
0x2fb: {  	[hbm4b:s10+s0] =	stream.linear.scatter [tilespmem:s15], [sflag:$0x3], $0x80, $0x38;
	[tilespmem:$0xEC00] =	vst v63  }
0x2fc: {  	s10 =	sadd.s32 $0x20, s1;
	s15 =	simm.s32 $0xC020  }
0x2fd: {  	[hbm4b:s10+s0] =	stream.linear.scatter [tilespmem:s15], [sflag:$0x3], $0x80, $0x38;
	[tilespmem:$0xEC00] =	vst v63  }
0x2fe: {  	s10 =	sadd.s32 $0x30, s1;
	s15 =	simm.s32 $0xC0B0  }
0x2ff: {  	[hbm4b:s10+s0] =	stream.linear.scatter [tilespmem:s15], [sflag:$0x3], $0x80, $0x38;
	[tilespmem:$0xEC00] =	vst v63  }
0x300: {  	s10 =	sadd.s32 $0x40, s1;
	s15 =	simm.s32 $0xC140  }
0x301: {  	[hbm4b:s10+s0] =	stream.linear.scatter [tilespmem:s15], [sflag:$0x3], $0x80, $0x38;
	[tilespmem:$0xEC00] =	vst v63  }
0x302: {  	s10 =	sadd.s32 $0x50, s1;
	s15 =	simm.s32 $0xC1D0  }
0x303: {  	[hbm4b:s10+s0] =	stream.linear.scatter [tilespmem:s15], [sflag:$0x3], $0x80, $0x38;
	[tilespmem:$0xEC00] =	vst v63  }
0x304: {  	s10 =	sadd.s32 $0x60, s1;
	s15 =	simm.s32 $0xC260  }
0x305: {  	[hbm4b:s10+s0] =	stream.linear.scatter [tilespmem:s15], [sflag:$0x3], $0x80, $0x38;
	[tilespmem:$0xEC00] =	vst v63  }
0x306: {  	s1 =	sadd.s32 $0x70, s1;
	s10 =	simm.s32 $0xC2F0  }
0x307: {  	[hbm4b:s1+s0] =	stream.linear.scatter [tilespmem:s10], [sflag:$0x3], $0x80, $0x38;
	[tilespmem:$0xEC00] =	vst v63  }
0x308: {  	s15 =	simm.s32 $0xC380;
	s1 =	sadd.s32 s7, s23  }
0x309: {  	[hbm4b:s1+s0] =	stream.linear.scatter [tilespmem:s15], [sflag:$0x3], $0x80, $0x38;
	[tilespmem:$0xEC00] =	vst v63  }
0x30a: {  	s10 =	sadd.s32 $0x10, s1;
	s15 =	simm.s32 $0xC410  }
0x30b: {  	[hbm4b:s10+s0] =	stream.linear.scatter [tilespmem:s15], [sflag:$0x3], $0x80, $0x38;
	[tilespmem:$0xEC00] =	vst v63  }
0x30c: {  	s10 =	sadd.s32 $0x20, s1;
	s15 =	simm.s32 $0xC4A0  }
0x30d: {  	[hbm4b:s10+s0] =	stream.linear.scatter [tilespmem:s15], [sflag:$0x3], $0x80, $0x38;
	[tilespmem:$0xEC00] =	vst v63  }
0x30e: {  	s10 =	sadd.s32 $0x30, s1;
	s15 =	simm.s32 $0xC530  }
0x30f: {  	[hbm4b:s10+s0] =	stream.linear.scatter [tilespmem:s15], [sflag:$0x3], $0x80, $0x38;
	[tilespmem:$0xEC00] =	vst v63  }
0x310: {  	s10 =	sadd.s32 $0x40, s1;
	s15 =	simm.s32 $0xC5C0  }
0x311: {  	[hbm4b:s10+s0] =	stream.linear.scatter [tilespmem:s15], [sflag:$0x3], $0x80, $0x38;
	[tilespmem:$0xEC00] =	vst v63  }
0x312: {  	s10 =	sadd.s32 $0x50, s1;
	s15 =	simm.s32 $0xC650  }
0x313: {  	[hbm4b:s10+s0] =	stream.linear.scatter [tilespmem:s15], [sflag:$0x3], $0x80, $0x38;
	[tilespmem:$0xEC00] =	vst v63  }
0x314: {  	s10 =	sadd.s32 $0x60, s1;
	s15 =	simm.s32 $0xC6E0  }
0x315: {  	[hbm4b:s10+s0] =	stream.linear.scatter [tilespmem:s15], [sflag:$0x3], $0x80, $0x38;
	[tilespmem:$0xEC00] =	vst v63  }
0x316: {  	s1 =	sadd.s32 $0x70, s1;
	s10 =	simm.s32 $0xC770  }
0x317: {  	[hbm4b:s1+s0] =	stream.linear.scatter [tilespmem:s10], [sflag:$0x3], $0x80, $0x38;
	[tilespmem:$0xEC00] =	vst v63  }
0x318: {  	_ =	swait.ge [sflag:s18], $0x2000  }
0x319: {  	[sflag:s18] =	ssyncset.done $0x0  }
0x31a: {  	[sflag:s18] =	ssyncadd.s32 $0xFFFFE000  }
0x31b: {  	_ =	swait.ge [sflag:s24], $0x400  }
0x31c: {  	[sflag:s24] =	ssyncset.done $0x0  }
0x31d: {  	[sflag:s24] =	ssyncadd.s32 $0xFFFFFC00  }
0x31e: {  	_ =	swait.ge [sflag:s24], $0x400  }
0x31f: {  	[sflag:s24] =	ssyncset.done $0x0  }
0x320: {  	[sflag:s24] =	ssyncadd.s32 $0xFFFFFC00  }
0x321: {  	_ =	swait.ge [sflag:s24], $0x400  }
0x322: {  	[sflag:s24] =	ssyncset.done $0x0  }
0x323: {  	[sflag:s24] =	ssyncadd.s32 $0xFFFFFC00  }
0x324: {  	_ =	swait.ge [sflag:s24], $0x400  }
0x325: {  	[sflag:s24] =	ssyncset.done $0x0  }
0x326: {  	[sflag:s24] =	ssyncadd.s32 $0xFFFFFC00  }
0x327: {  	_ =	swait.ge [sflag:s24], $0x400  }
0x328: {  	[sflag:s24] =	ssyncset.done $0x0  }
0x329: {  	[sflag:s24] =	ssyncadd.s32 $0xFFFFFC00  }
0x32a: {  	_ =	swait.ge [sflag:s24], $0x400  }
0x32b: {  	[sflag:s24] =	ssyncset.done $0x0  }
0x32c: {  	[sflag:s24] =	ssyncadd.s32 $0xFFFFFC00  }
0x32d: {  	_ =	swait.ge [sflag:s24], $0x400  }
0x32e: {  	[sflag:s24] =	ssyncset.done $0x0  }
0x32f: {  	[sflag:s24] =	ssyncadd.s32 $0xFFFFFC00  }
0x330: {  	_ =	swait.ge [sflag:s24], $0x400  }
0x331: {  	[sflag:s24] =	ssyncset.done $0x0  }
0x332: {  	s8 =	simm.s32 $0x8480;
	s15 =	simm.s32 $0x3;
	[sflag:s24] =	ssyncadd.s32 $0xFFFFFC00  }
0x333: {  	v4 =	vmov s15;
	v5 =	vld [tilespmem:s8+$0x40]  }
0x334: {  	v9 =	vand.u32 $0x7F, v4  }
0x335: {  	v6 =	vmov s0;
	v4 =	vadd.s32 v0, v9  }
0x336: {  	v8 =	vand.u32 $0x7C, v6;
	s10 =	simm.s32 $0x1;
	v7 =	vld [tilespmem:s8+$0xFFFFFF80]  }
0x337: {  	v12 =	vadd.s32 v0, v8;
	s15 =	simm.s32 $0x2;
	v6 =	vmov s10;
	v10 =	vld [tilespmem:s8+$0xFFFFFFC0]  }
0x338: {  	v11 =	vmov s15;
	v15 =	vand.u32 $0x7D, v6;
	v6 =	vld [tilespmem:s8+$0x0];
	v5 =	vmul.f32 $8.000000000e+00, v5  }
0x339: {  	v17 =	vand.u32 $0x7E, v11;
	v13 =	vadd.s32 v0, v15  }
0x33a: {  	v11 =	vadd.s32 v0, v17;
	[tilespmem:v4+s19+$0x0] =	vst.idx.msk $0xffff, v5  }
0x33b: {  	v4 =	vmul.f32 $8.000000000e+00, v7;
	v5 =	vld [tilespmem:s8+$0x50]  }
0x33c: {  	v7 =	vmul.f32 $8.000000000e+00, v10  }
0x33d: {  	[tilespmem:v12+s19+$0x0] =	vst.idx.msk $0xffff, v4;
	v4 =	vmul.f32 $8.000000000e+00, v6;
	v6 =	vadd.s32 v1, v9  }
0x33e: {  	[tilespmem:v13+s19+$0x0] =	vst.idx.msk $0xffff, v7;
	v10 =	vld [tilespmem:s8+$0xFFFFFF90]  }
0x33f: {  	v7 =	vld [tilespmem:s8+$0xFFFFFFD0];
	[tilespmem:v11+s19+$0x0] =	vst.idx.msk $0xffff, v4  }
0x340: {  	v11 =	vld [tilespmem:s8+$0x10];
	v4 =	vmul.f32 $8.000000000e+00, v5  }
0x341: {  	s15 =	simm.s32 $0x7;
	s1 =	simm.s32 $0x8580;
	s10 =	simm.s32 $0x4;
	v12 =	vadd.s32 v1, v15  }
0x342: {  	v14 =	vld [tilespmem:s1+$0x40];
	v13 =	vadd.s32 v1, v17;
	v5 =	vmov s10;
	[tilespmem:v6+s19+$0x0] =	vst.idx.msk $0xffff, v4;
	v6 =	vmov s15  }
0x343: {  	v16 =	vadd.s32 v1, v8;
	v4 =	vand.u32 $0x7C, v5;
	v5 =	vand.u32 $0x7F, v6;
	v18 =	vld [tilespmem:s8+$0x60]  }
0x344: {  	v22 =	vadd.s32 v2, v9;
	v19 =	vld [tilespmem:s1+$0xFFFFFF80];
	s10 =	simm.s32 $0x5;
	v6 =	vmul.f32 $8.000000000e+00, v7;
	v20 =	vadd.s32 v0, v5  }
0x345: {  	v21 =	vld [tilespmem:s1+$0xFFFFFFC0];
	v10 =	vmul.f32 $8.000000000e+00, v10;
	s15 =	simm.s32 $0x6;
	v7 =	vmul.f32 $8.000000000e+00, v11;
	v11 =	vmov s10  }
0x346: {  	v23 =	vadd.s32 v0, v4;
	[tilespmem:v12+s19+$0x0] =	vst.idx.msk $0xffff, v6;
	v12 =	vmov s15;
	v6 =	vand.u32 $0x7D, v11;
	v11 =	vld [tilespmem:s1+$0x0]  }
0x347: {  	[tilespmem:v13+s19+$0x0] =	vst.idx.msk $0xffff, v7;
	v13 =	vadd.s32 v0, v6;
	v7 =	vand.u32 $0x7E, v12;
	v12 =	vmul.f32 $8.000000000e+00, v14;
	v14 =	vld [tilespmem:s8+$0xFFFFFFE0]  }
0x348: {  	[tilespmem:v16+s19+$0x0] =	vst.idx.msk $0xffff, v10;
	v10 =	vadd.s32 v0, v7;
	v16 =	vld [tilespmem:s8+$0x20];
	v18 =	vmul.f32 $8.000000000e+00, v18  }
0x349: {  	v19 =	vmul.f32 $8.000000000e+00, v19;
	[tilespmem:v20+s19+$0x0] =	vst.idx.msk $0xffff, v12;
	v12 =	vld [tilespmem:s8+$0xFFFFFFA0];
	v20 =	vadd.s32 v2, v15  }
0x34a: {  	v60 =	vadd.s32 v2, v17;
	v21 =	vmul.f32 $8.000000000e+00, v21;
	v59 =	vld [tilespmem:s1+$0x50];
	[tilespmem:v22+s19+$0x0] =	vst.idx.msk $0xffff, v18  }
0x34b: {  	[tilespmem:v23+s19+$0x0] =	vst.idx.msk $0xffff, v19;
	v19 =	vadd.s32 v2, v8;
	v11 =	vmul.f32 $8.000000000e+00, v11;
	v22 =	vld [tilespmem:s8+$0x70]  }
0x34c: {  	v23 =	vld [tilespmem:s1+$0xFFFFFF90];
	[tilespmem:v13+s19+$0x0] =	vst.idx.msk $0xffff, v21;
	v21 =	vadd.s32 v1, v5;
	v14 =	vmul.f32 $8.000000000e+00, v14  }
0x34d: {  	v62 =	vadd.s32 v3, v9;
	v61 =	vld [tilespmem:s1+$0xFFFFFFD0];
	[tilespmem:v10+s19+$0x0] =	vst.idx.msk $0xffff, v11;
	v10 =	vmul.f32 $8.000000000e+00, v16  }
0x34e: {  	v18 =	vadd.s32 v1, v4;
	v13 =	vld [tilespmem:s1+$0x10];
	v9 =	vmul.f32 $8.000000000e+00, v12;
	[tilespmem:v20+s19+$0x0] =	vst.idx.msk $0xffff, v14  }
0x34f: {  	s15 =	simm.s32 $0x8;
	v16 =	vadd.s32 v1, v6;
	[tilespmem:v60+s19+$0x0] =	vst.idx.msk $0xffff, v10;
	v14 =	vmul.f32 $8.000000000e+00, v59;
	v12 =	vld [tilespmem:s8+$0xFFFFFFF0]  }
0x350: {  	v20 =	vmov s15;
	v10 =	vadd.s32 v1, v7;
	v11 =	vld [tilespmem:s8+$0x30];
	[tilespmem:v19+s19+$0x0] =	vst.idx.msk $0xffff, v9;
	v63 =	vmul.f32 $8.000000000e+00, v22  }
0x351: {  	s0 =	simm.s32 $0x8680;
	s10 =	simm.s32 $0xB;
	v15 =	vadd.s32 v3, v15;
	v9 =	vand.u32 $0x7C, v20;
	v20 =	vmul.f32 $8.000000000e+00, v23;
	[tilespmem:v21+s19+$0x0] =	vst.idx.msk $0xffff, v14;
	v14 =	vld [tilespmem:s8+$0xFFFFFFB0]  }
0x352: {  	v17 =	vadd.s32 v3, v17;
	v22 =	vmov s10;
	v19 =	vld [tilespmem:s0+$0x40];
	s8 =	simm.s32 $0xC;
	v21 =	vmul.f32 $8.000000000e+00, v61;
	[tilespmem:v62+s19+$0x0] =	vst.idx.msk $0xffff, v63  }
.LBB2_11:
0x353: {  	p0 =	slt.u32 s8, $0x7C;
	s10 =	sadd.s32 $0x1, s15;
	v22 =	vand.u32 $0x7F, v22;
	[tilespmem:v18+s19+$0x0] =	vst.idx.msk $0xffff, v20;
	v13 =	vmul.f32 $8.000000000e+00, v13;
	v18 =	vld [tilespmem:s1+$0x60];
	v20 =	vadd.s32 v3, v8;
	v8 =	vmovc v4  }
0x354: {  	v4 =	vmovc v9;
	v23 =	vld [tilespmem:s0+$0xFFFFFF80];
	v24 =	vmov s10;
	s10 =	sadd.s32 $0x2, s15;
	v25 =	vadd.s32 v0, v22;
	[tilespmem:v16+s19+$0x0] =	vst.idx.msk $0xffff, v21;
	v12 =	vmul.f32 $8.000000000e+00, v12;
	s15 =	smov.u32 s8  }
0x355: {  	v9 =	vld [tilespmem:s0+$0xFFFFFFC0];
	v16 =	vmov s10;
	[tilespmem:v10+s19+$0x0] =	vst.idx.msk $0xffff, v13;
	v10 =	vadd.s32 v2, v5;
	v11 =	vmul.f32 $8.000000000e+00, v11  }
0x356: {  	v13 =	vadd.s32 v0, v4;
	v21 =	vand.u32 $0x7D, v24;
	v24 =	vld [tilespmem:s0+$0x0];
	v14 =	vmul.f32 $8.000000000e+00, v14;
	[tilespmem:v15+s19+$0x0] =	vst.idx.msk $0xffff, v12  }
0x357: {  	v12 =	vadd.s32 v0, v21;
	v26 =	vand.u32 $0x7E, v16;
	v15 =	vmul.f32 $8.000000000e+00, v19;
	v16 =	vld [tilespmem:s1+$0xFFFFFFE0];
	[tilespmem:v17+s19+$0x0] =	vst.idx.msk $0xffff, v11  }
0x358: {  	v11 =	vadd.s32 v0, v26;
	v17 =	vld [tilespmem:s1+$0x20];
	v18 =	vmul.f32 $8.000000000e+00, v18;
	[tilespmem:v20+s19+$0x0] =	vst.idx.msk $0xffff, v14  }
0x359: {  	v19 =	vadd.s32 v2, v6;
	v14 =	vmul.f32 $8.000000000e+00, v23;
	[tilespmem:v25+s19+$0x0] =	vst.idx.msk $0xffff, v15;
	v15 =	vld [tilespmem:s1+$0xFFFFFFA0]  }
0x35a: {  	v23 =	vadd.s32 v2, v7;
	v9 =	vmul.f32 $8.000000000e+00, v9;
	v20 =	vld [tilespmem:s0+$0x50];
	[tilespmem:v10+s19+$0x0] =	vst.idx.msk $0xffff, v18  }
0x35b: {  	[tilespmem:v13+s19+$0x0] =	vst.idx.msk $0xffff, v14;
	v10 =	vmul.f32 $8.000000000e+00, v24;
	v14 =	vadd.s32 v2, v8;
	v24 =	vld [tilespmem:s1+$0x70]  }
0x35c: {  	v27 =	vadd.s32 v1, v22;
	v25 =	vld [tilespmem:s0+$0xFFFFFF90];
	[tilespmem:v12+s19+$0x0] =	vst.idx.msk $0xffff, v9;
	v9 =	vmul.f32 $8.000000000e+00, v16  }
0x35d: {  	v29 =	vadd.s32 v3, v5;
	v5 =	vmov v22;
	v28 =	vld [tilespmem:s0+$0xFFFFFFD0];
	[tilespmem:v11+s19+$0x0] =	vst.idx.msk $0xffff, v10;
	v10 =	vmul.f32 $8.000000000e+00, v17  }
.Ltmp4:
0x35e: {  	v18 =	vadd.s32 v1, v4;
	v13 =	vld [tilespmem:s0+$0x10];
	v11 =	vmul.f32 $8.000000000e+00, v15;
	[tilespmem:v19+s19+$0x0] =	vst.idx.msk $0xffff, v9;
	(pc) =	sbr.rel @p0 .LBB2_11-.Ltmp4, $4  }
0x35f: {  	v16 =	vadd.s32 v1, v21;
	v15 =	vmul.f32 $8.000000000e+00, v20;
	v12 =	vld [tilespmem:s1+$0xFFFFFFF0];
	[tilespmem:v23+s19+$0x0] =	vst.idx.msk $0xffff, v10  }
0x360: {  	v9 =	vmov s8;
	v10 =	vadd.s32 v1, v26;
	[tilespmem:v14+s19+$0x0] =	vst.idx.msk $0xffff, v11;
	v11 =	vld [tilespmem:s1+$0x30];
	v23 =	vmul.f32 $8.000000000e+00, v24  }
0x361: {  	s10 =	sadd.s32 $0x3, s8;
	v9 =	vand.u32 $0x7C, v9;
	v20 =	vmul.f32 $8.000000000e+00, v25;
	[tilespmem:v27+s19+$0x0] =	vst.idx.msk $0xffff, v15;
	v14 =	vld [tilespmem:s1+$0xFFFFFFB0];
	v15 =	vadd.s32 v3, v6;
	v6 =	vmovc v21;
	s1 =	smov.u32 s0;
	s0 =	sadd.s32 $0x100, s0  }
0x362: {  	v22 =	vmov s10;
	v17 =	vadd.s32 v3, v7;
	v7 =	vmovc v26;
	s8 =	sadd.s32 $0x4, s8;
	v19 =	vld [tilespmem:s0+$0x40];
	v21 =	vmul.f32 $8.000000000e+00, v28;
	[tilespmem:v29+s19+$0x0] =	vst.idx.msk $0xffff, v23  }
0x363: {  	s8 =	sadd.s32 $0x1, s15;
	v22 =	vand.u32 $0x7F, v22;
	v28 =	vld [tilespmem:s0+$0xFFFFFF80]  }
0x364: {  	s15 =	sadd.s32 $0x2, s15;
	v24 =	vld [tilespmem:s0+$0xFFFFFFC0];
	v23 =	vmov s8;
	v26 =	vadd.s32 v0, v22  }
0x365: {  	v27 =	vld [tilespmem:s0+$0x0];
	v51 =	vadd.s32 v0, v9;
	v25 =	vmov s15;
	v23 =	vand.u32 $0x7D, v23  }
0x366: {  	v25 =	vand.u32 $0x7E, v25;
	v29 =	vadd.s32 v0, v23  }
0x367: {  	[tilespmem:v18+s19+$0x0] =	vst.idx.msk $0xffff, v20;
	v30 =	vadd.s32 v0, v25;
	v19 =	vmul.f32 $8.000000000e+00, v19  }
0x368: {  	[tilespmem:v16+s19+$0x0] =	vst.idx.msk $0xffff, v21;
	v54 =	vmul.f32 $8.000000000e+00, v28  }
0x369: {  	v52 =	vmul.f32 $8.000000000e+00, v24;
	[tilespmem:v26+s19+$0x0] =	vst.idx.msk $0xffff, v19  }
0x36a: {  	v53 =	vmul.f32 $8.000000000e+00, v27;
	v55 =	vld [tilespmem:s0+$0x50];
	[tilespmem:v51+s19+$0x0] =	vst.idx.msk $0xffff, v54  }
0x36b: {  	v13 =	vmul.f32 $8.000000000e+00, v13;
	v8 =	vadd.s32 v3, v8;
	[tilespmem:v29+s19+$0x0] =	vst.idx.msk $0xffff, v52;
	v59 =	vld [tilespmem:s0+$0xFFFFFF90]  }
0x36c: {  	v12 =	vmul.f32 $8.000000000e+00, v12;
	v57 =	vadd.s32 v1, v22;
	[tilespmem:v30+s19+$0x0] =	vst.idx.msk $0xffff, v53;
	v56 =	vld [tilespmem:s0+$0xFFFFFFD0]  }
0x36d: {  	[tilespmem:v10+s19+$0x0] =	vst.idx.msk $0xffff, v13;
	v58 =	vmul.f32 $8.000000000e+00, v11;
	v28 =	vadd.s32 v1, v9;
	v19 =	vld [tilespmem:s0+$0x10]  }
0x36e: {  	v61 =	vld [tilespmem:s1+$0x60];
	v60 =	vadd.s32 v1, v23;
	v14 =	vmul.f32 $8.000000000e+00, v14;
	[tilespmem:v15+s19+$0x0] =	vst.idx.msk $0xffff, v12  }
0x36f: {  	v32 =	vld [tilespmem:s1+$0xFFFFFFA0];
	v62 =	vadd.s32 v1, v25;
	[tilespmem:v17+s19+$0x0] =	vst.idx.msk $0xffff, v58;
	v16 =	vmul.f32 $8.000000000e+00, v55  }
0x370: {  	[tilespmem:v8+s19+$0x0] =	vst.idx.msk $0xffff, v14;
	v29 =	vadd.s32 v2, v5;
	v30 =	vld [tilespmem:s1+$0x20];
	v11 =	vmul.f32 $8.000000000e+00, v59  }
0x371: {  	v38 =	vadd.s32 v2, v4;
	v63 =	vld [tilespmem:s1+$0xFFFFFFE0];
	v31 =	vmul.f32 $8.000000000e+00, v56;
	[tilespmem:v57+s19+$0x0] =	vst.idx.msk $0xffff, v16  }
0x372: {  	v35 =	vadd.s32 v2, v7;
	v34 =	vmul.f32 $8.000000000e+00, v19;
	v36 =	vld [tilespmem:s0+$0x60];
	[tilespmem:v28+s19+$0x0] =	vst.idx.msk $0xffff, v11  }
0x373: {  	v33 =	vadd.s32 v2, v6;
	v37 =	vmul.f32 $8.000000000e+00, v61;
	[tilespmem:v60+s19+$0x0] =	vst.idx.msk $0xffff, v31;
	v43 =	vld [tilespmem:s0+$0xFFFFFFA0]  }
0x374: {  	v40 =	vadd.s32 v2, v22;
	v14 =	vmul.f32 $8.000000000e+00, v32;
	[tilespmem:v62+s19+$0x0] =	vst.idx.msk $0xffff, v34;
	v39 =	vld [tilespmem:s0+$0xFFFFFFE0]  }
0x375: {  	v48 =	vadd.s32 v2, v9;
	[tilespmem:v29+s19+$0x0] =	vst.idx.msk $0xffff, v37;
	v42 =	vmul.f32 $8.000000000e+00, v30;
	v41 =	vld [tilespmem:s0+$0x20]  }
0x376: {  	v44 =	vadd.s32 v2, v23;
	v15 =	vmul.f32 $8.000000000e+00, v63;
	[tilespmem:v38+s19+$0x0] =	vst.idx.msk $0xffff, v14;
	v45 =	vld [tilespmem:s1+$0x70]  }
0x377: {  	v46 =	vadd.s32 v2, v25;
	v14 =	vld [tilespmem:s1+$0xFFFFFFB0];
	[tilespmem:v35+s19+$0x0] =	vst.idx.msk $0xffff, v42;
	v47 =	vmul.f32 $8.000000000e+00, v36  }
0x378: {  	v5 =	vadd.s32 v3, v5;
	[tilespmem:v33+s19+$0x0] =	vst.idx.msk $0xffff, v15;
	v49 =	vld [tilespmem:s1+$0x30];
	v53 =	vmul.f32 $8.000000000e+00, v43  }
0x379: {  	v4 =	vadd.s32 v3, v4;
	v21 =	vld [tilespmem:s1+$0xFFFFFFF0];
	v12 =	vmul.f32 $8.000000000e+00, v39;
	[tilespmem:v40+s19+$0x0] =	vst.idx.msk $0xffff, v47  }
0x37a: {  	v52 =	vadd.s32 v3, v7;
	v51 =	vmul.f32 $8.000000000e+00, v41;
	v10 =	vld [tilespmem:s0+$0x70];
	[tilespmem:v48+s19+$0x0] =	vst.idx.msk $0xffff, v53  }
0x37b: {  	v50 =	vadd.s32 v3, v6;
	v54 =	vmul.f32 $8.000000000e+00, v45;
	[tilespmem:v44+s19+$0x0] =	vst.idx.msk $0xffff, v12;
	v59 =	vld [tilespmem:s0+$0xFFFFFFB0]  }
0x37c: {  	v57 =	vadd.s32 v3, v22;
	v14 =	vmul.f32 $8.000000000e+00, v14;
	[tilespmem:v46+s19+$0x0] =	vst.idx.msk $0xffff, v51;
	v55 =	vld [tilespmem:s0+$0xFFFFFFF0]  }
0x37d: {  	v62 =	vadd.s32 v3, v9;
	[tilespmem:v5+s19+$0x0] =	vst.idx.msk $0xffff, v54;
	v5 =	vmul.f32 $8.000000000e+00, v49;
	v58 =	vld [tilespmem:s0+$0x30]  }
0x37e: {  	v56 =	vmul.f32 $8.000000000e+00, v21;
	v60 =	vadd.s32 v3, v23;
	[tilespmem:v4+s19+$0x0] =	vst.idx.msk $0xffff, v14  }
0x37f: {  	v61 =	vadd.s32 v3, v25;
	[tilespmem:v52+s19+$0x0] =	vst.idx.msk $0xffff, v5;
	v5 =	vmul.f32 $8.000000000e+00, v10  }
0x380: {  	[tilespmem:v50+s19+$0x0] =	vst.idx.msk $0xffff, v56;
	v63 =	vmul.f32 $8.000000000e+00, v59  }
0x381: {  	v4 =	vmul.f32 $8.000000000e+00, v55;
	[tilespmem:v57+s19+$0x0] =	vst.idx.msk $0xffff, v5  }
0x382: {  	v5 =	vmul.f32 $8.000000000e+00, v58;
	[tilespmem:v62+s19+$0x0] =	vst.idx.msk $0xffff, v63  }
0x383: {  	[tilespmem:v60+s19+$0x0] =	vst.idx.msk $0xffff, v4  }
0x384: {  	s2 =	sadd.s32 $0x180, s2;
	s8 =	simm.s32 $0x8400;
	[tilespmem:v61+s19+$0x0] =	vst.idx.msk $0xffff, v5  }
0x385: {  	[tilespmem:s8], [sflag:$0x2] =	stream.indirect.gather [hbm4b:s4+s31], $0x40, s2, s31, $0xb8;
	[tilespmem:$0xEC00] =	vst v63  }
0x386: {  	s0 =	sadd.s32 s7, s28  }
0x387: {  	[hbm4b:s0+s3] =	stream.linear.scatter [tilespmem:s19], [sflag:$0x4], $0x80, $0x38;
	[tilespmem:$0xEC00] =	vst v63  }
0x388: {  	s15 =	simm.s32 $0xC890;
	s10 =	sadd.s32 $0x10, s0  }
0x389: {  	[hbm4b:s10+s3] =	stream.linear.scatter [tilespmem:s15], [sflag:$0x4], $0x80, $0x38;
	[tilespmem:$0xEC00] =	vst v63  }
0x38a: {  	s2 =	sadd.s32 $0x20, s0;
	s8 =	simm.s32 $0xC920  }
0x38b: {  	[hbm4b:s2+s3] =	stream.linear.scatter [tilespmem:s8], [sflag:$0x4], $0x80, $0x38;
	[tilespmem:$0xEC00] =	vst v63  }
0x38c: {  	s10 =	sadd.s32 $0x30, s0;
	s15 =	simm.s32 $0xC9B0  }
0x38d: {  	[hbm4b:s10+s3] =	stream.linear.scatter [tilespmem:s15], [sflag:$0x4], $0x80, $0x38;
	[tilespmem:$0xEC00] =	vst v63  }
0x38e: {  	s2 =	sadd.s32 $0x40, s0;
	s8 =	simm.s32 $0xCA40  }
0x38f: {  	[hbm4b:s2+s3] =	stream.linear.scatter [tilespmem:s8], [sflag:$0x4], $0x80, $0x38;
	[tilespmem:$0xEC00] =	vst v63  }
0x390: {  	s10 =	sadd.s32 $0x50, s0;
	s15 =	simm.s32 $0xCAD0  }
0x391: {  	[hbm4b:s10+s3] =	stream.linear.scatter [tilespmem:s15], [sflag:$0x4], $0x80, $0x38;
	[tilespmem:$0xEC00] =	vst v63  }
0x392: {  	s2 =	sadd.s32 $0x60, s0;
	s8 =	simm.s32 $0xCB60  }
0x393: {  	[hbm4b:s2+s3] =	stream.linear.scatter [tilespmem:s8], [sflag:$0x4], $0x80, $0x38;
	[tilespmem:$0xEC00] =	vst v63  }
0x394: {  	s0 =	sadd.s32 $0x70, s0;
	s10 =	simm.s32 $0xCBF0  }
0x395: {  	[hbm4b:s0+s3] =	stream.linear.scatter [tilespmem:s10], [sflag:$0x4], $0x80, $0x38;
	[tilespmem:$0xEC00] =	vst v63  }
0x396: {  	s15 =	simm.s32 $0xCC80;
	s0 =	sadd.s32 s7, s29  }
0x397: {  	[hbm4b:s0+s3] =	stream.linear.scatter [tilespmem:s15], [sflag:$0x4], $0x80, $0x38;
	[tilespmem:$0xEC00] =	vst v63  }
0x398: {  	s8 =	simm.s32 $0xCD10;
	s2 =	sadd.s32 $0x10, s0  }
0x399: {  	[hbm4b:s2+s3] =	stream.linear.scatter [tilespmem:s8], [sflag:$0x4], $0x80, $0x38;
	[tilespmem:$0xEC00] =	vst v63  }
0x39a: {  	s10 =	sadd.s32 $0x20, s0;
	s15 =	simm.s32 $0xCDA0  }
0x39b: {  	[hbm4b:s10+s3] =	stream.linear.scatter [tilespmem:s15], [sflag:$0x4], $0x80, $0x38;
	[tilespmem:$0xEC00] =	vst v63  }
0x39c: {  	s2 =	sadd.s32 $0x30, s0;
	s8 =	simm.s32 $0xCE30  }
0x39d: {  	[hbm4b:s2+s3] =	stream.linear.scatter [tilespmem:s8], [sflag:$0x4], $0x80, $0x38;
	[tilespmem:$0xEC00] =	vst v63  }
0x39e: {  	s10 =	sadd.s32 $0x40, s0;
	s15 =	simm.s32 $0xCEC0  }
0x39f: {  	[hbm4b:s10+s3] =	stream.linear.scatter [tilespmem:s15], [sflag:$0x4], $0x80, $0x38;
	[tilespmem:$0xEC00] =	vst v63  }
0x3a0: {  	s2 =	sadd.s32 $0x50, s0;
	s8 =	simm.s32 $0xCF50  }
0x3a1: {  	[hbm4b:s2+s3] =	stream.linear.scatter [tilespmem:s8], [sflag:$0x4], $0x80, $0x38;
	[tilespmem:$0xEC00] =	vst v63  }
0x3a2: {  	s10 =	sadd.s32 $0x60, s0;
	s15 =	simm.s32 $0xCFE0  }
0x3a3: {  	[hbm4b:s10+s3] =	stream.linear.scatter [tilespmem:s15], [sflag:$0x4], $0x80, $0x38;
	[tilespmem:$0xEC00] =	vst v63  }
0x3a4: {  	s0 =	sadd.s32 $0x70, s0;
	s2 =	simm.s32 $0xD070  }
0x3a5: {  	[hbm4b:s0+s3] =	stream.linear.scatter [tilespmem:s2], [sflag:$0x4], $0x80, $0x38;
	[tilespmem:$0xEC00] =	vst v63  }
0x3a6: {  	s8 =	simm.s32 $0xD100;
	s0 =	sadd.s32 s7, s30  }
0x3a7: {  	[hbm4b:s0+s3] =	stream.linear.scatter [tilespmem:s8], [sflag:$0x4], $0x80, $0x38;
	[tilespmem:$0xEC00] =	vst v63  }
0x3a8: {  	s15 =	simm.s32 $0xD190;
	s10 =	sadd.s32 $0x10, s0  }
0x3a9: {  	[hbm4b:s10+s3] =	stream.linear.scatter [tilespmem:s15], [sflag:$0x4], $0x80, $0x38;
	[tilespmem:$0xEC00] =	vst v63  }
0x3aa: {  	s2 =	sadd.s32 $0x20, s0;
	s8 =	simm.s32 $0xD220  }
0x3ab: {  	[hbm4b:s2+s3] =	stream.linear.scatter [tilespmem:s8], [sflag:$0x4], $0x80, $0x38;
	[tilespmem:$0xEC00] =	vst v63  }
0x3ac: {  	s10 =	sadd.s32 $0x30, s0;
	s15 =	simm.s32 $0xD2B0  }
0x3ad: {  	[hbm4b:s10+s3] =	stream.linear.scatter [tilespmem:s15], [sflag:$0x4], $0x80, $0x38;
	[tilespmem:$0xEC00] =	vst v63  }
0x3ae: {  	s2 =	sadd.s32 $0x40, s0;
	s8 =	simm.s32 $0xD340  }
0x3af: {  	[hbm4b:s2+s3] =	stream.linear.scatter [tilespmem:s8], [sflag:$0x4], $0x80, $0x38;
	[tilespmem:$0xEC00] =	vst v63  }
0x3b0: {  	s10 =	sadd.s32 $0x50, s0;
	s15 =	simm.s32 $0xD3D0  }
0x3b1: {  	[hbm4b:s10+s3] =	stream.linear.scatter [tilespmem:s15], [sflag:$0x4], $0x80, $0x38;
	[tilespmem:$0xEC00] =	vst v63  }
0x3b2: {  	s2 =	sadd.s32 $0x60, s0;
	s8 =	simm.s32 $0xD460  }
0x3b3: {  	[hbm4b:s2+s3] =	stream.linear.scatter [tilespmem:s8], [sflag:$0x4], $0x80, $0x38;
	[tilespmem:$0xEC00] =	vst v63  }
0x3b4: {  	s0 =	sadd.s32 $0x70, s0;
	s10 =	simm.s32 $0xD4F0  }
0x3b5: {  	[hbm4b:s0+s3] =	stream.linear.scatter [tilespmem:s10], [sflag:$0x4], $0x80, $0x38;
	[tilespmem:$0xEC00] =	vst v63  }
0x3b6: {  	s15 =	simm.s32 $0xD580;
	s0 =	sadd.s32 s7, s6  }
0x3b7: {  	[hbm4b:s0+s3] =	stream.linear.scatter [tilespmem:s15], [sflag:$0x4], $0x80, $0x38;
	[tilespmem:$0xEC00] =	vst v63  }
0x3b8: {  	s8 =	simm.s32 $0xD610;
	s2 =	sadd.s32 $0x10, s0  }
0x3b9: {  	[hbm4b:s2+s3] =	stream.linear.scatter [tilespmem:s8], [sflag:$0x4], $0x80, $0x38;
	[tilespmem:$0xEC00] =	vst v63  }
0x3ba: {  	s10 =	sadd.s32 $0x20, s0;
	s15 =	simm.s32 $0xD6A0  }
0x3bb: {  	[hbm4b:s10+s3] =	stream.linear.scatter [tilespmem:s15], [sflag:$0x4], $0x80, $0x38;
	[tilespmem:$0xEC00] =	vst v63  }
0x3bc: {  	s2 =	sadd.s32 $0x30, s0;
	s8 =	simm.s32 $0xD730  }
0x3bd: {  	[hbm4b:s2+s3] =	stream.linear.scatter [tilespmem:s8], [sflag:$0x4], $0x80, $0x38;
	[tilespmem:$0xEC00] =	vst v63  }
0x3be: {  	s10 =	sadd.s32 $0x40, s0;
	s15 =	simm.s32 $0xD7C0  }
0x3bf: {  	[hbm4b:s10+s3] =	stream.linear.scatter [tilespmem:s15], [sflag:$0x4], $0x80, $0x38;
	[tilespmem:$0xEC00] =	vst v63  }
0x3c0: {  	s2 =	sadd.s32 $0x50, s0;
	s8 =	simm.s32 $0xD850  }
0x3c1: {  	[hbm4b:s2+s3] =	stream.linear.scatter [tilespmem:s8], [sflag:$0x4], $0x80, $0x38;
	[tilespmem:$0xEC00] =	vst v63  }
0x3c2: {  	s10 =	sadd.s32 $0x60, s0;
	s15 =	simm.s32 $0xD8E0  }
0x3c3: {  	[hbm4b:s10+s3] =	stream.linear.scatter [tilespmem:s15], [sflag:$0x4], $0x80, $0x38;
	[tilespmem:$0xEC00] =	vst v63  }
0x3c4: {  	s0 =	sadd.s32 $0x70, s0;
	s2 =	simm.s32 $0xD970  }
0x3c5: {  	[hbm4b:s0+s3] =	stream.linear.scatter [tilespmem:s2], [sflag:$0x4], $0x80, $0x38;
	[tilespmem:$0xEC00] =	vst v63  }
0x3c6: {  	s8 =	simm.s32 $0xDA00;
	s0 =	sadd.s32 s7, s25  }
0x3c7: {  	[hbm4b:s0+s3] =	stream.linear.scatter [tilespmem:s8], [sflag:$0x4], $0x80, $0x38;
	[tilespmem:$0xEC00] =	vst v63  }
0x3c8: {  	s15 =	simm.s32 $0xDA90;
	s10 =	sadd.s32 $0x10, s0  }
0x3c9: {  	[hbm4b:s10+s3] =	stream.linear.scatter [tilespmem:s15], [sflag:$0x4], $0x80, $0x38;
	[tilespmem:$0xEC00] =	vst v63  }
0x3ca: {  	s2 =	sadd.s32 $0x20, s0;
	s8 =	simm.s32 $0xDB20  }
0x3cb: {  	[hbm4b:s2+s3] =	stream.linear.scatter [tilespmem:s8], [sflag:$0x4], $0x80, $0x38;
	[tilespmem:$0xEC00] =	vst v63  }
0x3cc: {  	s10 =	sadd.s32 $0x30, s0;
	s15 =	simm.s32 $0xDBB0  }
0x3cd: {  	[hbm4b:s10+s3] =	stream.linear.scatter [tilespmem:s15], [sflag:$0x4], $0x80, $0x38;
	[tilespmem:$0xEC00] =	vst v63  }
0x3ce: {  	s2 =	sadd.s32 $0x40, s0;
	s8 =	simm.s32 $0xDC40  }
0x3cf: {  	[hbm4b:s2+s3] =	stream.linear.scatter [tilespmem:s8], [sflag:$0x4], $0x80, $0x38;
	[tilespmem:$0xEC00] =	vst v63  }
0x3d0: {  	s10 =	sadd.s32 $0x50, s0;
	s15 =	simm.s32 $0xDCD0  }
0x3d1: {  	[hbm4b:s10+s3] =	stream.linear.scatter [tilespmem:s15], [sflag:$0x4], $0x80, $0x38;
	[tilespmem:$0xEC00] =	vst v63  }
0x3d2: {  	s2 =	sadd.s32 $0x60, s0;
	s8 =	simm.s32 $0xDD60  }
0x3d3: {  	[hbm4b:s2+s3] =	stream.linear.scatter [tilespmem:s8], [sflag:$0x4], $0x80, $0x38;
	[tilespmem:$0xEC00] =	vst v63  }
0x3d4: {  	s0 =	sadd.s32 $0x70, s0;
	s10 =	simm.s32 $0xDDF0  }
0x3d5: {  	[hbm4b:s0+s3] =	stream.linear.scatter [tilespmem:s10], [sflag:$0x4], $0x80, $0x38;
	[tilespmem:$0xEC00] =	vst v63  }
0x3d6: {  	s15 =	simm.s32 $0xDE80;
	s0 =	sadd.s32 s7, s9  }
0x3d7: {  	[hbm4b:s0+s3] =	stream.linear.scatter [tilespmem:s15], [sflag:$0x4], $0x80, $0x38;
	[tilespmem:$0xEC00] =	vst v63  }
0x3d8: {  	s8 =	simm.s32 $0xDF10;
	s2 =	sadd.s32 $0x10, s0  }
0x3d9: {  	[hbm4b:s2+s3] =	stream.linear.scatter [tilespmem:s8], [sflag:$0x4], $0x80, $0x38;
	[tilespmem:$0xEC00] =	vst v63  }
0x3da: {  	s10 =	sadd.s32 $0x20, s0;
	s15 =	simm.s32 $0xDFA0  }
0x3db: {  	[hbm4b:s10+s3] =	stream.linear.scatter [tilespmem:s15], [sflag:$0x4], $0x80, $0x38;
	[tilespmem:$0xEC00] =	vst v63  }
0x3dc: {  	s2 =	sadd.s32 $0x30, s0;
	s8 =	simm.s32 $0xE030  }
0x3dd: {  	[hbm4b:s2+s3] =	stream.linear.scatter [tilespmem:s8], [sflag:$0x4], $0x80, $0x38;
	[tilespmem:$0xEC00] =	vst v63  }
0x3de: {  	s10 =	sadd.s32 $0x40, s0;
	s15 =	simm.s32 $0xE0C0  }
0x3df: {  	[hbm4b:s10+s3] =	stream.linear.scatter [tilespmem:s15], [sflag:$0x4], $0x80, $0x38;
	[tilespmem:$0xEC00] =	vst v63  }
0x3e0: {  	s2 =	sadd.s32 $0x50, s0;
	s8 =	simm.s32 $0xE150  }
0x3e1: {  	[hbm4b:s2+s3] =	stream.linear.scatter [tilespmem:s8], [sflag:$0x4], $0x80, $0x38;
	[tilespmem:$0xEC00] =	vst v63  }
0x3e2: {  	s10 =	sadd.s32 $0x60, s0;
	s15 =	simm.s32 $0xE1E0  }
0x3e3: {  	[hbm4b:s10+s3] =	stream.linear.scatter [tilespmem:s15], [sflag:$0x4], $0x80, $0x38;
	[tilespmem:$0xEC00] =	vst v63  }
0x3e4: {  	s0 =	sadd.s32 $0x70, s0;
	s2 =	simm.s32 $0xE270  }
0x3e5: {  	[hbm4b:s0+s3] =	stream.linear.scatter [tilespmem:s2], [sflag:$0x4], $0x80, $0x38;
	[tilespmem:$0xEC00] =	vst v63  }
0x3e6: {  	s8 =	simm.s32 $0xE300;
	s0 =	sadd.s32 s7, s11  }
0x3e7: {  	[hbm4b:s0+s3] =	stream.linear.scatter [tilespmem:s8], [sflag:$0x4], $0x80, $0x38;
	[tilespmem:$0xEC00] =	vst v63  }
0x3e8: {  	s15 =	simm.s32 $0xE390;
	s10 =	sadd.s32 $0x10, s0  }
0x3e9: {  	[hbm4b:s10+s3] =	stream.linear.scatter [tilespmem:s15], [sflag:$0x4], $0x80, $0x38;
	[tilespmem:$0xEC00] =	vst v63  }
0x3ea: {  	s2 =	sadd.s32 $0x20, s0;
	s8 =	simm.s32 $0xE420  }
0x3eb: {  	[hbm4b:s2+s3] =	stream.linear.scatter [tilespmem:s8], [sflag:$0x4], $0x80, $0x38;
	[tilespmem:$0xEC00] =	vst v63  }
0x3ec: {  	s10 =	sadd.s32 $0x30, s0;
	s15 =	simm.s32 $0xE4B0  }
0x3ed: {  	[hbm4b:s10+s3] =	stream.linear.scatter [tilespmem:s15], [sflag:$0x4], $0x80, $0x38;
	[tilespmem:$0xEC00] =	vst v63  }
0x3ee: {  	s2 =	sadd.s32 $0x40, s0;
	s8 =	simm.s32 $0xE540  }
0x3ef: {  	[hbm4b:s2+s3] =	stream.linear.scatter [tilespmem:s8], [sflag:$0x4], $0x80, $0x38;
	[tilespmem:$0xEC00] =	vst v63  }
0x3f0: {  	s10 =	sadd.s32 $0x50, s0;
	s15 =	simm.s32 $0xE5D0  }
0x3f1: {  	[hbm4b:s10+s3] =	stream.linear.scatter [tilespmem:s15], [sflag:$0x4], $0x80, $0x38;
	[tilespmem:$0xEC00] =	vst v63  }
0x3f2: {  	s8 =	sadd.s32 $0x60, s0;
	s10 =	simm.s32 $0xE660  }
0x3f3: {  	[hbm4b:s8+s3] =	stream.linear.scatter [tilespmem:s10], [sflag:$0x4], $0x80, $0x38;
	[tilespmem:$0xEC00] =	vst v63  }
0x3f4: {  	s0 =	sadd.s32 $0x70, s0;
	s15 =	simm.s32 $0xE6F0  }
0x3f5: {  	[hbm4b:s0+s3] =	stream.linear.scatter [tilespmem:s15], [sflag:$0x4], $0x80, $0x38;
	[tilespmem:$0xEC00] =	vst v63  }
0x3f6: {  	s2 =	simm.s32 $0xE780;
	s0 =	sadd.s32 s7, s14  }
0x3f7: {  	[hbm4b:s0+s3] =	stream.linear.scatter [tilespmem:s2], [sflag:$0x4], $0x80, $0x38;
	[tilespmem:$0xEC00] =	vst v63  }
0x3f8: {  	s8 =	simm.s32 $0xE810;
	s7 =	sadd.s32 $0x10, s0  }
0x3f9: {  	[hbm4b:s7+s3] =	stream.linear.scatter [tilespmem:s8], [sflag:$0x4], $0x80, $0x38;
	[tilespmem:$0xEC00] =	vst v63  }
0x3fa: {  	s15 =	simm.s32 $0xE8A0;
	s10 =	sadd.s32 $0x20, s0  }
0x3fb: {  	[hbm4b:s10+s3] =	stream.linear.scatter [tilespmem:s15], [sflag:$0x4], $0x80, $0x38;
	[tilespmem:$0xEC00] =	vst v63  }
0x3fc: {  	s7 =	sadd.s32 $0x30, s0;
	s8 =	simm.s32 $0xE930  }
0x3fd: {  	[hbm4b:s7+s3] =	stream.linear.scatter [tilespmem:s8], [sflag:$0x4], $0x80, $0x38;
	[tilespmem:$0xEC00] =	vst v63  }
0x3fe: {  	s26 =	sadd.s32 $0x1, s26;
	s10 =	sadd.s32 $0x40, s0;
	s15 =	simm.s32 $0xE9C0  }
0x3ff: {  	[hbm4b:s10+s3] =	stream.linear.scatter [tilespmem:s15], [sflag:$0x4], $0x80, $0x38;
	[tilespmem:$0xEC00] =	vst v63  }
0x400: {  	p0 =	sne.s32 s26, $0x63;
	s2 =	sadd.s32 $0x50, s0;
	s7 =	simm.s32 $0xEA50  }
0x401: {  	[hbm4b:s2+s3] =	stream.linear.scatter [tilespmem:s7], [sflag:$0x4], $0x80, $0x38;
	[tilespmem:$0xEC00] =	vst v63  }
.Ltmp5:
0x402: {  	_ = 	snop;
	(pc) =	sbr.rel @p0 .LBB2_8-.Ltmp5, $4  }
0x403: {  	s8 =	sadd.s32 $0x60, s0;
	s10 =	simm.s32 $0xEAE0  }
0x404: {  	[hbm4b:s8+s3] =	stream.linear.scatter [tilespmem:s10], [sflag:$0x4], $0x80, $0x38;
	[tilespmem:$0xEC00] =	vst v63  }
0x405: {  	s0 =	sadd.s32 $0x70, s0;
	s15 =	simm.s32 $0xEB70  }
0x406: {  	[hbm4b:s0+s3] =	stream.linear.scatter [tilespmem:s15], [sflag:$0x4], $0x80, $0x38;
	[tilespmem:$0xEC00] =	vst v63  }
0x407: {  	_ =	swait.ge [sflag:s12], $0x2000  }
0x408: {  	[sflag:s12] =	ssyncset.done $0x0  }
0x409: {  	[sflag:s12] =	ssyncadd.s32 $0xFFFFE000  }
0x40a: {  	_ =	swait.ge [sflag:s21], $0x400  }
0x40b: {  	[sflag:s21] =	ssyncset.done $0x0  }
0x40c: {  	[sflag:s21] =	ssyncadd.s32 $0xFFFFFC00  }
0x40d: {  	_ =	swait.ge [sflag:s21], $0x400  }
0x40e: {  	[sflag:s21] =	ssyncset.done $0x0  }
0x40f: {  	[sflag:s21] =	ssyncadd.s32 $0xFFFFFC00  }
0x410: {  	_ =	swait.ge [sflag:s21], $0x400  }
0x411: {  	[sflag:s21] =	ssyncset.done $0x0  }
0x412: {  	[sflag:s21] =	ssyncadd.s32 $0xFFFFFC00  }
0x413: {  	_ =	swait.ge [sflag:s21], $0x400  }
0x414: {  	[sflag:s21] =	ssyncset.done $0x0  }
0x415: {  	[sflag:s21] =	ssyncadd.s32 $0xFFFFFC00  }
0x416: {  	_ =	swait.ge [sflag:s21], $0x400  }
0x417: {  	[sflag:s21] =	ssyncset.done $0x0  }
0x418: {  	[sflag:s21] =	ssyncadd.s32 $0xFFFFFC00  }
0x419: {  	_ =	swait.ge [sflag:s21], $0x400  }
0x41a: {  	[sflag:s21] =	ssyncset.done $0x0  }
0x41b: {  	[sflag:s21] =	ssyncadd.s32 $0xFFFFFC00  }
0x41c: {  	_ =	swait.ge [sflag:s21], $0x400  }
0x41d: {  	[sflag:s21] =	ssyncset.done $0x0  }
0x41e: {  	[sflag:s21] =	ssyncadd.s32 $0xFFFFFC00  }
0x41f: {  	_ =	swait.ge [sflag:s21], $0x400  }
0x420: {  	[sflag:s21] =	ssyncset.done $0x0  }
0x421: {  	s7 =	simm.s32 $0x6480;
	s0 =	simm.s32 $0x3;
	[sflag:s21] =	ssyncadd.s32 $0xFFFFFC00  }
0x422: {  	v4 =	vmov s0;
	v5 =	vld [tilespmem:s7+$0x40]  }
0x423: {  	v9 =	vand.u32 $0x7F, v4  }
0x424: {  	s2 =	simm.s32 $0x0;
	v4 =	vadd.s32 v0, v9  }
0x425: {  	s8 =	simm.s32 $0x1;
	s1 =	simm.s32 $0x2;
	v6 =	vmov s2;
	v7 =	vld [tilespmem:s7+$0xFFFFFF80]  }
0x426: {  	v11 =	vmov s1;
	v8 =	vand.u32 $0x7C, v6;
	v6 =	vmov s8;
	v10 =	vld [tilespmem:s7+$0xFFFFFFC0]  }
0x427: {  	v12 =	vadd.s32 v0, v8;
	v15 =	vand.u32 $0x7D, v6;
	v6 =	vld [tilespmem:s7+$0x0];
	v5 =	vmul.f32 $8.000000000e+00, v5  }
0x428: {  	v17 =	vand.u32 $0x7E, v11;
	v13 =	vadd.s32 v0, v15  }
0x429: {  	v11 =	vadd.s32 v0, v17;
	[tilespmem:v4+s13+$0x0] =	vst.idx.msk $0xffff, v5  }
0x42a: {  	v4 =	vmul.f32 $8.000000000e+00, v7;
	v5 =	vld [tilespmem:s7+$0x50]  }
0x42b: {  	v7 =	vmul.f32 $8.000000000e+00, v10  }
0x42c: {  	[tilespmem:v12+s13+$0x0] =	vst.idx.msk $0xffff, v4;
	v4 =	vmul.f32 $8.000000000e+00, v6;
	v6 =	vadd.s32 v1, v9  }
0x42d: {  	[tilespmem:v13+s13+$0x0] =	vst.idx.msk $0xffff, v7;
	v10 =	vld [tilespmem:s7+$0xFFFFFF90]  }
0x42e: {  	v7 =	vld [tilespmem:s7+$0xFFFFFFD0];
	[tilespmem:v11+s13+$0x0] =	vst.idx.msk $0xffff, v4  }
0x42f: {  	v11 =	vld [tilespmem:s7+$0x10];
	v4 =	vmul.f32 $8.000000000e+00, v5  }
0x430: {  	s10 =	simm.s32 $0x4;
	s2 =	simm.s32 $0x7;
	s1 =	simm.s32 $0x6580;
	v12 =	vadd.s32 v1, v15  }
0x431: {  	v14 =	vld [tilespmem:s1+$0x40];
	v13 =	vadd.s32 v1, v17;
	v5 =	vmov s10;
	[tilespmem:v6+s13+$0x0] =	vst.idx.msk $0xffff, v4;
	v6 =	vmov s2  }
0x432: {  	v16 =	vadd.s32 v1, v8;
	v4 =	vand.u32 $0x7C, v5;
	v5 =	vand.u32 $0x7F, v6;
	v18 =	vld [tilespmem:s7+$0x60]  }
0x433: {  	s15 =	simm.s32 $0x5;
	v22 =	vadd.s32 v2, v9;
	v19 =	vld [tilespmem:s1+$0xFFFFFF80];
	v6 =	vmul.f32 $8.000000000e+00, v7;
	v20 =	vadd.s32 v0, v5  }
0x434: {  	s26 =	simm.s32 $0x6;
	v21 =	vld [tilespmem:s1+$0xFFFFFFC0];
	v10 =	vmul.f32 $8.000000000e+00, v10;
	v7 =	vmul.f32 $8.000000000e+00, v11;
	v11 =	vmov s15  }
0x435: {  	v23 =	vadd.s32 v0, v4;
	[tilespmem:v12+s13+$0x0] =	vst.idx.msk $0xffff, v6;
	v12 =	vmov s26;
	v6 =	vand.u32 $0x7D, v11;
	v11 =	vld [tilespmem:s1+$0x0]  }
0x436: {  	[tilespmem:v13+s13+$0x0] =	vst.idx.msk $0xffff, v7;
	v13 =	vadd.s32 v0, v6;
	v7 =	vand.u32 $0x7E, v12;
	v12 =	vmul.f32 $8.000000000e+00, v14;
	v14 =	vld [tilespmem:s7+$0xFFFFFFE0]  }
0x437: {  	[tilespmem:v16+s13+$0x0] =	vst.idx.msk $0xffff, v10;
	v10 =	vadd.s32 v0, v7;
	v16 =	vld [tilespmem:s7+$0x20];
	v18 =	vmul.f32 $8.000000000e+00, v18  }
0x438: {  	v19 =	vmul.f32 $8.000000000e+00, v19;
	[tilespmem:v20+s13+$0x0] =	vst.idx.msk $0xffff, v12;
	v12 =	vld [tilespmem:s7+$0xFFFFFFA0];
	v20 =	vadd.s32 v2, v15  }
0x439: {  	v25 =	vadd.s32 v2, v17;
	v21 =	vmul.f32 $8.000000000e+00, v21;
	v24 =	vld [tilespmem:s1+$0x50];
	[tilespmem:v22+s13+$0x0] =	vst.idx.msk $0xffff, v18  }
0x43a: {  	[tilespmem:v23+s13+$0x0] =	vst.idx.msk $0xffff, v19;
	v19 =	vadd.s32 v2, v8;
	v11 =	vmul.f32 $8.000000000e+00, v11;
	v22 =	vld [tilespmem:s7+$0x70]  }
0x43b: {  	v23 =	vld [tilespmem:s1+$0xFFFFFF90];
	[tilespmem:v13+s13+$0x0] =	vst.idx.msk $0xffff, v21;
	v21 =	vadd.s32 v1, v5;
	v14 =	vmul.f32 $8.000000000e+00, v14  }
0x43c: {  	v27 =	vadd.s32 v3, v9;
	v26 =	vld [tilespmem:s1+$0xFFFFFFD0];
	[tilespmem:v10+s13+$0x0] =	vst.idx.msk $0xffff, v11;
	v10 =	vmul.f32 $8.000000000e+00, v16  }
0x43d: {  	v18 =	vadd.s32 v1, v4;
	v13 =	vld [tilespmem:s1+$0x10];
	v9 =	vmul.f32 $8.000000000e+00, v12;
	[tilespmem:v20+s13+$0x0] =	vst.idx.msk $0xffff, v14  }
0x43e: {  	s0 =	simm.s32 $0x8;
	v16 =	vadd.s32 v1, v6;
	[tilespmem:v25+s13+$0x0] =	vst.idx.msk $0xffff, v10;
	v14 =	vmul.f32 $8.000000000e+00, v24;
	v12 =	vld [tilespmem:s7+$0xFFFFFFF0]  }
0x43f: {  	v20 =	vmov s0;
	v10 =	vadd.s32 v1, v7;
	v11 =	vld [tilespmem:s7+$0x30];
	[tilespmem:v19+s13+$0x0] =	vst.idx.msk $0xffff, v9;
	v63 =	vmul.f32 $8.000000000e+00, v22  }
0x440: {  	s8 =	simm.s32 $0xB;
	s2 =	simm.s32 $0x6680;
	v15 =	vadd.s32 v3, v15;
	v9 =	vand.u32 $0x7C, v20;
	v20 =	vmul.f32 $8.000000000e+00, v23;
	[tilespmem:v21+s13+$0x0] =	vst.idx.msk $0xffff, v14;
	v14 =	vld [tilespmem:s7+$0xFFFFFFB0]  }
0x441: {  	v17 =	vadd.s32 v3, v17;
	v22 =	vmov s8;
	v19 =	vld [tilespmem:s2+$0x40];
	s7 =	simm.s32 $0xC;
	v21 =	vmul.f32 $8.000000000e+00, v26;
	[tilespmem:v27+s13+$0x0] =	vst.idx.msk $0xffff, v63  }
.LBB2_14:
0x442: {  	p0 =	slt.u32 s7, $0x7C;
	s8 =	sadd.s32 $0x1, s0;
	v22 =	vand.u32 $0x7F, v22;
	[tilespmem:v18+s13+$0x0] =	vst.idx.msk $0xffff, v20;
	v13 =	vmul.f32 $8.000000000e+00, v13;
	v18 =	vld [tilespmem:s1+$0x60];
	v20 =	vadd.s32 v3, v8;
	v8 =	vmovc v4  }
0x443: {  	v4 =	vmovc v9;
	v23 =	vld [tilespmem:s2+$0xFFFFFF80];
	v24 =	vmov s8;
	s8 =	sadd.s32 $0x2, s0;
	v25 =	vadd.s32 v0, v22;
	[tilespmem:v16+s13+$0x0] =	vst.idx.msk $0xffff, v21;
	v12 =	vmul.f32 $8.000000000e+00, v12;
	s0 =	smov.u32 s7  }
0x444: {  	v9 =	vld [tilespmem:s2+$0xFFFFFFC0];
	v16 =	vmov s8;
	[tilespmem:v10+s13+$0x0] =	vst.idx.msk $0xffff, v13;
	v10 =	vadd.s32 v2, v5;
	v11 =	vmul.f32 $8.000000000e+00, v11  }
0x445: {  	v13 =	vadd.s32 v0, v4;
	v21 =	vand.u32 $0x7D, v24;
	v24 =	vld [tilespmem:s2+$0x0];
	v14 =	vmul.f32 $8.000000000e+00, v14;
	[tilespmem:v15+s13+$0x0] =	vst.idx.msk $0xffff, v12  }
0x446: {  	v12 =	vadd.s32 v0, v21;
	v26 =	vand.u32 $0x7E, v16;
	v15 =	vmul.f32 $8.000000000e+00, v19;
	v16 =	vld [tilespmem:s1+$0xFFFFFFE0];
	[tilespmem:v17+s13+$0x0] =	vst.idx.msk $0xffff, v11  }
0x447: {  	v11 =	vadd.s32 v0, v26;
	v17 =	vld [tilespmem:s1+$0x20];
	v18 =	vmul.f32 $8.000000000e+00, v18;
	[tilespmem:v20+s13+$0x0] =	vst.idx.msk $0xffff, v14  }
0x448: {  	v19 =	vadd.s32 v2, v6;
	v14 =	vmul.f32 $8.000000000e+00, v23;
	[tilespmem:v25+s13+$0x0] =	vst.idx.msk $0xffff, v15;
	v15 =	vld [tilespmem:s1+$0xFFFFFFA0]  }
0x449: {  	v23 =	vadd.s32 v2, v7;
	v9 =	vmul.f32 $8.000000000e+00, v9;
	v20 =	vld [tilespmem:s2+$0x50];
	[tilespmem:v10+s13+$0x0] =	vst.idx.msk $0xffff, v18  }
0x44a: {  	[tilespmem:v13+s13+$0x0] =	vst.idx.msk $0xffff, v14;
	v10 =	vmul.f32 $8.000000000e+00, v24;
	v14 =	vadd.s32 v2, v8;
	v24 =	vld [tilespmem:s1+$0x70]  }
0x44b: {  	v27 =	vadd.s32 v1, v22;
	v25 =	vld [tilespmem:s2+$0xFFFFFF90];
	[tilespmem:v12+s13+$0x0] =	vst.idx.msk $0xffff, v9;
	v9 =	vmul.f32 $8.000000000e+00, v16  }
0x44c: {  	v29 =	vadd.s32 v3, v5;
	v5 =	vmov v22;
	v28 =	vld [tilespmem:s2+$0xFFFFFFD0];
	[tilespmem:v11+s13+$0x0] =	vst.idx.msk $0xffff, v10;
	v10 =	vmul.f32 $8.000000000e+00, v17  }
.Ltmp6:
0x44d: {  	v18 =	vadd.s32 v1, v4;
	v13 =	vld [tilespmem:s2+$0x10];
	v11 =	vmul.f32 $8.000000000e+00, v15;
	[tilespmem:v19+s13+$0x0] =	vst.idx.msk $0xffff, v9;
	(pc) =	sbr.rel @p0 .LBB2_14-.Ltmp6, $4  }
0x44e: {  	v16 =	vadd.s32 v1, v21;
	v15 =	vmul.f32 $8.000000000e+00, v20;
	v12 =	vld [tilespmem:s1+$0xFFFFFFF0];
	[tilespmem:v23+s13+$0x0] =	vst.idx.msk $0xffff, v10  }
0x44f: {  	v9 =	vmov s7;
	v10 =	vadd.s32 v1, v26;
	[tilespmem:v14+s13+$0x0] =	vst.idx.msk $0xffff, v11;
	v11 =	vld [tilespmem:s1+$0x30];
	v23 =	vmul.f32 $8.000000000e+00, v24  }
0x450: {  	s8 =	sadd.s32 $0x3, s7;
	v9 =	vand.u32 $0x7C, v9;
	v20 =	vmul.f32 $8.000000000e+00, v25;
	[tilespmem:v27+s13+$0x0] =	vst.idx.msk $0xffff, v15;
	v14 =	vld [tilespmem:s1+$0xFFFFFFB0];
	v15 =	vadd.s32 v3, v6;
	v6 =	vmovc v21;
	s1 =	smov.u32 s2;
	s2 =	sadd.s32 $0x100, s2  }
0x451: {  	v22 =	vmov s8;
	v17 =	vadd.s32 v3, v7;
	v7 =	vmovc v26;
	s7 =	sadd.s32 $0x4, s7;
	v19 =	vld [tilespmem:s2+$0x40];
	v21 =	vmul.f32 $8.000000000e+00, v28;
	[tilespmem:v29+s13+$0x0] =	vst.idx.msk $0xffff, v23  }
0x452: {  	s7 =	sadd.s32 $0x1, s0  }
0x453: {  	v22 =	vand.u32 $0x7F, v22;
	v24 =	vld [tilespmem:s2+$0xFFFFFFC0];
	v23 =	vmov s7;
	s7 =	sadd.s32 $0x2, s0  }
0x454: {  	v27 =	vld [tilespmem:s2+$0x0];
	v25 =	vadd.s32 v0, v22;
	v26 =	vmov s7;
	v23 =	vand.u32 $0x7D, v23  }
0x455: {  	v28 =	vld [tilespmem:s2+$0xFFFFFF80];
	v29 =	vadd.s32 v0, v23;
	v26 =	vand.u32 $0x7E, v26  }
0x456: {  	v30 =	vadd.s32 v0, v26  }
0x457: {  	[tilespmem:v18+s13+$0x0] =	vst.idx.msk $0xffff, v20;
	v18 =	vadd.s32 v0, v9;
	v19 =	vmul.f32 $8.000000000e+00, v19  }
0x458: {  	[tilespmem:v16+s13+$0x0] =	vst.idx.msk $0xffff, v21;
	v16 =	vmul.f32 $8.000000000e+00, v24  }
0x459: {  	[tilespmem:v25+s13+$0x0] =	vst.idx.msk $0xffff, v19;
	v19 =	vmul.f32 $8.000000000e+00, v27  }
0x45a: {  	v20 =	vmul.f32 $8.000000000e+00, v28;
	[tilespmem:v29+s13+$0x0] =	vst.idx.msk $0xffff, v16;
	v16 =	vld [tilespmem:s2+$0x50]  }
0x45b: {  	v13 =	vmul.f32 $8.000000000e+00, v13;
	v8 =	vadd.s32 v3, v8;
	v21 =	vld [tilespmem:s2+$0xFFFFFFD0];
	[tilespmem:v30+s13+$0x0] =	vst.idx.msk $0xffff, v19  }
0x45c: {  	v12 =	vmul.f32 $8.000000000e+00, v12;
	[tilespmem:v18+s13+$0x0] =	vst.idx.msk $0xffff, v20;
	v18 =	vadd.s32 v1, v22;
	v19 =	vld [tilespmem:s2+$0x10]  }
0x45d: {  	[tilespmem:v10+s13+$0x0] =	vst.idx.msk $0xffff, v13;
	v10 =	vmul.f32 $8.000000000e+00, v11;
	v13 =	vadd.s32 v1, v23;
	v11 =	vld [tilespmem:s2+$0xFFFFFF90]  }
0x45e: {  	v14 =	vmul.f32 $8.000000000e+00, v14;
	[tilespmem:v15+s13+$0x0] =	vst.idx.msk $0xffff, v12;
	v12 =	vadd.s32 v1, v26;
	v20 =	vld [tilespmem:s1+$0x60]  }
0x45f: {  	v15 =	vld [tilespmem:s1+$0xFFFFFFE0];
	[tilespmem:v17+s13+$0x0] =	vst.idx.msk $0xffff, v10;
	v10 =	vadd.s32 v1, v9;
	v16 =	vmul.f32 $8.000000000e+00, v16  }
0x460: {  	v58 =	vld [tilespmem:s1+$0x20];
	v17 =	vadd.s32 v2, v5;
	[tilespmem:v8+s13+$0x0] =	vst.idx.msk $0xffff, v14;
	v8 =	vmul.f32 $8.000000000e+00, v21  }
0x461: {  	v14 =	vld [tilespmem:s1+$0xFFFFFFA0];
	v21 =	vadd.s32 v2, v6;
	[tilespmem:v18+s13+$0x0] =	vst.idx.msk $0xffff, v16;
	v16 =	vmul.f32 $8.000000000e+00, v19  }
0x462: {  	v11 =	vmul.f32 $8.000000000e+00, v11;
	v18 =	vadd.s32 v2, v7;
	v19 =	vld [tilespmem:s2+$0x60];
	[tilespmem:v13+s13+$0x0] =	vst.idx.msk $0xffff, v8  }
0x463: {  	v8 =	vmul.f32 $8.000000000e+00, v20;
	v13 =	vadd.s32 v2, v4;
	[tilespmem:v12+s13+$0x0] =	vst.idx.msk $0xffff, v16;
	v12 =	vld [tilespmem:s2+$0xFFFFFFE0]  }
0x464: {  	v15 =	vmul.f32 $8.000000000e+00, v15;
	[tilespmem:v10+s13+$0x0] =	vst.idx.msk $0xffff, v11;
	v10 =	vadd.s32 v2, v22;
	v11 =	vld [tilespmem:s2+$0x20]  }
0x465: {  	v16 =	vld [tilespmem:s2+$0xFFFFFFA0];
	[tilespmem:v17+s13+$0x0] =	vst.idx.msk $0xffff, v8;
	v8 =	vmul.f32 $8.000000000e+00, v58;
	v17 =	vadd.s32 v2, v23  }
0x466: {  	v14 =	vmul.f32 $8.000000000e+00, v14;
	v20 =	vld [tilespmem:s1+$0x70];
	[tilespmem:v21+s13+$0x0] =	vst.idx.msk $0xffff, v15;
	v15 =	vadd.s32 v2, v26  }
0x467: {  	v21 =	vld [tilespmem:s1+$0xFFFFFFF0];
	[tilespmem:v18+s13+$0x0] =	vst.idx.msk $0xffff, v8;
	v18 =	vadd.s32 v2, v9;
	v8 =	vmul.f32 $8.000000000e+00, v19  }
0x468: {  	v5 =	vadd.s32 v3, v5;
	[tilespmem:v13+s13+$0x0] =	vst.idx.msk $0xffff, v14;
	v13 =	vld [tilespmem:s1+$0x30];
	v12 =	vmul.f32 $8.000000000e+00, v12  }
0x469: {  	v6 =	vadd.s32 v3, v6;
	v14 =	vld [tilespmem:s1+$0xFFFFFFB0];
	[tilespmem:v10+s13+$0x0] =	vst.idx.msk $0xffff, v8;
	v8 =	vmul.f32 $8.000000000e+00, v11  }
0x46a: {  	v7 =	vadd.s32 v3, v7;
	v11 =	vmul.f32 $8.000000000e+00, v16;
	v10 =	vld [tilespmem:s2+$0x70];
	[tilespmem:v17+s13+$0x0] =	vst.idx.msk $0xffff, v12  }
0x46b: {  	v4 =	vadd.s32 v3, v4;
	v12 =	vmul.f32 $8.000000000e+00, v20;
	v16 =	vld [tilespmem:s2+$0xFFFFFFF0];
	[tilespmem:v15+s13+$0x0] =	vst.idx.msk $0xffff, v8  }
0x46c: {  	v8 =	vmul.f32 $8.000000000e+00, v21;
	v15 =	vadd.s32 v3, v22;
	[tilespmem:v18+s13+$0x0] =	vst.idx.msk $0xffff, v11;
	v11 =	vld [tilespmem:s2+$0x30]  }
0x46d: {  	[tilespmem:v5+s13+$0x0] =	vst.idx.msk $0xffff, v12;
	v5 =	vmul.f32 $8.000000000e+00, v13;
	v12 =	vld [tilespmem:s2+$0xFFFFFFB0];
	v13 =	vadd.s32 v3, v23  }
0x46e: {  	v14 =	vmul.f32 $8.000000000e+00, v14;
	[tilespmem:v6+s13+$0x0] =	vst.idx.msk $0xffff, v8;
	v6 =	vadd.s32 v3, v26  }
0x46f: {  	[tilespmem:v7+s13+$0x0] =	vst.idx.msk $0xffff, v5;
	v7 =	vadd.s32 v3, v9;
	v5 =	vmul.f32 $8.000000000e+00, v10  }
0x470: {  	[tilespmem:v4+s13+$0x0] =	vst.idx.msk $0xffff, v14;
	v4 =	vmul.f32 $8.000000000e+00, v16  }
0x471: {  	[tilespmem:v15+s13+$0x0] =	vst.idx.msk $0xffff, v5;
	v5 =	vmul.f32 $8.000000000e+00, v11  }
0x472: {  	v8 =	vmul.f32 $8.000000000e+00, v12;
	[tilespmem:v13+s13+$0x0] =	vst.idx.msk $0xffff, v4  }
0x473: {  	[tilespmem:v6+s13+$0x0] =	vst.idx.msk $0xffff, v5  }
0x474: {  	[tilespmem:v7+s13+$0x0] =	vst.idx.msk $0xffff, v8  }
0x475: {  	s0 =	simm.s32 $0x0;
	s2 =	rddreg [dreg:$0x17]  }
0x476: {  	[hbm4b:s2+s0] =	stream.linear.scatter [tilespmem:s13], [sflag:$0x3], $0x80, $0x38;
	[tilespmem:$0xEC00] =	vst v63  }
0x477: {  	s10 =	simm.s32 $0xA490;
	s8 =	sadd.s32 $0x10, s2  }
0x478: {  	[hbm4b:s8+s0] =	stream.linear.scatter [tilespmem:s10], [sflag:$0x3], $0x80, $0x38;
	[tilespmem:$0xEC00] =	vst v63  }
0x479: {  	s26 =	simm.s32 $0xA520;
	s15 =	sadd.s32 $0x20, s2  }
0x47a: {  	[hbm4b:s15+s0] =	stream.linear.scatter [tilespmem:s26], [sflag:$0x3], $0x80, $0x38;
	[tilespmem:$0xEC00] =	vst v63  }
0x47b: {  	s8 =	sadd.s32 $0x30, s2;
	s10 =	simm.s32 $0xA5B0  }
0x47c: {  	[hbm4b:s8+s0] =	stream.linear.scatter [tilespmem:s10], [sflag:$0x3], $0x80, $0x38;
	[tilespmem:$0xEC00] =	vst v63  }
0x47d: {  	s15 =	sadd.s32 $0x40, s2;
	s26 =	simm.s32 $0xA640  }
0x47e: {  	[hbm4b:s15+s0] =	stream.linear.scatter [tilespmem:s26], [sflag:$0x3], $0x80, $0x38;
	[tilespmem:$0xEC00] =	vst v63  }
0x47f: {  	s8 =	sadd.s32 $0x50, s2;
	s10 =	simm.s32 $0xA6D0  }
0x480: {  	[hbm4b:s8+s0] =	stream.linear.scatter [tilespmem:s10], [sflag:$0x3], $0x80, $0x38;
	[tilespmem:$0xEC00] =	vst v63  }
0x481: {  	s15 =	sadd.s32 $0x60, s2;
	s26 =	simm.s32 $0xA760  }
0x482: {  	[hbm4b:s15+s0] =	stream.linear.scatter [tilespmem:s26], [sflag:$0x3], $0x80, $0x38;
	[tilespmem:$0xEC00] =	vst v63  }
0x483: {  	s7 =	sadd.s32 $0x70, s2;
	s8 =	simm.s32 $0xA7F0  }
0x484: {  	[hbm4b:s7+s0] =	stream.linear.scatter [tilespmem:s8], [sflag:$0x3], $0x80, $0x38;
	[tilespmem:$0xEC00] =	vst v63  }
0x485: {  	s2 =	rddreg [dreg:$0x18];
	s10 =	simm.s32 $0xA880  }
0x486: {  	[hbm4b:s2+s0] =	stream.linear.scatter [tilespmem:s10], [sflag:$0x3], $0x80, $0x38;
	[tilespmem:$0xEC00] =	vst v63  }
0x487: {  	s15 =	sadd.s32 $0x10, s2;
	s26 =	simm.s32 $0xA910  }
0x488: {  	[hbm4b:s15+s0] =	stream.linear.scatter [tilespmem:s26], [sflag:$0x3], $0x80, $0x38;
	[tilespmem:$0xEC00] =	vst v63  }
0x489: {  	s8 =	sadd.s32 $0x20, s2;
	s10 =	simm.s32 $0xA9A0  }
0x48a: {  	[hbm4b:s8+s0] =	stream.linear.scatter [tilespmem:s10], [sflag:$0x3], $0x80, $0x38;
	[tilespmem:$0xEC00] =	vst v63  }
0x48b: {  	s15 =	sadd.s32 $0x30, s2;
	s26 =	simm.s32 $0xAA30  }
0x48c: {  	[hbm4b:s15+s0] =	stream.linear.scatter [tilespmem:s26], [sflag:$0x3], $0x80, $0x38;
	[tilespmem:$0xEC00] =	vst v63  }
0x48d: {  	s8 =	sadd.s32 $0x40, s2;
	s10 =	simm.s32 $0xAAC0  }
0x48e: {  	[hbm4b:s8+s0] =	stream.linear.scatter [tilespmem:s10], [sflag:$0x3], $0x80, $0x38;
	[tilespmem:$0xEC00] =	vst v63  }
0x48f: {  	s15 =	sadd.s32 $0x50, s2;
	s26 =	simm.s32 $0xAB50  }
0x490: {  	[hbm4b:s15+s0] =	stream.linear.scatter [tilespmem:s26], [sflag:$0x3], $0x80, $0x38;
	[tilespmem:$0xEC00] =	vst v63  }
0x491: {  	s8 =	sadd.s32 $0x60, s2;
	s10 =	simm.s32 $0xABE0  }
0x492: {  	[hbm4b:s8+s0] =	stream.linear.scatter [tilespmem:s10], [sflag:$0x3], $0x80, $0x38;
	[tilespmem:$0xEC00] =	vst v63  }
0x493: {  	s15 =	sadd.s32 $0x70, s2;
	s26 =	simm.s32 $0xAC70  }
0x494: {  	[hbm4b:s15+s0] =	stream.linear.scatter [tilespmem:s26], [sflag:$0x3], $0x80, $0x38;
	[tilespmem:$0xEC00] =	vst v63  }
0x495: {  	s7 =	simm.s32 $0xAD00;
	s2 =	rddreg [dreg:$0x19]  }
0x496: {  	[hbm4b:s2+s0] =	stream.linear.scatter [tilespmem:s7], [sflag:$0x3], $0x80, $0x38;
	[tilespmem:$0xEC00] =	vst v63  }
0x497: {  	s8 =	sadd.s32 $0x10, s2;
	s10 =	simm.s32 $0xAD90  }
0x498: {  	[hbm4b:s8+s0] =	stream.linear.scatter [tilespmem:s10], [sflag:$0x3], $0x80, $0x38;
	[tilespmem:$0xEC00] =	vst v63  }
0x499: {  	s15 =	sadd.s32 $0x20, s2;
	s26 =	simm.s32 $0xAE20  }
0x49a: {  	[hbm4b:s15+s0] =	stream.linear.scatter [tilespmem:s26], [sflag:$0x3], $0x80, $0x38;
	[tilespmem:$0xEC00] =	vst v63  }
0x49b: {  	s8 =	sadd.s32 $0x30, s2;
	s10 =	simm.s32 $0xAEB0  }
0x49c: {  	[hbm4b:s8+s0] =	stream.linear.scatter [tilespmem:s10], [sflag:$0x3], $0x80, $0x38;
	[tilespmem:$0xEC00] =	vst v63  }
0x49d: {  	s15 =	sadd.s32 $0x40, s2;
	s26 =	simm.s32 $0xAF40  }
0x49e: {  	[hbm4b:s15+s0] =	stream.linear.scatter [tilespmem:s26], [sflag:$0x3], $0x80, $0x38;
	[tilespmem:$0xEC00] =	vst v63  }
0x49f: {  	s8 =	sadd.s32 $0x50, s2;
	s10 =	simm.s32 $0xAFD0  }
0x4a0: {  	[hbm4b:s8+s0] =	stream.linear.scatter [tilespmem:s10], [sflag:$0x3], $0x80, $0x38;
	[tilespmem:$0xEC00] =	vst v63  }
0x4a1: {  	s15 =	sadd.s32 $0x60, s2;
	s26 =	simm.s32 $0xB060  }
0x4a2: {  	[hbm4b:s15+s0] =	stream.linear.scatter [tilespmem:s26], [sflag:$0x3], $0x80, $0x38;
	[tilespmem:$0xEC00] =	vst v63  }
0x4a3: {  	s7 =	sadd.s32 $0x70, s2;
	s8 =	simm.s32 $0xB0F0  }
0x4a4: {  	[hbm4b:s7+s0] =	stream.linear.scatter [tilespmem:s8], [sflag:$0x3], $0x80, $0x38;
	[tilespmem:$0xEC00] =	vst v63  }
0x4a5: {  	s2 =	rddreg [dreg:$0x1a];
	s10 =	simm.s32 $0xB180  }
0x4a6: {  	[hbm4b:s2+s0] =	stream.linear.scatter [tilespmem:s10], [sflag:$0x3], $0x80, $0x38;
	[tilespmem:$0xEC00] =	vst v63  }
0x4a7: {  	s15 =	sadd.s32 $0x10, s2;
	s26 =	simm.s32 $0xB210  }
0x4a8: {  	[hbm4b:s15+s0] =	stream.linear.scatter [tilespmem:s26], [sflag:$0x3], $0x80, $0x38;
	[tilespmem:$0xEC00] =	vst v63  }
0x4a9: {  	s8 =	sadd.s32 $0x20, s2;
	s10 =	simm.s32 $0xB2A0  }
0x4aa: {  	[hbm4b:s8+s0] =	stream.linear.scatter [tilespmem:s10], [sflag:$0x3], $0x80, $0x38;
	[tilespmem:$0xEC00] =	vst v63  }
0x4ab: {  	s15 =	sadd.s32 $0x30, s2;
	s26 =	simm.s32 $0xB330  }
0x4ac: {  	[hbm4b:s15+s0] =	stream.linear.scatter [tilespmem:s26], [sflag:$0x3], $0x80, $0x38;
	[tilespmem:$0xEC00] =	vst v63  }
0x4ad: {  	s8 =	sadd.s32 $0x40, s2;
	s10 =	simm.s32 $0xB3C0  }
0x4ae: {  	[hbm4b:s8+s0] =	stream.linear.scatter [tilespmem:s10], [sflag:$0x3], $0x80, $0x38;
	[tilespmem:$0xEC00] =	vst v63  }
0x4af: {  	s15 =	sadd.s32 $0x50, s2;
	s26 =	simm.s32 $0xB450  }
0x4b0: {  	[hbm4b:s15+s0] =	stream.linear.scatter [tilespmem:s26], [sflag:$0x3], $0x80, $0x38;
	[tilespmem:$0xEC00] =	vst v63  }
0x4b1: {  	s8 =	sadd.s32 $0x60, s2;
	s10 =	simm.s32 $0xB4E0  }
0x4b2: {  	[hbm4b:s8+s0] =	stream.linear.scatter [tilespmem:s10], [sflag:$0x3], $0x80, $0x38;
	[tilespmem:$0xEC00] =	vst v63  }
0x4b3: {  	s15 =	sadd.s32 $0x70, s2;
	s26 =	simm.s32 $0xB570  }
0x4b4: {  	[hbm4b:s15+s0] =	stream.linear.scatter [tilespmem:s26], [sflag:$0x3], $0x80, $0x38;
	[tilespmem:$0xEC00] =	vst v63  }
0x4b5: {  	s7 =	simm.s32 $0xB600;
	s2 =	rddreg [dreg:$0x1b]  }
0x4b6: {  	[hbm4b:s2+s0] =	stream.linear.scatter [tilespmem:s7], [sflag:$0x3], $0x80, $0x38;
	[tilespmem:$0xEC00] =	vst v63  }
0x4b7: {  	s8 =	sadd.s32 $0x10, s2;
	s10 =	simm.s32 $0xB690  }
0x4b8: {  	[hbm4b:s8+s0] =	stream.linear.scatter [tilespmem:s10], [sflag:$0x3], $0x80, $0x38;
	[tilespmem:$0xEC00] =	vst v63  }
0x4b9: {  	s15 =	sadd.s32 $0x20, s2;
	s26 =	simm.s32 $0xB720  }
0x4ba: {  	[hbm4b:s15+s0] =	stream.linear.scatter [tilespmem:s26], [sflag:$0x3], $0x80, $0x38;
	[tilespmem:$0xEC00] =	vst v63  }
0x4bb: {  	s8 =	sadd.s32 $0x30, s2;
	s10 =	simm.s32 $0xB7B0  }
0x4bc: {  	[hbm4b:s8+s0] =	stream.linear.scatter [tilespmem:s10], [sflag:$0x3], $0x80, $0x38;
	[tilespmem:$0xEC00] =	vst v63  }
0x4bd: {  	s15 =	sadd.s32 $0x40, s2;
	s26 =	simm.s32 $0xB840  }
0x4be: {  	[hbm4b:s15+s0] =	stream.linear.scatter [tilespmem:s26], [sflag:$0x3], $0x80, $0x38;
	[tilespmem:$0xEC00] =	vst v63  }
0x4bf: {  	s8 =	sadd.s32 $0x50, s2;
	s10 =	simm.s32 $0xB8D0  }
0x4c0: {  	[hbm4b:s8+s0] =	stream.linear.scatter [tilespmem:s10], [sflag:$0x3], $0x80, $0x38;
	[tilespmem:$0xEC00] =	vst v63  }
0x4c1: {  	s15 =	sadd.s32 $0x60, s2;
	s26 =	simm.s32 $0xB960  }
0x4c2: {  	[hbm4b:s15+s0] =	stream.linear.scatter [tilespmem:s26], [sflag:$0x3], $0x80, $0x38;
	[tilespmem:$0xEC00] =	vst v63  }
0x4c3: {  	s7 =	sadd.s32 $0x70, s2;
	s8 =	simm.s32 $0xB9F0  }
0x4c4: {  	[hbm4b:s7+s0] =	stream.linear.scatter [tilespmem:s8], [sflag:$0x3], $0x80, $0x38;
	[tilespmem:$0xEC00] =	vst v63  }
0x4c5: {  	s2 =	rddreg [dreg:$0x1c];
	s10 =	simm.s32 $0xBA80  }
0x4c6: {  	[hbm4b:s2+s0] =	stream.linear.scatter [tilespmem:s10], [sflag:$0x3], $0x80, $0x38;
	[tilespmem:$0xEC00] =	vst v63  }
0x4c7: {  	s15 =	sadd.s32 $0x10, s2;
	s26 =	simm.s32 $0xBB10  }
0x4c8: {  	[hbm4b:s15+s0] =	stream.linear.scatter [tilespmem:s26], [sflag:$0x3], $0x80, $0x38;
	[tilespmem:$0xEC00] =	vst v63  }
0x4c9: {  	s8 =	sadd.s32 $0x20, s2;
	s10 =	simm.s32 $0xBBA0  }
0x4ca: {  	[hbm4b:s8+s0] =	stream.linear.scatter [tilespmem:s10], [sflag:$0x3], $0x80, $0x38;
	[tilespmem:$0xEC00] =	vst v63  }
0x4cb: {  	s15 =	sadd.s32 $0x30, s2;
	s26 =	simm.s32 $0xBC30  }
0x4cc: {  	[hbm4b:s15+s0] =	stream.linear.scatter [tilespmem:s26], [sflag:$0x3], $0x80, $0x38;
	[tilespmem:$0xEC00] =	vst v63  }
0x4cd: {  	s8 =	sadd.s32 $0x40, s2;
	s10 =	simm.s32 $0xBCC0  }
0x4ce: {  	[hbm4b:s8+s0] =	stream.linear.scatter [tilespmem:s10], [sflag:$0x3], $0x80, $0x38;
	[tilespmem:$0xEC00] =	vst v63  }
0x4cf: {  	s15 =	sadd.s32 $0x50, s2;
	s26 =	simm.s32 $0xBD50  }
0x4d0: {  	[hbm4b:s15+s0] =	stream.linear.scatter [tilespmem:s26], [sflag:$0x3], $0x80, $0x38;
	[tilespmem:$0xEC00] =	vst v63  }
0x4d1: {  	s8 =	sadd.s32 $0x60, s2;
	s10 =	simm.s32 $0xBDE0  }
0x4d2: {  	[hbm4b:s8+s0] =	stream.linear.scatter [tilespmem:s10], [sflag:$0x3], $0x80, $0x38;
	[tilespmem:$0xEC00] =	vst v63  }
0x4d3: {  	s15 =	sadd.s32 $0x70, s2;
	s26 =	simm.s32 $0xBE70  }
0x4d4: {  	[hbm4b:s15+s0] =	stream.linear.scatter [tilespmem:s26], [sflag:$0x3], $0x80, $0x38;
	[tilespmem:$0xEC00] =	vst v63  }
0x4d5: {  	s7 =	simm.s32 $0xBF00;
	s2 =	rddreg [dreg:$0x1d]  }
0x4d6: {  	[hbm4b:s2+s0] =	stream.linear.scatter [tilespmem:s7], [sflag:$0x3], $0x80, $0x38;
	[tilespmem:$0xEC00] =	vst v63  }
0x4d7: {  	s8 =	sadd.s32 $0x10, s2;
	s10 =	simm.s32 $0xBF90  }
0x4d8: {  	[hbm4b:s8+s0] =	stream.linear.scatter [tilespmem:s10], [sflag:$0x3], $0x80, $0x38;
	[tilespmem:$0xEC00] =	vst v63  }
0x4d9: {  	s15 =	sadd.s32 $0x20, s2;
	s26 =	simm.s32 $0xC020  }
0x4da: {  	[hbm4b:s15+s0] =	stream.linear.scatter [tilespmem:s26], [sflag:$0x3], $0x80, $0x38;
	[tilespmem:$0xEC00] =	vst v63  }
0x4db: {  	s8 =	sadd.s32 $0x30, s2;
	s10 =	simm.s32 $0xC0B0  }
0x4dc: {  	[hbm4b:s8+s0] =	stream.linear.scatter [tilespmem:s10], [sflag:$0x3], $0x80, $0x38;
	[tilespmem:$0xEC00] =	vst v63  }
0x4dd: {  	s15 =	sadd.s32 $0x40, s2;
	s26 =	simm.s32 $0xC140  }
0x4de: {  	[hbm4b:s15+s0] =	stream.linear.scatter [tilespmem:s26], [sflag:$0x3], $0x80, $0x38;
	[tilespmem:$0xEC00] =	vst v63  }
0x4df: {  	s8 =	sadd.s32 $0x50, s2;
	s10 =	simm.s32 $0xC1D0  }
0x4e0: {  	[hbm4b:s8+s0] =	stream.linear.scatter [tilespmem:s10], [sflag:$0x3], $0x80, $0x38;
	[tilespmem:$0xEC00] =	vst v63  }
0x4e1: {  	s15 =	sadd.s32 $0x60, s2;
	s26 =	simm.s32 $0xC260  }
0x4e2: {  	[hbm4b:s15+s0] =	stream.linear.scatter [tilespmem:s26], [sflag:$0x3], $0x80, $0x38;
	[tilespmem:$0xEC00] =	vst v63  }
0x4e3: {  	s7 =	sadd.s32 $0x70, s2;
	s8 =	simm.s32 $0xC2F0  }
0x4e4: {  	[hbm4b:s7+s0] =	stream.linear.scatter [tilespmem:s8], [sflag:$0x3], $0x80, $0x38;
	[tilespmem:$0xEC00] =	vst v63  }
0x4e5: {  	s2 =	rddreg [dreg:$0x1e];
	s10 =	simm.s32 $0xC380  }
0x4e6: {  	[hbm4b:s2+s0] =	stream.linear.scatter [tilespmem:s10], [sflag:$0x3], $0x80, $0x38;
	[tilespmem:$0xEC00] =	vst v63  }
0x4e7: {  	s15 =	sadd.s32 $0x10, s2;
	s26 =	simm.s32 $0xC410  }
0x4e8: {  	[hbm4b:s15+s0] =	stream.linear.scatter [tilespmem:s26], [sflag:$0x3], $0x80, $0x38;
	[tilespmem:$0xEC00] =	vst v63  }
0x4e9: {  	s8 =	sadd.s32 $0x20, s2;
	s10 =	simm.s32 $0xC4A0  }
0x4ea: {  	[hbm4b:s8+s0] =	stream.linear.scatter [tilespmem:s10], [sflag:$0x3], $0x80, $0x38;
	[tilespmem:$0xEC00] =	vst v63  }
0x4eb: {  	s15 =	sadd.s32 $0x30, s2;
	s26 =	simm.s32 $0xC530  }
0x4ec: {  	[hbm4b:s15+s0] =	stream.linear.scatter [tilespmem:s26], [sflag:$0x3], $0x80, $0x38;
	[tilespmem:$0xEC00] =	vst v63  }
0x4ed: {  	s8 =	sadd.s32 $0x40, s2;
	s10 =	simm.s32 $0xC5C0  }
0x4ee: {  	[hbm4b:s8+s0] =	stream.linear.scatter [tilespmem:s10], [sflag:$0x3], $0x80, $0x38;
	[tilespmem:$0xEC00] =	vst v63  }
0x4ef: {  	s15 =	sadd.s32 $0x50, s2;
	s26 =	simm.s32 $0xC650  }
0x4f0: {  	[hbm4b:s15+s0] =	stream.linear.scatter [tilespmem:s26], [sflag:$0x3], $0x80, $0x38;
	[tilespmem:$0xEC00] =	vst v63  }
0x4f1: {  	s7 =	sadd.s32 $0x60, s2;
	s8 =	simm.s32 $0xC6E0  }
0x4f2: {  	[hbm4b:s7+s0] =	stream.linear.scatter [tilespmem:s8], [sflag:$0x3], $0x80, $0x38;
	[tilespmem:$0xEC00] =	vst v63  }
0x4f3: {  	s10 =	sadd.s32 $0x70, s2;
	s15 =	simm.s32 $0xC770  }
0x4f4: {  	[hbm4b:s10+s0] =	stream.linear.scatter [tilespmem:s15], [sflag:$0x3], $0x80, $0x38;
	[tilespmem:$0xEC00] =	vst v63  }
0x4f5: {  	_ =	swait.ge [sflag:s18], $0x2000  }
0x4f6: {  	[sflag:s18] =	ssyncset.done $0x0  }
0x4f7: {  	[sflag:s18] =	ssyncadd.s32 $0xFFFFE000  }
0x4f8: {  	_ =	swait.ge [sflag:s24], $0x400  }
0x4f9: {  	[sflag:s24] =	ssyncset.done $0x0  }
0x4fa: {  	[sflag:s24] =	ssyncadd.s32 $0xFFFFFC00  }
0x4fb: {  	_ =	swait.ge [sflag:s24], $0x400  }
0x4fc: {  	[sflag:s24] =	ssyncset.done $0x0  }
0x4fd: {  	[sflag:s24] =	ssyncadd.s32 $0xFFFFFC00  }
0x4fe: {  	_ =	swait.ge [sflag:s24], $0x400  }
0x4ff: {  	[sflag:s24] =	ssyncset.done $0x0  }
0x500: {  	[sflag:s24] =	ssyncadd.s32 $0xFFFFFC00  }
0x501: {  	_ =	swait.ge [sflag:s24], $0x400  }
0x502: {  	[sflag:s24] =	ssyncset.done $0x0  }
0x503: {  	[sflag:s24] =	ssyncadd.s32 $0xFFFFFC00  }
0x504: {  	_ =	swait.ge [sflag:s24], $0x400  }
0x505: {  	[sflag:s24] =	ssyncset.done $0x0  }
0x506: {  	[sflag:s24] =	ssyncadd.s32 $0xFFFFFC00  }
0x507: {  	_ =	swait.ge [sflag:s24], $0x400  }
0x508: {  	[sflag:s24] =	ssyncset.done $0x0  }
0x509: {  	[sflag:s24] =	ssyncadd.s32 $0xFFFFFC00  }
0x50a: {  	_ =	swait.ge [sflag:s24], $0x400  }
0x50b: {  	[sflag:s24] =	ssyncset.done $0x0  }
0x50c: {  	[sflag:s24] =	ssyncadd.s32 $0xFFFFFC00  }
0x50d: {  	_ =	swait.ge [sflag:s24], $0x400  }
0x50e: {  	[sflag:s24] =	ssyncset.done $0x0  }
0x50f: {  	s26 =	simm.s32 $0x3;
	s7 =	simm.s32 $0x8480;
	[sflag:s24] =	ssyncadd.s32 $0xFFFFFC00  }
0x510: {  	v4 =	vmov s26;
	v5 =	vld [tilespmem:s7+$0x40]  }
0x511: {  	v9 =	vand.u32 $0x7F, v4  }
0x512: {  	v6 =	vmov s0;
	v4 =	vadd.s32 v0, v9  }
0x513: {  	s1 =	simm.s32 $0x1;
	v8 =	vand.u32 $0x7C, v6;
	v7 =	vld [tilespmem:s7+$0xFFFFFF80]  }
0x514: {  	v6 =	vmov s1;
	v12 =	vadd.s32 v0, v8;
	s2 =	simm.s32 $0x2;
	v10 =	vld [tilespmem:s7+$0xFFFFFFC0]  }
0x515: {  	v15 =	vand.u32 $0x7D, v6;
	v11 =	vmov s2;
	v6 =	vld [tilespmem:s7+$0x0];
	v5 =	vmul.f32 $8.000000000e+00, v5  }
0x516: {  	v13 =	vadd.s32 v0, v15;
	v17 =	vand.u32 $0x7E, v11  }
0x517: {  	v11 =	vadd.s32 v0, v17;
	[tilespmem:v4+s19+$0x0] =	vst.idx.msk $0xffff, v5  }
0x518: {  	v4 =	vmul.f32 $8.000000000e+00, v7;
	v5 =	vld [tilespmem:s7+$0x50]  }
0x519: {  	v7 =	vmul.f32 $8.000000000e+00, v10  }
0x51a: {  	[tilespmem:v12+s19+$0x0] =	vst.idx.msk $0xffff, v4;
	v4 =	vmul.f32 $8.000000000e+00, v6;
	v6 =	vadd.s32 v1, v9  }
0x51b: {  	[tilespmem:v13+s19+$0x0] =	vst.idx.msk $0xffff, v7;
	v10 =	vld [tilespmem:s7+$0xFFFFFF90]  }
0x51c: {  	v7 =	vld [tilespmem:s7+$0xFFFFFFD0];
	[tilespmem:v11+s19+$0x0] =	vst.idx.msk $0xffff, v4  }
0x51d: {  	v11 =	vld [tilespmem:s7+$0x10];
	v4 =	vmul.f32 $8.000000000e+00, v5  }
0x51e: {  	s1 =	simm.s32 $0x8580;
	s8 =	simm.s32 $0x4;
	s10 =	simm.s32 $0x7;
	v12 =	vadd.s32 v1, v15  }
0x51f: {  	v14 =	vld [tilespmem:s1+$0x40];
	v13 =	vadd.s32 v1, v17;
	v5 =	vmov s8;
	[tilespmem:v6+s19+$0x0] =	vst.idx.msk $0xffff, v4;
	v6 =	vmov s10  }
0x520: {  	v16 =	vadd.s32 v1, v8;
	v4 =	vand.u32 $0x7C, v5;
	v5 =	vand.u32 $0x7F, v6;
	v18 =	vld [tilespmem:s7+$0x60]  }
0x521: {  	v22 =	vadd.s32 v2, v9;
	s15 =	simm.s32 $0x5;
	v19 =	vld [tilespmem:s1+$0xFFFFFF80];
	v6 =	vmul.f32 $8.000000000e+00, v7;
	v20 =	vadd.s32 v0, v5  }
0x522: {  	s26 =	simm.s32 $0x6;
	v21 =	vld [tilespmem:s1+$0xFFFFFFC0];
	v10 =	vmul.f32 $8.000000000e+00, v10;
	v7 =	vmul.f32 $8.000000000e+00, v11;
	v11 =	vmov s15  }
0x523: {  	v23 =	vadd.s32 v0, v4;
	[tilespmem:v12+s19+$0x0] =	vst.idx.msk $0xffff, v6;
	v12 =	vmov s26;
	v6 =	vand.u32 $0x7D, v11;
	v11 =	vld [tilespmem:s1+$0x0]  }
0x524: {  	[tilespmem:v13+s19+$0x0] =	vst.idx.msk $0xffff, v7;
	v13 =	vadd.s32 v0, v6;
	v7 =	vand.u32 $0x7E, v12;
	v12 =	vmul.f32 $8.000000000e+00, v14;
	v14 =	vld [tilespmem:s7+$0xFFFFFFE0]  }
0x525: {  	[tilespmem:v16+s19+$0x0] =	vst.idx.msk $0xffff, v10;
	v10 =	vadd.s32 v0, v7;
	v16 =	vld [tilespmem:s7+$0x20];
	v18 =	vmul.f32 $8.000000000e+00, v18  }
0x526: {  	v19 =	vmul.f32 $8.000000000e+00, v19;
	[tilespmem:v20+s19+$0x0] =	vst.idx.msk $0xffff, v12;
	v12 =	vld [tilespmem:s7+$0xFFFFFFA0];
	v20 =	vadd.s32 v2, v15  }
0x527: {  	v60 =	vadd.s32 v2, v17;
	v21 =	vmul.f32 $8.000000000e+00, v21;
	v59 =	vld [tilespmem:s1+$0x50];
	[tilespmem:v22+s19+$0x0] =	vst.idx.msk $0xffff, v18  }
0x528: {  	[tilespmem:v23+s19+$0x0] =	vst.idx.msk $0xffff, v19;
	v19 =	vadd.s32 v2, v8;
	v11 =	vmul.f32 $8.000000000e+00, v11;
	v22 =	vld [tilespmem:s7+$0x70]  }
0x529: {  	v23 =	vld [tilespmem:s1+$0xFFFFFF90];
	[tilespmem:v13+s19+$0x0] =	vst.idx.msk $0xffff, v21;
	v21 =	vadd.s32 v1, v5;
	v14 =	vmul.f32 $8.000000000e+00, v14  }
0x52a: {  	v62 =	vadd.s32 v3, v9;
	v61 =	vld [tilespmem:s1+$0xFFFFFFD0];
	[tilespmem:v10+s19+$0x0] =	vst.idx.msk $0xffff, v11;
	v10 =	vmul.f32 $8.000000000e+00, v16  }
0x52b: {  	v18 =	vadd.s32 v1, v4;
	v13 =	vld [tilespmem:s1+$0x10];
	v9 =	vmul.f32 $8.000000000e+00, v12;
	[tilespmem:v20+s19+$0x0] =	vst.idx.msk $0xffff, v14  }
0x52c: {  	s2 =	simm.s32 $0x8;
	v16 =	vadd.s32 v1, v6;
	[tilespmem:v60+s19+$0x0] =	vst.idx.msk $0xffff, v10;
	v14 =	vmul.f32 $8.000000000e+00, v59;
	v12 =	vld [tilespmem:s7+$0xFFFFFFF0]  }
0x52d: {  	v20 =	vmov s2;
	v10 =	vadd.s32 v1, v7;
	v11 =	vld [tilespmem:s7+$0x30];
	[tilespmem:v19+s19+$0x0] =	vst.idx.msk $0xffff, v9;
	v63 =	vmul.f32 $8.000000000e+00, v22  }
0x52e: {  	s0 =	simm.s32 $0x8680;
	s8 =	simm.s32 $0xB;
	v15 =	vadd.s32 v3, v15;
	v9 =	vand.u32 $0x7C, v20;
	v20 =	vmul.f32 $8.000000000e+00, v23;
	[tilespmem:v21+s19+$0x0] =	vst.idx.msk $0xffff, v14;
	v14 =	vld [tilespmem:s7+$0xFFFFFFB0]  }
0x52f: {  	v17 =	vadd.s32 v3, v17;
	s10 =	simm.s32 $0x100;
	v22 =	vmov s8;
	v19 =	vld [tilespmem:s0+$0x40];
	s7 =	simm.s32 $0xC;
	v21 =	vmul.f32 $8.000000000e+00, v61;
	[tilespmem:v62+s19+$0x0] =	vst.idx.msk $0xffff, v63  }
.LBB2_16:
0x530: {  	p0 =	slt.u32 s7, $0x7C;
	s8 =	sadd.s32 $0x1, s2;
	v22 =	vand.u32 $0x7F, v22;
	[tilespmem:v18+s19+$0x0] =	vst.idx.msk $0xffff, v20;
	v13 =	vmul.f32 $8.000000000e+00, v13;
	v18 =	vld [tilespmem:s1+$0x60];
	v20 =	vadd.s32 v3, v8;
	v8 =	vmovc v4  }
0x531: {  	v4 =	vmovc v9;
	v23 =	vld [tilespmem:s0+$0xFFFFFF80];
	v24 =	vmov s8;
	s8 =	sadd.s32 $0x2, s2;
	v25 =	vadd.s32 v0, v22;
	[tilespmem:v16+s19+$0x0] =	vst.idx.msk $0xffff, v21;
	v12 =	vmul.f32 $8.000000000e+00, v12;
	s2 =	smov.u32 s7  }
0x532: {  	v9 =	vld [tilespmem:s0+$0xFFFFFFC0];
	v16 =	vmov s8;
	[tilespmem:v10+s19+$0x0] =	vst.idx.msk $0xffff, v13;
	v10 =	vadd.s32 v2, v5;
	v11 =	vmul.f32 $8.000000000e+00, v11  }
0x533: {  	v13 =	vadd.s32 v0, v4;
	v21 =	vand.u32 $0x7D, v24;
	v24 =	vld [tilespmem:s0+$0x0];
	v14 =	vmul.f32 $8.000000000e+00, v14;
	[tilespmem:v15+s19+$0x0] =	vst.idx.msk $0xffff, v12  }
0x534: {  	v12 =	vadd.s32 v0, v21;
	v26 =	vand.u32 $0x7E, v16;
	v15 =	vmul.f32 $8.000000000e+00, v19;
	v16 =	vld [tilespmem:s1+$0xFFFFFFE0];
	[tilespmem:v17+s19+$0x0] =	vst.idx.msk $0xffff, v11  }
0x535: {  	v11 =	vadd.s32 v0, v26;
	v17 =	vld [tilespmem:s1+$0x20];
	v18 =	vmul.f32 $8.000000000e+00, v18;
	[tilespmem:v20+s19+$0x0] =	vst.idx.msk $0xffff, v14  }
0x536: {  	v19 =	vadd.s32 v2, v6;
	v14 =	vmul.f32 $8.000000000e+00, v23;
	[tilespmem:v25+s19+$0x0] =	vst.idx.msk $0xffff, v15;
	v15 =	vld [tilespmem:s1+$0xFFFFFFA0]  }
0x537: {  	v23 =	vadd.s32 v2, v7;
	v9 =	vmul.f32 $8.000000000e+00, v9;
	v20 =	vld [tilespmem:s0+$0x50];
	[tilespmem:v10+s19+$0x0] =	vst.idx.msk $0xffff, v18  }
0x538: {  	[tilespmem:v13+s19+$0x0] =	vst.idx.msk $0xffff, v14;
	v10 =	vmul.f32 $8.000000000e+00, v24;
	v14 =	vadd.s32 v2, v8;
	v24 =	vld [tilespmem:s1+$0x70]  }
0x539: {  	v27 =	vadd.s32 v1, v22;
	v25 =	vld [tilespmem:s0+$0xFFFFFF90];
	[tilespmem:v12+s19+$0x0] =	vst.idx.msk $0xffff, v9;
	v9 =	vmul.f32 $8.000000000e+00, v16  }
0x53a: {  	v29 =	vadd.s32 v3, v5;
	v5 =	vmov v22;
	v28 =	vld [tilespmem:s0+$0xFFFFFFD0];
	[tilespmem:v11+s19+$0x0] =	vst.idx.msk $0xffff, v10;
	v10 =	vmul.f32 $8.000000000e+00, v17  }
.Ltmp7:
0x53b: {  	v18 =	vadd.s32 v1, v4;
	v13 =	vld [tilespmem:s0+$0x10];
	v11 =	vmul.f32 $8.000000000e+00, v15;
	[tilespmem:v19+s19+$0x0] =	vst.idx.msk $0xffff, v9;
	(pc) =	sbr.rel @p0 .LBB2_16-.Ltmp7, $4  }
0x53c: {  	v16 =	vadd.s32 v1, v21;
	v15 =	vmul.f32 $8.000000000e+00, v20;
	v12 =	vld [tilespmem:s1+$0xFFFFFFF0];
	[tilespmem:v23+s19+$0x0] =	vst.idx.msk $0xffff, v10  }
0x53d: {  	v9 =	vmov s7;
	v10 =	vadd.s32 v1, v26;
	[tilespmem:v14+s19+$0x0] =	vst.idx.msk $0xffff, v11;
	v11 =	vld [tilespmem:s1+$0x30];
	v23 =	vmul.f32 $8.000000000e+00, v24  }
0x53e: {  	s8 =	sadd.s32 $0x3, s7;
	v9 =	vand.u32 $0x7C, v9;
	v20 =	vmul.f32 $8.000000000e+00, v25;
	[tilespmem:v27+s19+$0x0] =	vst.idx.msk $0xffff, v15;
	v14 =	vld [tilespmem:s1+$0xFFFFFFB0];
	v15 =	vadd.s32 v3, v6;
	v6 =	vmovc v21;
	s1 =	smov.u32 s0;
	s0 =	sadd.s32 $0x100, s0  }
0x53f: {  	v22 =	vmov s8;
	v17 =	vadd.s32 v3, v7;
	v7 =	vmovc v26;
	s7 =	sadd.s32 $0x4, s7;
	v19 =	vld [tilespmem:s0+$0x40];
	v21 =	vmul.f32 $8.000000000e+00, v28;
	[tilespmem:v29+s19+$0x0] =	vst.idx.msk $0xffff, v23  }
0x540: {  	s7 =	sadd.s32 $0x1, s2;
	v22 =	vand.u32 $0x7F, v22;
	v28 =	vld [tilespmem:s0+$0xFFFFFF80]  }
0x541: {  	s8 =	sadd.s32 $0x2, s2;
	v24 =	vld [tilespmem:s0+$0xFFFFFFC0];
	v23 =	vmov s7;
	v26 =	vadd.s32 v0, v22  }
0x542: {  	v27 =	vld [tilespmem:s0+$0x0];
	v51 =	vadd.s32 v0, v9;
	v25 =	vmov s8;
	v23 =	vand.u32 $0x7D, v23  }
0x543: {  	v25 =	vand.u32 $0x7E, v25;
	v29 =	vadd.s32 v0, v23  }
0x544: {  	[tilespmem:v18+s19+$0x0] =	vst.idx.msk $0xffff, v20;
	v30 =	vadd.s32 v0, v25;
	v19 =	vmul.f32 $8.000000000e+00, v19  }
0x545: {  	[tilespmem:v16+s19+$0x0] =	vst.idx.msk $0xffff, v21;
	v54 =	vmul.f32 $8.000000000e+00, v28  }
0x546: {  	v52 =	vmul.f32 $8.000000000e+00, v24;
	[tilespmem:v26+s19+$0x0] =	vst.idx.msk $0xffff, v19  }
0x547: {  	v53 =	vmul.f32 $8.000000000e+00, v27;
	v55 =	vld [tilespmem:s0+$0x50];
	[tilespmem:v51+s19+$0x0] =	vst.idx.msk $0xffff, v54  }
0x548: {  	v13 =	vmul.f32 $8.000000000e+00, v13;
	v8 =	vadd.s32 v3, v8;
	[tilespmem:v29+s19+$0x0] =	vst.idx.msk $0xffff, v52;
	v59 =	vld [tilespmem:s0+$0xFFFFFF90]  }
0x549: {  	v12 =	vmul.f32 $8.000000000e+00, v12;
	v57 =	vadd.s32 v1, v22;
	[tilespmem:v30+s19+$0x0] =	vst.idx.msk $0xffff, v53;
	v56 =	vld [tilespmem:s0+$0xFFFFFFD0]  }
0x54a: {  	[tilespmem:v10+s19+$0x0] =	vst.idx.msk $0xffff, v13;
	v58 =	vmul.f32 $8.000000000e+00, v11;
	v28 =	vadd.s32 v1, v9;
	v19 =	vld [tilespmem:s0+$0x10]  }
0x54b: {  	v61 =	vld [tilespmem:s1+$0x60];
	v60 =	vadd.s32 v1, v23;
	v14 =	vmul.f32 $8.000000000e+00, v14;
	[tilespmem:v15+s19+$0x0] =	vst.idx.msk $0xffff, v12  }
0x54c: {  	v32 =	vld [tilespmem:s1+$0xFFFFFFA0];
	v62 =	vadd.s32 v1, v25;
	[tilespmem:v17+s19+$0x0] =	vst.idx.msk $0xffff, v58;
	v16 =	vmul.f32 $8.000000000e+00, v55  }
0x54d: {  	[tilespmem:v8+s19+$0x0] =	vst.idx.msk $0xffff, v14;
	v29 =	vadd.s32 v2, v5;
	v30 =	vld [tilespmem:s1+$0x20];
	v11 =	vmul.f32 $8.000000000e+00, v59  }
0x54e: {  	v38 =	vadd.s32 v2, v4;
	v63 =	vld [tilespmem:s1+$0xFFFFFFE0];
	v31 =	vmul.f32 $8.000000000e+00, v56;
	[tilespmem:v57+s19+$0x0] =	vst.idx.msk $0xffff, v16  }
0x54f: {  	v35 =	vadd.s32 v2, v7;
	v34 =	vmul.f32 $8.000000000e+00, v19;
	v36 =	vld [tilespmem:s0+$0x60];
	[tilespmem:v28+s19+$0x0] =	vst.idx.msk $0xffff, v11  }
0x550: {  	v33 =	vadd.s32 v2, v6;
	v37 =	vmul.f32 $8.000000000e+00, v61;
	[tilespmem:v60+s19+$0x0] =	vst.idx.msk $0xffff, v31;
	v43 =	vld [tilespmem:s0+$0xFFFFFFA0]  }
0x551: {  	v40 =	vadd.s32 v2, v22;
	v14 =	vmul.f32 $8.000000000e+00, v32;
	[tilespmem:v62+s19+$0x0] =	vst.idx.msk $0xffff, v34;
	v39 =	vld [tilespmem:s0+$0xFFFFFFE0]  }
0x552: {  	v48 =	vadd.s32 v2, v9;
	[tilespmem:v29+s19+$0x0] =	vst.idx.msk $0xffff, v37;
	v42 =	vmul.f32 $8.000000000e+00, v30;
	v41 =	vld [tilespmem:s0+$0x20]  }
0x553: {  	v44 =	vadd.s32 v2, v23;
	v15 =	vmul.f32 $8.000000000e+00, v63;
	[tilespmem:v38+s19+$0x0] =	vst.idx.msk $0xffff, v14;
	v45 =	vld [tilespmem:s1+$0x70]  }
0x554: {  	v46 =	vadd.s32 v2, v25;
	v14 =	vld [tilespmem:s1+$0xFFFFFFB0];
	[tilespmem:v35+s19+$0x0] =	vst.idx.msk $0xffff, v42;
	v47 =	vmul.f32 $8.000000000e+00, v36  }
0x555: {  	v5 =	vadd.s32 v3, v5;
	[tilespmem:v33+s19+$0x0] =	vst.idx.msk $0xffff, v15;
	v49 =	vld [tilespmem:s1+$0x30];
	v53 =	vmul.f32 $8.000000000e+00, v43  }
0x556: {  	v4 =	vadd.s32 v3, v4;
	v21 =	vld [tilespmem:s1+$0xFFFFFFF0];
	v12 =	vmul.f32 $8.000000000e+00, v39;
	[tilespmem:v40+s19+$0x0] =	vst.idx.msk $0xffff, v47  }
0x557: {  	v52 =	vadd.s32 v3, v7;
	v51 =	vmul.f32 $8.000000000e+00, v41;
	v10 =	vld [tilespmem:s0+$0x70];
	[tilespmem:v48+s19+$0x0] =	vst.idx.msk $0xffff, v53  }
0x558: {  	v50 =	vadd.s32 v3, v6;
	v54 =	vmul.f32 $8.000000000e+00, v45;
	[tilespmem:v44+s19+$0x0] =	vst.idx.msk $0xffff, v12;
	v59 =	vld [tilespmem:s0+$0xFFFFFFB0]  }
0x559: {  	v57 =	vadd.s32 v3, v22;
	v14 =	vmul.f32 $8.000000000e+00, v14;
	[tilespmem:v46+s19+$0x0] =	vst.idx.msk $0xffff, v51;
	v55 =	vld [tilespmem:s0+$0xFFFFFFF0]  }
0x55a: {  	v62 =	vadd.s32 v3, v9;
	[tilespmem:v5+s19+$0x0] =	vst.idx.msk $0xffff, v54;
	v5 =	vmul.f32 $8.000000000e+00, v49;
	v58 =	vld [tilespmem:s0+$0x30]  }
0x55b: {  	v56 =	vmul.f32 $8.000000000e+00, v21;
	v60 =	vadd.s32 v3, v23;
	[tilespmem:v4+s19+$0x0] =	vst.idx.msk $0xffff, v14  }
0x55c: {  	v61 =	vadd.s32 v3, v25;
	[tilespmem:v52+s19+$0x0] =	vst.idx.msk $0xffff, v5;
	v5 =	vmul.f32 $8.000000000e+00, v10  }
0x55d: {  	[tilespmem:v50+s19+$0x0] =	vst.idx.msk $0xffff, v56;
	v63 =	vmul.f32 $8.000000000e+00, v59  }
0x55e: {  	v4 =	vmul.f32 $8.000000000e+00, v55;
	[tilespmem:v57+s19+$0x0] =	vst.idx.msk $0xffff, v5  }
0x55f: {  	v5 =	vmul.f32 $8.000000000e+00, v58;
	[tilespmem:v62+s19+$0x0] =	vst.idx.msk $0xffff, v63  }
0x560: {  	[tilespmem:v60+s19+$0x0] =	vst.idx.msk $0xffff, v4  }
0x561: {  	[tilespmem:v61+s19+$0x0] =	vst.idx.msk $0xffff, v5  }
0x562: {  	s1 =	rddreg [dreg:$0x1f]  }
0x563: {  	[hbm4b:s1+s3] =	stream.linear.scatter [tilespmem:s19], [sflag:$0x4], $0x80, $0x38;
	[tilespmem:$0xEC00] =	vst v63  }
0x564: {  	s26 =	simm.s32 $0xC890;
	s15 =	sadd.s32 $0x10, s1  }
0x565: {  	[hbm4b:s15+s3] =	stream.linear.scatter [tilespmem:s26], [sflag:$0x4], $0x80, $0x38;
	[tilespmem:$0xEC00] =	vst v63  }
0x566: {  	s8 =	simm.s32 $0xC920;
	s7 =	sadd.s32 $0x20, s1  }
0x567: {  	[hbm4b:s7+s3] =	stream.linear.scatter [tilespmem:s8], [sflag:$0x4], $0x80, $0x38;
	[tilespmem:$0xEC00] =	vst v63  }
0x568: {  	s15 =	sadd.s32 $0x30, s1;
	s26 =	simm.s32 $0xC9B0  }
0x569: {  	[hbm4b:s15+s3] =	stream.linear.scatter [tilespmem:s26], [sflag:$0x4], $0x80, $0x38;
	[tilespmem:$0xEC00] =	vst v63  }
0x56a: {  	s7 =	sadd.s32 $0x40, s1;
	s8 =	simm.s32 $0xCA40  }
0x56b: {  	[hbm4b:s7+s3] =	stream.linear.scatter [tilespmem:s8], [sflag:$0x4], $0x80, $0x38;
	[tilespmem:$0xEC00] =	vst v63  }
0x56c: {  	s15 =	sadd.s32 $0x50, s1;
	s26 =	simm.s32 $0xCAD0  }
0x56d: {  	[hbm4b:s15+s3] =	stream.linear.scatter [tilespmem:s26], [sflag:$0x4], $0x80, $0x38;
	[tilespmem:$0xEC00] =	vst v63  }
0x56e: {  	s7 =	sadd.s32 $0x60, s1;
	s8 =	simm.s32 $0xCB60  }
0x56f: {  	[hbm4b:s7+s3] =	stream.linear.scatter [tilespmem:s8], [sflag:$0x4], $0x80, $0x38;
	[tilespmem:$0xEC00] =	vst v63  }
0x570: {  	s15 =	sadd.s32 $0x70, s1;
	s26 =	simm.s32 $0xCBF0;
	s1 =	sld [smem:$0x7F7]  }
0x571: {  	[hbm4b:s15+s3] =	stream.linear.scatter [tilespmem:s26], [sflag:$0x4], $0x80, $0x38;
	[tilespmem:$0xEC00] =	vst v63  }
0x572: {  	s2 =	simm.s32 $0xCC80  }
0x573: {  	[hbm4b:s1+s3] =	stream.linear.scatter [tilespmem:s2], [sflag:$0x4], $0x80, $0x38;
	[tilespmem:$0xEC00] =	vst v63  }
0x574: {  	s8 =	simm.s32 $0xCD10;
	s7 =	sadd.s32 $0x10, s1  }
0x575: {  	[hbm4b:s7+s3] =	stream.linear.scatter [tilespmem:s8], [sflag:$0x4], $0x80, $0x38;
	[tilespmem:$0xEC00] =	vst v63  }
0x576: {  	s15 =	sadd.s32 $0x20, s1;
	s26 =	simm.s32 $0xCDA0  }
0x577: {  	[hbm4b:s15+s3] =	stream.linear.scatter [tilespmem:s26], [sflag:$0x4], $0x80, $0x38;
	[tilespmem:$0xEC00] =	vst v63  }
0x578: {  	s7 =	sadd.s32 $0x30, s1;
	s8 =	simm.s32 $0xCE30  }
0x579: {  	[hbm4b:s7+s3] =	stream.linear.scatter [tilespmem:s8], [sflag:$0x4], $0x80, $0x38;
	[tilespmem:$0xEC00] =	vst v63  }
0x57a: {  	s15 =	sadd.s32 $0x40, s1;
	s26 =	simm.s32 $0xCEC0  }
0x57b: {  	[hbm4b:s15+s3] =	stream.linear.scatter [tilespmem:s26], [sflag:$0x4], $0x80, $0x38;
	[tilespmem:$0xEC00] =	vst v63  }
0x57c: {  	s7 =	sadd.s32 $0x50, s1;
	s8 =	simm.s32 $0xCF50  }
0x57d: {  	[hbm4b:s7+s3] =	stream.linear.scatter [tilespmem:s8], [sflag:$0x4], $0x80, $0x38;
	[tilespmem:$0xEC00] =	vst v63  }
0x57e: {  	s15 =	sadd.s32 $0x60, s1;
	s26 =	simm.s32 $0xCFE0  }
0x57f: {  	[hbm4b:s15+s3] =	stream.linear.scatter [tilespmem:s26], [sflag:$0x4], $0x80, $0x38;
	[tilespmem:$0xEC00] =	vst v63  }
0x580: {  	s2 =	sadd.s32 $0x70, s1;
	s1 =	sld [smem:$0x7F8];
	s7 =	simm.s32 $0xD070  }
0x581: {  	[hbm4b:s2+s3] =	stream.linear.scatter [tilespmem:s7], [sflag:$0x4], $0x80, $0x38;
	[tilespmem:$0xEC00] =	vst v63  }
0x582: {  	s8 =	simm.s32 $0xD100  }
0x583: {  	[hbm4b:s1+s3] =	stream.linear.scatter [tilespmem:s8], [sflag:$0x4], $0x80, $0x38;
	[tilespmem:$0xEC00] =	vst v63  }
0x584: {  	s15 =	sadd.s32 $0x10, s1;
	s26 =	simm.s32 $0xD190  }
0x585: {  	[hbm4b:s15+s3] =	stream.linear.scatter [tilespmem:s26], [sflag:$0x4], $0x80, $0x38;
	[tilespmem:$0xEC00] =	vst v63  }
0x586: {  	s7 =	sadd.s32 $0x20, s1;
	s8 =	simm.s32 $0xD220  }
0x587: {  	[hbm4b:s7+s3] =	stream.linear.scatter [tilespmem:s8], [sflag:$0x4], $0x80, $0x38;
	[tilespmem:$0xEC00] =	vst v63  }
0x588: {  	s15 =	sadd.s32 $0x30, s1;
	s26 =	simm.s32 $0xD2B0  }
0x589: {  	[hbm4b:s15+s3] =	stream.linear.scatter [tilespmem:s26], [sflag:$0x4], $0x80, $0x38;
	[tilespmem:$0xEC00] =	vst v63  }
0x58a: {  	s7 =	sadd.s32 $0x40, s1;
	s8 =	simm.s32 $0xD340  }
0x58b: {  	[hbm4b:s7+s3] =	stream.linear.scatter [tilespmem:s8], [sflag:$0x4], $0x80, $0x38;
	[tilespmem:$0xEC00] =	vst v63  }
0x58c: {  	s15 =	sadd.s32 $0x50, s1;
	s26 =	simm.s32 $0xD3D0  }
0x58d: {  	[hbm4b:s15+s3] =	stream.linear.scatter [tilespmem:s26], [sflag:$0x4], $0x80, $0x38;
	[tilespmem:$0xEC00] =	vst v63  }
0x58e: {  	s7 =	sadd.s32 $0x60, s1;
	s8 =	simm.s32 $0xD460  }
0x58f: {  	[hbm4b:s7+s3] =	stream.linear.scatter [tilespmem:s8], [sflag:$0x4], $0x80, $0x38;
	[tilespmem:$0xEC00] =	vst v63  }
0x590: {  	s15 =	sadd.s32 $0x70, s1;
	s26 =	simm.s32 $0xD4F0;
	s1 =	sld [smem:$0x7F9]  }
0x591: {  	[hbm4b:s15+s3] =	stream.linear.scatter [tilespmem:s26], [sflag:$0x4], $0x80, $0x38;
	[tilespmem:$0xEC00] =	vst v63  }
0x592: {  	s2 =	simm.s32 $0xD580  }
0x593: {  	[hbm4b:s1+s3] =	stream.linear.scatter [tilespmem:s2], [sflag:$0x4], $0x80, $0x38;
	[tilespmem:$0xEC00] =	vst v63  }
0x594: {  	s8 =	simm.s32 $0xD610;
	s7 =	sadd.s32 $0x10, s1  }
0x595: {  	[hbm4b:s7+s3] =	stream.linear.scatter [tilespmem:s8], [sflag:$0x4], $0x80, $0x38;
	[tilespmem:$0xEC00] =	vst v63  }
0x596: {  	s15 =	sadd.s32 $0x20, s1;
	s26 =	simm.s32 $0xD6A0  }
0x597: {  	[hbm4b:s15+s3] =	stream.linear.scatter [tilespmem:s26], [sflag:$0x4], $0x80, $0x38;
	[tilespmem:$0xEC00] =	vst v63  }
0x598: {  	s7 =	sadd.s32 $0x30, s1;
	s8 =	simm.s32 $0xD730  }
0x599: {  	[hbm4b:s7+s3] =	stream.linear.scatter [tilespmem:s8], [sflag:$0x4], $0x80, $0x38;
	[tilespmem:$0xEC00] =	vst v63  }
0x59a: {  	s15 =	sadd.s32 $0x40, s1;
	s26 =	simm.s32 $0xD7C0  }
0x59b: {  	[hbm4b:s15+s3] =	stream.linear.scatter [tilespmem:s26], [sflag:$0x4], $0x80, $0x38;
	[tilespmem:$0xEC00] =	vst v63  }
0x59c: {  	s7 =	sadd.s32 $0x50, s1;
	s8 =	simm.s32 $0xD850  }
0x59d: {  	[hbm4b:s7+s3] =	stream.linear.scatter [tilespmem:s8], [sflag:$0x4], $0x80, $0x38;
	[tilespmem:$0xEC00] =	vst v63  }
0x59e: {  	s15 =	sadd.s32 $0x60, s1;
	s26 =	simm.s32 $0xD8E0  }
0x59f: {  	[hbm4b:s15+s3] =	stream.linear.scatter [tilespmem:s26], [sflag:$0x4], $0x80, $0x38;
	[tilespmem:$0xEC00] =	vst v63  }
0x5a0: {  	s2 =	sadd.s32 $0x70, s1;
	s1 =	sld [smem:$0x7FA];
	s7 =	simm.s32 $0xD970  }
0x5a1: {  	[hbm4b:s2+s3] =	stream.linear.scatter [tilespmem:s7], [sflag:$0x4], $0x80, $0x38;
	[tilespmem:$0xEC00] =	vst v63  }
0x5a2: {  	s8 =	simm.s32 $0xDA00  }
0x5a3: {  	[hbm4b:s1+s3] =	stream.linear.scatter [tilespmem:s8], [sflag:$0x4], $0x80, $0x38;
	[tilespmem:$0xEC00] =	vst v63  }
0x5a4: {  	s15 =	sadd.s32 $0x10, s1;
	s26 =	simm.s32 $0xDA90  }
0x5a5: {  	[hbm4b:s15+s3] =	stream.linear.scatter [tilespmem:s26], [sflag:$0x4], $0x80, $0x38;
	[tilespmem:$0xEC00] =	vst v63  }
0x5a6: {  	s7 =	sadd.s32 $0x20, s1;
	s8 =	simm.s32 $0xDB20  }
0x5a7: {  	[hbm4b:s7+s3] =	stream.linear.scatter [tilespmem:s8], [sflag:$0x4], $0x80, $0x38;
	[tilespmem:$0xEC00] =	vst v63  }
0x5a8: {  	s15 =	sadd.s32 $0x30, s1;
	s26 =	simm.s32 $0xDBB0  }
0x5a9: {  	[hbm4b:s15+s3] =	stream.linear.scatter [tilespmem:s26], [sflag:$0x4], $0x80, $0x38;
	[tilespmem:$0xEC00] =	vst v63  }
0x5aa: {  	s7 =	sadd.s32 $0x40, s1;
	s8 =	simm.s32 $0xDC40  }
0x5ab: {  	[hbm4b:s7+s3] =	stream.linear.scatter [tilespmem:s8], [sflag:$0x4], $0x80, $0x38;
	[tilespmem:$0xEC00] =	vst v63  }
0x5ac: {  	s15 =	sadd.s32 $0x50, s1;
	s26 =	simm.s32 $0xDCD0  }
0x5ad: {  	[hbm4b:s15+s3] =	stream.linear.scatter [tilespmem:s26], [sflag:$0x4], $0x80, $0x38;
	[tilespmem:$0xEC00] =	vst v63  }
0x5ae: {  	s7 =	sadd.s32 $0x60, s1;
	s8 =	simm.s32 $0xDD60  }
0x5af: {  	[hbm4b:s7+s3] =	stream.linear.scatter [tilespmem:s8], [sflag:$0x4], $0x80, $0x38;
	[tilespmem:$0xEC00] =	vst v63  }
0x5b0: {  	s15 =	sadd.s32 $0x70, s1;
	s26 =	simm.s32 $0xDDF0;
	s1 =	sld [smem:$0x7FB]  }
0x5b1: {  	[hbm4b:s15+s3] =	stream.linear.scatter [tilespmem:s26], [sflag:$0x4], $0x80, $0x38;
	[tilespmem:$0xEC00] =	vst v63  }
0x5b2: {  	s2 =	simm.s32 $0xDE80  }
0x5b3: {  	[hbm4b:s1+s3] =	stream.linear.scatter [tilespmem:s2], [sflag:$0x4], $0x80, $0x38;
	[tilespmem:$0xEC00] =	vst v63  }
0x5b4: {  	s8 =	simm.s32 $0xDF10;
	s7 =	sadd.s32 $0x10, s1  }
0x5b5: {  	[hbm4b:s7+s3] =	stream.linear.scatter [tilespmem:s8], [sflag:$0x4], $0x80, $0x38;
	[tilespmem:$0xEC00] =	vst v63  }
0x5b6: {  	s15 =	sadd.s32 $0x20, s1;
	s26 =	simm.s32 $0xDFA0  }
0x5b7: {  	[hbm4b:s15+s3] =	stream.linear.scatter [tilespmem:s26], [sflag:$0x4], $0x80, $0x38;
	[tilespmem:$0xEC00] =	vst v63  }
0x5b8: {  	s7 =	sadd.s32 $0x30, s1;
	s8 =	simm.s32 $0xE030  }
0x5b9: {  	[hbm4b:s7+s3] =	stream.linear.scatter [tilespmem:s8], [sflag:$0x4], $0x80, $0x38;
	[tilespmem:$0xEC00] =	vst v63  }
0x5ba: {  	s15 =	sadd.s32 $0x40, s1;
	s26 =	simm.s32 $0xE0C0  }
0x5bb: {  	[hbm4b:s15+s3] =	stream.linear.scatter [tilespmem:s26], [sflag:$0x4], $0x80, $0x38;
	[tilespmem:$0xEC00] =	vst v63  }
0x5bc: {  	s7 =	sadd.s32 $0x50, s1;
	s8 =	simm.s32 $0xE150  }
0x5bd: {  	[hbm4b:s7+s3] =	stream.linear.scatter [tilespmem:s8], [sflag:$0x4], $0x80, $0x38;
	[tilespmem:$0xEC00] =	vst v63  }
0x5be: {  	s15 =	sadd.s32 $0x60, s1;
	s26 =	simm.s32 $0xE1E0  }
0x5bf: {  	[hbm4b:s15+s3] =	stream.linear.scatter [tilespmem:s26], [sflag:$0x4], $0x80, $0x38;
	[tilespmem:$0xEC00] =	vst v63  }
0x5c0: {  	s2 =	sadd.s32 $0x70, s1;
	s1 =	sld [smem:$0x7FC];
	s7 =	simm.s32 $0xE270  }
0x5c1: {  	[hbm4b:s2+s3] =	stream.linear.scatter [tilespmem:s7], [sflag:$0x4], $0x80, $0x38;
	[tilespmem:$0xEC00] =	vst v63  }
0x5c2: {  	s8 =	simm.s32 $0xE300  }
0x5c3: {  	[hbm4b:s1+s3] =	stream.linear.scatter [tilespmem:s8], [sflag:$0x4], $0x80, $0x38;
	[tilespmem:$0xEC00] =	vst v63  }
0x5c4: {  	s15 =	sadd.s32 $0x10, s1;
	s26 =	simm.s32 $0xE390  }
0x5c5: {  	[hbm4b:s15+s3] =	stream.linear.scatter [tilespmem:s26], [sflag:$0x4], $0x80, $0x38;
	[tilespmem:$0xEC00] =	vst v63  }
0x5c6: {  	s7 =	sadd.s32 $0x20, s1;
	s8 =	simm.s32 $0xE420  }
0x5c7: {  	[hbm4b:s7+s3] =	stream.linear.scatter [tilespmem:s8], [sflag:$0x4], $0x80, $0x38;
	[tilespmem:$0xEC00] =	vst v63  }
0x5c8: {  	s15 =	sadd.s32 $0x30, s1;
	s26 =	simm.s32 $0xE4B0  }
0x5c9: {  	[hbm4b:s15+s3] =	stream.linear.scatter [tilespmem:s26], [sflag:$0x4], $0x80, $0x38;
	[tilespmem:$0xEC00] =	vst v63  }
0x5ca: {  	s7 =	sadd.s32 $0x40, s1;
	s8 =	simm.s32 $0xE540  }
0x5cb: {  	[hbm4b:s7+s3] =	stream.linear.scatter [tilespmem:s8], [sflag:$0x4], $0x80, $0x38;
	[tilespmem:$0xEC00] =	vst v63  }
0x5cc: {  	s15 =	sadd.s32 $0x50, s1;
	s26 =	simm.s32 $0xE5D0  }
0x5cd: {  	[hbm4b:s15+s3] =	stream.linear.scatter [tilespmem:s26], [sflag:$0x4], $0x80, $0x38;
	[tilespmem:$0xEC00] =	vst v63  }
0x5ce: {  	s7 =	sadd.s32 $0x60, s1;
	s8 =	simm.s32 $0xE660  }
0x5cf: {  	[hbm4b:s7+s3] =	stream.linear.scatter [tilespmem:s8], [sflag:$0x4], $0x80, $0x38;
	[tilespmem:$0xEC00] =	vst v63  }
0x5d0: {  	s15 =	sadd.s32 $0x70, s1;
	s26 =	simm.s32 $0xE6F0;
	s1 =	sld [smem:$0x7FD]  }
0x5d1: {  	[hbm4b:s15+s3] =	stream.linear.scatter [tilespmem:s26], [sflag:$0x4], $0x80, $0x38;
	[tilespmem:$0xEC00] =	vst v63  }
0x5d2: {  	s2 =	simm.s32 $0xE780  }
0x5d3: {  	[hbm4b:s1+s3] =	stream.linear.scatter [tilespmem:s2], [sflag:$0x4], $0x80, $0x38;
	[tilespmem:$0xEC00] =	vst v63  }
0x5d4: {  	s8 =	simm.s32 $0xE810;
	s7 =	sadd.s32 $0x10, s1  }
0x5d5: {  	[hbm4b:s7+s3] =	stream.linear.scatter [tilespmem:s8], [sflag:$0x4], $0x80, $0x38;
	[tilespmem:$0xEC00] =	vst v63  }
0x5d6: {  	s15 =	sadd.s32 $0x20, s1;
	s26 =	simm.s32 $0xE8A0  }
0x5d7: {  	[hbm4b:s15+s3] =	stream.linear.scatter [tilespmem:s26], [sflag:$0x4], $0x80, $0x38;
	[tilespmem:$0xEC00] =	vst v63  }
0x5d8: {  	s7 =	sadd.s32 $0x30, s1;
	s8 =	simm.s32 $0xE930  }
0x5d9: {  	[hbm4b:s7+s3] =	stream.linear.scatter [tilespmem:s8], [sflag:$0x4], $0x80, $0x38;
	[tilespmem:$0xEC00] =	vst v63  }
0x5da: {  	s15 =	sadd.s32 $0x40, s1;
	s26 =	simm.s32 $0xE9C0  }
0x5db: {  	[hbm4b:s15+s3] =	stream.linear.scatter [tilespmem:s26], [sflag:$0x4], $0x80, $0x38;
	[tilespmem:$0xEC00] =	vst v63  }
0x5dc: {  	s7 =	sadd.s32 $0x50, s1;
	s8 =	simm.s32 $0xEA50  }
0x5dd: {  	[hbm4b:s7+s3] =	stream.linear.scatter [tilespmem:s8], [sflag:$0x4], $0x80, $0x38;
	[tilespmem:$0xEC00] =	vst v63  }
0x5de: {  	s15 =	sadd.s32 $0x60, s1;
	s26 =	simm.s32 $0xEAE0  }
0x5df: {  	[hbm4b:s15+s3] =	stream.linear.scatter [tilespmem:s26], [sflag:$0x4], $0x80, $0x38;
	[tilespmem:$0xEC00] =	vst v63  }
0x5e0: {  	s7 =	sadd.s32 $0x70, s1;
	s8 =	simm.s32 $0xEB70  }
0x5e1: {  	[hbm4b:s7+s3] =	stream.linear.scatter [tilespmem:s8], [sflag:$0x4], $0x80, $0x38;
	[tilespmem:$0xEC00] =	vst v63  }
0x5e2: {  	_ =	swait.ge [sflag:s21], $0x400  }
0x5e3: {  	[sflag:s21] =	ssyncset.done $0x0  }
0x5e4: {  	[sflag:s21] =	ssyncadd.s32 $0xFFFFFC00  }
0x5e5: {  	_ =	swait.ge [sflag:s21], $0x400  }
0x5e6: {  	[sflag:s21] =	ssyncset.done $0x0  }
0x5e7: {  	[sflag:s21] =	ssyncadd.s32 $0xFFFFFC00  }
0x5e8: {  	_ =	swait.ge [sflag:s21], $0x400  }
0x5e9: {  	[sflag:s21] =	ssyncset.done $0x0  }
0x5ea: {  	[sflag:s21] =	ssyncadd.s32 $0xFFFFFC00  }
0x5eb: {  	_ =	swait.ge [sflag:s21], $0x400  }
0x5ec: {  	[sflag:s21] =	ssyncset.done $0x0  }
0x5ed: {  	[sflag:s21] =	ssyncadd.s32 $0xFFFFFC00  }
0x5ee: {  	_ =	swait.ge [sflag:s21], $0x400  }
0x5ef: {  	[sflag:s21] =	ssyncset.done $0x0  }
0x5f0: {  	[sflag:s21] =	ssyncadd.s32 $0xFFFFFC00  }
0x5f1: {  	_ =	swait.ge [sflag:s21], $0x400  }
0x5f2: {  	[sflag:s21] =	ssyncset.done $0x0  }
0x5f3: {  	[sflag:s21] =	ssyncadd.s32 $0xFFFFFC00  }
0x5f4: {  	_ =	swait.ge [sflag:s21], $0x400  }
0x5f5: {  	[sflag:s21] =	ssyncset.done $0x0  }
0x5f6: {  	[sflag:s21] =	ssyncadd.s32 $0xFFFFFC00  }
0x5f7: {  	_ =	swait.ge [sflag:s21], $0x400  }
0x5f8: {  	[sflag:s21] =	ssyncset.done $0x0  }
0x5f9: {  	[sflag:s21] =	ssyncadd.s32 $0xFFFFFC00  }
0x5fa: {  	_ =	swait.ge [sflag:s24], $0x400  }
0x5fb: {  	[sflag:s24] =	ssyncset.done $0x0  }
0x5fc: {  	[sflag:s24] =	ssyncadd.s32 $0xFFFFFC00  }
0x5fd: {  	_ =	swait.ge [sflag:s24], $0x400  }
0x5fe: {  	[sflag:s24] =	ssyncset.done $0x0  }
0x5ff: {  	[sflag:s24] =	ssyncadd.s32 $0xFFFFFC00  }
0x600: {  	_ =	swait.ge [sflag:s24], $0x400  }
0x601: {  	[sflag:s24] =	ssyncset.done $0x0  }
0x602: {  	[sflag:s24] =	ssyncadd.s32 $0xFFFFFC00  }
0x603: {  	_ =	swait.ge [sflag:s24], $0x400  }
0x604: {  	[sflag:s24] =	ssyncset.done $0x0  }
0x605: {  	[sflag:s24] =	ssyncadd.s32 $0xFFFFFC00  }
0x606: {  	_ =	swait.ge [sflag:s24], $0x400  }
0x607: {  	[sflag:s24] =	ssyncset.done $0x0  }
0x608: {  	[sflag:s24] =	ssyncadd.s32 $0xFFFFFC00  }
0x609: {  	_ =	swait.ge [sflag:s24], $0x400  }
0x60a: {  	[sflag:s24] =	ssyncset.done $0x0  }
0x60b: {  	[sflag:s24] =	ssyncadd.s32 $0xFFFFFC00  }
0x60c: {  	_ =	swait.ge [sflag:s24], $0x400  }
0x60d: {  	[sflag:s24] =	ssyncset.done $0x0  }
0x60e: {  	[sflag:s24] =	ssyncadd.s32 $0xFFFFFC00  }
0x60f: {  	_ =	swait.ge [sflag:s24], $0x400  }
0x610: {  	s15 =	sld [smem:$0x7F6];
	_ =	sdelay $0x2  }
0x611: {  	s26 =	rddreg [dreg:$0xd];
	s1 =	sadd.s32 $0x1, s15  }
0x612: {  	p0 =	sne.s32 s1, s26  }
.Ltmp8:
0x613: {  	_ = 	snop;
	(pc) =	sbr.rel @p0 .LBB2_1-.Ltmp8, $3  }
0x614: {  	_ =	sdelay $0x1  }
0x615: {  	[sflag:s24] =	ssyncset.done $0x0  }
0x616: {  	[sflag:s24] =	ssyncadd.s32 $0xFFFFFC00  }
0x617: {  	_ =	sfence.sel $0x180000  }
0x618: {  	[bflag:$0x0] =	sbarrier.arrive $0xFFFF  }
0x619: {  	_ =	strace $0x9000004A  }
0x61a: {  	s0 =	stileid.u32;
	[bflag:$0x2] =	sbarrier.arrive $0xFFFF  }
0x61b: {  	p0 =	sne.s32 s0, $0x0;
	s0 =	rddreg [dreg:$0x2]  }
0x61c: {  	s0 =	sadd.s32 @!p0 $0x100000, s0  }
0x61d: {  	[sflag:s0] =	ssyncadd.tile.s32 @!p0 $0x1;
	_ =	shalt  }
.Lfunc_end2:
_tile_overlayer_lowered:
.L_overlay_start_2:
0x61e: {  	(tag) =	ssettag $0x2  }
0x61f: {  	s0 =	rddreg [dreg:$0x0];
	s2 =	stileid.u32  }
0x620: {  	s1 =	rddreg [dreg:$0x1];
	p0 =	sne.s32 s2, $0x0  }
0x621: {  	s3 =	rddreg [dreg:$0x2];
	[bflag:$0x3] =	sbarrier.arrive $0xFFFF;
	s2 =	simm.s32 @!p0 $0x1C05  }
0x622: {  	[timem:s3], [sflag:s2] =	dma.local @!p0 [hbm:s0], s1  }
0x623: {  	s0 =	simm.s32 @!p0 $0x5  }
0x624: {  	_ =	swait.ge @!p0 [sflag:s0], s1  }
0x625: {  	s1 =	ssub.s32 @!p0 $0x0, s1;
	[sflag:s0] =	ssyncset.done @!p0 $0x0  }
0x626: {  	[sflag:s0] =	ssyncadd.s32 @!p0 s1  }
0x627: {  	[bflag:$0x3] =	sbarrier.arrive $0xFFFF  }
0x628: {  	_ =	shalt  }

// kernel: sparse-core-data-format-call.cloned.1.call-start
scs
called_computation_lowered:
.L_overlay_start_0:
0x0: {  	s2 =	sld [smem:$0x3FD9]  }
0x1: {  	s3 =	sld [smem:$0x3FFE];
	_ =	sdelay $0x1  }
0x2: {  	s1 =	srdreg.scid  }
0x3: {  	s0 =	sand.u32 $0x1, s1  }
0x4: {  	s18 =	sshll.u32 s0, $0xA;
	s2 =	sadd.s32 s3, s2  }
0x5: {  	s2 =	sadd.s32 s2, s18  }
0x6: {  	[smem:$0x3FC6] =	sst s2  }
0x7: {  	_ = 	snop  }
0x8: {  	s2 =	sld [smem:$0x3FC8];
	(tm) =	ssettm $0x1  }
0x9: {  	s19 =	sld [smem:$0x3FFB];
	_ =	sdelay $0x3  }
0xa: {  	_ =	strace s19  }
0xb: {  	s3 =	sld [smem:$0x3FFC];
	_ =	sdelay $0x3  }
0xc: {  	_ =	strace s3  }
0xd: {  	s3 =	sld [smem:$0x3FFD];
	_ =	sdelay $0x3  }
0xe: {  	_ =	strace s3  }
0xf: {  	_ =	strace $0x8FFFFFFF  }
0x10: {  	s20 =	sld [smem:$0x3FDB];
	_ =	sdelay $0x1  }
0x11: {  	s4 =	simm.s32 $_scs_section_size  }
0x12: {  	s5 =	simm.s32 $_size__tile_overlayer_lowered;
	s6 =	simm.s32 $_tile_overlayer_lowered  }
0x13: {  	s23 =	simm.s32 $0x1BFF;
	s22 =	sshll.u32 s6, $0x1;
	s3 =	sadd.s32 s4, s20  }
0x14: {  	s7 =	simm.s32 $0x0;
	s21 =	sshll.u32 s5, $0x1;
	s5 =	sadd.s32 s22, s3  }
0x15: {  	[timem:s7], [sflag:s23] =	dma.local [hbm:s5], s21  }
0x16: {  	_ =	swait.ge [sflag:s23], s21  }
0x17: {  	s4 =	ssub.s32 $0x0, s21;
	[sflag:s23] =	ssyncset.done $0x0  }
0x18: {  	[sflag:s23] =	ssyncadd.s32 s4;
	_ =	sdelay $0x1  }
0x19: {  	s24 =	simm.s32 $0x1B8B  }
0x1a: {  	_ =	swait.ge [sflag:s24], $0x1  }
0x1b: {  	[sflag:s24] =	ssyncset.done $0x0  }
0x1c: {  	s26 =	simm.s32 $0x1B8E;
	s25 =	sld [smem:$0x3FFE];
	[sflag:s24] =	ssyncadd.s32 $0xFFFFFFFF  }
0x1d: {  	s27 =	simm.s32 $execute0_lowered;
	[smem:$0x3FD2] =	sst s26  }
0x1e: {  	s5 =	sshll.u32 s27, $0x1;
	_ =	strace $0x80000046;
	[dreg:$0x1] =	wrdreg $0xFFFFFFFF  }
0x1f: {  	s28 =	simm.s32 $_size_execute0_lowered;
	s3 =	sadd.s32 s3, s5;
	[dreg:$0x0] =	wrdreg $0x0  }
0x20: {  	s5 =	sshll.u32 s28, $0x1;
	[dreg:$0x2] =	wrdreg s3  }
0x21: {  	[dreg:$0x3] =	wrdreg s5  }
0x22: {  	[dreg:$0x4] =	wrdreg $0xC0  }
0x23: {  	_ =	task [dreg:s7], $0x5FFFF  }
0x24: {  	[dreg:$0x1] =	wrdreg $0xFFFFFFFF  }
0x25: {  	[dreg:$0x0] =	wrdreg $0x60  }
0x26: {  	[dreg:$0x2] =	wrdreg s2  }
0x27: {  	[dreg:$0x3] =	wrdreg s25  }
0x28: {  	[dreg:$0x4] =	wrdreg $0x9  }
0x29: {  	_ =	task.clear_ibuf [dreg:s7], $0x5FFFF;
	_ =	strace $0x90000046  }
0x2a: {  	s29 =	simm.s32 $0x9;
	_ =	strace $0x80000048  }
0x2b: {  	_ =	swait.ge [sflag:s29], $0x1  }
0x2c: {  	[sflag:s29] =	ssyncadd.s32 $0xFFFFFFFF  }
0x2d: {  	_ =	strace $0x90000048  }
0x2e: {  	_ =	sfence  }
0x2f: {  	s30 =	sld [smem:$0x0];
	_ =	sdelay $0x2  }
0x30: {  	s31 =	sshll.u32 s1, $0xD;
	s1 =	sshrl.u32 s1, $0x2  }
0x31: {  	s3 =	sand.u32 $0x4000, s31;
	s1 =	sadd.s32 s1, s30  }
0x32: {  	s0 =	sor.u32 s3, s0;
	s1 =	sshll.u32 s1, $0x11  }
0x33: {  	s0 =	sor.u32 s1, s0  }
0x34: {  	s0 =	sadd.s32 $0x8F2B, s0  }
0x35: {  	[sflag:s0] =	ssyncadd.remote.s32 $0x1  }
0x36: {  	_ =	sfence.sel $0xFFFF  }
0x37: {  	[dreg:$0x0] =	wrdreg $0xFFFFFFFF;
	(pc) =	sbr.abs _section_cstart, $3  }
0x38: {  	[dreg:$0x1] =	wrdreg $0xFFFFFFFF  }
0x39: {  	_ =	task.clear_ibuf [dreg:s7], $0x2FFFF;
	_ =	strace $0x9FFFFFFF  }
0x3a: {  	(tm) =	ssettm $0x7FFFFFFF  }
0x3b: {  	_ =	shalt  }
tec
execute0_lowered:
.L_overlay_start_1:
0x0: {  	(tag) =	ssettag $0x1  }
0x1: {  	s0 =	srdreg.scid;
	s2 =	rddreg [dreg:$0x0]  }
0x2: {  	s5 =	rddreg [dreg:$0x1];
	s1 =	stileid.u32  }
0x3: {  	s4 =	simm.s32 $0x1;
	s6 =	simm.s32 $0x2;
	s15 =	simm.s32 $0x0  }
0x4: {  	p0 =	por $0x0, $0x0;
	s8 =	simm.s32 $0x80;
	s0 =	sshll.u32 s0, $0x4  }
0x5: {  	s14 =	simm.s32 $0x0;
	s9 =	simm.s32 $0x0;
	s3 =	sand.u32 $0x10, s0  }
.Ltmp0:
0x6: {  	s10 =	simm.s32 $0x0;
	s3 =	sor.u32 s1, s3;
	(pc) =	sbr.rel .LBB1_1-.Ltmp0, $4  }
0x7: {  	s0 =	rddreg [dreg:$0x2];
	_ =	strace $0x80000047;
	s3 =	sshll.u32 s3, $0x7  }
0x8: {  	s12 =	simm.s32 $0x0;
	[sflag:s4] =	ssyncpa.u1 $0x0;
	s7 =	ssub.s32 $0xF4200, s3  }
0x9: {  	s13 =	simm.s32 $0x0;
	[sflag:s6] =	ssyncpa.u1 $0x0;
	s6 =	sshrl.u32 s7, $0xC  }
0xa: {  	s5 =	sadd.s32 $0xA00, s5;
	s11 =	smov.u32 s3;
	s7 =	sadd.s32 $0x2, s6  }
.LBB1_5:
0xb: {  	p1 =	slt.u32 s13, $0x2  }
0xc: {  	s17 =	smov.u32 s15;
	p2 =	sgt.s32 @!p1 s15, $0xF41C0;
	s16 =	sshra.s32 @!p1 s15, $0x1F  }
0xd: {  	p3 =	sgt.s32 @!p1 s14, $0x40;
	s18 =	sshra.s32 @!p1 s14, $0x1F;
	p2 =	por !p2, p1  }
0xe: {  	s15 =	sand.u32 @!p1 s16, s15;
	p3 =	por !p3, p1;
	s16 =	smov.u32 s14  }
0xf: {  	s14 =	sand.u32 @!p1 s18, s14;
	s17 =	simm.s32 @p2 $0xF41C0;
	s16 =	simm.s32 @p3 $0x40  }
0x10: {  	s15 =	ssub.s32 @!p1 s17, s15;
	s14 =	ssub.s32 @!p1 s16, s14  }
0x11: {  	s18 =	smov.u32 s12;
	s16 =	sadd.s32 @!p1 $0xFFF0BE40, s15;
	s17 =	sadd.s32 @!p1 $0xFFFFFFC0, s14  }
0x12: {  	s15 =	ssub.s32 @!p1 $0xF4240, s15;
	p2 =	sgt.s32 @!p1 s16, $0x7F;
	p3 =	sgt.s32 @!p1 s17, $0x3F  }
0x13: {  	s14 =	ssub.s32 @!p1 $0x80, s14;
	p2 =	por !p2, p1;
	p3 =	por !p3, p1  }
0x14: {  	s16 =	sadd.s32 $0x1000, s11;
	s15 =	simm.s32 @!p2 $0x0;
	s14 =	simm.s32 @!p3 $0x0  }
0x15: {  	p2 =	sgt.s32 s16, $0xF423F;
	s14 =	smul.u32 @!p1 s14, s15;
	s15 =	sadd.s32 $0x40, s12  }
0x16: {  	s18 =	smov.u32 @p2 s15  }
0x17: {  	s16 =	smov.u32 @p2 s3;
	p2 =	sgt.s32 s18, $0x3F  }
0x18: {  	s18 =	simm.s32 @p2 $0x0;
	p2 =	sne.s32 s13, s7  }
.Ltmp1:
0x19: {  	p0 =	por !p0, !p0;
	s17 =	simm.s32 @!p1 $0x2;
	(pc) =	sbr.rel @!p2 .LBB1_6-.Ltmp1, $4  }
0x1a: {  	s15 =	smov.u32 s9;
	s9 =	smov.u32 s11;
	s14 =	sand.u32 @!p1 $0x3FFFFFFF, s14  }
0x1b: {  	s11 =	smov.u32 s16;
	_ =	swait.ge @!p1 [sflag:s17], s14;
	s19 =	ssub.s32 @!p1 $0x0, s14  }
0x1c: {  	s14 =	smov.u32 s10;
	s13 =	sadd.s32 $0x1, s13;
	[sflag:s17] =	ssyncset.done @!p1 $0x0  }
0x1d: {  	s10 =	smov.u32 s12;
	s12 =	smov.u32 s18;
	[sflag:s17] =	ssyncadd.s32 @!p1 s19  }
.LBB1_1:
0x1e: {  	p1 =	sgt.u32 s13, s6  }
0x1f: {  	s16 =	sshrl.u32 @!p1 s12, $0x3  }
0x20: {  	s17 =	sshll.u32 @!p1 s11, $0x3;
	s16 =	smul.u32 @!p1 $0x7A1400, s16  }
0x21: {  	s18 =	sshll.u32 @!p1 s12, $0x7;
	s17 =	sand.u32 @!p1 $0xFFFFFC00, s17  }
0x22: {  	s16 =	sadd.s32 @!p1 s16, s17;
	s17 =	sand.u32 @!p1 $0x380, s18  }
0x23: {  	s18 =	sand.u32 @!p1 $0x7F, s11;
	s16 =	sor.u32 @!p1 s17, s16  }
0x24: {  	s17 =	sor.u32 @!p1 s18, s16  }
0x25: {  	s18 =	smulhi.u32 @!p1 $0x218D6287, s17;
	_ =	sdelay $0x1  }
0x26: {  	s16 =	smulhi.u32 @!p1 $0x218D6287, s16;
	s18 =	sshrl.u32 @!p1 s18, $0x11  }
0x27: {  	s18 =	smul.u32 @!p1 $0xF4280, s18  }
0x28: {  	s19 =	sxor.u32 @!p1 $0xFFFFFFFF, s13;
	s16 =	sshrl.u32 @!p1 s16, $0x11  }
0x29: {  	s19 =	sshll.u32 @!p1 s19, $0xD;
	s16 =	sand.u32 @!p1 $0x3F, s16;
	s17 =	ssub.s32 @!p1 s17, s18  }
0x2a: {  	s16 =	smul.u32 @!p1 $0x1E850, s16;
	s18 =	sshrl.u32 @!p1 s17, $0x3;
	s17 =	sand.u32 @!p1 $0x7, s17  }
0x2b: {  	s19 =	sand.u32 @!p1 $0x2000, s19;
	s18 =	sadd.s32 @!p1 s2, s18;
	s17 =	sshll.u32 @!p1 s17, $0x12  }
0x2c: {  	s16 =	sadd.s32 @!p1 s16, s18;
	s17 =	sor.u32 @!p1 $0x400, s17;
	s18 =	simm.s32 @!p1 $0x7A1400  }
0x2d: {  	[tilespmem:s19], [sflag:$0x1] =	stream.strided.gather @!p1 [hbm4b:s16+s17], $0x2000, s18, s17, $0x38;
	[tilespmem:$0x8100] =	vst v63  }
0x2e: {  	p1 =	seq.s32 s13, $0x0  }
0x2f: {  	p2 =	sge.u32 @!p1 s13, s7  }
0x30: {  	p1 =	por p1, p2  }
.Ltmp2:
0x31: {  	_ = 	snop;
	(pc) =	sbr.rel @p1 .LBB1_5-.Ltmp2, $1  }
0x32: {  	_ =	sdelay $0x3  }
0x33: {  	s16 =	simm.s32 $0x1  }
0x34: {  	_ =	swait.ge [sflag:s4], $0x2000;
	s16 =	simm.s32 @!p0 $0x0  }
0x35: {  	[sflag:s4] =	ssyncset.done $0x0;
	s17 =	sshll.u32 s16, $0xD  }
0x36: {  	[sflag:s4] =	ssyncadd.s32 $0xFFFFE000;
	s17 =	sor.u32 $0x40, s17  }
0x37: {  	s16 =	smul.u32 $0x8200, s16;
	v0 =	vld [tilespmem:s17+$0x30]  }
0x38: {  	v1 =	vld [tilespmem:s17+$0xFFFFFFD0]  }
0x39: {  	s16 =	sshrl.u32 s16, $0x2;
	v5 =	vld [tilespmem:s17+$0xFFFFFFE0]  }
0x3a: {  	v6 =	vld [tilespmem:s17+$0xFFFFFFF0];
	s19 =	sor.u32 $0x4000, s16  }
0x3b: {  	s31 =	sand.u32 $0x1, s13;
	v4 =	vld [tilespmem:s17+$0x0];
	s18 =	sadd.s32 $0x0, s19  }
0x3c: {  	v3 =	vld [tilespmem:s17+$0x10];
	s16 =	smul.u32 $0x8200, s31;
	[tilespmem:s18+$0x1C70 ss:$0x41] =	vst.msk $0xffff, v0  }
0x3d: {  	v2 =	vld [tilespmem:s17+$0x20];
	[tilespmem:s18+$0x410 ss:$0x41] =	vst.msk $0xffff, v1  }
0x3e: {  	s16 =	sshrl.u32 s16, $0x2;
	v1 =	vld [tilespmem:s17+$0xFFFFFFC0];
	[tilespmem:s18+$0x820 ss:$0x41] =	vst.msk $0xffff, v5;
	s17 =	sadd.s32 $0x80, s17  }
0x3f: {  	s20 =	simm.s32 $0x4;
	s21 =	simm.s32 $0x8;
	s16 =	sor.u32 $0x4000, s16;
	[tilespmem:s18+$0xC30 ss:$0x41] =	vst.msk $0xffff, v6;
	v0 =	vld [tilespmem:s17+$0x30]  }
.LBB1_3:
0x40: {  	p1 =	sne.s32 s21, $0xFC;
	v5 =	vld [tilespmem:s17+$0xFFFFFFD0];
	[tilespmem:s18+$0x1040 ss:$0x41] =	vst.msk $0xffff, v4  }
0x41: {  	v6 =	vld [tilespmem:s17+$0xFFFFFFE0];
	[tilespmem:s18+$0x1450 ss:$0x41] =	vst.msk $0xffff, v3  }
0x42: {  	s22 =	sshra.s32 s20, $0x2;
	s20 =	smov.u32 s21;
	v7 =	vld [tilespmem:s17+$0xFFFFFFF0];
	[tilespmem:s18+$0x1860 ss:$0x41] =	vst.msk $0xffff, v2  }
.Ltmp3:
0x43: {  	v4 =	vld [tilespmem:s17+$0x0];
	[tilespmem:s18+$0x0 ss:$0x41] =	vst.msk $0xffff, v1;
	s18 =	sadd.s32 s22, s19;
	(pc) =	sbr.rel @p1 .LBB1_3-.Ltmp3, $4  }
0x44: {  	v3 =	vld [tilespmem:s17+$0x10];
	[tilespmem:s18+$0x1C70 ss:$0x41] =	vst.msk $0xffff, v0  }
0x45: {  	[tilespmem:s18+$0x410 ss:$0x41] =	vst.msk $0xffff, v5;
	v2 =	vld [tilespmem:s17+$0x20]  }
0x46: {  	v1 =	vld [tilespmem:s17+$0xFFFFFFC0];
	[tilespmem:s18+$0x820 ss:$0x41] =	vst.msk $0xffff, v6;
	s17 =	sadd.s32 $0x80, s17  }
0x47: {  	s21 =	sadd.s32 $0x4, s21;
	v0 =	vld [tilespmem:s17+$0x30];
	[tilespmem:s18+$0xC30 ss:$0x41] =	vst.msk $0xffff, v7  }
0x48: {  	s21 =	sshll.u32 s9, $0x7;
	s22 =	sshll.u32 s10, $0x3;
	s20 =	sshra.s32 s20, $0x2  }
0x49: {  	p1 =	sgt.s32 s9, $0xF41C0;
	s30 =	sshra.s32 s9, $0x1F;
	s25 =	sshra.s32 s10, $0x1F  }
0x4a: {  	v5 =	vld [tilespmem:s17+$0xFFFFFFD0];
	s28 =	sshrl.u32 s10, $0x3;
	s23 =	sand.u32 $0xFFFFFC00, s21;
	s22 =	sand.u32 $0xFFFFFC00, s22  }
0x4b: {  	[tilespmem:s18+$0x1040 ss:$0x41] =	vst.msk $0xffff, v4;
	v58 =	vld [tilespmem:s17+$0xFFFFFFE0];
	s21 =	sand.u32 $0x380, s21;
	s19 =	sadd.s32 s20, s19;
	s22 =	sadd.s32 s22, s23  }
0x4c: {  	v59 =	vld [tilespmem:s17+$0xFFFFFFF0];
	[tilespmem:s18+$0x1450 ss:$0x41] =	vst.msk $0xffff, v3;
	s29 =	sor.u32 s21, s22;
	s21 =	smov.u32 s9;
	s22 =	sand.u32 s30, s9  }
0x4d: {  	v60 =	vld [tilespmem:s17+$0x0];
	[tilespmem:s18+$0x1860 ss:$0x41] =	vst.msk $0xffff, v2;
	s30 =	sand.u32 $0x7, s10;
	s20 =	sshrl.u32 s29, $0x7;
	s21 =	simm.s32 @!p1 $0xF41C0  }
0x4e: {  	v61 =	vld [tilespmem:s17+$0x10];
	[tilespmem:s18+$0x0 ss:$0x41] =	vst.msk $0xffff, v1;
	p1 =	sgt.s32 s10, $0x40;
	s24 =	ssub.s32 s21, s22;
	s21 =	smov.u32 s10  }
0x4f: {  	v62 =	vld [tilespmem:s17+$0x20];
	[tilespmem:s19+$0x1C70 ss:$0x41] =	vst.msk $0xffff, v0;
	s31 =	smulhi.u32 $0x218DEF5, s20;
	s22 =	sand.u32 s25, s10;
	s21 =	simm.s32 @!p1 $0x40  }
0x50: {  	v63 =	vld [tilespmem:s17+$0xFFFFFFC0];
	[tilespmem:s19+$0x410 ss:$0x41] =	vst.msk $0xffff, v5;
	s26 =	sadd.s32 $0xFFF0BE40, s24;
	s17 =	ssub.s32 $0xF4240, s24;
	s21 =	ssub.s32 s21, s22  }
0x51: {  	[tilespmem:s19+$0x820 ss:$0x41] =	vst.msk $0xffff, v58;
	s23 =	sshrl.u32 s31, $0xD;
	p1 =	sgt.s32 s26, $0x7F;
	s27 =	sadd.s32 $0xFFFFFFC0, s21  }
0x52: {  	[tilespmem:s19+$0xC30 ss:$0x41] =	vst.msk $0xffff, v59;
	s23 =	smul.u32 $0xF4240, s23;
	s18 =	ssub.s32 $0x80, s21;
	p2 =	sgt.s32 s27, $0x3F  }
.Ltmp4:
0x53: {  	[tilespmem:s19+$0x1040 ss:$0x41] =	vst.msk $0xffff, v60;
	s17 =	simm.s32 @p1 $0x0;
	s18 =	simm.s32 @p2 $0x0;
	(pc) =	sbr.rel .LBB1_5-.Ltmp4, $4  }
0x54: {  	s29 =	sand.u32 $0xF, s28;
	[tilespmem:s19+$0x1450 ss:$0x41] =	vst.msk $0xffff, v61;
	s20 =	ssub.s32 s20, s23;
	s17 =	smul.u32 s18, s17  }
0x55: {  	[tilespmem:s19+$0x1860 ss:$0x41] =	vst.msk $0xffff, v62;
	s21 =	sshll.u32 s30, $0x12;
	s20 =	sshll.u32 s20, $0x4;
	s18 =	sadd.s32 s5, s29  }
0x56: {  	[tilespmem:s19+$0x0 ss:$0x41] =	vst.msk $0xffff, v63;
	s31 =	sor.u32 $0x40, s21;
	s18 =	sadd.s32 s20, s18;
	s17 =	sand.u32 $0x3FFFFFFF, s17  }
0x57: {  	[hbm4b:s18+s31] =	stream.strided.scatter [tilespmem:s16], [sflag:$0x2], s17, s8, s31, $0x18;
	[tilespmem:$0x8100] =	vst v63  }
.LBB1_6:
0x58: {  	_ =	sfence.sel $0x180000  }
0x59: {  	s2 =	simm.s32 $0x1;
	[bflag:$0x0] =	sbarrier.arrive $0xFFFF  }
0x5a: {  	s31 =	simm.s32 $0x2;
	[sflag:s2] =	ssyncpa.u1 $0x1  }
0x5b: {  	[sflag:s31] =	ssyncpa.u1 $0x1  }
0x5c: {  	p0 =	sne.s32 s1, $0x0;
	_ =	strace $0x90000047  }
0x5d: {  	s0 =	sadd.s32 @!p0 $0x100000, s0;
	[bflag:$0x2] =	sbarrier.arrive $0xFFFF  }
0x5e: {  	[sflag:s0] =	ssyncadd.tile.s32 @!p0 $0x1;
	_ =	shalt  }
.Lfunc_end1:
_tile_overlayer_lowered:
.L_overlay_start_2:
0x5f: {  	(tag) =	ssettag $0x2  }
0x60: {  	s0 =	rddreg [dreg:$0x0];
	s2 =	stileid.u32  }
0x61: {  	s1 =	rddreg [dreg:$0x1];
	p0 =	sne.s32 s2, $0x0  }
0x62: {  	s3 =	rddreg [dreg:$0x2];
	[bflag:$0x3] =	sbarrier.arrive $0xFFFF;
	s2 =	simm.s32 @!p0 $0x1C01  }
0x63: {  	[timem:s3], [sflag:s2] =	dma.local @!p0 [hbm:s0], s1  }
0x64: {  	s0 =	simm.s32 @!p0 $0x1  }
0x65: {  	_ =	swait.ge @!p0 [sflag:s0], s1  }
0x66: {  	s1 =	ssub.s32 @!p0 $0x0, s1;
	[sflag:s0] =	ssyncset.done @!p0 $0x0  }
0x67: {  	[sflag:s0] =	ssyncadd.s32 @!p0 s1  }
0x68: {  	[bflag:$0x3] =	sbarrier.arrive $0xFFFF  }
0x69: {  	_ =	shalt  }

</sc_bundles>
